<compile_context>
chip_gen: v7x
topology: tpu7x:2x2x1
jax: 0.10.2.dev20260603
libtpu: 0.0.44.dev20260713+nightly
codegen_flags: <defaults>
</compile_context>

<pallas_src>
import functools

import jax
import jax.numpy as jnp
from jax import lax
from jax.experimental import pallas as pl
from jax.experimental.pallas import tpu as pltpu
from jax.experimental.pallas import tpu_sc as plsc

_PROB = 0.5

_B, _S, _C, _T = 8, 4, 2, 160000
_NC, _NS = 2, 16
_NW = _NC * _NS
_L = 16000
_G = _T // _L
_NB = 3
_V = 16


def _sc_body(x_hbm, rvec_hbm, out_hbm, rv, buf, *sems):
    wid = lax.axis_index("s") * _NC + lax.axis_index("c")
    b = wid // _S
    s = wid % _S

    isem = sems[:_NB]
    osem = sems[_NB:]

    def gather(g, p):
        return pltpu.async_copy(
            x_hbm.at[b, s, :, pl.ds(g * _L, _L)], buf.at[p], isem[p])

    def store(g, p):
        return pltpu.async_copy(
            buf.at[p], out_hbm.at[b, s, :, pl.ds(g * _L, _L)], osem[p])

    in_h = [None] * _NB
    out_h = [None] * _NB
    for g in range(_NB - 1):
        in_h[g] = gather(g, g)

    pltpu.sync_copy(rvec_hbm, rv)
    rword = rv[...]
    bit = lax.shift_right_logical(rword, wid) & 1
    swap = bit == 1

    def swap_rows(p):
        def body(t, carry):
            o = t * _V
            v0 = buf[p, 0, pl.ds(o, _V)]
            v1 = buf[p, 1, pl.ds(o, _V)]
            buf[p, 0, pl.ds(o, _V)] = jnp.where(swap, v1, v0)
            buf[p, 1, pl.ds(o, _V)] = jnp.where(swap, v0, v1)
            return carry
        lax.fori_loop(0, _L // _V, body, None, unroll=8)

    for g in range(_G):
        p = g % _NB
        in_h[p].wait()
        swap_rows(p)
        out_h[p] = store(g, p)
        nxt = g + _NB - 1
        if nxt < _G:
            q = nxt % _NB
            if out_h[q] is not None:
                out_h[q].wait()
            in_h[q] = gather(nxt, q)
    for g in range(_G - _NB + 1, _G):
        out_h[g % _NB].wait()


_sc_call = functools.partial(
    pl.kernel,
    mesh=plsc.VectorSubcoreMesh(core_axis_name="c", subcore_axis_name="s"),
    out_type=jax.ShapeDtypeStruct((_B, _S, _C, _T), jnp.float32),
    scratch_types=[
        pltpu.VMEM((_V,), jnp.int32),
        pltpu.VMEM((_NB, _C, _L), jnp.float32),
    ] + [pltpu.SemaphoreType.DMA] * (2 * _NB),
)(_sc_body)


def _mask_vec():
    rkey = jax.random.fold_in(jax.random.key(0), 42)
    r = jax.random.bernoulli(rkey, _PROB, shape=(_B, _S)).astype(jnp.int32)
    bits = r.reshape(_NW)
    word = jnp.sum(bits << jnp.arange(_NW, dtype=jnp.int32)).astype(jnp.int32)
    return jnp.full((_V,), word, dtype=jnp.int32)


def kernel(signals):
    return _sc_call(signals, _mask_vec())

# --- scband reference (transcript-rebuilt; emitter-appended) ---
"""Pipeline reference for scband-channel-swapping-4243427689003 (READ-ONLY COPY).

The authoritative reference and input builder live on the scoring server;
editing this copy changes nothing except your own understanding.
"""

import jax, jax.numpy as jnp
import numpy as np

PROB = 0.5


def setup_inputs(seed: int = 0) -> dict:
    key = jax.random.key(seed)
    signals = jax.random.normal(key, (8, 4, 2, 160000), dtype=jnp.float32)
    return {"signals": signals}


def reference(signals):
    # signals: (B, S, C, T) with C == 2
    B, S, C, T = signals.shape
    # Deterministic stand-in for torch.bernoulli: fixed key
    rkey = jax.random.fold_in(jax.random.key(0), 42)
    r = jax.random.bernoulli(rkey, PROB, shape=(B, S)).astype(jnp.int32)
    # index = stack([r, 1-r], dim=-1) -> (B, S, 2), expanded over T
    idx = jnp.stack([r, 1 - r], axis=-1)  # (B, S, C)
    idx = jnp.broadcast_to(idx[..., None], (B, S, C, T))
    # torch scatter(dim=-2): out[b, s, idx[b,s,c,t], t] = signals[b, s, c, t]
    b = jnp.arange(B)[:, None, None, None]
    s = jnp.arange(S)[None, :, None, None]
    t = jnp.arange(T)[None, None, None, :]
    out = signals.at[b, s, idx, t].set(signals)
    return out

if __name__ == "__main__":
    import jax
    _d = setup_inputs()
    print(jax.jit(kernel)(*tuple(_d.values())))

</pallas_src>

<mosaic_0001>
#map = affine_map<(d0, d1) -> (0, 0, 0, 0)>
#map1 = affine_map<(d0, d1) -> (0)>
module attributes {stable_mosaic.version = 14 : i64} {
  func.func @_sc_body(%arg0: i32, %arg1: i32, %arg2: memref<8x4x2x160000xf32, #tpu.memory_space<hbm>>, %arg3: memref<16xi32, #tpu.memory_space<hbm>>, %arg4: memref<8x4x2x160000xf32, #tpu.memory_space<hbm>>, %arg5: memref<16xi32, #tpu.memory_space<vmem>>, %arg6: memref<3x2x16000xf32, #tpu.memory_space<vmem>>, %arg7: memref<!tpu.dma_semaphore, #tpu.memory_space<semaphore_mem>>, %arg8: memref<!tpu.dma_semaphore, #tpu.memory_space<semaphore_mem>>, %arg9: memref<!tpu.dma_semaphore, #tpu.memory_space<semaphore_mem>>, %arg10: memref<!tpu.dma_semaphore, #tpu.memory_space<semaphore_mem>>, %arg11: memref<!tpu.dma_semaphore, #tpu.memory_space<semaphore_mem>>, %arg12: memref<!tpu.dma_semaphore, #tpu.memory_space<semaphore_mem>>) attributes {dimension_semantics = [#tpu.dimension_semantics<core_parallel>, #tpu.dimension_semantics<subcore_parallel>], iteration_bounds = array<i64: 2, 16>, scalar_prefetch = 0 : i64, scratch_operands = 8 : i64, tpu.core_type = #tpu.core_type<sc_vector_subcore>, window_params = [{transform_indices = #map}, {transform_indices = #map1}, {transform_indices = #map}]} {
    %mul3A = arith.constant 2 : i32
    %mul3A_0 = arith.muli %arg1, %mul3A : i32
    %add3A = arith.addi %mul3A_0, %arg0 : i32
    %jit3A = arith.constant 4 : i32
    %div3A = arith.divsi %add3A, %jit3A : i32
    %sign3A = arith.constant 0 : i32
    %sign3A_1 = arith.cmpi sgt, %add3A, %sign3A : i32
    %sign3A_2 = arith.extui %sign3A_1 : i1 to i32
    %sign3A_3 = arith.constant 0 : i32
    %sign3A_4 = arith.cmpi slt, %add3A, %sign3A_3 : i32
    %sign3A_5 = arith.extui %sign3A_4 : i1 to i32
    %sign3A_6 = arith.subi %sign3A_2, %sign3A_5 : i32
    %sign3A_7 = arith.constant 0 : i32
    %sign3A_8 = arith.cmpi sgt, %jit3A, %sign3A_7 : i32
    %sign3A_9 = arith.extui %sign3A_8 : i1 to i32
    %sign3A_10 = arith.constant 0 : i32
    %sign3A_11 = arith.cmpi slt, %jit3A, %sign3A_10 : i32
    %sign3A_12 = arith.extui %sign3A_11 : i1 to i32
    %sign3A_13 = arith.subi %sign3A_9, %sign3A_12 : i32
    %ne3A = arith.cmpi ne, %sign3A_6, %sign3A_13 : i32
    %rem3A = arith.remsi %add3A, %jit3A : i32
    %ne3A_14 = arith.constant 0 : i32
    %ne3A_15 = arith.cmpi ne, %rem3A, %ne3A_14 : i32
    %and3A = arith.andi %ne3A, %ne3A_15 : i1
    %sub3A = arith.constant 1 : i32
    %sub3A_16 = arith.subi %div3A, %sub3A : i32
    %select_n3A = arith.select %and3A, %sub3A_16, %div3A : i32
    %jit3A_17 = arith.constant 4 : i32
    %eq3A = arith.constant 0 : i32
    %eq3A_18 = arith.cmpi eq, %jit3A_17, %eq3A : i32
    %jit3A_19 = arith.constant 1 : i32
    %select_n3A_20 = arith.select %eq3A_18, %jit3A_19, %jit3A_17 : i32
    %rem3A_21 = arith.remsi %add3A, %select_n3A_20 : i32
    %ne3A_22 = arith.constant 0 : i32
    %ne3A_23 = arith.cmpi ne, %rem3A_21, %ne3A_22 : i32
    %lt3A = arith.constant 0 : i32
    %lt3A_24 = arith.cmpi slt, %rem3A_21, %lt3A : i32
    %lt3A_25 = arith.constant 0 : i32
    %lt3A_26 = arith.cmpi slt, %select_n3A_20, %lt3A_25 : i32
    %ne3A_27 = arith.xori %lt3A_24, %lt3A_26 : i1
    %and3A_28 = arith.andi %ne3A_27, %ne3A_23 : i1
    %add3A_29 = arith.addi %rem3A_21, %select_n3A_20 : i32
    %select_n3A_30 = arith.select %and3A_28, %add3A_29, %rem3A_21 : i32
    %dma_start3A = arith.constant 0 : i32
    %dma_start3A_31 = arith.constant 0 : i32
    %dma_start3A_32 = arith.constant 0 : i32
    %dma_start3A_33 = tpu.memref_slice %arg6[%dma_start3A, %dma_start3A_31, %dma_start3A_32] : memref<3x2x16000xf32, #tpu.memory_space<vmem>> -> memref<1x2x16000xf32, #tpu.memory_space<vmem>>
    %dma_start3A_34 = tpu.memref_squeeze %dma_start3A_33 : memref<1x2x16000xf32, #tpu.memory_space<vmem>> -> memref<2x16000xf32, #tpu.memory_space<vmem>>
    %dma_start3A_35 = arith.constant 0 : i32
    %dma_start3A_36 = arith.constant 0 : i32
    %dma_start3A_37 = tpu.memref_slice %arg2[%select_n3A, %select_n3A_30, %dma_start3A_35, %dma_start3A_36] : memref<8x4x2x160000xf32, #tpu.memory_space<hbm>> -> memref<1x1x2x16000xf32, #tpu.memory_space<hbm>>
    %dma_start3A_38 = tpu.memref_squeeze %dma_start3A_37 : memref<1x1x2x16000xf32, #tpu.memory_space<hbm>> -> memref<2x16000xf32, #tpu.memory_space<hbm>>
    %dma_start3A_39 = arith.constant 0 : i32
    %dma_start3A_40 = arith.constant 0 : i32
    %dma_start3A_41 = tpu.memref_slice %arg6[%dma_start3A, %dma_start3A_39, %dma_start3A_40] : memref<3x2x16000xf32, #tpu.memory_space<vmem>> -> memref<1x2x16000xf32, #tpu.memory_space<vmem>>
    %dma_start3A_42 = tpu.memref_squeeze %dma_start3A_41 : memref<1x2x16000xf32, #tpu.memory_space<vmem>> -> memref<2x16000xf32, #tpu.memory_space<vmem>>
    %dma_start3A_43 = arith.constant 0 : i32
    %dma_start3A_44 = arith.constant 0 : i32
    %dma_start3A_45 = tpu.memref_slice %arg2[%select_n3A, %select_n3A_30, %dma_start3A_43, %dma_start3A_44] : memref<8x4x2x160000xf32, #tpu.memory_space<hbm>> -> memref<1x1x2x16000xf32, #tpu.memory_space<hbm>>
    %dma_start3A_46 = tpu.memref_squeeze %dma_start3A_45 : memref<1x1x2x16000xf32, #tpu.memory_space<hbm>> -> memref<2x16000xf32, #tpu.memory_space<hbm>>
    tpu.enqueue_dma source(%dma_start3A_46 : memref<2x16000xf32, #tpu.memory_space<hbm>>) target(%dma_start3A_42 : memref<2x16000xf32, #tpu.memory_space<vmem>>) target_semaphore(%arg7 : memref<!tpu.dma_semaphore, #tpu.memory_space<semaphore_mem>>)
    %dma_start3A_47 = arith.constant 1 : i32
    %dma_start3A_48 = arith.constant 0 : i32
    %dma_start3A_49 = arith.constant 0 : i32
    %dma_start3A_50 = tpu.memref_slice %arg6[%dma_start3A_47, %dma_start3A_48, %dma_start3A_49] : memref<3x2x16000xf32, #tpu.memory_space<vmem>> -> memref<1x2x16000xf32, #tpu.memory_space<vmem>>
    %dma_start3A_51 = tpu.memref_squeeze %dma_start3A_50 : memref<1x2x16000xf32, #tpu.memory_space<vmem>> -> memref<2x16000xf32, #tpu.memory_space<vmem>>
    %dma_start3A_52 = arith.constant 0 : i32
    %dma_start3A_53 = arith.constant 16000 : i32
    %dma_start3A_54 = tpu.memref_slice %arg2[%select_n3A, %select_n3A_30, %dma_start3A_52, %dma_start3A_53] : memref<8x4x2x160000xf32, #tpu.memory_space<hbm>> -> memref<1x1x2x16000xf32, #tpu.memory_space<hbm>>
    %dma_start3A_55 = tpu.memref_squeeze %dma_start3A_54 : memref<1x1x2x16000xf32, #tpu.memory_space<hbm>> -> memref<2x16000xf32, #tpu.memory_space<hbm>>
    %dma_start3A_56 = arith.constant 0 : i32
    %dma_start3A_57 = arith.constant 0 : i32
    %dma_start3A_58 = tpu.memref_slice %arg6[%dma_start3A_47, %dma_start3A_56, %dma_start3A_57] : memref<3x2x16000xf32, #tpu.memory_space<vmem>> -> memref<1x2x16000xf32, #tpu.memory_space<vmem>>
    %dma_start3A_59 = tpu.memref_squeeze %dma_start3A_58 : memref<1x2x16000xf32, #tpu.memory_space<vmem>> -> memref<2x16000xf32, #tpu.memory_space<vmem>>
    %dma_start3A_60 = arith.constant 0 : i32
    %dma_start3A_61 = arith.constant 16000 : i32
    %dma_start3A_62 = tpu.memref_slice %arg2[%select_n3A, %select_n3A_30, %dma_start3A_60, %dma_start3A_61] : memref<8x4x2x160000xf32, #tpu.memory_space<hbm>> -> memref<1x1x2x16000xf32, #tpu.memory_space<hbm>>
    %dma_start3A_63 = tpu.memref_squeeze %dma_start3A_62 : memref<1x1x2x16000xf32, #tpu.memory_space<hbm>> -> memref<2x16000xf32, #tpu.memory_space<hbm>>
    tpu.enqueue_dma source(%dma_start3A_63 : memref<2x16000xf32, #tpu.memory_space<hbm>>) target(%dma_start3A_59 : memref<2x16000xf32, #tpu.memory_space<vmem>>) target_semaphore(%arg8 : memref<!tpu.dma_semaphore, #tpu.memory_space<semaphore_mem>>)
    "tpu.region"() ({
      %run_scoped3A = tpu.sem_alloc : memref<!tpu.dma_semaphore, #tpu.memory_space<semaphore_mem>>
      tpu.enqueue_dma source(%arg3 : memref<16xi32, #tpu.memory_space<hbm>>) target(%arg5 : memref<16xi32, #tpu.memory_space<vmem>>) target_semaphore(%run_scoped3A : memref<!tpu.dma_semaphore, #tpu.memory_space<semaphore_mem>>)
      tpu.wait_dma2 semaphore(%run_scoped3A : memref<!tpu.dma_semaphore, #tpu.memory_space<semaphore_mem>>) src(%arg3 : memref<16xi32, #tpu.memory_space<hbm>>) dst(%arg5 : memref<16xi32, #tpu.memory_space<vmem>>)
      tpu.yield
    }) : () -> ()
    %get3A = arith.constant 0 : index
    %get3A_64 = tpu.vector_load %arg5[%get3A] {strides = array<i32>} : memref<16xi32, #tpu.memory_space<vmem>>, vector<16xi32>,
    %get3A_65 = vector.shape_cast %get3A_64 : vector<16xi32> to vector<16xi32>
    %shift_right_logical3A = vector.broadcast %add3A : i32 to vector<16xi32>
    %shift_right_logical3A_66 = arith.shrui %get3A_65, %shift_right_logical3A : vector<16xi32>
    %and3A_67 = arith.constant 1 : i32
    %and3A_68 = vector.broadcast %and3A_67 : i32 to vector<16xi32>
    %and3A_69 = arith.andi %shift_right_logical3A_66, %and3A_68 : vector<16xi32>
    %eq3A_70 = arith.constant 1 : i32
    %eq3A_71 = vector.broadcast %eq3A_70 : i32 to vector<16xi32>
    %eq3A_72 = arith.cmpi eq, %and3A_69, %eq3A_71 : vector<16xi32>
    %dma_wait3A = arith.constant 0 : i32
    %dma_wait3A_73 = arith.constant 0 : i32
    %dma_wait3A_74 = arith.constant 0 : i32
    %dma_wait3A_75 = tpu.memref_slice %arg6[%dma_wait3A, %dma_wait3A_73, %dma_wait3A_74] : memref<3x2x16000xf32, #tpu.memory_space<vmem>> -> memref<1x2x16000xf32, #tpu.memory_space<vmem>>
    %dma_wait3A_76 = tpu.memref_squeeze %dma_wait3A_75 : memref<1x2x16000xf32, #tpu.memory_space<vmem>> -> memref<2x16000xf32, #tpu.memory_space<vmem>>
    %dma_wait3A_77 = arith.constant 0 : i32
    %dma_wait3A_78 = arith.constant 0 : i32
    %dma_wait3A_79 = tpu.memref_slice %arg2[%select_n3A, %select_n3A_30, %dma_wait3A_77, %dma_wait3A_78] : memref<8x4x2x160000xf32, #tpu.memory_space<hbm>> -> memref<1x1x2x16000xf32, #tpu.memory_space<hbm>>
    %dma_wait3A_80 = tpu.memref_squeeze %dma_wait3A_79 : memref<1x1x2x16000xf32, #tpu.memory_space<hbm>> -> memref<2x16000xf32, #tpu.memory_space<hbm>>
    %dma_wait3A_81 = arith.constant 0 : i32
    %dma_wait3A_82 = arith.constant 0 : i32
    %dma_wait3A_83 = tpu.memref_slice %arg6[%dma_wait3A, %dma_wait3A_81, %dma_wait3A_82] : memref<3x2x16000xf32, #tpu.memory_space<vmem>> -> memref<1x2x16000xf32, #tpu.memory_space<vmem>>
    %dma_wait3A_84 = tpu.memref_squeeze %dma_wait3A_83 : memref<1x2x16000xf32, #tpu.memory_space<vmem>> -> memref<2x16000xf32, #tpu.memory_space<vmem>>
    %dma_wait3A_85 = arith.constant 0 : i32
    %dma_wait3A_86 = arith.constant 0 : i32
    %dma_wait3A_87 = tpu.memref_slice %arg2[%select_n3A, %select_n3A_30, %dma_wait3A_85, %dma_wait3A_86] : memref<8x4x2x160000xf32, #tpu.memory_space<hbm>> -> memref<1x1x2x16000xf32, #tpu.memory_space<hbm>>
    %dma_wait3A_88 = tpu.memref_squeeze %dma_wait3A_87 : memref<1x1x2x16000xf32, #tpu.memory_space<hbm>> -> memref<2x16000xf32, #tpu.memory_space<hbm>>
    tpu.wait_dma2 semaphore(%arg7 : memref<!tpu.dma_semaphore, #tpu.memory_space<semaphore_mem>>) src(%dma_wait3A_88 : memref<2x16000xf32, #tpu.memory_space<hbm>>) dst(%dma_wait3A_84 : memref<2x16000xf32, #tpu.memory_space<vmem>>)
    %scan3A = arith.constant 0 : i32
    %scan3A_89 = arith.constant 1000 : i32
    %scan3A_90 = arith.addi %scan3A, %scan3A_89 : i32
    %scan3A_91 = arith.constant 8 : i32
    scf.for %scan3A_750 = %scan3A to %scan3A_90 step %scan3A_91  : i32 {
      %mul3A_751 = arith.constant 16 : i32
      %mul3A_752 = arith.muli %scan3A_750, %mul3A_751 : i32
      %get3A_753 = arith.constant 0 : i32
      %get3A_754 = arith.constant 0 : i32
      %get3A_755 = arith.index_cast %get3A_753 : i32 to index
      %get3A_756 = arith.index_cast %get3A_754 : i32 to index
      %get3A_757 = arith.index_cast %mul3A_752 : i32 to index
      %get3A_758 = tpu.vector_load %arg6[%get3A_755, %get3A_756, %get3A_757] {strides = array<i32>} : memref<3x2x16000xf32, #tpu.memory_space<vmem>>, vector<1x1x16xf32>,
      %get3A_759 = vector.shape_cast %get3A_758 : vector<1x1x16xf32> to vector<16xf32>
      %get3A_760 = arith.constant 0 : i32
      %get3A_761 = arith.constant 1 : i32
      %get3A_762 = arith.index_cast %get3A_760 : i32 to index
      %get3A_763 = arith.index_cast %get3A_761 : i32 to index
      %get3A_764 = arith.index_cast %mul3A_752 : i32 to index
      %get3A_765 = tpu.vector_load %arg6[%get3A_762, %get3A_763, %get3A_764] {strides = array<i32>} : memref<3x2x16000xf32, #tpu.memory_space<vmem>>, vector<1x1x16xf32>,
      %get3A_766 = vector.shape_cast %get3A_765 : vector<1x1x16xf32> to vector<16xf32>
      %select_n3A_767 = arith.select %eq3A_72, %get3A_766, %get3A_759 : vector<16xi1>, vector<16xf32>
      %swap3A = arith.constant 0 : i32
      %swap3A_768 = arith.constant 0 : i32
      %swap3A_769 = arith.index_cast %swap3A : i32 to index
      %swap3A_770 = arith.index_cast %swap3A_768 : i32 to index
      %swap3A_771 = arith.index_cast %mul3A_752 : i32 to index
      %swap3A_772 = tpu.vector_load %arg6[%swap3A_769, %swap3A_770, %swap3A_771] {strides = array<i32>} : memref<3x2x16000xf32, #tpu.memory_space<vmem>>, vector<1x1x16xf32>,
      %swap3A_773 = vector.shape_cast %swap3A_772 : vector<1x1x16xf32> to vector<16xf32>
      %swap3A_774 = vector.shape_cast %select_n3A_767 : vector<16xf32> to vector<1x1x16xf32>
      tpu.vector_store %arg6[%swap3A_769, %swap3A_770, %swap3A_771], %swap3A_774 {strides = array<i32>} : memref<3x2x16000xf32, #tpu.memory_space<vmem>>, vector<1x1x16xf32>,
      %select_n3A_775 = arith.select %eq3A_72, %get3A_759, %get3A_766 : vector<16xi1>, vector<16xf32>
      %swap3A_776 = arith.constant 0 : i32
      %swap3A_777 = arith.constant 1 : i32
      %swap3A_778 = arith.index_cast %swap3A_776 : i32 to index
      %swap3A_779 = arith.index_cast %swap3A_777 : i32 to index
      %swap3A_780 = arith.index_cast %mul3A_752 : i32 to index
      %swap3A_781 = tpu.vector_load %arg6[%swap3A_778, %swap3A_779, %swap3A_780] {strides = array<i32>} : memref<3x2x16000xf32, #tpu.memory_space<vmem>>, vector<1x1x16xf32>,
      %swap3A_782 = vector.shape_cast %swap3A_781 : vector<1x1x16xf32> to vector<16xf32>
      %swap3A_783 = vector.shape_cast %select_n3A_775 : vector<16xf32> to vector<1x1x16xf32>
      tpu.vector_store %arg6[%swap3A_778, %swap3A_779, %swap3A_780], %swap3A_783 {strides = array<i32>} : memref<3x2x16000xf32, #tpu.memory_space<vmem>>, vector<1x1x16xf32>,
      %scan3A_784 = arith.constant 1 : i32
      %scan3A_785 = arith.addi %scan3A_750, %scan3A_784 : i32
      %mul3A_786 = arith.constant 16 : i32
      %mul3A_787 = arith.muli %scan3A_785, %mul3A_786 : i32
      %get3A_788 = arith.constant 0 : i32
      %get3A_789 = arith.constant 0 : i32
      %get3A_790 = arith.index_cast %get3A_788 : i32 to index
      %get3A_791 = arith.index_cast %get3A_789 : i32 to index
      %get3A_792 = arith.index_cast %mul3A_787 : i32 to index
      %get3A_793 = tpu.vector_load %arg6[%get3A_790, %get3A_791, %get3A_792] {strides = array<i32>} : memref<3x2x16000xf32, #tpu.memory_space<vmem>>, vector<1x1x16xf32>,
      %get3A_794 = vector.shape_cast %get3A_793 : vector<1x1x16xf32> to vector<16xf32>
      %get3A_795 = arith.constant 0 : i32
      %get3A_796 = arith.constant 1 : i32
      %get3A_797 = arith.index_cast %get3A_795 : i32 to index
      %get3A_798 = arith.index_cast %get3A_796 : i32 to index
      %get3A_799 = arith.index_cast %mul3A_787 : i32 to index
      %get3A_800 = tpu.vector_load %arg6[%get3A_797, %get3A_798, %get3A_799] {strides = array<i32>} : memref<3x2x16000xf32, #tpu.memory_space<vmem>>, vector<1x1x16xf32>,
      %get3A_801 = vector.shape_cast %get3A_800 : vector<1x1x16xf32> to vector<16xf32>
      %select_n3A_802 = arith.select %eq3A_72, %get3A_801, %get3A_794 : vector<16xi1>, vector<16xf32>
      %swap3A_803 = arith.constant 0 : i32
      %swap3A_804 = arith.constant 0 : i32
      %swap3A_805 = arith.index_cast %swap3A_803 : i32 to index
      %swap3A_806 = arith.index_cast %swap3A_804 : i32 to index
      %swap3A_807 = arith.index_cast %mul3A_787 : i32 to index
      %swap3A_808 = tpu.vector_load %arg6[%swap3A_805, %swap3A_806, %swap3A_807] {strides = array<i32>} : memref<3x2x16000xf32, #tpu.memory_space<vmem>>, vector<1x1x16xf32>,
      %swap3A_809 = vector.shape_cast %swap3A_808 : vector<1x1x16xf32> to vector<16xf32>
      %swap3A_810 = vector.shape_cast %select_n3A_802 : vector<16xf32> to vector<1x1x16xf32>
      tpu.vector_store %arg6[%swap3A_805, %swap3A_806, %swap3A_807], %swap3A_810 {strides = array<i32>} : memref<3x2x16000xf32, #tpu.memory_space<vmem>>, vector<1x1x16xf32>,
      %select_n3A_811 = arith.select %eq3A_72, %get3A_794, %get3A_801 : vector<16xi1>, vector<16xf32>
      %swap3A_812 = arith.constant 0 : i32
      %swap3A_813 = arith.constant 1 : i32
      %swap3A_814 = arith.index_cast %swap3A_812 : i32 to index
      %swap3A_815 = arith.index_cast %swap3A_813 : i32 to index
      %swap3A_816 = arith.index_cast %mul3A_787 : i32 to index
      %swap3A_817 = tpu.vector_load %arg6[%swap3A_814, %swap3A_815, %swap3A_816] {strides = array<i32>} : memref<3x2x16000xf32, #tpu.memory_space<vmem>>, vector<1x1x16xf32>,
      %swap3A_818 = vector.shape_cast %swap3A_817 : vector<1x1x16xf32> to vector<16xf32>
      %swap3A_819 = vector.shape_cast %select_n3A_811 : vector<16xf32> to vector<1x1x16xf32>
      tpu.vector_store %arg6[%swap3A_814, %swap3A_815, %swap3A_816], %swap3A_819 {strides = array<i32>} : memref<3x2x16000xf32, #tpu.memory_space<vmem>>, vector<1x1x16xf32>,
      %scan3A_820 = arith.constant 2 : i32
      %scan3A_821 = arith.addi %scan3A_750, %scan3A_820 : i32
      %mul3A_822 = arith.constant 16 : i32
      %mul3A_823 = arith.muli %scan3A_821, %mul3A_822 : i32
      %get3A_824 = arith.constant 0 : i32
      %get3A_825 = arith.constant 0 : i32
      %get3A_826 = arith.index_cast %get3A_824 : i32 to index
      %get3A_827 = arith.index_cast %get3A_825 : i32 to index
      %get3A_828 = arith.index_cast %mul3A_823 : i32 to index
      %get3A_829 = tpu.vector_load %arg6[%get3A_826, %get3A_827, %get3A_828] {strides = array<i32>} : memref<3x2x16000xf32, #tpu.memory_space<vmem>>, vector<1x1x16xf32>,
      %get3A_830 = vector.shape_cast %get3A_829 : vector<1x1x16xf32> to vector<16xf32>
      %get3A_831 = arith.constant 0 : i32
      %get3A_832 = arith.constant 1 : i32
      %get3A_833 = arith.index_cast %get3A_831 : i32 to index
      %get3A_834 = arith.index_cast %get3A_832 : i32 to index
      %get3A_835 = arith.index_cast %mul3A_823 : i32 to index
      %get3A_836 = tpu.vector_load %arg6[%get3A_833, %get3A_834, %get3A_835] {strides = array<i32>} : memref<3x2x16000xf32, #tpu.memory_space<vmem>>, vector<1x1x16xf32>,
      %get3A_837 = vector.shape_cast %get3A_836 : vector<1x1x16xf32> to vector<16xf32>
      %select_n3A_838 = arith.select %eq3A_72, %get3A_837, %get3A_830 : vector<16xi1>, vector<16xf32>
      %swap3A_839 = arith.constant 0 : i32
      %swap3A_840 = arith.constant 0 : i32
      %swap3A_841 = arith.index_cast %swap3A_839 : i32 to index
      %swap3A_842 = arith.index_cast %swap3A_840 : i32 to index
      %swap3A_843 = arith.index_cast %mul3A_823 : i32 to index
      %swap3A_844 = tpu.vector_load %arg6[%swap3A_841, %swap3A_842, %swap3A_843] {strides = array<i32>} : memref<3x2x16000xf32, #tpu.memory_space<vmem>>, vector<1x1x16xf32>,
      %swap3A_845 = vector.shape_cast %swap3A_844 : vector<1x1x16xf32> to vector<16xf32>
      %swap3A_846 = vector.shape_cast %select_n3A_838 : vector<16xf32> to vector<1x1x16xf32>
      tpu.vector_store %arg6[%swap3A_841, %swap3A_842, %swap3A_843], %swap3A_846 {strides = array<i32>} : memref<3x2x16000xf32, #tpu.memory_space<vmem>>, vector<1x1x16xf32>,
      %select_n3A_847 = arith.select %eq3A_72, %get3A_830, %get3A_837 : vector<16xi1>, vector<16xf32>
      %swap3A_848 = arith.constant 0 : i32
      %swap3A_849 = arith.constant 1 : i32
      %swap3A_850 = arith.index_cast %swap3A_848 : i32 to index
      %swap3A_851 = arith.index_cast %swap3A_849 : i32 to index
      %swap3A_852 = arith.index_cast %mul3A_823 : i32 to index
      %swap3A_853 = tpu.vector_load %arg6[%swap3A_850, %swap3A_851, %swap3A_852] {strides = array<i32>} : memref<3x2x16000xf32, #tpu.memory_space<vmem>>, vector<1x1x16xf32>,
      %swap3A_854 = vector.shape_cast %swap3A_853 : vector<1x1x16xf32> to vector<16xf32>
      %swap3A_855 = vector.shape_cast %select_n3A_847 : vector<16xf32> to vector<1x1x16xf32>
      tpu.vector_store %arg6[%swap3A_850, %swap3A_851, %swap3A_852], %swap3A_855 {strides = array<i32>} : memref<3x2x16000xf32, #tpu.memory_space<vmem>>, vector<1x1x16xf32>,
      %scan3A_856 = arith.constant 3 : i32
      %scan3A_857 = arith.addi %scan3A_750, %scan3A_856 : i32
      %mul3A_858 = arith.constant 16 : i32
      %mul3A_859 = arith.muli %scan3A_857, %mul3A_858 : i32
      %get3A_860 = arith.constant 0 : i32
      %get3A_861 = arith.constant 0 : i32
      %get3A_862 = arith.index_cast %get3A_860 : i32 to index
      %get3A_863 = arith.index_cast %get3A_861 : i32 to index
      %get3A_864 = arith.index_cast %mul3A_859 : i32 to index
      %get3A_865 = tpu.vector_load %arg6[%get3A_862, %get3A_863, %get3A_864] {strides = array<i32>} : memref<3x2x16000xf32, #tpu.memory_space<vmem>>, vector<1x1x16xf32>,
      %get3A_866 = vector.shape_cast %get3A_865 : vector<1x1x16xf32> to vector<16xf32>
      %get3A_867 = arith.constant 0 : i32
      %get3A_868 = arith.constant 1 : i32
      %get3A_869 = arith.index_cast %get3A_867 : i32 to index
      %get3A_870 = arith.index_cast %get3A_868 : i32 to index
      %get3A_871 = arith.index_cast %mul3A_859 : i32 to index
      %get3A_872 = tpu.vector_load %arg6[%get3A_869, %get3A_870, %get3A_871] {strides = array<i32>} : memref<3x2x16000xf32, #tpu.memory_space<vmem>>, vector<1x1x16xf32>,
      %get3A_873 = vector.shape_cast %get3A_872 : vector<1x1x16xf32> to vector<16xf32>
      %select_n3A_874 = arith.select %eq3A_72, %get3A_873, %get3A_866 : vector<16xi1>, vector<16xf32>
      %swap3A_875 = arith.constant 0 : i32
      %swap3A_876 = arith.constant 0 : i32
      %swap3A_877 = arith.index_cast %swap3A_875 : i32 to index
      %swap3A_878 = arith.index_cast %swap3A_876 : i32 to index
      %swap3A_879 = arith.index_cast %mul3A_859 : i32 to index
      %swap3A_880 = tpu.vector_load %arg6[%swap3A_877, %swap3A_878, %swap3A_879] {strides = array<i32>} : memref<3x2x16000xf32, #tpu.memory_space<vmem>>, vector<1x1x16xf32>,
      %swap3A_881 = vector.shape_cast %swap3A_880 : vector<1x1x16xf32> to vector<16xf32>
      %swap3A_882 = vector.shape_cast %select_n3A_874 : vector<16xf32> to vector<1x1x16xf32>
      tpu.vector_store %arg6[%swap3A_877, %swap3A_878, %swap3A_879], %swap3A_882 {strides = array<i32>} : memref<3x2x16000xf32, #tpu.memory_space<vmem>>, vector<1x1x16xf32>,
      %select_n3A_883 = arith.select %eq3A_72, %get3A_866, %get3A_873 : vector<16xi1>, vector<16xf32>
      %swap3A_884 = arith.constant 0 : i32
      %swap3A_885 = arith.constant 1 : i32
      %swap3A_886 = arith.index_cast %swap3A_884 : i32 to index
      %swap3A_887 = arith.index_cast %swap3A_885 : i32 to index
      %swap3A_888 = arith.index_cast %mul3A_859 : i32 to index
      %swap3A_889 = tpu.vector_load %arg6[%swap3A_886, %swap3A_887, %swap3A_888] {strides = array<i32>} : memref<3x2x16000xf32, #tpu.memory_space<vmem>>, vector<1x1x16xf32>,
      %swap3A_890 = vector.shape_cast %swap3A_889 : vector<1x1x16xf32> to vector<16xf32>
      %swap3A_891 = vector.shape_cast %select_n3A_883 : vector<16xf32> to vector<1x1x16xf32>
      tpu.vector_store %arg6[%swap3A_886, %swap3A_887, %swap3A_888], %swap3A_891 {strides = array<i32>} : memref<3x2x16000xf32, #tpu.memory_space<vmem>>, vector<1x1x16xf32>,
      %scan3A_892 = arith.constant 4 : i32
      %scan3A_893 = arith.addi %scan3A_750, %scan3A_892 : i32
      %mul3A_894 = arith.constant 16 : i32
      %mul3A_895 = arith.muli %scan3A_893, %mul3A_894 : i32
      %get3A_896 = arith.constant 0 : i32
      %get3A_897 = arith.constant 0 : i32
      %get3A_898 = arith.index_cast %get3A_896 : i32 to index
      %get3A_899 = arith.index_cast %get3A_897 : i32 to index
      %get3A_900 = arith.index_cast %mul3A_895 : i32 to index
      %get3A_901 = tpu.vector_load %arg6[%get3A_898, %get3A_899, %get3A_900] {strides = array<i32>} : memref<3x2x16000xf32, #tpu.memory_space<vmem>>, vector<1x1x16xf32>,
      %get3A_902 = vector.shape_cast %get3A_901 : vector<1x1x16xf32> to vector<16xf32>
      %get3A_903 = arith.constant 0 : i32
      %get3A_904 = arith.constant 1 : i32
      %get3A_905 = arith.index_cast %get3A_903 : i32 to index
      %get3A_906 = arith.index_cast %get3A_904 : i32 to index
      %get3A_907 = arith.index_cast %mul3A_895 : i32 to index
      %get3A_908 = tpu.vector_load %arg6[%get3A_905, %get3A_906, %get3A_907] {strides = array<i32>} : memref<3x2x16000xf32, #tpu.memory_space<vmem>>, vector<1x1x16xf32>,
      %get3A_909 = vector.shape_cast %get3A_908 : vector<1x1x16xf32> to vector<16xf32>
      %select_n3A_910 = arith.select %eq3A_72, %get3A_909, %get3A_902 : vector<16xi1>, vector<16xf32>
      %swap3A_911 = arith.constant 0 : i32
      %swap3A_912 = arith.constant 0 : i32
      %swap3A_913 = arith.index_cast %swap3A_911 : i32 to index
      %swap3A_914 = arith.index_cast %swap3A_912 : i32 to index
      %swap3A_915 = arith.index_cast %mul3A_895 : i32 to index
      %swap3A_916 = tpu.vector_load %arg6[%swap3A_913, %swap3A_914, %swap3A_915] {strides = array<i32>} : memref<3x2x16000xf32, #tpu.memory_space<vmem>>, vector<1x1x16xf32>,
      %swap3A_917 = vector.shape_cast %swap3A_916 : vector<1x1x16xf32> to vector<16xf32>
      %swap3A_918 = vector.shape_cast %select_n3A_910 : vector<16xf32> to vector<1x1x16xf32>
      tpu.vector_store %arg6[%swap3A_913, %swap3A_914, %swap3A_915], %swap3A_918 {strides = array<i32>} : memref<3x2x16000xf32, #tpu.memory_space<vmem>>, vector<1x1x16xf32>,
      %select_n3A_919 = arith.select %eq3A_72, %get3A_902, %get3A_909 : vector<16xi1>, vector<16xf32>
      %swap3A_920 = arith.constant 0 : i32
      %swap3A_921 = arith.constant 1 : i32
      %swap3A_922 = arith.index_cast %swap3A_920 : i32 to index
      %swap3A_923 = arith.index_cast %swap3A_921 : i32 to index
      %swap3A_924 = arith.index_cast %mul3A_895 : i32 to index
      %swap3A_925 = tpu.vector_load %arg6[%swap3A_922, %swap3A_923, %swap3A_924] {strides = array<i32>} : memref<3x2x16000xf32, #tpu.memory_space<vmem>>, vector<1x1x16xf32>,
      %swap3A_926 = vector.shape_cast %swap3A_925 : vector<1x1x16xf32> to vector<16xf32>
      %swap3A_927 = vector.shape_cast %select_n3A_919 : vector<16xf32> to vector<1x1x16xf32>
      tpu.vector_store %arg6[%swap3A_922, %swap3A_923, %swap3A_924], %swap3A_927 {strides = array<i32>} : memref<3x2x16000xf32, #tpu.memory_space<vmem>>, vector<1x1x16xf32>,
      %scan3A_928 = arith.constant 5 : i32
      %scan3A_929 = arith.addi %scan3A_750, %scan3A_928 : i32
      %mul3A_930 = arith.constant 16 : i32
      %mul3A_931 = arith.muli %scan3A_929, %mul3A_930 : i32
      %get3A_932 = arith.constant 0 : i32
      %get3A_933 = arith.constant 0 : i32
      %get3A_934 = arith.index_cast %get3A_932 : i32 to index
      %get3A_935 = arith.index_cast %get3A_933 : i32 to index
      %get3A_936 = arith.index_cast %mul3A_931 : i32 to index
      %get3A_937 = tpu.vector_load %arg6[%get3A_934, %get3A_935, %get3A_936] {strides = array<i32>} : memref<3x2x16000xf32, #tpu.memory_space<vmem>>, vector<1x1x16xf32>,
      %get3A_938 = vector.shape_cast %get3A_937 : vector<1x1x16xf32> to vector<16xf32>
      %get3A_939 = arith.constant 0 : i32
      %get3A_940 = arith.constant 1 : i32
      %get3A_941 = arith.index_cast %get3A_939 : i32 to index
      %get3A_942 = arith.index_cast %get3A_940 : i32 to index
      %get3A_943 = arith.index_cast %mul3A_931 : i32 to index
      %get3A_944 = tpu.vector_load %arg6[%get3A_941, %get3A_942, %get3A_943] {strides = array<i32>} : memref<3x2x16000xf32, #tpu.memory_space<vmem>>, vector<1x1x16xf32>,
      %get3A_945 = vector.shape_cast %get3A_944 : vector<1x1x16xf32> to vector<16xf32>
      %select_n3A_946 = arith.select %eq3A_72, %get3A_945, %get3A_938 : vector<16xi1>, vector<16xf32>
      %swap3A_947 = arith.constant 0 : i32
      %swap3A_948 = arith.constant 0 : i32
      %swap3A_949 = arith.index_cast %swap3A_947 : i32 to index
      %swap3A_950 = arith.index_cast %swap3A_948 : i32 to index
      %swap3A_951 = arith.index_cast %mul3A_931 : i32 to index
      %swap3A_952 = tpu.vector_load %arg6[%swap3A_949, %swap3A_950, %swap3A_951] {strides = array<i32>} : memref<3x2x16000xf32, #tpu.memory_space<vmem>>, vector<1x1x16xf32>,
      %swap3A_953 = vector.shape_cast %swap3A_952 : vector<1x1x16xf32> to vector<16xf32>
      %swap3A_954 = vector.shape_cast %select_n3A_946 : vector<16xf32> to vector<1x1x16xf32>
      tpu.vector_store %arg6[%swap3A_949, %swap3A_950, %swap3A_951], %swap3A_954 {strides = array<i32>} : memref<3x2x16000xf32, #tpu.memory_space<vmem>>, vector<1x1x16xf32>,
      %select_n3A_955 = arith.select %eq3A_72, %get3A_938, %get3A_945 : vector<16xi1>, vector<16xf32>
      %swap3A_956 = arith.constant 0 : i32
      %swap3A_957 = arith.constant 1 : i32
      %swap3A_958 = arith.index_cast %swap3A_956 : i32 to index
      %swap3A_959 = arith.index_cast %swap3A_957 : i32 to index
      %swap3A_960 = arith.index_cast %mul3A_931 : i32 to index
      %swap3A_961 = tpu.vector_load %arg6[%swap3A_958, %swap3A_959, %swap3A_960] {strides = array<i32>} : memref<3x2x16000xf32, #tpu.memory_space<vmem>>, vector<1x1x16xf32>,
      %swap3A_962 = vector.shape_cast %swap3A_961 : vector<1x1x16xf32> to vector<16xf32>
      %swap3A_963 = vector.shape_cast %select_n3A_955 : vector<16xf32> to vector<1x1x16xf32>
      tpu.vector_store %arg6[%swap3A_958, %swap3A_959, %swap3A_960], %swap3A_963 {strides = array<i32>} : memref<3x2x16000xf32, #tpu.memory_space<vmem>>, vector<1x1x16xf32>,
      %scan3A_964 = arith.constant 6 : i32
      %scan3A_965 = arith.addi %scan3A_750, %scan3A_964 : i32
      %mul3A_966 = arith.constant 16 : i32
      %mul3A_967 = arith.muli %scan3A_965, %mul3A_966 : i32
      %get3A_968 = arith.constant 0 : i32
      %get3A_969 = arith.constant 0 : i32
      %get3A_970 = arith.index_cast %get3A_968 : i32 to index
      %get3A_971 = arith.index_cast %get3A_969 : i32 to index
      %get3A_972 = arith.index_cast %mul3A_967 : i32 to index
      %get3A_973 = tpu.vector_load %arg6[%get3A_970, %get3A_971, %get3A_972] {strides = array<i32>} : memref<3x2x16000xf32, #tpu.memory_space<vmem>>, vector<1x1x16xf32>,
      %get3A_974 = vector.shape_cast %get3A_973 : vector<1x1x16xf32> to vector<16xf32>
      %get3A_975 = arith.constant 0 : i32
      %get3A_976 = arith.constant 1 : i32
      %get3A_977 = arith.index_cast %get3A_975 : i32 to index
      %get3A_978 = arith.index_cast %get3A_976 : i32 to index
      %get3A_979 = arith.index_cast %mul3A_967 : i32 to index
      %get3A_980 = tpu.vector_load %arg6[%get3A_977, %get3A_978, %get3A_979] {strides = array<i32>} : memref<3x2x16000xf32, #tpu.memory_space<vmem>>, vector<1x1x16xf32>,
      %get3A_981 = vector.shape_cast %get3A_980 : vector<1x1x16xf32> to vector<16xf32>
      %select_n3A_982 = arith.select %eq3A_72, %get3A_981, %get3A_974 : vector<16xi1>, vector<16xf32>
      %swap3A_983 = arith.constant 0 : i32
      %swap3A_984 = arith.constant 0 : i32
      %swap3A_985 = arith.index_cast %swap3A_983 : i32 to index
      %swap3A_986 = arith.index_cast %swap3A_984 : i32 to index
      %swap3A_987 = arith.index_cast %mul3A_967 : i32 to index
      %swap3A_988 = tpu.vector_load %arg6[%swap3A_985, %swap3A_986, %swap3A_987] {strides = array<i32>} : memref<3x2x16000xf32, #tpu.memory_space<vmem>>, vector<1x1x16xf32>,
      %swap3A_989 = vector.shape_cast %swap3A_988 : vector<1x1x16xf32> to vector<16xf32>
      %swap3A_990 = vector.shape_cast %select_n3A_982 : vector<16xf32> to vector<1x1x16xf32>
      tpu.vector_store %arg6[%swap3A_985, %swap3A_986, %swap3A_987], %swap3A_990 {strides = array<i32>} : memref<3x2x16000xf32, #tpu.memory_space<vmem>>, vector<1x1x16xf32>,
      %select_n3A_991 = arith.select %eq3A_72, %get3A_974, %get3A_981 : vector<16xi1>, vector<16xf32>
      %swap3A_992 = arith.constant 0 : i32
      %swap3A_993 = arith.constant 1 : i32
      %swap3A_994 = arith.index_cast %swap3A_992 : i32 to index
      %swap3A_995 = arith.index_cast %swap3A_993 : i32 to index
      %swap3A_996 = arith.index_cast %mul3A_967 : i32 to index
      %swap3A_997 = tpu.vector_load %arg6[%swap3A_994, %swap3A_995, %swap3A_996] {strides = array<i32>} : memref<3x2x16000xf32, #tpu.memory_space<vmem>>, vector<1x1x16xf32>,
      %swap3A_998 = vector.shape_cast %swap3A_997 : vector<1x1x16xf32> to vector<16xf32>
      %swap3A_999 = vector.shape_cast %select_n3A_991 : vector<16xf32> to vector<1x1x16xf32>
      tpu.vector_store %arg6[%swap3A_994, %swap3A_995, %swap3A_996], %swap3A_999 {strides = array<i32>} : memref<3x2x16000xf32, #tpu.memory_space<vmem>>, vector<1x1x16xf32>,
      %scan3A_1000 = arith.constant 7 : i32
      %scan3A_1001 = arith.addi %scan3A_750, %scan3A_1000 : i32
      %mul3A_1002 = arith.constant 16 : i32
      %mul3A_1003 = arith.muli %scan3A_1001, %mul3A_1002 : i32
      %get3A_1004 = arith.constant 0 : i32
      %get3A_1005 = arith.constant 0 : i32
      %get3A_1006 = arith.index_cast %get3A_1004 : i32 to index
      %get3A_1007 = arith.index_cast %get3A_1005 : i32 to index
      %get3A_1008 = arith.index_cast %mul3A_1003 : i32 to index
      %get3A_1009 = tpu.vector_load %arg6[%get3A_1006, %get3A_1007, %get3A_1008] {strides = array<i32>} : memref<3x2x16000xf32, #tpu.memory_space<vmem>>, vector<1x1x16xf32>,
      %get3A_1010 = vector.shape_cast %get3A_1009 : vector<1x1x16xf32> to vector<16xf32>
      %get3A_1011 = arith.constant 0 : i32
      %get3A_1012 = arith.constant 1 : i32
      %get3A_1013 = arith.index_cast %get3A_1011 : i32 to index
      %get3A_1014 = arith.index_cast %get3A_1012 : i32 to index
      %get3A_1015 = arith.index_cast %mul3A_1003 : i32 to index
      %get3A_1016 = tpu.vector_load %arg6[%get3A_1013, %get3A_1014, %get3A_1015] {strides = array<i32>} : memref<3x2x16000xf32, #tpu.memory_space<vmem>>, vector<1x1x16xf32>,
      %get3A_1017 = vector.shape_cast %get3A_1016 : vector<1x1x16xf32> to vector<16xf32>
      %select_n3A_1018 = arith.select %eq3A_72, %get3A_1017, %get3A_1010 : vector<16xi1>, vector<16xf32>
      %swap3A_1019 = arith.constant 0 : i32
      %swap3A_1020 = arith.constant 0 : i32
      %swap3A_1021 = arith.index_cast %swap3A_1019 : i32 to index
      %swap3A_1022 = arith.index_cast %swap3A_1020 : i32 to index
      %swap3A_1023 = arith.index_cast %mul3A_1003 : i32 to index
      %swap3A_1024 = tpu.vector_load %arg6[%swap3A_1021, %swap3A_1022, %swap3A_1023] {strides = array<i32>} : memref<3x2x16000xf32, #tpu.memory_space<vmem>>, vector<1x1x16xf32>,
      %swap3A_1025 = vector.shape_cast %swap3A_1024 : vector<1x1x16xf32> to vector<16xf32>
      %swap3A_1026 = vector.shape_cast %select_n3A_1018 : vector<16xf32> to vector<1x1x16xf32>
      tpu.vector_store %arg6[%swap3A_1021, %swap3A_1022, %swap3A_1023], %swap3A_1026 {strides = array<i32>} : memref<3x2x16000xf32, #tpu.memory_space<vmem>>, vector<1x1x16xf32>,
      %select_n3A_1027 = arith.select %eq3A_72, %get3A_1010, %get3A_1017 : vector<16xi1>, vector<16xf32>
      %swap3A_1028 = arith.constant 0 : i32
      %swap3A_1029 = arith.constant 1 : i32
      %swap3A_1030 = arith.index_cast %swap3A_1028 : i32 to index
      %swap3A_1031 = arith.index_cast %swap3A_1029 : i32 to index
      %swap3A_1032 = arith.index_cast %mul3A_1003 : i32 to index
      %swap3A_1033 = tpu.vector_load %arg6[%swap3A_1030, %swap3A_1031, %swap3A_1032] {strides = array<i32>} : memref<3x2x16000xf32, #tpu.memory_space<vmem>>, vector<1x1x16xf32>,
      %swap3A_1034 = vector.shape_cast %swap3A_1033 : vector<1x1x16xf32> to vector<16xf32>
      %swap3A_1035 = vector.shape_cast %select_n3A_1027 : vector<16xf32> to vector<1x1x16xf32>
      tpu.vector_store %arg6[%swap3A_1030, %swap3A_1031, %swap3A_1032], %swap3A_1035 {strides = array<i32>} : memref<3x2x16000xf32, #tpu.memory_space<vmem>>, vector<1x1x16xf32>,
    }
    %scan3A_92 = arith.constant 1000 : i32
    %dma_start3A_93 = arith.constant 0 : i32
    %dma_start3A_94 = arith.constant 0 : i32
    %dma_start3A_95 = arith.constant 0 : i32
    %dma_start3A_96 = tpu.memref_slice %arg6[%dma_start3A_93, %dma_start3A_94, %dma_start3A_95] : memref<3x2x16000xf32, #tpu.memory_space<vmem>> -> memref<1x2x16000xf32, #tpu.memory_space<vmem>>
    %dma_start3A_97 = tpu.memref_squeeze %dma_start3A_96 : memref<1x2x16000xf32, #tpu.memory_space<vmem>> -> memref<2x16000xf32, #tpu.memory_space<vmem>>
    %dma_start3A_98 = arith.constant 0 : i32
    %dma_start3A_99 = arith.constant 0 : i32
    %dma_start3A_100 = tpu.memref_slice %arg4[%select_n3A, %select_n3A_30, %dma_start3A_98, %dma_start3A_99] : memref<8x4x2x160000xf32, #tpu.memory_space<hbm>> -> memref<1x1x2x16000xf32, #tpu.memory_space<hbm>>
    %dma_start3A_101 = tpu.memref_squeeze %dma_start3A_100 : memref<1x1x2x16000xf32, #tpu.memory_space<hbm>> -> memref<2x16000xf32, #tpu.memory_space<hbm>>
    %dma_start3A_102 = arith.constant 0 : i32
    %dma_start3A_103 = arith.constant 0 : i32
    %dma_start3A_104 = tpu.memref_slice %arg4[%select_n3A, %select_n3A_30, %dma_start3A_102, %dma_start3A_103] : memref<8x4x2x160000xf32, #tpu.memory_space<hbm>> -> memref<1x1x2x16000xf32, #tpu.memory_space<hbm>>
    %dma_start3A_105 = tpu.memref_squeeze %dma_start3A_104 : memref<1x1x2x16000xf32, #tpu.memory_space<hbm>> -> memref<2x16000xf32, #tpu.memory_space<hbm>>
    %dma_start3A_106 = arith.constant 0 : i32
    %dma_start3A_107 = arith.constant 0 : i32
    %dma_start3A_108 = tpu.memref_slice %arg6[%dma_start3A_93, %dma_start3A_106, %dma_start3A_107] : memref<3x2x16000xf32, #tpu.memory_space<vmem>> -> memref<1x2x16000xf32, #tpu.memory_space<vmem>>
    %dma_start3A_109 = tpu.memref_squeeze %dma_start3A_108 : memref<1x2x16000xf32, #tpu.memory_space<vmem>> -> memref<2x16000xf32, #tpu.memory_space<vmem>>
    tpu.enqueue_dma source(%dma_start3A_109 : memref<2x16000xf32, #tpu.memory_space<vmem>>) target(%dma_start3A_105 : memref<2x16000xf32, #tpu.memory_space<hbm>>) target_semaphore(%arg10 : memref<!tpu.dma_semaphore, #tpu.memory_space<semaphore_mem>>)
    %dma_start3A_110 = arith.constant 2 : i32
    %dma_start3A_111 = arith.constant 0 : i32
    %dma_start3A_112 = arith.constant 0 : i32
    %dma_start3A_113 = tpu.memref_slice %arg6[%dma_start3A_110, %dma_start3A_111, %dma_start3A_112] : memref<3x2x16000xf32, #tpu.memory_space<vmem>> -> memref<1x2x16000xf32, #tpu.memory_space<vmem>>
    %dma_start3A_114 = tpu.memref_squeeze %dma_start3A_113 : memref<1x2x16000xf32, #tpu.memory_space<vmem>> -> memref<2x16000xf32, #tpu.memory_space<vmem>>
    %dma_start3A_115 = arith.constant 0 : i32
    %dma_start3A_116 = arith.constant 32000 : i32
    %dma_start3A_117 = tpu.memref_slice %arg2[%select_n3A, %select_n3A_30, %dma_start3A_115, %dma_start3A_116] : memref<8x4x2x160000xf32, #tpu.memory_space<hbm>> -> memref<1x1x2x16000xf32, #tpu.memory_space<hbm>>
    %dma_start3A_118 = tpu.memref_squeeze %dma_start3A_117 : memref<1x1x2x16000xf32, #tpu.memory_space<hbm>> -> memref<2x16000xf32, #tpu.memory_space<hbm>>
    %dma_start3A_119 = arith.constant 0 : i32
    %dma_start3A_120 = arith.constant 0 : i32
    %dma_start3A_121 = tpu.memref_slice %arg6[%dma_start3A_110, %dma_start3A_119, %dma_start3A_120] : memref<3x2x16000xf32, #tpu.memory_space<vmem>> -> memref<1x2x16000xf32, #tpu.memory_space<vmem>>
    %dma_start3A_122 = tpu.memref_squeeze %dma_start3A_121 : memref<1x2x16000xf32, #tpu.memory_space<vmem>> -> memref<2x16000xf32, #tpu.memory_space<vmem>>
    %dma_start3A_123 = arith.constant 0 : i32
    %dma_start3A_124 = arith.constant 32000 : i32
    %dma_start3A_125 = tpu.memref_slice %arg2[%select_n3A, %select_n3A_30, %dma_start3A_123, %dma_start3A_124] : memref<8x4x2x160000xf32, #tpu.memory_space<hbm>> -> memref<1x1x2x16000xf32, #tpu.memory_space<hbm>>
    %dma_start3A_126 = tpu.memref_squeeze %dma_start3A_125 : memref<1x1x2x16000xf32, #tpu.memory_space<hbm>> -> memref<2x16000xf32, #tpu.memory_space<hbm>>
    tpu.enqueue_dma source(%dma_start3A_126 : memref<2x16000xf32, #tpu.memory_space<hbm>>) target(%dma_start3A_122 : memref<2x16000xf32, #tpu.memory_space<vmem>>) target_semaphore(%arg9 : memref<!tpu.dma_semaphore, #tpu.memory_space<semaphore_mem>>)
    %dma_wait3A_127 = arith.constant 1 : i32
    %dma_wait3A_128 = arith.constant 0 : i32
    %dma_wait3A_129 = arith.constant 0 : i32
    %dma_wait3A_130 = tpu.memref_slice %arg6[%dma_wait3A_127, %dma_wait3A_128, %dma_wait3A_129] : memref<3x2x16000xf32, #tpu.memory_space<vmem>> -> memref<1x2x16000xf32, #tpu.memory_space<vmem>>
    %dma_wait3A_131 = tpu.memref_squeeze %dma_wait3A_130 : memref<1x2x16000xf32, #tpu.memory_space<vmem>> -> memref<2x16000xf32, #tpu.memory_space<vmem>>
    %dma_wait3A_132 = arith.constant 0 : i32
    %dma_wait3A_133 = arith.constant 16000 : i32
    %dma_wait3A_134 = tpu.memref_slice %arg2[%select_n3A, %select_n3A_30, %dma_wait3A_132, %dma_wait3A_133] : memref<8x4x2x160000xf32, #tpu.memory_space<hbm>> -> memref<1x1x2x16000xf32, #tpu.memory_space<hbm>>
    %dma_wait3A_135 = tpu.memref_squeeze %dma_wait3A_134 : memref<1x1x2x16000xf32, #tpu.memory_space<hbm>> -> memref<2x16000xf32, #tpu.memory_space<hbm>>
    %dma_wait3A_136 = arith.constant 0 : i32
    %dma_wait3A_137 = arith.constant 0 : i32
    %dma_wait3A_138 = tpu.memref_slice %arg6[%dma_wait3A_127, %dma_wait3A_136, %dma_wait3A_137] : memref<3x2x16000xf32, #tpu.memory_space<vmem>> -> memref<1x2x16000xf32, #tpu.memory_space<vmem>>
    %dma_wait3A_139 = tpu.memref_squeeze %dma_wait3A_138 : memref<1x2x16000xf32, #tpu.memory_space<vmem>> -> memref<2x16000xf32, #tpu.memory_space<vmem>>
    %dma_wait3A_140 = arith.constant 0 : i32
    %dma_wait3A_141 = arith.constant 16000 : i32
    %dma_wait3A_142 = tpu.memref_slice %arg2[%select_n3A, %select_n3A_30, %dma_wait3A_140, %dma_wait3A_141] : memref<8x4x2x160000xf32, #tpu.memory_space<hbm>> -> memref<1x1x2x16000xf32, #tpu.memory_space<hbm>>
    %dma_wait3A_143 = tpu.memref_squeeze %dma_wait3A_142 : memref<1x1x2x16000xf32, #tpu.memory_space<hbm>> -> memref<2x16000xf32, #tpu.memory_space<hbm>>
    tpu.wait_dma2 semaphore(%arg8 : memref<!tpu.dma_semaphore, #tpu.memory_space<semaphore_mem>>) src(%dma_wait3A_143 : memref<2x16000xf32, #tpu.memory_space<hbm>>) dst(%dma_wait3A_139 : memref<2x16000xf32, #tpu.memory_space<vmem>>)
    %scan3A_144 = arith.constant 0 : i32
    %scan3A_145 = arith.constant 1000 : i32
    %scan3A_146 = arith.addi %scan3A_144, %scan3A_145 : i32
    %scan3A_147 = arith.constant 8 : i32
    scf.for %scan3A_750 = %scan3A_144 to %scan3A_146 step %scan3A_147  : i32 {
      %mul3A_751 = arith.constant 16 : i32
      %mul3A_752 = arith.muli %scan3A_750, %mul3A_751 : i32
      %get3A_753 = arith.constant 1 : i32
      %get3A_754 = arith.constant 0 : i32
      %get3A_755 = arith.index_cast %get3A_753 : i32 to index
      %get3A_756 = arith.index_cast %get3A_754 : i32 to index
      %get3A_757 = arith.index_cast %mul3A_752 : i32 to index
      %get3A_758 = tpu.vector_load %arg6[%get3A_755, %get3A_756, %get3A_757] {strides = array<i32>} : memref<3x2x16000xf32, #tpu.memory_space<vmem>>, vector<1x1x16xf32>,
      %get3A_759 = vector.shape_cast %get3A_758 : vector<1x1x16xf32> to vector<16xf32>
      %get3A_760 = arith.constant 1 : i32
      %get3A_761 = arith.constant 1 : i32
      %get3A_762 = arith.index_cast %get3A_760 : i32 to index
      %get3A_763 = arith.index_cast %get3A_761 : i32 to index
      %get3A_764 = arith.index_cast %mul3A_752 : i32 to index
      %get3A_765 = tpu.vector_load %arg6[%get3A_762, %get3A_763, %get3A_764] {strides = array<i32>} : memref<3x2x16000xf32, #tpu.memory_space<vmem>>, vector<1x1x16xf32>,
      %get3A_766 = vector.shape_cast %get3A_765 : vector<1x1x16xf32> to vector<16xf32>
      %select_n3A_767 = arith.select %eq3A_72, %get3A_766, %get3A_759 : vector<16xi1>, vector<16xf32>
      %swap3A = arith.constant 1 : i32
      %swap3A_768 = arith.constant 0 : i32
      %swap3A_769 = arith.index_cast %swap3A : i32 to index
      %swap3A_770 = arith.index_cast %swap3A_768 : i32 to index
      %swap3A_771 = arith.index_cast %mul3A_752 : i32 to index
      %swap3A_772 = tpu.vector_load %arg6[%swap3A_769, %swap3A_770, %swap3A_771] {strides = array<i32>} : memref<3x2x16000xf32, #tpu.memory_space<vmem>>, vector<1x1x16xf32>,
      %swap3A_773 = vector.shape_cast %swap3A_772 : vector<1x1x16xf32> to vector<16xf32>
      %swap3A_774 = vector.shape_cast %select_n3A_767 : vector<16xf32> to vector<1x1x16xf32>
      tpu.vector_store %arg6[%swap3A_769, %swap3A_770, %swap3A_771], %swap3A_774 {strides = array<i32>} : memref<3x2x16000xf32, #tpu.memory_space<vmem>>, vector<1x1x16xf32>,
      %select_n3A_775 = arith.select %eq3A_72, %get3A_759, %get3A_766 : vector<16xi1>, vector<16xf32>
      %swap3A_776 = arith.constant 1 : i32
      %swap3A_777 = arith.constant 1 : i32
      %swap3A_778 = arith.index_cast %swap3A_776 : i32 to index
      %swap3A_779 = arith.index_cast %swap3A_777 : i32 to index
      %swap3A_780 = arith.index_cast %mul3A_752 : i32 to index
      %swap3A_781 = tpu.vector_load %arg6[%swap3A_778, %swap3A_779, %swap3A_780] {strides = array<i32>} : memref<3x2x16000xf32, #tpu.memory_space<vmem>>, vector<1x1x16xf32>,
      %swap3A_782 = vector.shape_cast %swap3A_781 : vector<1x1x16xf32> to vector<16xf32>
      %swap3A_783 = vector.shape_cast %select_n3A_775 : vector<16xf32> to vector<1x1x16xf32>
      tpu.vector_store %arg6[%swap3A_778, %swap3A_779, %swap3A_780], %swap3A_783 {strides = array<i32>} : memref<3x2x16000xf32, #tpu.memory_space<vmem>>, vector<1x1x16xf32>,
      %scan3A_784 = arith.constant 1 : i32
      %scan3A_785 = arith.addi %scan3A_750, %scan3A_784 : i32
      %mul3A_786 = arith.constant 16 : i32
      %mul3A_787 = arith.muli %scan3A_785, %mul3A_786 : i32
      %get3A_788 = arith.constant 1 : i32
      %get3A_789 = arith.constant 0 : i32
      %get3A_790 = arith.index_cast %get3A_788 : i32 to index
      %get3A_791 = arith.index_cast %get3A_789 : i32 to index
      %get3A_792 = arith.index_cast %mul3A_787 : i32 to index
      %get3A_793 = tpu.vector_load %arg6[%get3A_790, %get3A_791, %get3A_792] {strides = array<i32>} : memref<3x2x16000xf32, #tpu.memory_space<vmem>>, vector<1x1x16xf32>,
      %get3A_794 = vector.shape_cast %get3A_793 : vector<1x1x16xf32> to vector<16xf32>
      %get3A_795 = arith.constant 1 : i32
      %get3A_796 = arith.constant 1 : i32
      %get3A_797 = arith.index_cast %get3A_795 : i32 to index
      %get3A_798 = arith.index_cast %get3A_796 : i32 to index
      %get3A_799 = arith.index_cast %mul3A_787 : i32 to index
      %get3A_800 = tpu.vector_load %arg6[%get3A_797, %get3A_798, %get3A_799] {strides = array<i32>} : memref<3x2x16000xf32, #tpu.memory_space<vmem>>, vector<1x1x16xf32>,
      %get3A_801 = vector.shape_cast %get3A_800 : vector<1x1x16xf32> to vector<16xf32>
      %select_n3A_802 = arith.select %eq3A_72, %get3A_801, %get3A_794 : vector<16xi1>, vector<16xf32>
      %swap3A_803 = arith.constant 1 : i32
      %swap3A_804 = arith.constant 0 : i32
      %swap3A_805 = arith.index_cast %swap3A_803 : i32 to index
      %swap3A_806 = arith.index_cast %swap3A_804 : i32 to index
      %swap3A_807 = arith.index_cast %mul3A_787 : i32 to index
      %swap3A_808 = tpu.vector_load %arg6[%swap3A_805, %swap3A_806, %swap3A_807] {strides = array<i32>} : memref<3x2x16000xf32, #tpu.memory_space<vmem>>, vector<1x1x16xf32>,
      %swap3A_809 = vector.shape_cast %swap3A_808 : vector<1x1x16xf32> to vector<16xf32>
      %swap3A_810 = vector.shape_cast %select_n3A_802 : vector<16xf32> to vector<1x1x16xf32>
      tpu.vector_store %arg6[%swap3A_805, %swap3A_806, %swap3A_807], %swap3A_810 {strides = array<i32>} : memref<3x2x16000xf32, #tpu.memory_space<vmem>>, vector<1x1x16xf32>,
      %select_n3A_811 = arith.select %eq3A_72, %get3A_794, %get3A_801 : vector<16xi1>, vector<16xf32>
      %swap3A_812 = arith.constant 1 : i32
      %swap3A_813 = arith.constant 1 : i32
      %swap3A_814 = arith.index_cast %swap3A_812 : i32 to index
      %swap3A_815 = arith.index_cast %swap3A_813 : i32 to index
      %swap3A_816 = arith.index_cast %mul3A_787 : i32 to index
      %swap3A_817 = tpu.vector_load %arg6[%swap3A_814, %swap3A_815, %swap3A_816] {strides = array<i32>} : memref<3x2x16000xf32, #tpu.memory_space<vmem>>, vector<1x1x16xf32>,
      %swap3A_818 = vector.shape_cast %swap3A_817 : vector<1x1x16xf32> to vector<16xf32>
      %swap3A_819 = vector.shape_cast %select_n3A_811 : vector<16xf32> to vector<1x1x16xf32>
      tpu.vector_store %arg6[%swap3A_814, %swap3A_815, %swap3A_816], %swap3A_819 {strides = array<i32>} : memref<3x2x16000xf32, #tpu.memory_space<vmem>>, vector<1x1x16xf32>,
      %scan3A_820 = arith.constant 2 : i32
      %scan3A_821 = arith.addi %scan3A_750, %scan3A_820 : i32
      %mul3A_822 = arith.constant 16 : i32
      %mul3A_823 = arith.muli %scan3A_821, %mul3A_822 : i32
      %get3A_824 = arith.constant 1 : i32
      %get3A_825 = arith.constant 0 : i32
      %get3A_826 = arith.index_cast %get3A_824 : i32 to index
      %get3A_827 = arith.index_cast %get3A_825 : i32 to index
      %get3A_828 = arith.index_cast %mul3A_823 : i32 to index
      %get3A_829 = tpu.vector_load %arg6[%get3A_826, %get3A_827, %get3A_828] {strides = array<i32>} : memref<3x2x16000xf32, #tpu.memory_space<vmem>>, vector<1x1x16xf32>,
      %get3A_830 = vector.shape_cast %get3A_829 : vector<1x1x16xf32> to vector<16xf32>
      %get3A_831 = arith.constant 1 : i32
      %get3A_832 = arith.constant 1 : i32
      %get3A_833 = arith.index_cast %get3A_831 : i32 to index
      %get3A_834 = arith.index_cast %get3A_832 : i32 to index
      %get3A_835 = arith.index_cast %mul3A_823 : i32 to index
      %get3A_836 = tpu.vector_load %arg6[%get3A_833, %get3A_834, %get3A_835] {strides = array<i32>} : memref<3x2x16000xf32, #tpu.memory_space<vmem>>, vector<1x1x16xf32>,
      %get3A_837 = vector.shape_cast %get3A_836 : vector<1x1x16xf32> to vector<16xf32>
      %select_n3A_838 = arith.select %eq3A_72, %get3A_837, %get3A_830 : vector<16xi1>, vector<16xf32>
      %swap3A_839 = arith.constant 1 : i32
      %swap3A_840 = arith.constant 0 : i32
      %swap3A_841 = arith.index_cast %swap3A_839 : i32 to index
      %swap3A_842 = arith.index_cast %swap3A_840 : i32 to index
      %swap3A_843 = arith.index_cast %mul3A_823 : i32 to index
      %swap3A_844 = tpu.vector_load %arg6[%swap3A_841, %swap3A_842, %swap3A_843] {strides = array<i32>} : memref<3x2x16000xf32, #tpu.memory_space<vmem>>, vector<1x1x16xf32>,
      %swap3A_845 = vector.shape_cast %swap3A_844 : vector<1x1x16xf32> to vector<16xf32>
      %swap3A_846 = vector.shape_cast %select_n3A_838 : vector<16xf32> to vector<1x1x16xf32>
      tpu.vector_store %arg6[%swap3A_841, %swap3A_842, %swap3A_843], %swap3A_846 {strides = array<i32>} : memref<3x2x16000xf32, #tpu.memory_space<vmem>>, vector<1x1x16xf32>,
      %select_n3A_847 = arith.select %eq3A_72, %get3A_830, %get3A_837 : vector<16xi1>, vector<16xf32>
      %swap3A_848 = arith.constant 1 : i32
      %swap3A_849 = arith.constant 1 : i32
      %swap3A_850 = arith.index_cast %swap3A_848 : i32 to index
      %swap3A_851 = arith.index_cast %swap3A_849 : i32 to index
      %swap3A_852 = arith.index_cast %mul3A_823 : i32 to index
      %swap3A_853 = tpu.vector_load %arg6[%swap3A_850, %swap3A_851, %swap3A_852] {strides = array<i32>} : memref<3x2x16000xf32, #tpu.memory_space<vmem>>, vector<1x1x16xf32>,
      %swap3A_854 = vector.shape_cast %swap3A_853 : vector<1x1x16xf32> to vector<16xf32>
      %swap3A_855 = vector.shape_cast %select_n3A_847 : vector<16xf32> to vector<1x1x16xf32>
      tpu.vector_store %arg6[%swap3A_850, %swap3A_851, %swap3A_852], %swap3A_855 {strides = array<i32>} : memref<3x2x16000xf32, #tpu.memory_space<vmem>>, vector<1x1x16xf32>,
      %scan3A_856 = arith.constant 3 : i32
      %scan3A_857 = arith.addi %scan3A_750, %scan3A_856 : i32
      %mul3A_858 = arith.constant 16 : i32
      %mul3A_859 = arith.muli %scan3A_857, %mul3A_858 : i32
      %get3A_860 = arith.constant 1 : i32
      %get3A_861 = arith.constant 0 : i32
      %get3A_862 = arith.index_cast %get3A_860 : i32 to index
      %get3A_863 = arith.index_cast %get3A_861 : i32 to index
      %get3A_864 = arith.index_cast %mul3A_859 : i32 to index
      %get3A_865 = tpu.vector_load %arg6[%get3A_862, %get3A_863, %get3A_864] {strides = array<i32>} : memref<3x2x16000xf32, #tpu.memory_space<vmem>>, vector<1x1x16xf32>,
      %get3A_866 = vector.shape_cast %get3A_865 : vector<1x1x16xf32> to vector<16xf32>
      %get3A_867 = arith.constant 1 : i32
      %get3A_868 = arith.constant 1 : i32
      %get3A_869 = arith.index_cast %get3A_867 : i32 to index
      %get3A_870 = arith.index_cast %get3A_868 : i32 to index
      %get3A_871 = arith.index_cast %mul3A_859 : i32 to index
      %get3A_872 = tpu.vector_load %arg6[%get3A_869, %get3A_870, %get3A_871] {strides = array<i32>} : memref<3x2x16000xf32, #tpu.memory_space<vmem>>, vector<1x1x16xf32>,
      %get3A_873 = vector.shape_cast %get3A_872 : vector<1x1x16xf32> to vector<16xf32>
      %select_n3A_874 = arith.select %eq3A_72, %get3A_873, %get3A_866 : vector<16xi1>, vector<16xf32>
      %swap3A_875 = arith.constant 1 : i32
      %swap3A_876 = arith.constant 0 : i32
      %swap3A_877 = arith.index_cast %swap3A_875 : i32 to index
      %swap3A_878 = arith.index_cast %swap3A_876 : i32 to index
      %swap3A_879 = arith.index_cast %mul3A_859 : i32 to index
      %swap3A_880 = tpu.vector_load %arg6[%swap3A_877, %swap3A_878, %swap3A_879] {strides = array<i32>} : memref<3x2x16000xf32, #tpu.memory_space<vmem>>, vector<1x1x16xf32>,
      %swap3A_881 = vector.shape_cast %swap3A_880 : vector<1x1x16xf32> to vector<16xf32>
      %swap3A_882 = vector.shape_cast %select_n3A_874 : vector<16xf32> to vector<1x1x16xf32>
      tpu.vector_store %arg6[%swap3A_877, %swap3A_878, %swap3A_879], %swap3A_882 {strides = array<i32>} : memref<3x2x16000xf32, #tpu.memory_space<vmem>>, vector<1x1x16xf32>,
      %select_n3A_883 = arith.select %eq3A_72, %get3A_866, %get3A_873 : vector<16xi1>, vector<16xf32>
      %swap3A_884 = arith.constant 1 : i32
      %swap3A_885 = arith.constant 1 : i32
      %swap3A_886 = arith.index_cast %swap3A_884 : i32 to index
      %swap3A_887 = arith.index_cast %swap3A_885 : i32 to index
      %swap3A_888 = arith.index_cast %mul3A_859 : i32 to index
      %swap3A_889 = tpu.vector_load %arg6[%swap3A_886, %swap3A_887, %swap3A_888] {strides = array<i32>} : memref<3x2x16000xf32, #tpu.memory_space<vmem>>, vector<1x1x16xf32>,
      %swap3A_890 = vector.shape_cast %swap3A_889 : vector<1x1x16xf32> to vector<16xf32>
      %swap3A_891 = vector.shape_cast %select_n3A_883 : vector<16xf32> to vector<1x1x16xf32>
      tpu.vector_store %arg6[%swap3A_886, %swap3A_887, %swap3A_888], %swap3A_891 {strides = array<i32>} : memref<3x2x16000xf32, #tpu.memory_space<vmem>>, vector<1x1x16xf32>,
      %scan3A_892 = arith.constant 4 : i32
      %scan3A_893 = arith.addi %scan3A_750, %scan3A_892 : i32
      %mul3A_894 = arith.constant 16 : i32
      %mul3A_895 = arith.muli %scan3A_893, %mul3A_894 : i32
      %get3A_896 = arith.constant 1 : i32
      %get3A_897 = arith.constant 0 : i32
      %get3A_898 = arith.index_cast %get3A_896 : i32 to index
      %get3A_899 = arith.index_cast %get3A_897 : i32 to index
      %get3A_900 = arith.index_cast %mul3A_895 : i32 to index
      %get3A_901 = tpu.vector_load %arg6[%get3A_898, %get3A_899, %get3A_900] {strides = array<i32>} : memref<3x2x16000xf32, #tpu.memory_space<vmem>>, vector<1x1x16xf32>,
      %get3A_902 = vector.shape_cast %get3A_901 : vector<1x1x16xf32> to vector<16xf32>
      %get3A_903 = arith.constant 1 : i32
      %get3A_904 = arith.constant 1 : i32
      %get3A_905 = arith.index_cast %get3A_903 : i32 to index
      %get3A_906 = arith.index_cast %get3A_904 : i32 to index
      %get3A_907 = arith.index_cast %mul3A_895 : i32 to index
      %get3A_908 = tpu.vector_load %arg6[%get3A_905, %get3A_906, %get3A_907] {strides = array<i32>} : memref<3x2x16000xf32, #tpu.memory_space<vmem>>, vector<1x1x16xf32>,
      %get3A_909 = vector.shape_cast %get3A_908 : vector<1x1x16xf32> to vector<16xf32>
      %select_n3A_910 = arith.select %eq3A_72, %get3A_909, %get3A_902 : vector<16xi1>, vector<16xf32>
      %swap3A_911 = arith.constant 1 : i32
      %swap3A_912 = arith.constant 0 : i32
      %swap3A_913 = arith.index_cast %swap3A_911 : i32 to index
      %swap3A_914 = arith.index_cast %swap3A_912 : i32 to index
      %swap3A_915 = arith.index_cast %mul3A_895 : i32 to index
      %swap3A_916 = tpu.vector_load %arg6[%swap3A_913, %swap3A_914, %swap3A_915] {strides = array<i32>} : memref<3x2x16000xf32, #tpu.memory_space<vmem>>, vector<1x1x16xf32>,
      %swap3A_917 = vector.shape_cast %swap3A_916 : vector<1x1x16xf32> to vector<16xf32>
      %swap3A_918 = vector.shape_cast %select_n3A_910 : vector<16xf32> to vector<1x1x16xf32>
      tpu.vector_store %arg6[%swap3A_913, %swap3A_914, %swap3A_915], %swap3A_918 {strides = array<i32>} : memref<3x2x16000xf32, #tpu.memory_space<vmem>>, vector<1x1x16xf32>,
      %select_n3A_919 = arith.select %eq3A_72, %get3A_902, %get3A_909 : vector<16xi1>, vector<16xf32>
      %swap3A_920 = arith.constant 1 : i32
      %swap3A_921 = arith.constant 1 : i32
      %swap3A_922 = arith.index_cast %swap3A_920 : i32 to index
      %swap3A_923 = arith.index_cast %swap3A_921 : i32 to index
      %swap3A_924 = arith.index_cast %mul3A_895 : i32 to index
      %swap3A_925 = tpu.vector_load %arg6[%swap3A_922, %swap3A_923, %swap3A_924] {strides = array<i32>} : memref<3x2x16000xf32, #tpu.memory_space<vmem>>, vector<1x1x16xf32>,
      %swap3A_926 = vector.shape_cast %swap3A_925 : vector<1x1x16xf32> to vector<16xf32>
      %swap3A_927 = vector.shape_cast %select_n3A_919 : vector<16xf32> to vector<1x1x16xf32>
      tpu.vector_store %arg6[%swap3A_922, %swap3A_923, %swap3A_924], %swap3A_927 {strides = array<i32>} : memref<3x2x16000xf32, #tpu.memory_space<vmem>>, vector<1x1x16xf32>,
      %scan3A_928 = arith.constant 5 : i32
      %scan3A_929 = arith.addi %scan3A_750, %scan3A_928 : i32
      %mul3A_930 = arith.constant 16 : i32
      %mul3A_931 = arith.muli %scan3A_929, %mul3A_930 : i32
      %get3A_932 = arith.constant 1 : i32
      %get3A_933 = arith.constant 0 : i32
      %get3A_934 = arith.index_cast %get3A_932 : i32 to index
      %get3A_935 = arith.index_cast %get3A_933 : i32 to index
      %get3A_936 = arith.index_cast %mul3A_931 : i32 to index
      %get3A_937 = tpu.vector_load %arg6[%get3A_934, %get3A_935, %get3A_936] {strides = array<i32>} : memref<3x2x16000xf32, #tpu.memory_space<vmem>>, vector<1x1x16xf32>,
      %get3A_938 = vector.shape_cast %get3A_937 : vector<1x1x16xf32> to vector<16xf32>
      %get3A_939 = arith.constant 1 : i32
      %get3A_940 = arith.constant 1 : i32
      %get3A_941 = arith.index_cast %get3A_939 : i32 to index
      %get3A_942 = arith.index_cast %get3A_940 : i32 to index
      %get3A_943 = arith.index_cast %mul3A_931 : i32 to index
      %get3A_944 = tpu.vector_load %arg6[%get3A_941, %get3A_942, %get3A_943] {strides = array<i32>} : memref<3x2x16000xf32, #tpu.memory_space<vmem>>, vector<1x1x16xf32>,
      %get3A_945 = vector.shape_cast %get3A_944 : vector<1x1x16xf32> to vector<16xf32>
      %select_n3A_946 = arith.select %eq3A_72, %get3A_945, %get3A_938 : vector<16xi1>, vector<16xf32>
      %swap3A_947 = arith.constant 1 : i32
      %swap3A_948 = arith.constant 0 : i32
      %swap3A_949 = arith.index_cast %swap3A_947 : i32 to index
      %swap3A_950 = arith.index_cast %swap3A_948 : i32 to index
      %swap3A_951 = arith.index_cast %mul3A_931 : i32 to index
      %swap3A_952 = tpu.vector_load %arg6[%swap3A_949, %swap3A_950, %swap3A_951] {strides = array<i32>} : memref<3x2x16000xf32, #tpu.memory_space<vmem>>, vector<1x1x16xf32>,
      %swap3A_953 = vector.shape_cast %swap3A_952 : vector<1x1x16xf32> to vector<16xf32>
      %swap3A_954 = vector.shape_cast %select_n3A_946 : vector<16xf32> to vector<1x1x16xf32>
      tpu.vector_store %arg6[%swap3A_949, %swap3A_950, %swap3A_951], %swap3A_954 {strides = array<i32>} : memref<3x2x16000xf32, #tpu.memory_space<vmem>>, vector<1x1x16xf32>,
      %select_n3A_955 = arith.select %eq3A_72, %get3A_938, %get3A_945 : vector<16xi1>, vector<16xf32>
      %swap3A_956 = arith.constant 1 : i32
      %swap3A_957 = arith.constant 1 : i32
      %swap3A_958 = arith.index_cast %swap3A_956 : i32 to index
      %swap3A_959 = arith.index_cast %swap3A_957 : i32 to index
      %swap3A_960 = arith.index_cast %mul3A_931 : i32 to index
      %swap3A_961 = tpu.vector_load %arg6[%swap3A_958, %swap3A_959, %swap3A_960] {strides = array<i32>} : memref<3x2x16000xf32, #tpu.memory_space<vmem>>, vector<1x1x16xf32>,
      %swap3A_962 = vector.shape_cast %swap3A_961 : vector<1x1x16xf32> to vector<16xf32>
      %swap3A_963 = vector.shape_cast %select_n3A_955 : vector<16xf32> to vector<1x1x16xf32>
      tpu.vector_store %arg6[%swap3A_958, %swap3A_959, %swap3A_960], %swap3A_963 {strides = array<i32>} : memref<3x2x16000xf32, #tpu.memory_space<vmem>>, vector<1x1x16xf32>,
      %scan3A_964 = arith.constant 6 : i32
      %scan3A_965 = arith.addi %scan3A_750, %scan3A_964 : i32
      %mul3A_966 = arith.constant 16 : i32
      %mul3A_967 = arith.muli %scan3A_965, %mul3A_966 : i32
      %get3A_968 = arith.constant 1 : i32
      %get3A_969 = arith.constant 0 : i32
      %get3A_970 = arith.index_cast %get3A_968 : i32 to index
      %get3A_971 = arith.index_cast %get3A_969 : i32 to index
      %get3A_972 = arith.index_cast %mul3A_967 : i32 to index
      %get3A_973 = tpu.vector_load %arg6[%get3A_970, %get3A_971, %get3A_972] {strides = array<i32>} : memref<3x2x16000xf32, #tpu.memory_space<vmem>>, vector<1x1x16xf32>,
      %get3A_974 = vector.shape_cast %get3A_973 : vector<1x1x16xf32> to vector<16xf32>
      %get3A_975 = arith.constant 1 : i32
      %get3A_976 = arith.constant 1 : i32
      %get3A_977 = arith.index_cast %get3A_975 : i32 to index
      %get3A_978 = arith.index_cast %get3A_976 : i32 to index
      %get3A_979 = arith.index_cast %mul3A_967 : i32 to index
      %get3A_980 = tpu.vector_load %arg6[%get3A_977, %get3A_978, %get3A_979] {strides = array<i32>} : memref<3x2x16000xf32, #tpu.memory_space<vmem>>, vector<1x1x16xf32>,
      %get3A_981 = vector.shape_cast %get3A_980 : vector<1x1x16xf32> to vector<16xf32>
      %select_n3A_982 = arith.select %eq3A_72, %get3A_981, %get3A_974 : vector<16xi1>, vector<16xf32>
      %swap3A_983 = arith.constant 1 : i32
      %swap3A_984 = arith.constant 0 : i32
      %swap3A_985 = arith.index_cast %swap3A_983 : i32 to index
      %swap3A_986 = arith.index_cast %swap3A_984 : i32 to index
      %swap3A_987 = arith.index_cast %mul3A_967 : i32 to index
      %swap3A_988 = tpu.vector_load %arg6[%swap3A_985, %swap3A_986, %swap3A_987] {strides = array<i32>} : memref<3x2x16000xf32, #tpu.memory_space<vmem>>, vector<1x1x16xf32>,
      %swap3A_989 = vector.shape_cast %swap3A_988 : vector<1x1x16xf32> to vector<16xf32>
      %swap3A_990 = vector.shape_cast %select_n3A_982 : vector<16xf32> to vector<1x1x16xf32>
      tpu.vector_store %arg6[%swap3A_985, %swap3A_986, %swap3A_987], %swap3A_990 {strides = array<i32>} : memref<3x2x16000xf32, #tpu.memory_space<vmem>>, vector<1x1x16xf32>,
      %select_n3A_991 = arith.select %eq3A_72, %get3A_974, %get3A_981 : vector<16xi1>, vector<16xf32>
      %swap3A_992 = arith.constant 1 : i32
      %swap3A_993 = arith.constant 1 : i32
      %swap3A_994 = arith.index_cast %swap3A_992 : i32 to index
      %swap3A_995 = arith.index_cast %swap3A_993 : i32 to index
      %swap3A_996 = arith.index_cast %mul3A_967 : i32 to index
      %swap3A_997 = tpu.vector_load %arg6[%swap3A_994, %swap3A_995, %swap3A_996] {strides = array<i32>} : memref<3x2x16000xf32, #tpu.memory_space<vmem>>, vector<1x1x16xf32>,
      %swap3A_998 = vector.shape_cast %swap3A_997 : vector<1x1x16xf32> to vector<16xf32>
      %swap3A_999 = vector.shape_cast %select_n3A_991 : vector<16xf32> to vector<1x1x16xf32>
      tpu.vector_store %arg6[%swap3A_994, %swap3A_995, %swap3A_996], %swap3A_999 {strides = array<i32>} : memref<3x2x16000xf32, #tpu.memory_space<vmem>>, vector<1x1x16xf32>,
      %scan3A_1000 = arith.constant 7 : i32
      %scan3A_1001 = arith.addi %scan3A_750, %scan3A_1000 : i32
      %mul3A_1002 = arith.constant 16 : i32
      %mul3A_1003 = arith.muli %scan3A_1001, %mul3A_1002 : i32
      %get3A_1004 = arith.constant 1 : i32
      %get3A_1005 = arith.constant 0 : i32
      %get3A_1006 = arith.index_cast %get3A_1004 : i32 to index
      %get3A_1007 = arith.index_cast %get3A_1005 : i32 to index
      %get3A_1008 = arith.index_cast %mul3A_1003 : i32 to index
      %get3A_1009 = tpu.vector_load %arg6[%get3A_1006, %get3A_1007, %get3A_1008] {strides = array<i32>} : memref<3x2x16000xf32, #tpu.memory_space<vmem>>, vector<1x1x16xf32>,
      %get3A_1010 = vector.shape_cast %get3A_1009 : vector<1x1x16xf32> to vector<16xf32>
      %get3A_1011 = arith.constant 1 : i32
      %get3A_1012 = arith.constant 1 : i32
      %get3A_1013 = arith.index_cast %get3A_1011 : i32 to index
      %get3A_1014 = arith.index_cast %get3A_1012 : i32 to index
      %get3A_1015 = arith.index_cast %mul3A_1003 : i32 to index
      %get3A_1016 = tpu.vector_load %arg6[%get3A_1013, %get3A_1014, %get3A_1015] {strides = array<i32>} : memref<3x2x16000xf32, #tpu.memory_space<vmem>>, vector<1x1x16xf32>,
      %get3A_1017 = vector.shape_cast %get3A_1016 : vector<1x1x16xf32> to vector<16xf32>
      %select_n3A_1018 = arith.select %eq3A_72, %get3A_1017, %get3A_1010 : vector<16xi1>, vector<16xf32>
      %swap3A_1019 = arith.constant 1 : i32
      %swap3A_1020 = arith.constant 0 : i32
      %swap3A_1021 = arith.index_cast %swap3A_1019 : i32 to index
      %swap3A_1022 = arith.index_cast %swap3A_1020 : i32 to index
      %swap3A_1023 = arith.index_cast %mul3A_1003 : i32 to index
      %swap3A_1024 = tpu.vector_load %arg6[%swap3A_1021, %swap3A_1022, %swap3A_1023] {strides = array<i32>} : memref<3x2x16000xf32, #tpu.memory_space<vmem>>, vector<1x1x16xf32>,
      %swap3A_1025 = vector.shape_cast %swap3A_1024 : vector<1x1x16xf32> to vector<16xf32>
      %swap3A_1026 = vector.shape_cast %select_n3A_1018 : vector<16xf32> to vector<1x1x16xf32>
      tpu.vector_store %arg6[%swap3A_1021, %swap3A_1022, %swap3A_1023], %swap3A_1026 {strides = array<i32>} : memref<3x2x16000xf32, #tpu.memory_space<vmem>>, vector<1x1x16xf32>,
      %select_n3A_1027 = arith.select %eq3A_72, %get3A_1010, %get3A_1017 : vector<16xi1>, vector<16xf32>
      %swap3A_1028 = arith.constant 1 : i32
      %swap3A_1029 = arith.constant 1 : i32
      %swap3A_1030 = arith.index_cast %swap3A_1028 : i32 to index
      %swap3A_1031 = arith.index_cast %swap3A_1029 : i32 to index
      %swap3A_1032 = arith.index_cast %mul3A_1003 : i32 to index
      %swap3A_1033 = tpu.vector_load %arg6[%swap3A_1030, %swap3A_1031, %swap3A_1032] {strides = array<i32>} : memref<3x2x16000xf32, #tpu.memory_space<vmem>>, vector<1x1x16xf32>,
      %swap3A_1034 = vector.shape_cast %swap3A_1033 : vector<1x1x16xf32> to vector<16xf32>
      %swap3A_1035 = vector.shape_cast %select_n3A_1027 : vector<16xf32> to vector<1x1x16xf32>
      tpu.vector_store %arg6[%swap3A_1030, %swap3A_1031, %swap3A_1032], %swap3A_1035 {strides = array<i32>} : memref<3x2x16000xf32, #tpu.memory_space<vmem>>, vector<1x1x16xf32>,
    }
    %scan3A_148 = arith.constant 1000 : i32
    %dma_start3A_149 = arith.constant 1 : i32
    %dma_start3A_150 = arith.constant 0 : i32
    %dma_start3A_151 = arith.constant 0 : i32
    %dma_start3A_152 = tpu.memref_slice %arg6[%dma_start3A_149, %dma_start3A_150, %dma_start3A_151] : memref<3x2x16000xf32, #tpu.memory_space<vmem>> -> memref<1x2x16000xf32, #tpu.memory_space<vmem>>
    %dma_start3A_153 = tpu.memref_squeeze %dma_start3A_152 : memref<1x2x16000xf32, #tpu.memory_space<vmem>> -> memref<2x16000xf32, #tpu.memory_space<vmem>>
    %dma_start3A_154 = arith.constant 0 : i32
    %dma_start3A_155 = arith.constant 16000 : i32
    %dma_start3A_156 = tpu.memref_slice %arg4[%select_n3A, %select_n3A_30, %dma_start3A_154, %dma_start3A_155] : memref<8x4x2x160000xf32, #tpu.memory_space<hbm>> -> memref<1x1x2x16000xf32, #tpu.memory_space<hbm>>
    %dma_start3A_157 = tpu.memref_squeeze %dma_start3A_156 : memref<1x1x2x16000xf32, #tpu.memory_space<hbm>> -> memref<2x16000xf32, #tpu.memory_space<hbm>>
    %dma_start3A_158 = arith.constant 0 : i32
    %dma_start3A_159 = arith.constant 16000 : i32
    %dma_start3A_160 = tpu.memref_slice %arg4[%select_n3A, %select_n3A_30, %dma_start3A_158, %dma_start3A_159] : memref<8x4x2x160000xf32, #tpu.memory_space<hbm>> -> memref<1x1x2x16000xf32, #tpu.memory_space<hbm>>
    %dma_start3A_161 = tpu.memref_squeeze %dma_start3A_160 : memref<1x1x2x16000xf32, #tpu.memory_space<hbm>> -> memref<2x16000xf32, #tpu.memory_space<hbm>>
    %dma_start3A_162 = arith.constant 0 : i32
    %dma_start3A_163 = arith.constant 0 : i32
    %dma_start3A_164 = tpu.memref_slice %arg6[%dma_start3A_149, %dma_start3A_162, %dma_start3A_163] : memref<3x2x16000xf32, #tpu.memory_space<vmem>> -> memref<1x2x16000xf32, #tpu.memory_space<vmem>>
    %dma_start3A_165 = tpu.memref_squeeze %dma_start3A_164 : memref<1x2x16000xf32, #tpu.memory_space<vmem>> -> memref<2x16000xf32, #tpu.memory_space<vmem>>
    tpu.enqueue_dma source(%dma_start3A_165 : memref<2x16000xf32, #tpu.memory_space<vmem>>) target(%dma_start3A_161 : memref<2x16000xf32, #tpu.memory_space<hbm>>) target_semaphore(%arg11 : memref<!tpu.dma_semaphore, #tpu.memory_space<semaphore_mem>>)
    %dma_wait3A_166 = arith.constant 0 : i32
    %dma_wait3A_167 = arith.constant 0 : i32
    %dma_wait3A_168 = arith.constant 0 : i32
    %dma_wait3A_169 = tpu.memref_slice %arg6[%dma_wait3A_166, %dma_wait3A_167, %dma_wait3A_168] : memref<3x2x16000xf32, #tpu.memory_space<vmem>> -> memref<1x2x16000xf32, #tpu.memory_space<vmem>>
    %dma_wait3A_170 = tpu.memref_squeeze %dma_wait3A_169 : memref<1x2x16000xf32, #tpu.memory_space<vmem>> -> memref<2x16000xf32, #tpu.memory_space<vmem>>
    %dma_wait3A_171 = arith.constant 0 : i32
    %dma_wait3A_172 = arith.constant 0 : i32
    %dma_wait3A_173 = tpu.memref_slice %arg4[%select_n3A, %select_n3A_30, %dma_wait3A_171, %dma_wait3A_172] : memref<8x4x2x160000xf32, #tpu.memory_space<hbm>> -> memref<1x1x2x16000xf32, #tpu.memory_space<hbm>>
    %dma_wait3A_174 = tpu.memref_squeeze %dma_wait3A_173 : memref<1x1x2x16000xf32, #tpu.memory_space<hbm>> -> memref<2x16000xf32, #tpu.memory_space<hbm>>
    %dma_wait3A_175 = arith.constant 0 : i32
    %dma_wait3A_176 = arith.constant 0 : i32
    %dma_wait3A_177 = tpu.memref_slice %arg4[%select_n3A, %select_n3A_30, %dma_wait3A_175, %dma_wait3A_176] : memref<8x4x2x160000xf32, #tpu.memory_space<hbm>> -> memref<1x1x2x16000xf32, #tpu.memory_space<hbm>>
    %dma_wait3A_178 = tpu.memref_squeeze %dma_wait3A_177 : memref<1x1x2x16000xf32, #tpu.memory_space<hbm>> -> memref<2x16000xf32, #tpu.memory_space<hbm>>
    %dma_wait3A_179 = arith.constant 0 : i32
    %dma_wait3A_180 = arith.constant 0 : i32
    %dma_wait3A_181 = tpu.memref_slice %arg6[%dma_wait3A_166, %dma_wait3A_179, %dma_wait3A_180] : memref<3x2x16000xf32, #tpu.memory_space<vmem>> -> memref<1x2x16000xf32, #tpu.memory_space<vmem>>
    %dma_wait3A_182 = tpu.memref_squeeze %dma_wait3A_181 : memref<1x2x16000xf32, #tpu.memory_space<vmem>> -> memref<2x16000xf32, #tpu.memory_space<vmem>>
    tpu.wait_dma2 semaphore(%arg10 : memref<!tpu.dma_semaphore, #tpu.memory_space<semaphore_mem>>) src(%dma_wait3A_182 : memref<2x16000xf32, #tpu.memory_space<vmem>>) dst(%dma_wait3A_178 : memref<2x16000xf32, #tpu.memory_space<hbm>>)
    %dma_start3A_183 = arith.constant 0 : i32
    %dma_start3A_184 = arith.constant 0 : i32
    %dma_start3A_185 = arith.constant 0 : i32
    %dma_start3A_186 = tpu.memref_slice %arg6[%dma_start3A_183, %dma_start3A_184, %dma_start3A_185] : memref<3x2x16000xf32, #tpu.memory_space<vmem>> -> memref<1x2x16000xf32, #tpu.memory_space<vmem>>
    %dma_start3A_187 = tpu.memref_squeeze %dma_start3A_186 : memref<1x2x16000xf32, #tpu.memory_space<vmem>> -> memref<2x16000xf32, #tpu.memory_space<vmem>>
    %dma_start3A_188 = arith.constant 0 : i32
    %dma_start3A_189 = arith.constant 48000 : i32
    %dma_start3A_190 = tpu.memref_slice %arg2[%select_n3A, %select_n3A_30, %dma_start3A_188, %dma_start3A_189] : memref<8x4x2x160000xf32, #tpu.memory_space<hbm>> -> memref<1x1x2x16000xf32, #tpu.memory_space<hbm>>
    %dma_start3A_191 = tpu.memref_squeeze %dma_start3A_190 : memref<1x1x2x16000xf32, #tpu.memory_space<hbm>> -> memref<2x16000xf32, #tpu.memory_space<hbm>>
    %dma_start3A_192 = arith.constant 0 : i32
    %dma_start3A_193 = arith.constant 0 : i32
    %dma_start3A_194 = tpu.memref_slice %arg6[%dma_start3A_183, %dma_start3A_192, %dma_start3A_193] : memref<3x2x16000xf32, #tpu.memory_space<vmem>> -> memref<1x2x16000xf32, #tpu.memory_space<vmem>>
    %dma_start3A_195 = tpu.memref_squeeze %dma_start3A_194 : memref<1x2x16000xf32, #tpu.memory_space<vmem>> -> memref<2x16000xf32, #tpu.memory_space<vmem>>
    %dma_start3A_196 = arith.constant 0 : i32
    %dma_start3A_197 = arith.constant 48000 : i32
    %dma_start3A_198 = tpu.memref_slice %arg2[%select_n3A, %select_n3A_30, %dma_start3A_196, %dma_start3A_197] : memref<8x4x2x160000xf32, #tpu.memory_space<hbm>> -> memref<1x1x2x16000xf32, #tpu.memory_space<hbm>>
    %dma_start3A_199 = tpu.memref_squeeze %dma_start3A_198 : memref<1x1x2x16000xf32, #tpu.memory_space<hbm>> -> memref<2x16000xf32, #tpu.memory_space<hbm>>
    tpu.enqueue_dma source(%dma_start3A_199 : memref<2x16000xf32, #tpu.memory_space<hbm>>) target(%dma_start3A_195 : memref<2x16000xf32, #tpu.memory_space<vmem>>) target_semaphore(%arg7 : memref<!tpu.dma_semaphore, #tpu.memory_space<semaphore_mem>>)
    %dma_wait3A_200 = arith.constant 2 : i32
    %dma_wait3A_201 = arith.constant 0 : i32
    %dma_wait3A_202 = arith.constant 0 : i32
    %dma_wait3A_203 = tpu.memref_slice %arg6[%dma_wait3A_200, %dma_wait3A_201, %dma_wait3A_202] : memref<3x2x16000xf32, #tpu.memory_space<vmem>> -> memref<1x2x16000xf32, #tpu.memory_space<vmem>>
    %dma_wait3A_204 = tpu.memref_squeeze %dma_wait3A_203 : memref<1x2x16000xf32, #tpu.memory_space<vmem>> -> memref<2x16000xf32, #tpu.memory_space<vmem>>
    %dma_wait3A_205 = arith.constant 0 : i32
    %dma_wait3A_206 = arith.constant 32000 : i32
    %dma_wait3A_207 = tpu.memref_slice %arg2[%select_n3A, %select_n3A_30, %dma_wait3A_205, %dma_wait3A_206] : memref<8x4x2x160000xf32, #tpu.memory_space<hbm>> -> memref<1x1x2x16000xf32, #tpu.memory_space<hbm>>
    %dma_wait3A_208 = tpu.memref_squeeze %dma_wait3A_207 : memref<1x1x2x16000xf32, #tpu.memory_space<hbm>> -> memref<2x16000xf32, #tpu.memory_space<hbm>>
    %dma_wait3A_209 = arith.constant 0 : i32
    %dma_wait3A_210 = arith.constant 0 : i32
    %dma_wait3A_211 = tpu.memref_slice %arg6[%dma_wait3A_200, %dma_wait3A_209, %dma_wait3A_210] : memref<3x2x16000xf32, #tpu.memory_space<vmem>> -> memref<1x2x16000xf32, #tpu.memory_space<vmem>>
    %dma_wait3A_212 = tpu.memref_squeeze %dma_wait3A_211 : memref<1x2x16000xf32, #tpu.memory_space<vmem>> -> memref<2x16000xf32, #tpu.memory_space<vmem>>
    %dma_wait3A_213 = arith.constant 0 : i32
    %dma_wait3A_214 = arith.constant 32000 : i32
    %dma_wait3A_215 = tpu.memref_slice %arg2[%select_n3A, %select_n3A_30, %dma_wait3A_213, %dma_wait3A_214] : memref<8x4x2x160000xf32, #tpu.memory_space<hbm>> -> memref<1x1x2x16000xf32, #tpu.memory_space<hbm>>
    %dma_wait3A_216 = tpu.memref_squeeze %dma_wait3A_215 : memref<1x1x2x16000xf32, #tpu.memory_space<hbm>> -> memref<2x16000xf32, #tpu.memory_space<hbm>>
    tpu.wait_dma2 semaphore(%arg9 : memref<!tpu.dma_semaphore, #tpu.memory_space<semaphore_mem>>) src(%dma_wait3A_216 : memref<2x16000xf32, #tpu.memory_space<hbm>>) dst(%dma_wait3A_212 : memref<2x16000xf32, #tpu.memory_space<vmem>>)
    %scan3A_217 = arith.constant 0 : i32
    %scan3A_218 = arith.constant 1000 : i32
    %scan3A_219 = arith.addi %scan3A_217, %scan3A_218 : i32
    %scan3A_220 = arith.constant 8 : i32
    scf.for %scan3A_750 = %scan3A_217 to %scan3A_219 step %scan3A_220  : i32 {
      %mul3A_751 = arith.constant 16 : i32
      %mul3A_752 = arith.muli %scan3A_750, %mul3A_751 : i32
      %get3A_753 = arith.constant 2 : i32
      %get3A_754 = arith.constant 0 : i32
      %get3A_755 = arith.index_cast %get3A_753 : i32 to index
      %get3A_756 = arith.index_cast %get3A_754 : i32 to index
      %get3A_757 = arith.index_cast %mul3A_752 : i32 to index
      %get3A_758 = tpu.vector_load %arg6[%get3A_755, %get3A_756, %get3A_757] {strides = array<i32>} : memref<3x2x16000xf32, #tpu.memory_space<vmem>>, vector<1x1x16xf32>,
      %get3A_759 = vector.shape_cast %get3A_758 : vector<1x1x16xf32> to vector<16xf32>
      %get3A_760 = arith.constant 2 : i32
      %get3A_761 = arith.constant 1 : i32
      %get3A_762 = arith.index_cast %get3A_760 : i32 to index
      %get3A_763 = arith.index_cast %get3A_761 : i32 to index
      %get3A_764 = arith.index_cast %mul3A_752 : i32 to index
      %get3A_765 = tpu.vector_load %arg6[%get3A_762, %get3A_763, %get3A_764] {strides = array<i32>} : memref<3x2x16000xf32, #tpu.memory_space<vmem>>, vector<1x1x16xf32>,
      %get3A_766 = vector.shape_cast %get3A_765 : vector<1x1x16xf32> to vector<16xf32>
      %select_n3A_767 = arith.select %eq3A_72, %get3A_766, %get3A_759 : vector<16xi1>, vector<16xf32>
      %swap3A = arith.constant 2 : i32
      %swap3A_768 = arith.constant 0 : i32
      %swap3A_769 = arith.index_cast %swap3A : i32 to index
      %swap3A_770 = arith.index_cast %swap3A_768 : i32 to index
      %swap3A_771 = arith.index_cast %mul3A_752 : i32 to index
      %swap3A_772 = tpu.vector_load %arg6[%swap3A_769, %swap3A_770, %swap3A_771] {strides = array<i32>} : memref<3x2x16000xf32, #tpu.memory_space<vmem>>, vector<1x1x16xf32>,
      %swap3A_773 = vector.shape_cast %swap3A_772 : vector<1x1x16xf32> to vector<16xf32>
      %swap3A_774 = vector.shape_cast %select_n3A_767 : vector<16xf32> to vector<1x1x16xf32>
      tpu.vector_store %arg6[%swap3A_769, %swap3A_770, %swap3A_771], %swap3A_774 {strides = array<i32>} : memref<3x2x16000xf32, #tpu.memory_space<vmem>>, vector<1x1x16xf32>,
      %select_n3A_775 = arith.select %eq3A_72, %get3A_759, %get3A_766 : vector<16xi1>, vector<16xf32>
      %swap3A_776 = arith.constant 2 : i32
      %swap3A_777 = arith.constant 1 : i32
      %swap3A_778 = arith.index_cast %swap3A_776 : i32 to index
      %swap3A_779 = arith.index_cast %swap3A_777 : i32 to index
      %swap3A_780 = arith.index_cast %mul3A_752 : i32 to index
      %swap3A_781 = tpu.vector_load %arg6[%swap3A_778, %swap3A_779, %swap3A_780] {strides = array<i32>} : memref<3x2x16000xf32, #tpu.memory_space<vmem>>, vector<1x1x16xf32>,
      %swap3A_782 = vector.shape_cast %swap3A_781 : vector<1x1x16xf32> to vector<16xf32>
      %swap3A_783 = vector.shape_cast %select_n3A_775 : vector<16xf32> to vector<1x1x16xf32>
      tpu.vector_store %arg6[%swap3A_778, %swap3A_779, %swap3A_780], %swap3A_783 {strides = array<i32>} : memref<3x2x16000xf32, #tpu.memory_space<vmem>>, vector<1x1x16xf32>,
      %scan3A_784 = arith.constant 1 : i32
      %scan3A_785 = arith.addi %scan3A_750, %scan3A_784 : i32
      %mul3A_786 = arith.constant 16 : i32
      %mul3A_787 = arith.muli %scan3A_785, %mul3A_786 : i32
      %get3A_788 = arith.constant 2 : i32
      %get3A_789 = arith.constant 0 : i32
      %get3A_790 = arith.index_cast %get3A_788 : i32 to index
      %get3A_791 = arith.index_cast %get3A_789 : i32 to index
      %get3A_792 = arith.index_cast %mul3A_787 : i32 to index
      %get3A_793 = tpu.vector_load %arg6[%get3A_790, %get3A_791, %get3A_792] {strides = array<i32>} : memref<3x2x16000xf32, #tpu.memory_space<vmem>>, vector<1x1x16xf32>,
      %get3A_794 = vector.shape_cast %get3A_793 : vector<1x1x16xf32> to vector<16xf32>
      %get3A_795 = arith.constant 2 : i32
      %get3A_796 = arith.constant 1 : i32
      %get3A_797 = arith.index_cast %get3A_795 : i32 to index
      %get3A_798 = arith.index_cast %get3A_796 : i32 to index
      %get3A_799 = arith.index_cast %mul3A_787 : i32 to index
      %get3A_800 = tpu.vector_load %arg6[%get3A_797, %get3A_798, %get3A_799] {strides = array<i32>} : memref<3x2x16000xf32, #tpu.memory_space<vmem>>, vector<1x1x16xf32>,
      %get3A_801 = vector.shape_cast %get3A_800 : vector<1x1x16xf32> to vector<16xf32>
      %select_n3A_802 = arith.select %eq3A_72, %get3A_801, %get3A_794 : vector<16xi1>, vector<16xf32>
      %swap3A_803 = arith.constant 2 : i32
      %swap3A_804 = arith.constant 0 : i32
      %swap3A_805 = arith.index_cast %swap3A_803 : i32 to index
      %swap3A_806 = arith.index_cast %swap3A_804 : i32 to index
      %swap3A_807 = arith.index_cast %mul3A_787 : i32 to index
      %swap3A_808 = tpu.vector_load %arg6[%swap3A_805, %swap3A_806, %swap3A_807] {strides = array<i32>} : memref<3x2x16000xf32, #tpu.memory_space<vmem>>, vector<1x1x16xf32>,
      %swap3A_809 = vector.shape_cast %swap3A_808 : vector<1x1x16xf32> to vector<16xf32>
      %swap3A_810 = vector.shape_cast %select_n3A_802 : vector<16xf32> to vector<1x1x16xf32>
      tpu.vector_store %arg6[%swap3A_805, %swap3A_806, %swap3A_807], %swap3A_810 {strides = array<i32>} : memref<3x2x16000xf32, #tpu.memory_space<vmem>>, vector<1x1x16xf32>,
      %select_n3A_811 = arith.select %eq3A_72, %get3A_794, %get3A_801 : vector<16xi1>, vector<16xf32>
      %swap3A_812 = arith.constant 2 : i32
      %swap3A_813 = arith.constant 1 : i32
      %swap3A_814 = arith.index_cast %swap3A_812 : i32 to index
      %swap3A_815 = arith.index_cast %swap3A_813 : i32 to index
      %swap3A_816 = arith.index_cast %mul3A_787 : i32 to index
      %swap3A_817 = tpu.vector_load %arg6[%swap3A_814, %swap3A_815, %swap3A_816] {strides = array<i32>} : memref<3x2x16000xf32, #tpu.memory_space<vmem>>, vector<1x1x16xf32>,
      %swap3A_818 = vector.shape_cast %swap3A_817 : vector<1x1x16xf32> to vector<16xf32>
      %swap3A_819 = vector.shape_cast %select_n3A_811 : vector<16xf32> to vector<1x1x16xf32>
      tpu.vector_store %arg6[%swap3A_814, %swap3A_815, %swap3A_816], %swap3A_819 {strides = array<i32>} : memref<3x2x16000xf32, #tpu.memory_space<vmem>>, vector<1x1x16xf32>,
      %scan3A_820 = arith.constant 2 : i32
      %scan3A_821 = arith.addi %scan3A_750, %scan3A_820 : i32
      %mul3A_822 = arith.constant 16 : i32
      %mul3A_823 = arith.muli %scan3A_821, %mul3A_822 : i32
      %get3A_824 = arith.constant 2 : i32
      %get3A_825 = arith.constant 0 : i32
      %get3A_826 = arith.index_cast %get3A_824 : i32 to index
      %get3A_827 = arith.index_cast %get3A_825 : i32 to index
      %get3A_828 = arith.index_cast %mul3A_823 : i32 to index
      %get3A_829 = tpu.vector_load %arg6[%get3A_826, %get3A_827, %get3A_828] {strides = array<i32>} : memref<3x2x16000xf32, #tpu.memory_space<vmem>>, vector<1x1x16xf32>,
      %get3A_830 = vector.shape_cast %get3A_829 : vector<1x1x16xf32> to vector<16xf32>
      %get3A_831 = arith.constant 2 : i32
      %get3A_832 = arith.constant 1 : i32
      %get3A_833 = arith.index_cast %get3A_831 : i32 to index
      %get3A_834 = arith.index_cast %get3A_832 : i32 to index
      %get3A_835 = arith.index_cast %mul3A_823 : i32 to index
      %get3A_836 = tpu.vector_load %arg6[%get3A_833, %get3A_834, %get3A_835] {strides = array<i32>} : memref<3x2x16000xf32, #tpu.memory_space<vmem>>, vector<1x1x16xf32>,
      %get3A_837 = vector.shape_cast %get3A_836 : vector<1x1x16xf32> to vector<16xf32>
      %select_n3A_838 = arith.select %eq3A_72, %get3A_837, %get3A_830 : vector<16xi1>, vector<16xf32>
      %swap3A_839 = arith.constant 2 : i32
      %swap3A_840 = arith.constant 0 : i32
      %swap3A_841 = arith.index_cast %swap3A_839 : i32 to index
      %swap3A_842 = arith.index_cast %swap3A_840 : i32 to index
      %swap3A_843 = arith.index_cast %mul3A_823 : i32 to index
      %swap3A_844 = tpu.vector_load %arg6[%swap3A_841, %swap3A_842, %swap3A_843] {strides = array<i32>} : memref<3x2x16000xf32, #tpu.memory_space<vmem>>, vector<1x1x16xf32>,
      %swap3A_845 = vector.shape_cast %swap3A_844 : vector<1x1x16xf32> to vector<16xf32>
      %swap3A_846 = vector.shape_cast %select_n3A_838 : vector<16xf32> to vector<1x1x16xf32>
      tpu.vector_store %arg6[%swap3A_841, %swap3A_842, %swap3A_843], %swap3A_846 {strides = array<i32>} : memref<3x2x16000xf32, #tpu.memory_space<vmem>>, vector<1x1x16xf32>,
      %select_n3A_847 = arith.select %eq3A_72, %get3A_830, %get3A_837 : vector<16xi1>, vector<16xf32>
      %swap3A_848 = arith.constant 2 : i32
      %swap3A_849 = arith.constant 1 : i32
      %swap3A_850 = arith.index_cast %swap3A_848 : i32 to index
      %swap3A_851 = arith.index_cast %swap3A_849 : i32 to index
      %swap3A_852 = arith.index_cast %mul3A_823 : i32 to index
      %swap3A_853 = tpu.vector_load %arg6[%swap3A_850, %swap3A_851, %swap3A_852] {strides = array<i32>} : memref<3x2x16000xf32, #tpu.memory_space<vmem>>, vector<1x1x16xf32>,
      %swap3A_854 = vector.shape_cast %swap3A_853 : vector<1x1x16xf32> to vector<16xf32>
      %swap3A_855 = vector.shape_cast %select_n3A_847 : vector<16xf32> to vector<1x1x16xf32>
      tpu.vector_store %arg6[%swap3A_850, %swap3A_851, %swap3A_852], %swap3A_855 {strides = array<i32>} : memref<3x2x16000xf32, #tpu.memory_space<vmem>>, vector<1x1x16xf32>,
      %scan3A_856 = arith.constant 3 : i32
      %scan3A_857 = arith.addi %scan3A_750, %scan3A_856 : i32
      %mul3A_858 = arith.constant 16 : i32
      %mul3A_859 = arith.muli %scan3A_857, %mul3A_858 : i32
      %get3A_860 = arith.constant 2 : i32
      %get3A_861 = arith.constant 0 : i32
      %get3A_862 = arith.index_cast %get3A_860 : i32 to index
      %get3A_863 = arith.index_cast %get3A_861 : i32 to index
      %get3A_864 = arith.index_cast %mul3A_859 : i32 to index
      %get3A_865 = tpu.vector_load %arg6[%get3A_862, %get3A_863, %get3A_864] {strides = array<i32>} : memref<3x2x16000xf32, #tpu.memory_space<vmem>>, vector<1x1x16xf32>,
      %get3A_866 = vector.shape_cast %get3A_865 : vector<1x1x16xf32> to vector<16xf32>
      %get3A_867 = arith.constant 2 : i32
      %get3A_868 = arith.constant 1 : i32
      %get3A_869 = arith.index_cast %get3A_867 : i32 to index
      %get3A_870 = arith.index_cast %get3A_868 : i32 to index
      %get3A_871 = arith.index_cast %mul3A_859 : i32 to index
      %get3A_872 = tpu.vector_load %arg6[%get3A_869, %get3A_870, %get3A_871] {strides = array<i32>} : memref<3x2x16000xf32, #tpu.memory_space<vmem>>, vector<1x1x16xf32>,
      %get3A_873 = vector.shape_cast %get3A_872 : vector<1x1x16xf32> to vector<16xf32>
      %select_n3A_874 = arith.select %eq3A_72, %get3A_873, %get3A_866 : vector<16xi1>, vector<16xf32>
      %swap3A_875 = arith.constant 2 : i32
      %swap3A_876 = arith.constant 0 : i32
      %swap3A_877 = arith.index_cast %swap3A_875 : i32 to index
      %swap3A_878 = arith.index_cast %swap3A_876 : i32 to index
      %swap3A_879 = arith.index_cast %mul3A_859 : i32 to index
      %swap3A_880 = tpu.vector_load %arg6[%swap3A_877, %swap3A_878, %swap3A_879] {strides = array<i32>} : memref<3x2x16000xf32, #tpu.memory_space<vmem>>, vector<1x1x16xf32>,
      %swap3A_881 = vector.shape_cast %swap3A_880 : vector<1x1x16xf32> to vector<16xf32>
      %swap3A_882 = vector.shape_cast %select_n3A_874 : vector<16xf32> to vector<1x1x16xf32>
      tpu.vector_store %arg6[%swap3A_877, %swap3A_878, %swap3A_879], %swap3A_882 {strides = array<i32>} : memref<3x2x16000xf32, #tpu.memory_space<vmem>>, vector<1x1x16xf32>,
      %select_n3A_883 = arith.select %eq3A_72, %get3A_866, %get3A_873 : vector<16xi1>, vector<16xf32>
      %swap3A_884 = arith.constant 2 : i32
      %swap3A_885 = arith.constant 1 : i32
      %swap3A_886 = arith.index_cast %swap3A_884 : i32 to index
      %swap3A_887 = arith.index_cast %swap3A_885 : i32 to index
      %swap3A_888 = arith.index_cast %mul3A_859 : i32 to index
      %swap3A_889 = tpu.vector_load %arg6[%swap3A_886, %swap3A_887, %swap3A_888] {strides = array<i32>} : memref<3x2x16000xf32, #tpu.memory_space<vmem>>, vector<1x1x16xf32>,
      %swap3A_890 = vector.shape_cast %swap3A_889 : vector<1x1x16xf32> to vector<16xf32>
      %swap3A_891 = vector.shape_cast %select_n3A_883 : vector<16xf32> to vector<1x1x16xf32>
      tpu.vector_store %arg6[%swap3A_886, %swap3A_887, %swap3A_888], %swap3A_891 {strides = array<i32>} : memref<3x2x16000xf32, #tpu.memory_space<vmem>>, vector<1x1x16xf32>,
      %scan3A_892 = arith.constant 4 : i32
      %scan3A_893 = arith.addi %scan3A_750, %scan3A_892 : i32
      %mul3A_894 = arith.constant 16 : i32
      %mul3A_895 = arith.muli %scan3A_893, %mul3A_894 : i32
      %get3A_896 = arith.constant 2 : i32
      %get3A_897 = arith.constant 0 : i32
      %get3A_898 = arith.index_cast %get3A_896 : i32 to index
      %get3A_899 = arith.index_cast %get3A_897 : i32 to index
      %get3A_900 = arith.index_cast %mul3A_895 : i32 to index
      %get3A_901 = tpu.vector_load %arg6[%get3A_898, %get3A_899, %get3A_900] {strides = array<i32>} : memref<3x2x16000xf32, #tpu.memory_space<vmem>>, vector<1x1x16xf32>,
      %get3A_902 = vector.shape_cast %get3A_901 : vector<1x1x16xf32> to vector<16xf32>
      %get3A_903 = arith.constant 2 : i32
      %get3A_904 = arith.constant 1 : i32
      %get3A_905 = arith.index_cast %get3A_903 : i32 to index
      %get3A_906 = arith.index_cast %get3A_904 : i32 to index
      %get3A_907 = arith.index_cast %mul3A_895 : i32 to index
      %get3A_908 = tpu.vector_load %arg6[%get3A_905, %get3A_906, %get3A_907] {strides = array<i32>} : memref<3x2x16000xf32, #tpu.memory_space<vmem>>, vector<1x1x16xf32>,
      %get3A_909 = vector.shape_cast %get3A_908 : vector<1x1x16xf32> to vector<16xf32>
      %select_n3A_910 = arith.select %eq3A_72, %get3A_909, %get3A_902 : vector<16xi1>, vector<16xf32>
      %swap3A_911 = arith.constant 2 : i32
      %swap3A_912 = arith.constant 0 : i32
      %swap3A_913 = arith.index_cast %swap3A_911 : i32 to index
      %swap3A_914 = arith.index_cast %swap3A_912 : i32 to index
      %swap3A_915 = arith.index_cast %mul3A_895 : i32 to index
      %swap3A_916 = tpu.vector_load %arg6[%swap3A_913, %swap3A_914, %swap3A_915] {strides = array<i32>} : memref<3x2x16000xf32, #tpu.memory_space<vmem>>, vector<1x1x16xf32>,
      %swap3A_917 = vector.shape_cast %swap3A_916 : vector<1x1x16xf32> to vector<16xf32>
      %swap3A_918 = vector.shape_cast %select_n3A_910 : vector<16xf32> to vector<1x1x16xf32>
      tpu.vector_store %arg6[%swap3A_913, %swap3A_914, %swap3A_915], %swap3A_918 {strides = array<i32>} : memref<3x2x16000xf32, #tpu.memory_space<vmem>>, vector<1x1x16xf32>,
      %select_n3A_919 = arith.select %eq3A_72, %get3A_902, %get3A_909 : vector<16xi1>, vector<16xf32>
      %swap3A_920 = arith.constant 2 : i32
      %swap3A_921 = arith.constant 1 : i32
      %swap3A_922 = arith.index_cast %swap3A_920 : i32 to index
      %swap3A_923 = arith.index_cast %swap3A_921 : i32 to index
      %swap3A_924 = arith.index_cast %mul3A_895 : i32 to index
      %swap3A_925 = tpu.vector_load %arg6[%swap3A_922, %swap3A_923, %swap3A_924] {strides = array<i32>} : memref<3x2x16000xf32, #tpu.memory_space<vmem>>, vector<1x1x16xf32>,
      %swap3A_926 = vector.shape_cast %swap3A_925 : vector<1x1x16xf32> to vector<16xf32>
      %swap3A_927 = vector.shape_cast %select_n3A_919 : vector<16xf32> to vector<1x1x16xf32>
      tpu.vector_store %arg6[%swap3A_922, %swap3A_923, %swap3A_924], %swap3A_927 {strides = array<i32>} : memref<3x2x16000xf32, #tpu.memory_space<vmem>>, vector<1x1x16xf32>,
      %scan3A_928 = arith.constant 5 : i32
      %scan3A_929 = arith.addi %scan3A_750, %scan3A_928 : i32
      %mul3A_930 = arith.constant 16 : i32
      %mul3A_931 = arith.muli %scan3A_929, %mul3A_930 : i32
      %get3A_932 = arith.constant 2 : i32
      %get3A_933 = arith.constant 0 : i32
      %get3A_934 = arith.index_cast %get3A_932 : i32 to index
      %get3A_935 = arith.index_cast %get3A_933 : i32 to index
      %get3A_936 = arith.index_cast %mul3A_931 : i32 to index
      %get3A_937 = tpu.vector_load %arg6[%get3A_934, %get3A_935, %get3A_936] {strides = array<i32>} : memref<3x2x16000xf32, #tpu.memory_space<vmem>>, vector<1x1x16xf32>,
      %get3A_938 = vector.shape_cast %get3A_937 : vector<1x1x16xf32> to vector<16xf32>
      %get3A_939 = arith.constant 2 : i32
      %get3A_940 = arith.constant 1 : i32
      %get3A_941 = arith.index_cast %get3A_939 : i32 to index
      %get3A_942 = arith.index_cast %get3A_940 : i32 to index
      %get3A_943 = arith.index_cast %mul3A_931 : i32 to index
      %get3A_944 = tpu.vector_load %arg6[%get3A_941, %get3A_942, %get3A_943] {strides = array<i32>} : memref<3x2x16000xf32, #tpu.memory_space<vmem>>, vector<1x1x16xf32>,
      %get3A_945 = vector.shape_cast %get3A_944 : vector<1x1x16xf32> to vector<16xf32>
      %select_n3A_946 = arith.select %eq3A_72, %get3A_945, %get3A_938 : vector<16xi1>, vector<16xf32>
      %swap3A_947 = arith.constant 2 : i32
      %swap3A_948 = arith.constant 0 : i32
      %swap3A_949 = arith.index_cast %swap3A_947 : i32 to index
      %swap3A_950 = arith.index_cast %swap3A_948 : i32 to index
      %swap3A_951 = arith.index_cast %mul3A_931 : i32 to index
      %swap3A_952 = tpu.vector_load %arg6[%swap3A_949, %swap3A_950, %swap3A_951] {strides = array<i32>} : memref<3x2x16000xf32, #tpu.memory_space<vmem>>, vector<1x1x16xf32>,
      %swap3A_953 = vector.shape_cast %swap3A_952 : vector<1x1x16xf32> to vector<16xf32>
      %swap3A_954 = vector.shape_cast %select_n3A_946 : vector<16xf32> to vector<1x1x16xf32>
      tpu.vector_store %arg6[%swap3A_949, %swap3A_950, %swap3A_951], %swap3A_954 {strides = array<i32>} : memref<3x2x16000xf32, #tpu.memory_space<vmem>>, vector<1x1x16xf32>,
      %select_n3A_955 = arith.select %eq3A_72, %get3A_938, %get3A_945 : vector<16xi1>, vector<16xf32>
      %swap3A_956 = arith.constant 2 : i32
      %swap3A_957 = arith.constant 1 : i32
      %swap3A_958 = arith.index_cast %swap3A_956 : i32 to index
      %swap3A_959 = arith.index_cast %swap3A_957 : i32 to index
      %swap3A_960 = arith.index_cast %mul3A_931 : i32 to index
      %swap3A_961 = tpu.vector_load %arg6[%swap3A_958, %swap3A_959, %swap3A_960] {strides = array<i32>} : memref<3x2x16000xf32, #tpu.memory_space<vmem>>, vector<1x1x16xf32>,
      %swap3A_962 = vector.shape_cast %swap3A_961 : vector<1x1x16xf32> to vector<16xf32>
      %swap3A_963 = vector.shape_cast %select_n3A_955 : vector<16xf32> to vector<1x1x16xf32>
      tpu.vector_store %arg6[%swap3A_958, %swap3A_959, %swap3A_960], %swap3A_963 {strides = array<i32>} : memref<3x2x16000xf32, #tpu.memory_space<vmem>>, vector<1x1x16xf32>,
      %scan3A_964 = arith.constant 6 : i32
      %scan3A_965 = arith.addi %scan3A_750, %scan3A_964 : i32
      %mul3A_966 = arith.constant 16 : i32
      %mul3A_967 = arith.muli %scan3A_965, %mul3A_966 : i32
      %get3A_968 = arith.constant 2 : i32
      %get3A_969 = arith.constant 0 : i32
      %get3A_970 = arith.index_cast %get3A_968 : i32 to index
      %get3A_971 = arith.index_cast %get3A_969 : i32 to index
      %get3A_972 = arith.index_cast %mul3A_967 : i32 to index
      %get3A_973 = tpu.vector_load %arg6[%get3A_970, %get3A_971, %get3A_972] {strides = array<i32>} : memref<3x2x16000xf32, #tpu.memory_space<vmem>>, vector<1x1x16xf32>,
      %get3A_974 = vector.shape_cast %get3A_973 : vector<1x1x16xf32> to vector<16xf32>
      %get3A_975 = arith.constant 2 : i32
      %get3A_976 = arith.constant 1 : i32
      %get3A_977 = arith.index_cast %get3A_975 : i32 to index
      %get3A_978 = arith.index_cast %get3A_976 : i32 to index
      %get3A_979 = arith.index_cast %mul3A_967 : i32 to index
      %get3A_980 = tpu.vector_load %arg6[%get3A_977, %get3A_978, %get3A_979] {strides = array<i32>} : memref<3x2x16000xf32, #tpu.memory_space<vmem>>, vector<1x1x16xf32>,
      %get3A_981 = vector.shape_cast %get3A_980 : vector<1x1x16xf32> to vector<16xf32>
      %select_n3A_982 = arith.select %eq3A_72, %get3A_981, %get3A_974 : vector<16xi1>, vector<16xf32>
      %swap3A_983 = arith.constant 2 : i32
      %swap3A_984 = arith.constant 0 : i32
      %swap3A_985 = arith.index_cast %swap3A_983 : i32 to index
      %swap3A_986 = arith.index_cast %swap3A_984 : i32 to index
      %swap3A_987 = arith.index_cast %mul3A_967 : i32 to index
      %swap3A_988 = tpu.vector_load %arg6[%swap3A_985, %swap3A_986, %swap3A_987] {strides = array<i32>} : memref<3x2x16000xf32, #tpu.memory_space<vmem>>, vector<1x1x16xf32>,
      %swap3A_989 = vector.shape_cast %swap3A_988 : vector<1x1x16xf32> to vector<16xf32>
      %swap3A_990 = vector.shape_cast %select_n3A_982 : vector<16xf32> to vector<1x1x16xf32>
      tpu.vector_store %arg6[%swap3A_985, %swap3A_986, %swap3A_987], %swap3A_990 {strides = array<i32>} : memref<3x2x16000xf32, #tpu.memory_space<vmem>>, vector<1x1x16xf32>,
      %select_n3A_991 = arith.select %eq3A_72, %get3A_974, %get3A_981 : vector<16xi1>, vector<16xf32>
      %swap3A_992 = arith.constant 2 : i32
      %swap3A_993 = arith.constant 1 : i32
      %swap3A_994 = arith.index_cast %swap3A_992 : i32 to index
      %swap3A_995 = arith.index_cast %swap3A_993 : i32 to index
      %swap3A_996 = arith.index_cast %mul3A_967 : i32 to index
      %swap3A_997 = tpu.vector_load %arg6[%swap3A_994, %swap3A_995, %swap3A_996] {strides = array<i32>} : memref<3x2x16000xf32, #tpu.memory_space<vmem>>, vector<1x1x16xf32>,
      %swap3A_998 = vector.shape_cast %swap3A_997 : vector<1x1x16xf32> to vector<16xf32>
      %swap3A_999 = vector.shape_cast %select_n3A_991 : vector<16xf32> to vector<1x1x16xf32>
      tpu.vector_store %arg6[%swap3A_994, %swap3A_995, %swap3A_996], %swap3A_999 {strides = array<i32>} : memref<3x2x16000xf32, #tpu.memory_space<vmem>>, vector<1x1x16xf32>,
      %scan3A_1000 = arith.constant 7 : i32
      %scan3A_1001 = arith.addi %scan3A_750, %scan3A_1000 : i32
      %mul3A_1002 = arith.constant 16 : i32
      %mul3A_1003 = arith.muli %scan3A_1001, %mul3A_1002 : i32
      %get3A_1004 = arith.constant 2 : i32
      %get3A_1005 = arith.constant 0 : i32
      %get3A_1006 = arith.index_cast %get3A_1004 : i32 to index
      %get3A_1007 = arith.index_cast %get3A_1005 : i32 to index
      %get3A_1008 = arith.index_cast %mul3A_1003 : i32 to index
      %get3A_1009 = tpu.vector_load %arg6[%get3A_1006, %get3A_1007, %get3A_1008] {strides = array<i32>} : memref<3x2x16000xf32, #tpu.memory_space<vmem>>, vector<1x1x16xf32>,
      %get3A_1010 = vector.shape_cast %get3A_1009 : vector<1x1x16xf32> to vector<16xf32>
      %get3A_1011 = arith.constant 2 : i32
      %get3A_1012 = arith.constant 1 : i32
      %get3A_1013 = arith.index_cast %get3A_1011 : i32 to index
      %get3A_1014 = arith.index_cast %get3A_1012 : i32 to index
      %get3A_1015 = arith.index_cast %mul3A_1003 : i32 to index
      %get3A_1016 = tpu.vector_load %arg6[%get3A_1013, %get3A_1014, %get3A_1015] {strides = array<i32>} : memref<3x2x16000xf32, #tpu.memory_space<vmem>>, vector<1x1x16xf32>,
      %get3A_1017 = vector.shape_cast %get3A_1016 : vector<1x1x16xf32> to vector<16xf32>
      %select_n3A_1018 = arith.select %eq3A_72, %get3A_1017, %get3A_1010 : vector<16xi1>, vector<16xf32>
      %swap3A_1019 = arith.constant 2 : i32
      %swap3A_1020 = arith.constant 0 : i32
      %swap3A_1021 = arith.index_cast %swap3A_1019 : i32 to index
      %swap3A_1022 = arith.index_cast %swap3A_1020 : i32 to index
      %swap3A_1023 = arith.index_cast %mul3A_1003 : i32 to index
      %swap3A_1024 = tpu.vector_load %arg6[%swap3A_1021, %swap3A_1022, %swap3A_1023] {strides = array<i32>} : memref<3x2x16000xf32, #tpu.memory_space<vmem>>, vector<1x1x16xf32>,
      %swap3A_1025 = vector.shape_cast %swap3A_1024 : vector<1x1x16xf32> to vector<16xf32>
      %swap3A_1026 = vector.shape_cast %select_n3A_1018 : vector<16xf32> to vector<1x1x16xf32>
      tpu.vector_store %arg6[%swap3A_1021, %swap3A_1022, %swap3A_1023], %swap3A_1026 {strides = array<i32>} : memref<3x2x16000xf32, #tpu.memory_space<vmem>>, vector<1x1x16xf32>,
      %select_n3A_1027 = arith.select %eq3A_72, %get3A_1010, %get3A_1017 : vector<16xi1>, vector<16xf32>
      %swap3A_1028 = arith.constant 2 : i32
      %swap3A_1029 = arith.constant 1 : i32
      %swap3A_1030 = arith.index_cast %swap3A_1028 : i32 to index
      %swap3A_1031 = arith.index_cast %swap3A_1029 : i32 to index
      %swap3A_1032 = arith.index_cast %mul3A_1003 : i32 to index
      %swap3A_1033 = tpu.vector_load %arg6[%swap3A_1030, %swap3A_1031, %swap3A_1032] {strides = array<i32>} : memref<3x2x16000xf32, #tpu.memory_space<vmem>>, vector<1x1x16xf32>,
      %swap3A_1034 = vector.shape_cast %swap3A_1033 : vector<1x1x16xf32> to vector<16xf32>
      %swap3A_1035 = vector.shape_cast %select_n3A_1027 : vector<16xf32> to vector<1x1x16xf32>
      tpu.vector_store %arg6[%swap3A_1030, %swap3A_1031, %swap3A_1032], %swap3A_1035 {strides = array<i32>} : memref<3x2x16000xf32, #tpu.memory_space<vmem>>, vector<1x1x16xf32>,
    }
    %scan3A_221 = arith.constant 1000 : i32
    %dma_start3A_222 = arith.constant 2 : i32
    %dma_start3A_223 = arith.constant 0 : i32
    %dma_start3A_224 = arith.constant 0 : i32
    %dma_start3A_225 = tpu.memref_slice %arg6[%dma_start3A_222, %dma_start3A_223, %dma_start3A_224] : memref<3x2x16000xf32, #tpu.memory_space<vmem>> -> memref<1x2x16000xf32, #tpu.memory_space<vmem>>
    %dma_start3A_226 = tpu.memref_squeeze %dma_start3A_225 : memref<1x2x16000xf32, #tpu.memory_space<vmem>> -> memref<2x16000xf32, #tpu.memory_space<vmem>>
    %dma_start3A_227 = arith.constant 0 : i32
    %dma_start3A_228 = arith.constant 32000 : i32
    %dma_start3A_229 = tpu.memref_slice %arg4[%select_n3A, %select_n3A_30, %dma_start3A_227, %dma_start3A_228] : memref<8x4x2x160000xf32, #tpu.memory_space<hbm>> -> memref<1x1x2x16000xf32, #tpu.memory_space<hbm>>
    %dma_start3A_230 = tpu.memref_squeeze %dma_start3A_229 : memref<1x1x2x16000xf32, #tpu.memory_space<hbm>> -> memref<2x16000xf32, #tpu.memory_space<hbm>>
    %dma_start3A_231 = arith.constant 0 : i32
    %dma_start3A_232 = arith.constant 32000 : i32
    %dma_start3A_233 = tpu.memref_slice %arg4[%select_n3A, %select_n3A_30, %dma_start3A_231, %dma_start3A_232] : memref<8x4x2x160000xf32, #tpu.memory_space<hbm>> -> memref<1x1x2x16000xf32, #tpu.memory_space<hbm>>
    %dma_start3A_234 = tpu.memref_squeeze %dma_start3A_233 : memref<1x1x2x16000xf32, #tpu.memory_space<hbm>> -> memref<2x16000xf32, #tpu.memory_space<hbm>>
    %dma_start3A_235 = arith.constant 0 : i32
    %dma_start3A_236 = arith.constant 0 : i32
    %dma_start3A_237 = tpu.memref_slice %arg6[%dma_start3A_222, %dma_start3A_235, %dma_start3A_236] : memref<3x2x16000xf32, #tpu.memory_space<vmem>> -> memref<1x2x16000xf32, #tpu.memory_space<vmem>>
    %dma_start3A_238 = tpu.memref_squeeze %dma_start3A_237 : memref<1x2x16000xf32, #tpu.memory_space<vmem>> -> memref<2x16000xf32, #tpu.memory_space<vmem>>
    tpu.enqueue_dma source(%dma_start3A_238 : memref<2x16000xf32, #tpu.memory_space<vmem>>) target(%dma_start3A_234 : memref<2x16000xf32, #tpu.memory_space<hbm>>) target_semaphore(%arg12 : memref<!tpu.dma_semaphore, #tpu.memory_space<semaphore_mem>>)
    %dma_wait3A_239 = arith.constant 1 : i32
    %dma_wait3A_240 = arith.constant 0 : i32
    %dma_wait3A_241 = arith.constant 0 : i32
    %dma_wait3A_242 = tpu.memref_slice %arg6[%dma_wait3A_239, %dma_wait3A_240, %dma_wait3A_241] : memref<3x2x16000xf32, #tpu.memory_space<vmem>> -> memref<1x2x16000xf32, #tpu.memory_space<vmem>>
    %dma_wait3A_243 = tpu.memref_squeeze %dma_wait3A_242 : memref<1x2x16000xf32, #tpu.memory_space<vmem>> -> memref<2x16000xf32, #tpu.memory_space<vmem>>
    %dma_wait3A_244 = arith.constant 0 : i32
    %dma_wait3A_245 = arith.constant 16000 : i32
    %dma_wait3A_246 = tpu.memref_slice %arg4[%select_n3A, %select_n3A_30, %dma_wait3A_244, %dma_wait3A_245] : memref<8x4x2x160000xf32, #tpu.memory_space<hbm>> -> memref<1x1x2x16000xf32, #tpu.memory_space<hbm>>
    %dma_wait3A_247 = tpu.memref_squeeze %dma_wait3A_246 : memref<1x1x2x16000xf32, #tpu.memory_space<hbm>> -> memref<2x16000xf32, #tpu.memory_space<hbm>>
    %dma_wait3A_248 = arith.constant 0 : i32
    %dma_wait3A_249 = arith.constant 16000 : i32
    %dma_wait3A_250 = tpu.memref_slice %arg4[%select_n3A, %select_n3A_30, %dma_wait3A_248, %dma_wait3A_249] : memref<8x4x2x160000xf32, #tpu.memory_space<hbm>> -> memref<1x1x2x16000xf32, #tpu.memory_space<hbm>>
    %dma_wait3A_251 = tpu.memref_squeeze %dma_wait3A_250 : memref<1x1x2x16000xf32, #tpu.memory_space<hbm>> -> memref<2x16000xf32, #tpu.memory_space<hbm>>
    %dma_wait3A_252 = arith.constant 0 : i32
    %dma_wait3A_253 = arith.constant 0 : i32
    %dma_wait3A_254 = tpu.memref_slice %arg6[%dma_wait3A_239, %dma_wait3A_252, %dma_wait3A_253] : memref<3x2x16000xf32, #tpu.memory_space<vmem>> -> memref<1x2x16000xf32, #tpu.memory_space<vmem>>
    %dma_wait3A_255 = tpu.memref_squeeze %dma_wait3A_254 : memref<1x2x16000xf32, #tpu.memory_space<vmem>> -> memref<2x16000xf32, #tpu.memory_space<vmem>>
    tpu.wait_dma2 semaphore(%arg11 : memref<!tpu.dma_semaphore, #tpu.memory_space<semaphore_mem>>) src(%dma_wait3A_255 : memref<2x16000xf32, #tpu.memory_space<vmem>>) dst(%dma_wait3A_251 : memref<2x16000xf32, #tpu.memory_space<hbm>>)
    %dma_start3A_256 = arith.constant 1 : i32
    %dma_start3A_257 = arith.constant 0 : i32
    %dma_start3A_258 = arith.constant 0 : i32
    %dma_start3A_259 = tpu.memref_slice %arg6[%dma_start3A_256, %dma_start3A_257, %dma_start3A_258] : memref<3x2x16000xf32, #tpu.memory_space<vmem>> -> memref<1x2x16000xf32, #tpu.memory_space<vmem>>
    %dma_start3A_260 = tpu.memref_squeeze %dma_start3A_259 : memref<1x2x16000xf32, #tpu.memory_space<vmem>> -> memref<2x16000xf32, #tpu.memory_space<vmem>>
    %dma_start3A_261 = arith.constant 0 : i32
    %dma_start3A_262 = arith.constant 64000 : i32
    %dma_start3A_263 = tpu.memref_slice %arg2[%select_n3A, %select_n3A_30, %dma_start3A_261, %dma_start3A_262] : memref<8x4x2x160000xf32, #tpu.memory_space<hbm>> -> memref<1x1x2x16000xf32, #tpu.memory_space<hbm>>
    %dma_start3A_264 = tpu.memref_squeeze %dma_start3A_263 : memref<1x1x2x16000xf32, #tpu.memory_space<hbm>> -> memref<2x16000xf32, #tpu.memory_space<hbm>>
    %dma_start3A_265 = arith.constant 0 : i32
    %dma_start3A_266 = arith.constant 0 : i32
    %dma_start3A_267 = tpu.memref_slice %arg6[%dma_start3A_256, %dma_start3A_265, %dma_start3A_266] : memref<3x2x16000xf32, #tpu.memory_space<vmem>> -> memref<1x2x16000xf32, #tpu.memory_space<vmem>>
    %dma_start3A_268 = tpu.memref_squeeze %dma_start3A_267 : memref<1x2x16000xf32, #tpu.memory_space<vmem>> -> memref<2x16000xf32, #tpu.memory_space<vmem>>
    %dma_start3A_269 = arith.constant 0 : i32
    %dma_start3A_270 = arith.constant 64000 : i32
    %dma_start3A_271 = tpu.memref_slice %arg2[%select_n3A, %select_n3A_30, %dma_start3A_269, %dma_start3A_270] : memref<8x4x2x160000xf32, #tpu.memory_space<hbm>> -> memref<1x1x2x16000xf32, #tpu.memory_space<hbm>>
    %dma_start3A_272 = tpu.memref_squeeze %dma_start3A_271 : memref<1x1x2x16000xf32, #tpu.memory_space<hbm>> -> memref<2x16000xf32, #tpu.memory_space<hbm>>
    tpu.enqueue_dma source(%dma_start3A_272 : memref<2x16000xf32, #tpu.memory_space<hbm>>) target(%dma_start3A_268 : memref<2x16000xf32, #tpu.memory_space<vmem>>) target_semaphore(%arg8 : memref<!tpu.dma_semaphore, #tpu.memory_space<semaphore_mem>>)
    %dma_wait3A_273 = arith.constant 0 : i32
    %dma_wait3A_274 = arith.constant 0 : i32
    %dma_wait3A_275 = arith.constant 0 : i32
    %dma_wait3A_276 = tpu.memref_slice %arg6[%dma_wait3A_273, %dma_wait3A_274, %dma_wait3A_275] : memref<3x2x16000xf32, #tpu.memory_space<vmem>> -> memref<1x2x16000xf32, #tpu.memory_space<vmem>>
    %dma_wait3A_277 = tpu.memref_squeeze %dma_wait3A_276 : memref<1x2x16000xf32, #tpu.memory_space<vmem>> -> memref<2x16000xf32, #tpu.memory_space<vmem>>
    %dma_wait3A_278 = arith.constant 0 : i32
    %dma_wait3A_279 = arith.constant 48000 : i32
    %dma_wait3A_280 = tpu.memref_slice %arg2[%select_n3A, %select_n3A_30, %dma_wait3A_278, %dma_wait3A_279] : memref<8x4x2x160000xf32, #tpu.memory_space<hbm>> -> memref<1x1x2x16000xf32, #tpu.memory_space<hbm>>
    %dma_wait3A_281 = tpu.memref_squeeze %dma_wait3A_280 : memref<1x1x2x16000xf32, #tpu.memory_space<hbm>> -> memref<2x16000xf32, #tpu.memory_space<hbm>>
    %dma_wait3A_282 = arith.constant 0 : i32
    %dma_wait3A_283 = arith.constant 0 : i32
    %dma_wait3A_284 = tpu.memref_slice %arg6[%dma_wait3A_273, %dma_wait3A_282, %dma_wait3A_283] : memref<3x2x16000xf32, #tpu.memory_space<vmem>> -> memref<1x2x16000xf32, #tpu.memory_space<vmem>>
    %dma_wait3A_285 = tpu.memref_squeeze %dma_wait3A_284 : memref<1x2x16000xf32, #tpu.memory_space<vmem>> -> memref<2x16000xf32, #tpu.memory_space<vmem>>
    %dma_wait3A_286 = arith.constant 0 : i32
    %dma_wait3A_287 = arith.constant 48000 : i32
    %dma_wait3A_288 = tpu.memref_slice %arg2[%select_n3A, %select_n3A_30, %dma_wait3A_286, %dma_wait3A_287] : memref<8x4x2x160000xf32, #tpu.memory_space<hbm>> -> memref<1x1x2x16000xf32, #tpu.memory_space<hbm>>
    %dma_wait3A_289 = tpu.memref_squeeze %dma_wait3A_288 : memref<1x1x2x16000xf32, #tpu.memory_space<hbm>> -> memref<2x16000xf32, #tpu.memory_space<hbm>>
    tpu.wait_dma2 semaphore(%arg7 : memref<!tpu.dma_semaphore, #tpu.memory_space<semaphore_mem>>) src(%dma_wait3A_289 : memref<2x16000xf32, #tpu.memory_space<hbm>>) dst(%dma_wait3A_285 : memref<2x16000xf32, #tpu.memory_space<vmem>>)
    %scan3A_290 = arith.constant 0 : i32
    %scan3A_291 = arith.constant 1000 : i32
    %scan3A_292 = arith.addi %scan3A_290, %scan3A_291 : i32
    %scan3A_293 = arith.constant 8 : i32
    scf.for %scan3A_750 = %scan3A_290 to %scan3A_292 step %scan3A_293  : i32 {
      %mul3A_751 = arith.constant 16 : i32
      %mul3A_752 = arith.muli %scan3A_750, %mul3A_751 : i32
      %get3A_753 = arith.constant 0 : i32
      %get3A_754 = arith.constant 0 : i32
      %get3A_755 = arith.index_cast %get3A_753 : i32 to index
      %get3A_756 = arith.index_cast %get3A_754 : i32 to index
      %get3A_757 = arith.index_cast %mul3A_752 : i32 to index
      %get3A_758 = tpu.vector_load %arg6[%get3A_755, %get3A_756, %get3A_757] {strides = array<i32>} : memref<3x2x16000xf32, #tpu.memory_space<vmem>>, vector<1x1x16xf32>,
      %get3A_759 = vector.shape_cast %get3A_758 : vector<1x1x16xf32> to vector<16xf32>
      %get3A_760 = arith.constant 0 : i32
      %get3A_761 = arith.constant 1 : i32
      %get3A_762 = arith.index_cast %get3A_760 : i32 to index
      %get3A_763 = arith.index_cast %get3A_761 : i32 to index
      %get3A_764 = arith.index_cast %mul3A_752 : i32 to index
      %get3A_765 = tpu.vector_load %arg6[%get3A_762, %get3A_763, %get3A_764] {strides = array<i32>} : memref<3x2x16000xf32, #tpu.memory_space<vmem>>, vector<1x1x16xf32>,
      %get3A_766 = vector.shape_cast %get3A_765 : vector<1x1x16xf32> to vector<16xf32>
      %select_n3A_767 = arith.select %eq3A_72, %get3A_766, %get3A_759 : vector<16xi1>, vector<16xf32>
      %swap3A = arith.constant 0 : i32
      %swap3A_768 = arith.constant 0 : i32
      %swap3A_769 = arith.index_cast %swap3A : i32 to index
      %swap3A_770 = arith.index_cast %swap3A_768 : i32 to index
      %swap3A_771 = arith.index_cast %mul3A_752 : i32 to index
      %swap3A_772 = tpu.vector_load %arg6[%swap3A_769, %swap3A_770, %swap3A_771] {strides = array<i32>} : memref<3x2x16000xf32, #tpu.memory_space<vmem>>, vector<1x1x16xf32>,
      %swap3A_773 = vector.shape_cast %swap3A_772 : vector<1x1x16xf32> to vector<16xf32>
      %swap3A_774 = vector.shape_cast %select_n3A_767 : vector<16xf32> to vector<1x1x16xf32>
      tpu.vector_store %arg6[%swap3A_769, %swap3A_770, %swap3A_771], %swap3A_774 {strides = array<i32>} : memref<3x2x16000xf32, #tpu.memory_space<vmem>>, vector<1x1x16xf32>,
      %select_n3A_775 = arith.select %eq3A_72, %get3A_759, %get3A_766 : vector<16xi1>, vector<16xf32>
      %swap3A_776 = arith.constant 0 : i32
      %swap3A_777 = arith.constant 1 : i32
      %swap3A_778 = arith.index_cast %swap3A_776 : i32 to index
      %swap3A_779 = arith.index_cast %swap3A_777 : i32 to index
      %swap3A_780 = arith.index_cast %mul3A_752 : i32 to index
      %swap3A_781 = tpu.vector_load %arg6[%swap3A_778, %swap3A_779, %swap3A_780] {strides = array<i32>} : memref<3x2x16000xf32, #tpu.memory_space<vmem>>, vector<1x1x16xf32>,
      %swap3A_782 = vector.shape_cast %swap3A_781 : vector<1x1x16xf32> to vector<16xf32>
      %swap3A_783 = vector.shape_cast %select_n3A_775 : vector<16xf32> to vector<1x1x16xf32>
      tpu.vector_store %arg6[%swap3A_778, %swap3A_779, %swap3A_780], %swap3A_783 {strides = array<i32>} : memref<3x2x16000xf32, #tpu.memory_space<vmem>>, vector<1x1x16xf32>,
      %scan3A_784 = arith.constant 1 : i32
      %scan3A_785 = arith.addi %scan3A_750, %scan3A_784 : i32
      %mul3A_786 = arith.constant 16 : i32
      %mul3A_787 = arith.muli %scan3A_785, %mul3A_786 : i32
      %get3A_788 = arith.constant 0 : i32
      %get3A_789 = arith.constant 0 : i32
      %get3A_790 = arith.index_cast %get3A_788 : i32 to index
      %get3A_791 = arith.index_cast %get3A_789 : i32 to index
      %get3A_792 = arith.index_cast %mul3A_787 : i32 to index
      %get3A_793 = tpu.vector_load %arg6[%get3A_790, %get3A_791, %get3A_792] {strides = array<i32>} : memref<3x2x16000xf32, #tpu.memory_space<vmem>>, vector<1x1x16xf32>,
      %get3A_794 = vector.shape_cast %get3A_793 : vector<1x1x16xf32> to vector<16xf32>
      %get3A_795 = arith.constant 0 : i32
      %get3A_796 = arith.constant 1 : i32
      %get3A_797 = arith.index_cast %get3A_795 : i32 to index
      %get3A_798 = arith.index_cast %get3A_796 : i32 to index
      %get3A_799 = arith.index_cast %mul3A_787 : i32 to index
      %get3A_800 = tpu.vector_load %arg6[%get3A_797, %get3A_798, %get3A_799] {strides = array<i32>} : memref<3x2x16000xf32, #tpu.memory_space<vmem>>, vector<1x1x16xf32>,
      %get3A_801 = vector.shape_cast %get3A_800 : vector<1x1x16xf32> to vector<16xf32>
      %select_n3A_802 = arith.select %eq3A_72, %get3A_801, %get3A_794 : vector<16xi1>, vector<16xf32>
      %swap3A_803 = arith.constant 0 : i32
      %swap3A_804 = arith.constant 0 : i32
      %swap3A_805 = arith.index_cast %swap3A_803 : i32 to index
      %swap3A_806 = arith.index_cast %swap3A_804 : i32 to index
      %swap3A_807 = arith.index_cast %mul3A_787 : i32 to index
      %swap3A_808 = tpu.vector_load %arg6[%swap3A_805, %swap3A_806, %swap3A_807] {strides = array<i32>} : memref<3x2x16000xf32, #tpu.memory_space<vmem>>, vector<1x1x16xf32>,
      %swap3A_809 = vector.shape_cast %swap3A_808 : vector<1x1x16xf32> to vector<16xf32>
      %swap3A_810 = vector.shape_cast %select_n3A_802 : vector<16xf32> to vector<1x1x16xf32>
      tpu.vector_store %arg6[%swap3A_805, %swap3A_806, %swap3A_807], %swap3A_810 {strides = array<i32>} : memref<3x2x16000xf32, #tpu.memory_space<vmem>>, vector<1x1x16xf32>,
      %select_n3A_811 = arith.select %eq3A_72, %get3A_794, %get3A_801 : vector<16xi1>, vector<16xf32>
      %swap3A_812 = arith.constant 0 : i32
      %swap3A_813 = arith.constant 1 : i32
      %swap3A_814 = arith.index_cast %swap3A_812 : i32 to index
      %swap3A_815 = arith.index_cast %swap3A_813 : i32 to index
      %swap3A_816 = arith.index_cast %mul3A_787 : i32 to index
      %swap3A_817 = tpu.vector_load %arg6[%swap3A_814, %swap3A_815, %swap3A_816] {strides = array<i32>} : memref<3x2x16000xf32, #tpu.memory_space<vmem>>, vector<1x1x16xf32>,
      %swap3A_818 = vector.shape_cast %swap3A_817 : vector<1x1x16xf32> to vector<16xf32>
      %swap3A_819 = vector.shape_cast %select_n3A_811 : vector<16xf32> to vector<1x1x16xf32>
      tpu.vector_store %arg6[%swap3A_814, %swap3A_815, %swap3A_816], %swap3A_819 {strides = array<i32>} : memref<3x2x16000xf32, #tpu.memory_space<vmem>>, vector<1x1x16xf32>,
      %scan3A_820 = arith.constant 2 : i32
      %scan3A_821 = arith.addi %scan3A_750, %scan3A_820 : i32
      %mul3A_822 = arith.constant 16 : i32
      %mul3A_823 = arith.muli %scan3A_821, %mul3A_822 : i32
      %get3A_824 = arith.constant 0 : i32
      %get3A_825 = arith.constant 0 : i32
      %get3A_826 = arith.index_cast %get3A_824 : i32 to index
      %get3A_827 = arith.index_cast %get3A_825 : i32 to index
      %get3A_828 = arith.index_cast %mul3A_823 : i32 to index
      %get3A_829 = tpu.vector_load %arg6[%get3A_826, %get3A_827, %get3A_828] {strides = array<i32>} : memref<3x2x16000xf32, #tpu.memory_space<vmem>>, vector<1x1x16xf32>,
      %get3A_830 = vector.shape_cast %get3A_829 : vector<1x1x16xf32> to vector<16xf32>
      %get3A_831 = arith.constant 0 : i32
      %get3A_832 = arith.constant 1 : i32
      %get3A_833 = arith.index_cast %get3A_831 : i32 to index
      %get3A_834 = arith.index_cast %get3A_832 : i32 to index
      %get3A_835 = arith.index_cast %mul3A_823 : i32 to index
      %get3A_836 = tpu.vector_load %arg6[%get3A_833, %get3A_834, %get3A_835] {strides = array<i32>} : memref<3x2x16000xf32, #tpu.memory_space<vmem>>, vector<1x1x16xf32>,
      %get3A_837 = vector.shape_cast %get3A_836 : vector<1x1x16xf32> to vector<16xf32>
      %select_n3A_838 = arith.select %eq3A_72, %get3A_837, %get3A_830 : vector<16xi1>, vector<16xf32>
      %swap3A_839 = arith.constant 0 : i32
      %swap3A_840 = arith.constant 0 : i32
      %swap3A_841 = arith.index_cast %swap3A_839 : i32 to index
      %swap3A_842 = arith.index_cast %swap3A_840 : i32 to index
      %swap3A_843 = arith.index_cast %mul3A_823 : i32 to index
      %swap3A_844 = tpu.vector_load %arg6[%swap3A_841, %swap3A_842, %swap3A_843] {strides = array<i32>} : memref<3x2x16000xf32, #tpu.memory_space<vmem>>, vector<1x1x16xf32>,
      %swap3A_845 = vector.shape_cast %swap3A_844 : vector<1x1x16xf32> to vector<16xf32>
      %swap3A_846 = vector.shape_cast %select_n3A_838 : vector<16xf32> to vector<1x1x16xf32>
      tpu.vector_store %arg6[%swap3A_841, %swap3A_842, %swap3A_843], %swap3A_846 {strides = array<i32>} : memref<3x2x16000xf32, #tpu.memory_space<vmem>>, vector<1x1x16xf32>,
      %select_n3A_847 = arith.select %eq3A_72, %get3A_830, %get3A_837 : vector<16xi1>, vector<16xf32>
      %swap3A_848 = arith.constant 0 : i32
      %swap3A_849 = arith.constant 1 : i32
      %swap3A_850 = arith.index_cast %swap3A_848 : i32 to index
      %swap3A_851 = arith.index_cast %swap3A_849 : i32 to index
      %swap3A_852 = arith.index_cast %mul3A_823 : i32 to index
      %swap3A_853 = tpu.vector_load %arg6[%swap3A_850, %swap3A_851, %swap3A_852] {strides = array<i32>} : memref<3x2x16000xf32, #tpu.memory_space<vmem>>, vector<1x1x16xf32>,
      %swap3A_854 = vector.shape_cast %swap3A_853 : vector<1x1x16xf32> to vector<16xf32>
      %swap3A_855 = vector.shape_cast %select_n3A_847 : vector<16xf32> to vector<1x1x16xf32>
      tpu.vector_store %arg6[%swap3A_850, %swap3A_851, %swap3A_852], %swap3A_855 {strides = array<i32>} : memref<3x2x16000xf32, #tpu.memory_space<vmem>>, vector<1x1x16xf32>,
      %scan3A_856 = arith.constant 3 : i32
      %scan3A_857 = arith.addi %scan3A_750, %scan3A_856 : i32
      %mul3A_858 = arith.constant 16 : i32
      %mul3A_859 = arith.muli %scan3A_857, %mul3A_858 : i32
      %get3A_860 = arith.constant 0 : i32
      %get3A_861 = arith.constant 0 : i32
      %get3A_862 = arith.index_cast %get3A_860 : i32 to index
      %get3A_863 = arith.index_cast %get3A_861 : i32 to index
      %get3A_864 = arith.index_cast %mul3A_859 : i32 to index
      %get3A_865 = tpu.vector_load %arg6[%get3A_862, %get3A_863, %get3A_864] {strides = array<i32>} : memref<3x2x16000xf32, #tpu.memory_space<vmem>>, vector<1x1x16xf32>,
      %get3A_866 = vector.shape_cast %get3A_865 : vector<1x1x16xf32> to vector<16xf32>
      %get3A_867 = arith.constant 0 : i32
      %get3A_868 = arith.constant 1 : i32
      %get3A_869 = arith.index_cast %get3A_867 : i32 to index
      %get3A_870 = arith.index_cast %get3A_868 : i32 to index
      %get3A_871 = arith.index_cast %mul3A_859 : i32 to index
      %get3A_872 = tpu.vector_load %arg6[%get3A_869, %get3A_870, %get3A_871] {strides = array<i32>} : memref<3x2x16000xf32, #tpu.memory_space<vmem>>, vector<1x1x16xf32>,
      %get3A_873 = vector.shape_cast %get3A_872 : vector<1x1x16xf32> to vector<16xf32>
      %select_n3A_874 = arith.select %eq3A_72, %get3A_873, %get3A_866 : vector<16xi1>, vector<16xf32>
      %swap3A_875 = arith.constant 0 : i32
      %swap3A_876 = arith.constant 0 : i32
      %swap3A_877 = arith.index_cast %swap3A_875 : i32 to index
      %swap3A_878 = arith.index_cast %swap3A_876 : i32 to index
      %swap3A_879 = arith.index_cast %mul3A_859 : i32 to index
      %swap3A_880 = tpu.vector_load %arg6[%swap3A_877, %swap3A_878, %swap3A_879] {strides = array<i32>} : memref<3x2x16000xf32, #tpu.memory_space<vmem>>, vector<1x1x16xf32>,
      %swap3A_881 = vector.shape_cast %swap3A_880 : vector<1x1x16xf32> to vector<16xf32>
      %swap3A_882 = vector.shape_cast %select_n3A_874 : vector<16xf32> to vector<1x1x16xf32>
      tpu.vector_store %arg6[%swap3A_877, %swap3A_878, %swap3A_879], %swap3A_882 {strides = array<i32>} : memref<3x2x16000xf32, #tpu.memory_space<vmem>>, vector<1x1x16xf32>,
      %select_n3A_883 = arith.select %eq3A_72, %get3A_866, %get3A_873 : vector<16xi1>, vector<16xf32>
      %swap3A_884 = arith.constant 0 : i32
      %swap3A_885 = arith.constant 1 : i32
      %swap3A_886 = arith.index_cast %swap3A_884 : i32 to index
      %swap3A_887 = arith.index_cast %swap3A_885 : i32 to index
      %swap3A_888 = arith.index_cast %mul3A_859 : i32 to index
      %swap3A_889 = tpu.vector_load %arg6[%swap3A_886, %swap3A_887, %swap3A_888] {strides = array<i32>} : memref<3x2x16000xf32, #tpu.memory_space<vmem>>, vector<1x1x16xf32>,
      %swap3A_890 = vector.shape_cast %swap3A_889 : vector<1x1x16xf32> to vector<16xf32>
      %swap3A_891 = vector.shape_cast %select_n3A_883 : vector<16xf32> to vector<1x1x16xf32>
      tpu.vector_store %arg6[%swap3A_886, %swap3A_887, %swap3A_888], %swap3A_891 {strides = array<i32>} : memref<3x2x16000xf32, #tpu.memory_space<vmem>>, vector<1x1x16xf32>,
      %scan3A_892 = arith.constant 4 : i32
      %scan3A_893 = arith.addi %scan3A_750, %scan3A_892 : i32
      %mul3A_894 = arith.constant 16 : i32
      %mul3A_895 = arith.muli %scan3A_893, %mul3A_894 : i32
      %get3A_896 = arith.constant 0 : i32
      %get3A_897 = arith.constant 0 : i32
      %get3A_898 = arith.index_cast %get3A_896 : i32 to index
      %get3A_899 = arith.index_cast %get3A_897 : i32 to index
      %get3A_900 = arith.index_cast %mul3A_895 : i32 to index
      %get3A_901 = tpu.vector_load %arg6[%get3A_898, %get3A_899, %get3A_900] {strides = array<i32>} : memref<3x2x16000xf32, #tpu.memory_space<vmem>>, vector<1x1x16xf32>,
      %get3A_902 = vector.shape_cast %get3A_901 : vector<1x1x16xf32> to vector<16xf32>
      %get3A_903 = arith.constant 0 : i32
      %get3A_904 = arith.constant 1 : i32
      %get3A_905 = arith.index_cast %get3A_903 : i32 to index
      %get3A_906 = arith.index_cast %get3A_904 : i32 to index
      %get3A_907 = arith.index_cast %mul3A_895 : i32 to index
      %get3A_908 = tpu.vector_load %arg6[%get3A_905, %get3A_906, %get3A_907] {strides = array<i32>} : memref<3x2x16000xf32, #tpu.memory_space<vmem>>, vector<1x1x16xf32>,
      %get3A_909 = vector.shape_cast %get3A_908 : vector<1x1x16xf32> to vector<16xf32>
      %select_n3A_910 = arith.select %eq3A_72, %get3A_909, %get3A_902 : vector<16xi1>, vector<16xf32>
      %swap3A_911 = arith.constant 0 : i32
      %swap3A_912 = arith.constant 0 : i32
      %swap3A_913 = arith.index_cast %swap3A_911 : i32 to index
      %swap3A_914 = arith.index_cast %swap3A_912 : i32 to index
      %swap3A_915 = arith.index_cast %mul3A_895 : i32 to index
      %swap3A_916 = tpu.vector_load %arg6[%swap3A_913, %swap3A_914, %swap3A_915] {strides = array<i32>} : memref<3x2x16000xf32, #tpu.memory_space<vmem>>, vector<1x1x16xf32>,
      %swap3A_917 = vector.shape_cast %swap3A_916 : vector<1x1x16xf32> to vector<16xf32>
      %swap3A_918 = vector.shape_cast %select_n3A_910 : vector<16xf32> to vector<1x1x16xf32>
      tpu.vector_store %arg6[%swap3A_913, %swap3A_914, %swap3A_915], %swap3A_918 {strides = array<i32>} : memref<3x2x16000xf32, #tpu.memory_space<vmem>>, vector<1x1x16xf32>,
      %select_n3A_919 = arith.select %eq3A_72, %get3A_902, %get3A_909 : vector<16xi1>, vector<16xf32>
      %swap3A_920 = arith.constant 0 : i32
      %swap3A_921 = arith.constant 1 : i32
      %swap3A_922 = arith.index_cast %swap3A_920 : i32 to index
      %swap3A_923 = arith.index_cast %swap3A_921 : i32 to index
      %swap3A_924 = arith.index_cast %mul3A_895 : i32 to index
      %swap3A_925 = tpu.vector_load %arg6[%swap3A_922, %swap3A_923, %swap3A_924] {strides = array<i32>} : memref<3x2x16000xf32, #tpu.memory_space<vmem>>, vector<1x1x16xf32>,
      %swap3A_926 = vector.shape_cast %swap3A_925 : vector<1x1x16xf32> to vector<16xf32>
      %swap3A_927 = vector.shape_cast %select_n3A_919 : vector<16xf32> to vector<1x1x16xf32>
      tpu.vector_store %arg6[%swap3A_922, %swap3A_923, %swap3A_924], %swap3A_927 {strides = array<i32>} : memref<3x2x16000xf32, #tpu.memory_space<vmem>>, vector<1x1x16xf32>,
      %scan3A_928 = arith.constant 5 : i32
      %scan3A_929 = arith.addi %scan3A_750, %scan3A_928 : i32
      %mul3A_930 = arith.constant 16 : i32
      %mul3A_931 = arith.muli %scan3A_929, %mul3A_930 : i32
      %get3A_932 = arith.constant 0 : i32
      %get3A_933 = arith.constant 0 : i32
      %get3A_934 = arith.index_cast %get3A_932 : i32 to index
      %get3A_935 = arith.index_cast %get3A_933 : i32 to index
      %get3A_936 = arith.index_cast %mul3A_931 : i32 to index
      %get3A_937 = tpu.vector_load %arg6[%get3A_934, %get3A_935, %get3A_936] {strides = array<i32>} : memref<3x2x16000xf32, #tpu.memory_space<vmem>>, vector<1x1x16xf32>,
      %get3A_938 = vector.shape_cast %get3A_937 : vector<1x1x16xf32> to vector<16xf32>
      %get3A_939 = arith.constant 0 : i32
      %get3A_940 = arith.constant 1 : i32
      %get3A_941 = arith.index_cast %get3A_939 : i32 to index
      %get3A_942 = arith.index_cast %get3A_940 : i32 to index
      %get3A_943 = arith.index_cast %mul3A_931 : i32 to index
      %get3A_944 = tpu.vector_load %arg6[%get3A_941, %get3A_942, %get3A_943] {strides = array<i32>} : memref<3x2x16000xf32, #tpu.memory_space<vmem>>, vector<1x1x16xf32>,
      %get3A_945 = vector.shape_cast %get3A_944 : vector<1x1x16xf32> to vector<16xf32>
      %select_n3A_946 = arith.select %eq3A_72, %get3A_945, %get3A_938 : vector<16xi1>, vector<16xf32>
      %swap3A_947 = arith.constant 0 : i32
      %swap3A_948 = arith.constant 0 : i32
      %swap3A_949 = arith.index_cast %swap3A_947 : i32 to index
      %swap3A_950 = arith.index_cast %swap3A_948 : i32 to index
      %swap3A_951 = arith.index_cast %mul3A_931 : i32 to index
      %swap3A_952 = tpu.vector_load %arg6[%swap3A_949, %swap3A_950, %swap3A_951] {strides = array<i32>} : memref<3x2x16000xf32, #tpu.memory_space<vmem>>, vector<1x1x16xf32>,
      %swap3A_953 = vector.shape_cast %swap3A_952 : vector<1x1x16xf32> to vector<16xf32>
      %swap3A_954 = vector.shape_cast %select_n3A_946 : vector<16xf32> to vector<1x1x16xf32>
      tpu.vector_store %arg6[%swap3A_949, %swap3A_950, %swap3A_951], %swap3A_954 {strides = array<i32>} : memref<3x2x16000xf32, #tpu.memory_space<vmem>>, vector<1x1x16xf32>,
      %select_n3A_955 = arith.select %eq3A_72, %get3A_938, %get3A_945 : vector<16xi1>, vector<16xf32>
      %swap3A_956 = arith.constant 0 : i32
      %swap3A_957 = arith.constant 1 : i32
      %swap3A_958 = arith.index_cast %swap3A_956 : i32 to index
      %swap3A_959 = arith.index_cast %swap3A_957 : i32 to index
      %swap3A_960 = arith.index_cast %mul3A_931 : i32 to index
      %swap3A_961 = tpu.vector_load %arg6[%swap3A_958, %swap3A_959, %swap3A_960] {strides = array<i32>} : memref<3x2x16000xf32, #tpu.memory_space<vmem>>, vector<1x1x16xf32>,
      %swap3A_962 = vector.shape_cast %swap3A_961 : vector<1x1x16xf32> to vector<16xf32>
      %swap3A_963 = vector.shape_cast %select_n3A_955 : vector<16xf32> to vector<1x1x16xf32>
      tpu.vector_store %arg6[%swap3A_958, %swap3A_959, %swap3A_960], %swap3A_963 {strides = array<i32>} : memref<3x2x16000xf32, #tpu.memory_space<vmem>>, vector<1x1x16xf32>,
      %scan3A_964 = arith.constant 6 : i32
      %scan3A_965 = arith.addi %scan3A_750, %scan3A_964 : i32
      %mul3A_966 = arith.constant 16 : i32
      %mul3A_967 = arith.muli %scan3A_965, %mul3A_966 : i32
      %get3A_968 = arith.constant 0 : i32
      %get3A_969 = arith.constant 0 : i32
      %get3A_970 = arith.index_cast %get3A_968 : i32 to index
      %get3A_971 = arith.index_cast %get3A_969 : i32 to index
      %get3A_972 = arith.index_cast %mul3A_967 : i32 to index
      %get3A_973 = tpu.vector_load %arg6[%get3A_970, %get3A_971, %get3A_972] {strides = array<i32>} : memref<3x2x16000xf32, #tpu.memory_space<vmem>>, vector<1x1x16xf32>,
      %get3A_974 = vector.shape_cast %get3A_973 : vector<1x1x16xf32> to vector<16xf32>
      %get3A_975 = arith.constant 0 : i32
      %get3A_976 = arith.constant 1 : i32
      %get3A_977 = arith.index_cast %get3A_975 : i32 to index
      %get3A_978 = arith.index_cast %get3A_976 : i32 to index
      %get3A_979 = arith.index_cast %mul3A_967 : i32 to index
      %get3A_980 = tpu.vector_load %arg6[%get3A_977, %get3A_978, %get3A_979] {strides = array<i32>} : memref<3x2x16000xf32, #tpu.memory_space<vmem>>, vector<1x1x16xf32>,
      %get3A_981 = vector.shape_cast %get3A_980 : vector<1x1x16xf32> to vector<16xf32>
      %select_n3A_982 = arith.select %eq3A_72, %get3A_981, %get3A_974 : vector<16xi1>, vector<16xf32>
      %swap3A_983 = arith.constant 0 : i32
      %swap3A_984 = arith.constant 0 : i32
      %swap3A_985 = arith.index_cast %swap3A_983 : i32 to index
      %swap3A_986 = arith.index_cast %swap3A_984 : i32 to index
      %swap3A_987 = arith.index_cast %mul3A_967 : i32 to index
      %swap3A_988 = tpu.vector_load %arg6[%swap3A_985, %swap3A_986, %swap3A_987] {strides = array<i32>} : memref<3x2x16000xf32, #tpu.memory_space<vmem>>, vector<1x1x16xf32>,
      %swap3A_989 = vector.shape_cast %swap3A_988 : vector<1x1x16xf32> to vector<16xf32>
      %swap3A_990 = vector.shape_cast %select_n3A_982 : vector<16xf32> to vector<1x1x16xf32>
      tpu.vector_store %arg6[%swap3A_985, %swap3A_986, %swap3A_987], %swap3A_990 {strides = array<i32>} : memref<3x2x16000xf32, #tpu.memory_space<vmem>>, vector<1x1x16xf32>,
      %select_n3A_991 = arith.select %eq3A_72, %get3A_974, %get3A_981 : vector<16xi1>, vector<16xf32>
      %swap3A_992 = arith.constant 0 : i32
      %swap3A_993 = arith.constant 1 : i32
      %swap3A_994 = arith.index_cast %swap3A_992 : i32 to index
      %swap3A_995 = arith.index_cast %swap3A_993 : i32 to index
      %swap3A_996 = arith.index_cast %mul3A_967 : i32 to index
      %swap3A_997 = tpu.vector_load %arg6[%swap3A_994, %swap3A_995, %swap3A_996] {strides = array<i32>} : memref<3x2x16000xf32, #tpu.memory_space<vmem>>, vector<1x1x16xf32>,
      %swap3A_998 = vector.shape_cast %swap3A_997 : vector<1x1x16xf32> to vector<16xf32>
      %swap3A_999 = vector.shape_cast %select_n3A_991 : vector<16xf32> to vector<1x1x16xf32>
      tpu.vector_store %arg6[%swap3A_994, %swap3A_995, %swap3A_996], %swap3A_999 {strides = array<i32>} : memref<3x2x16000xf32, #tpu.memory_space<vmem>>, vector<1x1x16xf32>,
      %scan3A_1000 = arith.constant 7 : i32
      %scan3A_1001 = arith.addi %scan3A_750, %scan3A_1000 : i32
      %mul3A_1002 = arith.constant 16 : i32
      %mul3A_1003 = arith.muli %scan3A_1001, %mul3A_1002 : i32
      %get3A_1004 = arith.constant 0 : i32
      %get3A_1005 = arith.constant 0 : i32
      %get3A_1006 = arith.index_cast %get3A_1004 : i32 to index
      %get3A_1007 = arith.index_cast %get3A_1005 : i32 to index
      %get3A_1008 = arith.index_cast %mul3A_1003 : i32 to index
      %get3A_1009 = tpu.vector_load %arg6[%get3A_1006, %get3A_1007, %get3A_1008] {strides = array<i32>} : memref<3x2x16000xf32, #tpu.memory_space<vmem>>, vector<1x1x16xf32>,
      %get3A_1010 = vector.shape_cast %get3A_1009 : vector<1x1x16xf32> to vector<16xf32>
      %get3A_1011 = arith.constant 0 : i32
      %get3A_1012 = arith.constant 1 : i32
      %get3A_1013 = arith.index_cast %get3A_1011 : i32 to index
      %get3A_1014 = arith.index_cast %get3A_1012 : i32 to index
      %get3A_1015 = arith.index_cast %mul3A_1003 : i32 to index
      %get3A_1016 = tpu.vector_load %arg6[%get3A_1013, %get3A_1014, %get3A_1015] {strides = array<i32>} : memref<3x2x16000xf32, #tpu.memory_space<vmem>>, vector<1x1x16xf32>,
      %get3A_1017 = vector.shape_cast %get3A_1016 : vector<1x1x16xf32> to vector<16xf32>
      %select_n3A_1018 = arith.select %eq3A_72, %get3A_1017, %get3A_1010 : vector<16xi1>, vector<16xf32>
      %swap3A_1019 = arith.constant 0 : i32
      %swap3A_1020 = arith.constant 0 : i32
      %swap3A_1021 = arith.index_cast %swap3A_1019 : i32 to index
      %swap3A_1022 = arith.index_cast %swap3A_1020 : i32 to index
      %swap3A_1023 = arith.index_cast %mul3A_1003 : i32 to index
      %swap3A_1024 = tpu.vector_load %arg6[%swap3A_1021, %swap3A_1022, %swap3A_1023] {strides = array<i32>} : memref<3x2x16000xf32, #tpu.memory_space<vmem>>, vector<1x1x16xf32>,
      %swap3A_1025 = vector.shape_cast %swap3A_1024 : vector<1x1x16xf32> to vector<16xf32>
      %swap3A_1026 = vector.shape_cast %select_n3A_1018 : vector<16xf32> to vector<1x1x16xf32>
      tpu.vector_store %arg6[%swap3A_1021, %swap3A_1022, %swap3A_1023], %swap3A_1026 {strides = array<i32>} : memref<3x2x16000xf32, #tpu.memory_space<vmem>>, vector<1x1x16xf32>,
      %select_n3A_1027 = arith.select %eq3A_72, %get3A_1010, %get3A_1017 : vector<16xi1>, vector<16xf32>
      %swap3A_1028 = arith.constant 0 : i32
      %swap3A_1029 = arith.constant 1 : i32
      %swap3A_1030 = arith.index_cast %swap3A_1028 : i32 to index
      %swap3A_1031 = arith.index_cast %swap3A_1029 : i32 to index
      %swap3A_1032 = arith.index_cast %mul3A_1003 : i32 to index
      %swap3A_1033 = tpu.vector_load %arg6[%swap3A_1030, %swap3A_1031, %swap3A_1032] {strides = array<i32>} : memref<3x2x16000xf32, #tpu.memory_space<vmem>>, vector<1x1x16xf32>,
      %swap3A_1034 = vector.shape_cast %swap3A_1033 : vector<1x1x16xf32> to vector<16xf32>
      %swap3A_1035 = vector.shape_cast %select_n3A_1027 : vector<16xf32> to vector<1x1x16xf32>
      tpu.vector_store %arg6[%swap3A_1030, %swap3A_1031, %swap3A_1032], %swap3A_1035 {strides = array<i32>} : memref<3x2x16000xf32, #tpu.memory_space<vmem>>, vector<1x1x16xf32>,
    }
    %scan3A_294 = arith.constant 1000 : i32
    %dma_start3A_295 = arith.constant 0 : i32
    %dma_start3A_296 = arith.constant 0 : i32
    %dma_start3A_297 = arith.constant 0 : i32
    %dma_start3A_298 = tpu.memref_slice %arg6[%dma_start3A_295, %dma_start3A_296, %dma_start3A_297] : memref<3x2x16000xf32, #tpu.memory_space<vmem>> -> memref<1x2x16000xf32, #tpu.memory_space<vmem>>
    %dma_start3A_299 = tpu.memref_squeeze %dma_start3A_298 : memref<1x2x16000xf32, #tpu.memory_space<vmem>> -> memref<2x16000xf32, #tpu.memory_space<vmem>>
    %dma_start3A_300 = arith.constant 0 : i32
    %dma_start3A_301 = arith.constant 48000 : i32
    %dma_start3A_302 = tpu.memref_slice %arg4[%select_n3A, %select_n3A_30, %dma_start3A_300, %dma_start3A_301] : memref<8x4x2x160000xf32, #tpu.memory_space<hbm>> -> memref<1x1x2x16000xf32, #tpu.memory_space<hbm>>
    %dma_start3A_303 = tpu.memref_squeeze %dma_start3A_302 : memref<1x1x2x16000xf32, #tpu.memory_space<hbm>> -> memref<2x16000xf32, #tpu.memory_space<hbm>>
    %dma_start3A_304 = arith.constant 0 : i32
    %dma_start3A_305 = arith.constant 48000 : i32
    %dma_start3A_306 = tpu.memref_slice %arg4[%select_n3A, %select_n3A_30, %dma_start3A_304, %dma_start3A_305] : memref<8x4x2x160000xf32, #tpu.memory_space<hbm>> -> memref<1x1x2x16000xf32, #tpu.memory_space<hbm>>
    %dma_start3A_307 = tpu.memref_squeeze %dma_start3A_306 : memref<1x1x2x16000xf32, #tpu.memory_space<hbm>> -> memref<2x16000xf32, #tpu.memory_space<hbm>>
    %dma_start3A_308 = arith.constant 0 : i32
    %dma_start3A_309 = arith.constant 0 : i32
    %dma_start3A_310 = tpu.memref_slice %arg6[%dma_start3A_295, %dma_start3A_308, %dma_start3A_309] : memref<3x2x16000xf32, #tpu.memory_space<vmem>> -> memref<1x2x16000xf32, #tpu.memory_space<vmem>>
    %dma_start3A_311 = tpu.memref_squeeze %dma_start3A_310 : memref<1x2x16000xf32, #tpu.memory_space<vmem>> -> memref<2x16000xf32, #tpu.memory_space<vmem>>
    tpu.enqueue_dma source(%dma_start3A_311 : memref<2x16000xf32, #tpu.memory_space<vmem>>) target(%dma_start3A_307 : memref<2x16000xf32, #tpu.memory_space<hbm>>) target_semaphore(%arg10 : memref<!tpu.dma_semaphore, #tpu.memory_space<semaphore_mem>>)
    %dma_wait3A_312 = arith.constant 2 : i32
    %dma_wait3A_313 = arith.constant 0 : i32
    %dma_wait3A_314 = arith.constant 0 : i32
    %dma_wait3A_315 = tpu.memref_slice %arg6[%dma_wait3A_312, %dma_wait3A_313, %dma_wait3A_314] : memref<3x2x16000xf32, #tpu.memory_space<vmem>> -> memref<1x2x16000xf32, #tpu.memory_space<vmem>>
    %dma_wait3A_316 = tpu.memref_squeeze %dma_wait3A_315 : memref<1x2x16000xf32, #tpu.memory_space<vmem>> -> memref<2x16000xf32, #tpu.memory_space<vmem>>
    %dma_wait3A_317 = arith.constant 0 : i32
    %dma_wait3A_318 = arith.constant 32000 : i32
    %dma_wait3A_319 = tpu.memref_slice %arg4[%select_n3A, %select_n3A_30, %dma_wait3A_317, %dma_wait3A_318] : memref<8x4x2x160000xf32, #tpu.memory_space<hbm>> -> memref<1x1x2x16000xf32, #tpu.memory_space<hbm>>
    %dma_wait3A_320 = tpu.memref_squeeze %dma_wait3A_319 : memref<1x1x2x16000xf32, #tpu.memory_space<hbm>> -> memref<2x16000xf32, #tpu.memory_space<hbm>>
    %dma_wait3A_321 = arith.constant 0 : i32
    %dma_wait3A_322 = arith.constant 32000 : i32
    %dma_wait3A_323 = tpu.memref_slice %arg4[%select_n3A, %select_n3A_30, %dma_wait3A_321, %dma_wait3A_322] : memref<8x4x2x160000xf32, #tpu.memory_space<hbm>> -> memref<1x1x2x16000xf32, #tpu.memory_space<hbm>>
    %dma_wait3A_324 = tpu.memref_squeeze %dma_wait3A_323 : memref<1x1x2x16000xf32, #tpu.memory_space<hbm>> -> memref<2x16000xf32, #tpu.memory_space<hbm>>
    %dma_wait3A_325 = arith.constant 0 : i32
    %dma_wait3A_326 = arith.constant 0 : i32
    %dma_wait3A_327 = tpu.memref_slice %arg6[%dma_wait3A_312, %dma_wait3A_325, %dma_wait3A_326] : memref<3x2x16000xf32, #tpu.memory_space<vmem>> -> memref<1x2x16000xf32, #tpu.memory_space<vmem>>
    %dma_wait3A_328 = tpu.memref_squeeze %dma_wait3A_327 : memref<1x2x16000xf32, #tpu.memory_space<vmem>> -> memref<2x16000xf32, #tpu.memory_space<vmem>>
    tpu.wait_dma2 semaphore(%arg12 : memref<!tpu.dma_semaphore, #tpu.memory_space<semaphore_mem>>) src(%dma_wait3A_328 : memref<2x16000xf32, #tpu.memory_space<vmem>>) dst(%dma_wait3A_324 : memref<2x16000xf32, #tpu.memory_space<hbm>>)
    %dma_start3A_329 = arith.constant 2 : i32
    %dma_start3A_330 = arith.constant 0 : i32
    %dma_start3A_331 = arith.constant 0 : i32
    %dma_start3A_332 = tpu.memref_slice %arg6[%dma_start3A_329, %dma_start3A_330, %dma_start3A_331] : memref<3x2x16000xf32, #tpu.memory_space<vmem>> -> memref<1x2x16000xf32, #tpu.memory_space<vmem>>
    %dma_start3A_333 = tpu.memref_squeeze %dma_start3A_332 : memref<1x2x16000xf32, #tpu.memory_space<vmem>> -> memref<2x16000xf32, #tpu.memory_space<vmem>>
    %dma_start3A_334 = arith.constant 0 : i32
    %dma_start3A_335 = arith.constant 80000 : i32
    %dma_start3A_336 = tpu.memref_slice %arg2[%select_n3A, %select_n3A_30, %dma_start3A_334, %dma_start3A_335] : memref<8x4x2x160000xf32, #tpu.memory_space<hbm>> -> memref<1x1x2x16000xf32, #tpu.memory_space<hbm>>
    %dma_start3A_337 = tpu.memref_squeeze %dma_start3A_336 : memref<1x1x2x16000xf32, #tpu.memory_space<hbm>> -> memref<2x16000xf32, #tpu.memory_space<hbm>>
    %dma_start3A_338 = arith.constant 0 : i32
    %dma_start3A_339 = arith.constant 0 : i32
    %dma_start3A_340 = tpu.memref_slice %arg6[%dma_start3A_329, %dma_start3A_338, %dma_start3A_339] : memref<3x2x16000xf32, #tpu.memory_space<vmem>> -> memref<1x2x16000xf32, #tpu.memory_space<vmem>>
    %dma_start3A_341 = tpu.memref_squeeze %dma_start3A_340 : memref<1x2x16000xf32, #tpu.memory_space<vmem>> -> memref<2x16000xf32, #tpu.memory_space<vmem>>
    %dma_start3A_342 = arith.constant 0 : i32
    %dma_start3A_343 = arith.constant 80000 : i32
    %dma_start3A_344 = tpu.memref_slice %arg2[%select_n3A, %select_n3A_30, %dma_start3A_342, %dma_start3A_343] : memref<8x4x2x160000xf32, #tpu.memory_space<hbm>> -> memref<1x1x2x16000xf32, #tpu.memory_space<hbm>>
    %dma_start3A_345 = tpu.memref_squeeze %dma_start3A_344 : memref<1x1x2x16000xf32, #tpu.memory_space<hbm>> -> memref<2x16000xf32, #tpu.memory_space<hbm>>
    tpu.enqueue_dma source(%dma_start3A_345 : memref<2x16000xf32, #tpu.memory_space<hbm>>) target(%dma_start3A_341 : memref<2x16000xf32, #tpu.memory_space<vmem>>) target_semaphore(%arg9 : memref<!tpu.dma_semaphore, #tpu.memory_space<semaphore_mem>>)
    %dma_wait3A_346 = arith.constant 1 : i32
    %dma_wait3A_347 = arith.constant 0 : i32
    %dma_wait3A_348 = arith.constant 0 : i32
    %dma_wait3A_349 = tpu.memref_slice %arg6[%dma_wait3A_346, %dma_wait3A_347, %dma_wait3A_348] : memref<3x2x16000xf32, #tpu.memory_space<vmem>> -> memref<1x2x16000xf32, #tpu.memory_space<vmem>>
    %dma_wait3A_350 = tpu.memref_squeeze %dma_wait3A_349 : memref<1x2x16000xf32, #tpu.memory_space<vmem>> -> memref<2x16000xf32, #tpu.memory_space<vmem>>
    %dma_wait3A_351 = arith.constant 0 : i32
    %dma_wait3A_352 = arith.constant 64000 : i32
    %dma_wait3A_353 = tpu.memref_slice %arg2[%select_n3A, %select_n3A_30, %dma_wait3A_351, %dma_wait3A_352] : memref<8x4x2x160000xf32, #tpu.memory_space<hbm>> -> memref<1x1x2x16000xf32, #tpu.memory_space<hbm>>
    %dma_wait3A_354 = tpu.memref_squeeze %dma_wait3A_353 : memref<1x1x2x16000xf32, #tpu.memory_space<hbm>> -> memref<2x16000xf32, #tpu.memory_space<hbm>>
    %dma_wait3A_355 = arith.constant 0 : i32
    %dma_wait3A_356 = arith.constant 0 : i32
    %dma_wait3A_357 = tpu.memref_slice %arg6[%dma_wait3A_346, %dma_wait3A_355, %dma_wait3A_356] : memref<3x2x16000xf32, #tpu.memory_space<vmem>> -> memref<1x2x16000xf32, #tpu.memory_space<vmem>>
    %dma_wait3A_358 = tpu.memref_squeeze %dma_wait3A_357 : memref<1x2x16000xf32, #tpu.memory_space<vmem>> -> memref<2x16000xf32, #tpu.memory_space<vmem>>
    %dma_wait3A_359 = arith.constant 0 : i32
    %dma_wait3A_360 = arith.constant 64000 : i32
    %dma_wait3A_361 = tpu.memref_slice %arg2[%select_n3A, %select_n3A_30, %dma_wait3A_359, %dma_wait3A_360] : memref<8x4x2x160000xf32, #tpu.memory_space<hbm>> -> memref<1x1x2x16000xf32, #tpu.memory_space<hbm>>
    %dma_wait3A_362 = tpu.memref_squeeze %dma_wait3A_361 : memref<1x1x2x16000xf32, #tpu.memory_space<hbm>> -> memref<2x16000xf32, #tpu.memory_space<hbm>>
    tpu.wait_dma2 semaphore(%arg8 : memref<!tpu.dma_semaphore, #tpu.memory_space<semaphore_mem>>) src(%dma_wait3A_362 : memref<2x16000xf32, #tpu.memory_space<hbm>>) dst(%dma_wait3A_358 : memref<2x16000xf32, #tpu.memory_space<vmem>>)
    %scan3A_363 = arith.constant 0 : i32
    %scan3A_364 = arith.constant 1000 : i32
    %scan3A_365 = arith.addi %scan3A_363, %scan3A_364 : i32
    %scan3A_366 = arith.constant 8 : i32
    scf.for %scan3A_750 = %scan3A_363 to %scan3A_365 step %scan3A_366  : i32 {
      %mul3A_751 = arith.constant 16 : i32
      %mul3A_752 = arith.muli %scan3A_750, %mul3A_751 : i32
      %get3A_753 = arith.constant 1 : i32
      %get3A_754 = arith.constant 0 : i32
      %get3A_755 = arith.index_cast %get3A_753 : i32 to index
      %get3A_756 = arith.index_cast %get3A_754 : i32 to index
      %get3A_757 = arith.index_cast %mul3A_752 : i32 to index
      %get3A_758 = tpu.vector_load %arg6[%get3A_755, %get3A_756, %get3A_757] {strides = array<i32>} : memref<3x2x16000xf32, #tpu.memory_space<vmem>>, vector<1x1x16xf32>,
      %get3A_759 = vector.shape_cast %get3A_758 : vector<1x1x16xf32> to vector<16xf32>
      %get3A_760 = arith.constant 1 : i32
      %get3A_761 = arith.constant 1 : i32
      %get3A_762 = arith.index_cast %get3A_760 : i32 to index
      %get3A_763 = arith.index_cast %get3A_761 : i32 to index
      %get3A_764 = arith.index_cast %mul3A_752 : i32 to index
      %get3A_765 = tpu.vector_load %arg6[%get3A_762, %get3A_763, %get3A_764] {strides = array<i32>} : memref<3x2x16000xf32, #tpu.memory_space<vmem>>, vector<1x1x16xf32>,
      %get3A_766 = vector.shape_cast %get3A_765 : vector<1x1x16xf32> to vector<16xf32>
      %select_n3A_767 = arith.select %eq3A_72, %get3A_766, %get3A_759 : vector<16xi1>, vector<16xf32>
      %swap3A = arith.constant 1 : i32
      %swap3A_768 = arith.constant 0 : i32
      %swap3A_769 = arith.index_cast %swap3A : i32 to index
      %swap3A_770 = arith.index_cast %swap3A_768 : i32 to index
      %swap3A_771 = arith.index_cast %mul3A_752 : i32 to index
      %swap3A_772 = tpu.vector_load %arg6[%swap3A_769, %swap3A_770, %swap3A_771] {strides = array<i32>} : memref<3x2x16000xf32, #tpu.memory_space<vmem>>, vector<1x1x16xf32>,
      %swap3A_773 = vector.shape_cast %swap3A_772 : vector<1x1x16xf32> to vector<16xf32>
      %swap3A_774 = vector.shape_cast %select_n3A_767 : vector<16xf32> to vector<1x1x16xf32>
      tpu.vector_store %arg6[%swap3A_769, %swap3A_770, %swap3A_771], %swap3A_774 {strides = array<i32>} : memref<3x2x16000xf32, #tpu.memory_space<vmem>>, vector<1x1x16xf32>,
      %select_n3A_775 = arith.select %eq3A_72, %get3A_759, %get3A_766 : vector<16xi1>, vector<16xf32>
      %swap3A_776 = arith.constant 1 : i32
      %swap3A_777 = arith.constant 1 : i32
      %swap3A_778 = arith.index_cast %swap3A_776 : i32 to index
      %swap3A_779 = arith.index_cast %swap3A_777 : i32 to index
      %swap3A_780 = arith.index_cast %mul3A_752 : i32 to index
      %swap3A_781 = tpu.vector_load %arg6[%swap3A_778, %swap3A_779, %swap3A_780] {strides = array<i32>} : memref<3x2x16000xf32, #tpu.memory_space<vmem>>, vector<1x1x16xf32>,
      %swap3A_782 = vector.shape_cast %swap3A_781 : vector<1x1x16xf32> to vector<16xf32>
      %swap3A_783 = vector.shape_cast %select_n3A_775 : vector<16xf32> to vector<1x1x16xf32>
      tpu.vector_store %arg6[%swap3A_778, %swap3A_779, %swap3A_780], %swap3A_783 {strides = array<i32>} : memref<3x2x16000xf32, #tpu.memory_space<vmem>>, vector<1x1x16xf32>,
      %scan3A_784 = arith.constant 1 : i32
      %scan3A_785 = arith.addi %scan3A_750, %scan3A_784 : i32
      %mul3A_786 = arith.constant 16 : i32
      %mul3A_787 = arith.muli %scan3A_785, %mul3A_786 : i32
      %get3A_788 = arith.constant 1 : i32
      %get3A_789 = arith.constant 0 : i32
      %get3A_790 = arith.index_cast %get3A_788 : i32 to index
      %get3A_791 = arith.index_cast %get3A_789 : i32 to index
      %get3A_792 = arith.index_cast %mul3A_787 : i32 to index
      %get3A_793 = tpu.vector_load %arg6[%get3A_790, %get3A_791, %get3A_792] {strides = array<i32>} : memref<3x2x16000xf32, #tpu.memory_space<vmem>>, vector<1x1x16xf32>,
      %get3A_794 = vector.shape_cast %get3A_793 : vector<1x1x16xf32> to vector<16xf32>
      %get3A_795 = arith.constant 1 : i32
      %get3A_796 = arith.constant 1 : i32
      %get3A_797 = arith.index_cast %get3A_795 : i32 to index
      %get3A_798 = arith.index_cast %get3A_796 : i32 to index
      %get3A_799 = arith.index_cast %mul3A_787 : i32 to index
      %get3A_800 = tpu.vector_load %arg6[%get3A_797, %get3A_798, %get3A_799] {strides = array<i32>} : memref<3x2x16000xf32, #tpu.memory_space<vmem>>, vector<1x1x16xf32>,
      %get3A_801 = vector.shape_cast %get3A_800 : vector<1x1x16xf32> to vector<16xf32>
      %select_n3A_802 = arith.select %eq3A_72, %get3A_801, %get3A_794 : vector<16xi1>, vector<16xf32>
      %swap3A_803 = arith.constant 1 : i32
      %swap3A_804 = arith.constant 0 : i32
      %swap3A_805 = arith.index_cast %swap3A_803 : i32 to index
      %swap3A_806 = arith.index_cast %swap3A_804 : i32 to index
      %swap3A_807 = arith.index_cast %mul3A_787 : i32 to index
      %swap3A_808 = tpu.vector_load %arg6[%swap3A_805, %swap3A_806, %swap3A_807] {strides = array<i32>} : memref<3x2x16000xf32, #tpu.memory_space<vmem>>, vector<1x1x16xf32>,
      %swap3A_809 = vector.shape_cast %swap3A_808 : vector<1x1x16xf32> to vector<16xf32>
      %swap3A_810 = vector.shape_cast %select_n3A_802 : vector<16xf32> to vector<1x1x16xf32>
      tpu.vector_store %arg6[%swap3A_805, %swap3A_806, %swap3A_807], %swap3A_810 {strides = array<i32>} : memref<3x2x16000xf32, #tpu.memory_space<vmem>>, vector<1x1x16xf32>,
      %select_n3A_811 = arith.select %eq3A_72, %get3A_794, %get3A_801 : vector<16xi1>, vector<16xf32>
      %swap3A_812 = arith.constant 1 : i32
      %swap3A_813 = arith.constant 1 : i32
      %swap3A_814 = arith.index_cast %swap3A_812 : i32 to index
      %swap3A_815 = arith.index_cast %swap3A_813 : i32 to index
      %swap3A_816 = arith.index_cast %mul3A_787 : i32 to index
      %swap3A_817 = tpu.vector_load %arg6[%swap3A_814, %swap3A_815, %swap3A_816] {strides = array<i32>} : memref<3x2x16000xf32, #tpu.memory_space<vmem>>, vector<1x1x16xf32>,
      %swap3A_818 = vector.shape_cast %swap3A_817 : vector<1x1x16xf32> to vector<16xf32>
      %swap3A_819 = vector.shape_cast %select_n3A_811 : vector<16xf32> to vector<1x1x16xf32>
      tpu.vector_store %arg6[%swap3A_814, %swap3A_815, %swap3A_816], %swap3A_819 {strides = array<i32>} : memref<3x2x16000xf32, #tpu.memory_space<vmem>>, vector<1x1x16xf32>,
      %scan3A_820 = arith.constant 2 : i32
      %scan3A_821 = arith.addi %scan3A_750, %scan3A_820 : i32
      %mul3A_822 = arith.constant 16 : i32
      %mul3A_823 = arith.muli %scan3A_821, %mul3A_822 : i32
      %get3A_824 = arith.constant 1 : i32
      %get3A_825 = arith.constant 0 : i32
      %get3A_826 = arith.index_cast %get3A_824 : i32 to index
      %get3A_827 = arith.index_cast %get3A_825 : i32 to index
      %get3A_828 = arith.index_cast %mul3A_823 : i32 to index
      %get3A_829 = tpu.vector_load %arg6[%get3A_826, %get3A_827, %get3A_828] {strides = array<i32>} : memref<3x2x16000xf32, #tpu.memory_space<vmem>>, vector<1x1x16xf32>,
      %get3A_830 = vector.shape_cast %get3A_829 : vector<1x1x16xf32> to vector<16xf32>
      %get3A_831 = arith.constant 1 : i32
      %get3A_832 = arith.constant 1 : i32
      %get3A_833 = arith.index_cast %get3A_831 : i32 to index
      %get3A_834 = arith.index_cast %get3A_832 : i32 to index
      %get3A_835 = arith.index_cast %mul3A_823 : i32 to index
      %get3A_836 = tpu.vector_load %arg6[%get3A_833, %get3A_834, %get3A_835] {strides = array<i32>} : memref<3x2x16000xf32, #tpu.memory_space<vmem>>, vector<1x1x16xf32>,
      %get3A_837 = vector.shape_cast %get3A_836 : vector<1x1x16xf32> to vector<16xf32>
      %select_n3A_838 = arith.select %eq3A_72, %get3A_837, %get3A_830 : vector<16xi1>, vector<16xf32>
      %swap3A_839 = arith.constant 1 : i32
      %swap3A_840 = arith.constant 0 : i32
      %swap3A_841 = arith.index_cast %swap3A_839 : i32 to index
      %swap3A_842 = arith.index_cast %swap3A_840 : i32 to index
      %swap3A_843 = arith.index_cast %mul3A_823 : i32 to index
      %swap3A_844 = tpu.vector_load %arg6[%swap3A_841, %swap3A_842, %swap3A_843] {strides = array<i32>} : memref<3x2x16000xf32, #tpu.memory_space<vmem>>, vector<1x1x16xf32>,
      %swap3A_845 = vector.shape_cast %swap3A_844 : vector<1x1x16xf32> to vector<16xf32>
      %swap3A_846 = vector.shape_cast %select_n3A_838 : vector<16xf32> to vector<1x1x16xf32>
      tpu.vector_store %arg6[%swap3A_841, %swap3A_842, %swap3A_843], %swap3A_846 {strides = array<i32>} : memref<3x2x16000xf32, #tpu.memory_space<vmem>>, vector<1x1x16xf32>,
      %select_n3A_847 = arith.select %eq3A_72, %get3A_830, %get3A_837 : vector<16xi1>, vector<16xf32>
      %swap3A_848 = arith.constant 1 : i32
      %swap3A_849 = arith.constant 1 : i32
      %swap3A_850 = arith.index_cast %swap3A_848 : i32 to index
      %swap3A_851 = arith.index_cast %swap3A_849 : i32 to index
      %swap3A_852 = arith.index_cast %mul3A_823 : i32 to index
      %swap3A_853 = tpu.vector_load %arg6[%swap3A_850, %swap3A_851, %swap3A_852] {strides = array<i32>} : memref<3x2x16000xf32, #tpu.memory_space<vmem>>, vector<1x1x16xf32>,
      %swap3A_854 = vector.shape_cast %swap3A_853 : vector<1x1x16xf32> to vector<16xf32>
      %swap3A_855 = vector.shape_cast %select_n3A_847 : vector<16xf32> to vector<1x1x16xf32>
      tpu.vector_store %arg6[%swap3A_850, %swap3A_851, %swap3A_852], %swap3A_855 {strides = array<i32>} : memref<3x2x16000xf32, #tpu.memory_space<vmem>>, vector<1x1x16xf32>,
      %scan3A_856 = arith.constant 3 : i32
      %scan3A_857 = arith.addi %scan3A_750, %scan3A_856 : i32
      %mul3A_858 = arith.constant 16 : i32
      %mul3A_859 = arith.muli %scan3A_857, %mul3A_858 : i32
      %get3A_860 = arith.constant 1 : i32
      %get3A_861 = arith.constant 0 : i32
      %get3A_862 = arith.index_cast %get3A_860 : i32 to index
      %get3A_863 = arith.index_cast %get3A_861 : i32 to index
      %get3A_864 = arith.index_cast %mul3A_859 : i32 to index
      %get3A_865 = tpu.vector_load %arg6[%get3A_862, %get3A_863, %get3A_864] {strides = array<i32>} : memref<3x2x16000xf32, #tpu.memory_space<vmem>>, vector<1x1x16xf32>,
      %get3A_866 = vector.shape_cast %get3A_865 : vector<1x1x16xf32> to vector<16xf32>
      %get3A_867 = arith.constant 1 : i32
      %get3A_868 = arith.constant 1 : i32
      %get3A_869 = arith.index_cast %get3A_867 : i32 to index
      %get3A_870 = arith.index_cast %get3A_868 : i32 to index
      %get3A_871 = arith.index_cast %mul3A_859 : i32 to index
      %get3A_872 = tpu.vector_load %arg6[%get3A_869, %get3A_870, %get3A_871] {strides = array<i32>} : memref<3x2x16000xf32, #tpu.memory_space<vmem>>, vector<1x1x16xf32>,
      %get3A_873 = vector.shape_cast %get3A_872 : vector<1x1x16xf32> to vector<16xf32>
      %select_n3A_874 = arith.select %eq3A_72, %get3A_873, %get3A_866 : vector<16xi1>, vector<16xf32>
      %swap3A_875 = arith.constant 1 : i32
      %swap3A_876 = arith.constant 0 : i32
      %swap3A_877 = arith.index_cast %swap3A_875 : i32 to index
      %swap3A_878 = arith.index_cast %swap3A_876 : i32 to index
      %swap3A_879 = arith.index_cast %mul3A_859 : i32 to index
      %swap3A_880 = tpu.vector_load %arg6[%swap3A_877, %swap3A_878, %swap3A_879] {strides = array<i32>} : memref<3x2x16000xf32, #tpu.memory_space<vmem>>, vector<1x1x16xf32>,
      %swap3A_881 = vector.shape_cast %swap3A_880 : vector<1x1x16xf32> to vector<16xf32>
      %swap3A_882 = vector.shape_cast %select_n3A_874 : vector<16xf32> to vector<1x1x16xf32>
      tpu.vector_store %arg6[%swap3A_877, %swap3A_878, %swap3A_879], %swap3A_882 {strides = array<i32>} : memref<3x2x16000xf32, #tpu.memory_space<vmem>>, vector<1x1x16xf32>,
      %select_n3A_883 = arith.select %eq3A_72, %get3A_866, %get3A_873 : vector<16xi1>, vector<16xf32>
      %swap3A_884 = arith.constant 1 : i32
      %swap3A_885 = arith.constant 1 : i32
      %swap3A_886 = arith.index_cast %swap3A_884 : i32 to index
      %swap3A_887 = arith.index_cast %swap3A_885 : i32 to index
      %swap3A_888 = arith.index_cast %mul3A_859 : i32 to index
      %swap3A_889 = tpu.vector_load %arg6[%swap3A_886, %swap3A_887, %swap3A_888] {strides = array<i32>} : memref<3x2x16000xf32, #tpu.memory_space<vmem>>, vector<1x1x16xf32>,
      %swap3A_890 = vector.shape_cast %swap3A_889 : vector<1x1x16xf32> to vector<16xf32>
      %swap3A_891 = vector.shape_cast %select_n3A_883 : vector<16xf32> to vector<1x1x16xf32>
      tpu.vector_store %arg6[%swap3A_886, %swap3A_887, %swap3A_888], %swap3A_891 {strides = array<i32>} : memref<3x2x16000xf32, #tpu.memory_space<vmem>>, vector<1x1x16xf32>,
      %scan3A_892 = arith.constant 4 : i32
      %scan3A_893 = arith.addi %scan3A_750, %scan3A_892 : i32
      %mul3A_894 = arith.constant 16 : i32
      %mul3A_895 = arith.muli %scan3A_893, %mul3A_894 : i32
      %get3A_896 = arith.constant 1 : i32
      %get3A_897 = arith.constant 0 : i32
      %get3A_898 = arith.index_cast %get3A_896 : i32 to index
      %get3A_899 = arith.index_cast %get3A_897 : i32 to index
      %get3A_900 = arith.index_cast %mul3A_895 : i32 to index
      %get3A_901 = tpu.vector_load %arg6[%get3A_898, %get3A_899, %get3A_900] {strides = array<i32>} : memref<3x2x16000xf32, #tpu.memory_space<vmem>>, vector<1x1x16xf32>,
      %get3A_902 = vector.shape_cast %get3A_901 : vector<1x1x16xf32> to vector<16xf32>
      %get3A_903 = arith.constant 1 : i32
      %get3A_904 = arith.constant 1 : i32
      %get3A_905 = arith.index_cast %get3A_903 : i32 to index
      %get3A_906 = arith.index_cast %get3A_904 : i32 to index
      %get3A_907 = arith.index_cast %mul3A_895 : i32 to index
      %get3A_908 = tpu.vector_load %arg6[%get3A_905, %get3A_906, %get3A_907] {strides = array<i32>} : memref<3x2x16000xf32, #tpu.memory_space<vmem>>, vector<1x1x16xf32>,
      %get3A_909 = vector.shape_cast %get3A_908 : vector<1x1x16xf32> to vector<16xf32>
      %select_n3A_910 = arith.select %eq3A_72, %get3A_909, %get3A_902 : vector<16xi1>, vector<16xf32>
      %swap3A_911 = arith.constant 1 : i32
      %swap3A_912 = arith.constant 0 : i32
      %swap3A_913 = arith.index_cast %swap3A_911 : i32 to index
      %swap3A_914 = arith.index_cast %swap3A_912 : i32 to index
      %swap3A_915 = arith.index_cast %mul3A_895 : i32 to index
      %swap3A_916 = tpu.vector_load %arg6[%swap3A_913, %swap3A_914, %swap3A_915] {strides = array<i32>} : memref<3x2x16000xf32, #tpu.memory_space<vmem>>, vector<1x1x16xf32>,
      %swap3A_917 = vector.shape_cast %swap3A_916 : vector<1x1x16xf32> to vector<16xf32>
      %swap3A_918 = vector.shape_cast %select_n3A_910 : vector<16xf32> to vector<1x1x16xf32>
      tpu.vector_store %arg6[%swap3A_913, %swap3A_914, %swap3A_915], %swap3A_918 {strides = array<i32>} : memref<3x2x16000xf32, #tpu.memory_space<vmem>>, vector<1x1x16xf32>,
      %select_n3A_919 = arith.select %eq3A_72, %get3A_902, %get3A_909 : vector<16xi1>, vector<16xf32>
      %swap3A_920 = arith.constant 1 : i32
      %swap3A_921 = arith.constant 1 : i32
      %swap3A_922 = arith.index_cast %swap3A_920 : i32 to index
      %swap3A_923 = arith.index_cast %swap3A_921 : i32 to index
      %swap3A_924 = arith.index_cast %mul3A_895 : i32 to index
      %swap3A_925 = tpu.vector_load %arg6[%swap3A_922, %swap3A_923, %swap3A_924] {strides = array<i32>} : memref<3x2x16000xf32, #tpu.memory_space<vmem>>, vector<1x1x16xf32>,
      %swap3A_926 = vector.shape_cast %swap3A_925 : vector<1x1x16xf32> to vector<16xf32>
      %swap3A_927 = vector.shape_cast %select_n3A_919 : vector<16xf32> to vector<1x1x16xf32>
      tpu.vector_store %arg6[%swap3A_922, %swap3A_923, %swap3A_924], %swap3A_927 {strides = array<i32>} : memref<3x2x16000xf32, #tpu.memory_space<vmem>>, vector<1x1x16xf32>,
      %scan3A_928 = arith.constant 5 : i32
      %scan3A_929 = arith.addi %scan3A_750, %scan3A_928 : i32
      %mul3A_930 = arith.constant 16 : i32
      %mul3A_931 = arith.muli %scan3A_929, %mul3A_930 : i32
      %get3A_932 = arith.constant 1 : i32
      %get3A_933 = arith.constant 0 : i32
      %get3A_934 = arith.index_cast %get3A_932 : i32 to index
      %get3A_935 = arith.index_cast %get3A_933 : i32 to index
      %get3A_936 = arith.index_cast %mul3A_931 : i32 to index
      %get3A_937 = tpu.vector_load %arg6[%get3A_934, %get3A_935, %get3A_936] {strides = array<i32>} : memref<3x2x16000xf32, #tpu.memory_space<vmem>>, vector<1x1x16xf32>,
      %get3A_938 = vector.shape_cast %get3A_937 : vector<1x1x16xf32> to vector<16xf32>
      %get3A_939 = arith.constant 1 : i32
      %get3A_940 = arith.constant 1 : i32
      %get3A_941 = arith.index_cast %get3A_939 : i32 to index
      %get3A_942 = arith.index_cast %get3A_940 : i32 to index
      %get3A_943 = arith.index_cast %mul3A_931 : i32 to index
      %get3A_944 = tpu.vector_load %arg6[%get3A_941, %get3A_942, %get3A_943] {strides = array<i32>} : memref<3x2x16000xf32, #tpu.memory_space<vmem>>, vector<1x1x16xf32>,
      %get3A_945 = vector.shape_cast %get3A_944 : vector<1x1x16xf32> to vector<16xf32>
      %select_n3A_946 = arith.select %eq3A_72, %get3A_945, %get3A_938 : vector<16xi1>, vector<16xf32>
      %swap3A_947 = arith.constant 1 : i32
      %swap3A_948 = arith.constant 0 : i32
      %swap3A_949 = arith.index_cast %swap3A_947 : i32 to index
      %swap3A_950 = arith.index_cast %swap3A_948 : i32 to index
      %swap3A_951 = arith.index_cast %mul3A_931 : i32 to index
      %swap3A_952 = tpu.vector_load %arg6[%swap3A_949, %swap3A_950, %swap3A_951] {strides = array<i32>} : memref<3x2x16000xf32, #tpu.memory_space<vmem>>, vector<1x1x16xf32>,
      %swap3A_953 = vector.shape_cast %swap3A_952 : vector<1x1x16xf32> to vector<16xf32>
      %swap3A_954 = vector.shape_cast %select_n3A_946 : vector<16xf32> to vector<1x1x16xf32>
      tpu.vector_store %arg6[%swap3A_949, %swap3A_950, %swap3A_951], %swap3A_954 {strides = array<i32>} : memref<3x2x16000xf32, #tpu.memory_space<vmem>>, vector<1x1x16xf32>,
      %select_n3A_955 = arith.select %eq3A_72, %get3A_938, %get3A_945 : vector<16xi1>, vector<16xf32>
      %swap3A_956 = arith.constant 1 : i32
      %swap3A_957 = arith.constant 1 : i32
      %swap3A_958 = arith.index_cast %swap3A_956 : i32 to index
      %swap3A_959 = arith.index_cast %swap3A_957 : i32 to index
      %swap3A_960 = arith.index_cast %mul3A_931 : i32 to index
      %swap3A_961 = tpu.vector_load %arg6[%swap3A_958, %swap3A_959, %swap3A_960] {strides = array<i32>} : memref<3x2x16000xf32, #tpu.memory_space<vmem>>, vector<1x1x16xf32>,
      %swap3A_962 = vector.shape_cast %swap3A_961 : vector<1x1x16xf32> to vector<16xf32>
      %swap3A_963 = vector.shape_cast %select_n3A_955 : vector<16xf32> to vector<1x1x16xf32>
      tpu.vector_store %arg6[%swap3A_958, %swap3A_959, %swap3A_960], %swap3A_963 {strides = array<i32>} : memref<3x2x16000xf32, #tpu.memory_space<vmem>>, vector<1x1x16xf32>,
      %scan3A_964 = arith.constant 6 : i32
      %scan3A_965 = arith.addi %scan3A_750, %scan3A_964 : i32
      %mul3A_966 = arith.constant 16 : i32
      %mul3A_967 = arith.muli %scan3A_965, %mul3A_966 : i32
      %get3A_968 = arith.constant 1 : i32
      %get3A_969 = arith.constant 0 : i32
      %get3A_970 = arith.index_cast %get3A_968 : i32 to index
      %get3A_971 = arith.index_cast %get3A_969 : i32 to index
      %get3A_972 = arith.index_cast %mul3A_967 : i32 to index
      %get3A_973 = tpu.vector_load %arg6[%get3A_970, %get3A_971, %get3A_972] {strides = array<i32>} : memref<3x2x16000xf32, #tpu.memory_space<vmem>>, vector<1x1x16xf32>,
      %get3A_974 = vector.shape_cast %get3A_973 : vector<1x1x16xf32> to vector<16xf32>
      %get3A_975 = arith.constant 1 : i32
      %get3A_976 = arith.constant 1 : i32
      %get3A_977 = arith.index_cast %get3A_975 : i32 to index
      %get3A_978 = arith.index_cast %get3A_976 : i32 to index
      %get3A_979 = arith.index_cast %mul3A_967 : i32 to index
      %get3A_980 = tpu.vector_load %arg6[%get3A_977, %get3A_978, %get3A_979] {strides = array<i32>} : memref<3x2x16000xf32, #tpu.memory_space<vmem>>, vector<1x1x16xf32>,
      %get3A_981 = vector.shape_cast %get3A_980 : vector<1x1x16xf32> to vector<16xf32>
      %select_n3A_982 = arith.select %eq3A_72, %get3A_981, %get3A_974 : vector<16xi1>, vector<16xf32>
      %swap3A_983 = arith.constant 1 : i32
      %swap3A_984 = arith.constant 0 : i32
      %swap3A_985 = arith.index_cast %swap3A_983 : i32 to index
      %swap3A_986 = arith.index_cast %swap3A_984 : i32 to index
      %swap3A_987 = arith.index_cast %mul3A_967 : i32 to index
      %swap3A_988 = tpu.vector_load %arg6[%swap3A_985, %swap3A_986, %swap3A_987] {strides = array<i32>} : memref<3x2x16000xf32, #tpu.memory_space<vmem>>, vector<1x1x16xf32>,
      %swap3A_989 = vector.shape_cast %swap3A_988 : vector<1x1x16xf32> to vector<16xf32>
      %swap3A_990 = vector.shape_cast %select_n3A_982 : vector<16xf32> to vector<1x1x16xf32>
      tpu.vector_store %arg6[%swap3A_985, %swap3A_986, %swap3A_987], %swap3A_990 {strides = array<i32>} : memref<3x2x16000xf32, #tpu.memory_space<vmem>>, vector<1x1x16xf32>,
      %select_n3A_991 = arith.select %eq3A_72, %get3A_974, %get3A_981 : vector<16xi1>, vector<16xf32>
      %swap3A_992 = arith.constant 1 : i32
      %swap3A_993 = arith.constant 1 : i32
      %swap3A_994 = arith.index_cast %swap3A_992 : i32 to index
      %swap3A_995 = arith.index_cast %swap3A_993 : i32 to index
      %swap3A_996 = arith.index_cast %mul3A_967 : i32 to index
      %swap3A_997 = tpu.vector_load %arg6[%swap3A_994, %swap3A_995, %swap3A_996] {strides = array<i32>} : memref<3x2x16000xf32, #tpu.memory_space<vmem>>, vector<1x1x16xf32>,
      %swap3A_998 = vector.shape_cast %swap3A_997 : vector<1x1x16xf32> to vector<16xf32>
      %swap3A_999 = vector.shape_cast %select_n3A_991 : vector<16xf32> to vector<1x1x16xf32>
      tpu.vector_store %arg6[%swap3A_994, %swap3A_995, %swap3A_996], %swap3A_999 {strides = array<i32>} : memref<3x2x16000xf32, #tpu.memory_space<vmem>>, vector<1x1x16xf32>,
      %scan3A_1000 = arith.constant 7 : i32
      %scan3A_1001 = arith.addi %scan3A_750, %scan3A_1000 : i32
      %mul3A_1002 = arith.constant 16 : i32
      %mul3A_1003 = arith.muli %scan3A_1001, %mul3A_1002 : i32
      %get3A_1004 = arith.constant 1 : i32
      %get3A_1005 = arith.constant 0 : i32
      %get3A_1006 = arith.index_cast %get3A_1004 : i32 to index
      %get3A_1007 = arith.index_cast %get3A_1005 : i32 to index
      %get3A_1008 = arith.index_cast %mul3A_1003 : i32 to index
      %get3A_1009 = tpu.vector_load %arg6[%get3A_1006, %get3A_1007, %get3A_1008] {strides = array<i32>} : memref<3x2x16000xf32, #tpu.memory_space<vmem>>, vector<1x1x16xf32>,
      %get3A_1010 = vector.shape_cast %get3A_1009 : vector<1x1x16xf32> to vector<16xf32>
      %get3A_1011 = arith.constant 1 : i32
      %get3A_1012 = arith.constant 1 : i32
      %get3A_1013 = arith.index_cast %get3A_1011 : i32 to index
      %get3A_1014 = arith.index_cast %get3A_1012 : i32 to index
      %get3A_1015 = arith.index_cast %mul3A_1003 : i32 to index
      %get3A_1016 = tpu.vector_load %arg6[%get3A_1013, %get3A_1014, %get3A_1015] {strides = array<i32>} : memref<3x2x16000xf32, #tpu.memory_space<vmem>>, vector<1x1x16xf32>,
      %get3A_1017 = vector.shape_cast %get3A_1016 : vector<1x1x16xf32> to vector<16xf32>
      %select_n3A_1018 = arith.select %eq3A_72, %get3A_1017, %get3A_1010 : vector<16xi1>, vector<16xf32>
      %swap3A_1019 = arith.constant 1 : i32
      %swap3A_1020 = arith.constant 0 : i32
      %swap3A_1021 = arith.index_cast %swap3A_1019 : i32 to index
      %swap3A_1022 = arith.index_cast %swap3A_1020 : i32 to index
      %swap3A_1023 = arith.index_cast %mul3A_1003 : i32 to index
      %swap3A_1024 = tpu.vector_load %arg6[%swap3A_1021, %swap3A_1022, %swap3A_1023] {strides = array<i32>} : memref<3x2x16000xf32, #tpu.memory_space<vmem>>, vector<1x1x16xf32>,
      %swap3A_1025 = vector.shape_cast %swap3A_1024 : vector<1x1x16xf32> to vector<16xf32>
      %swap3A_1026 = vector.shape_cast %select_n3A_1018 : vector<16xf32> to vector<1x1x16xf32>
      tpu.vector_store %arg6[%swap3A_1021, %swap3A_1022, %swap3A_1023], %swap3A_1026 {strides = array<i32>} : memref<3x2x16000xf32, #tpu.memory_space<vmem>>, vector<1x1x16xf32>,
      %select_n3A_1027 = arith.select %eq3A_72, %get3A_1010, %get3A_1017 : vector<16xi1>, vector<16xf32>
      %swap3A_1028 = arith.constant 1 : i32
      %swap3A_1029 = arith.constant 1 : i32
      %swap3A_1030 = arith.index_cast %swap3A_1028 : i32 to index
      %swap3A_1031 = arith.index_cast %swap3A_1029 : i32 to index
      %swap3A_1032 = arith.index_cast %mul3A_1003 : i32 to index
      %swap3A_1033 = tpu.vector_load %arg6[%swap3A_1030, %swap3A_1031, %swap3A_1032] {strides = array<i32>} : memref<3x2x16000xf32, #tpu.memory_space<vmem>>, vector<1x1x16xf32>,
      %swap3A_1034 = vector.shape_cast %swap3A_1033 : vector<1x1x16xf32> to vector<16xf32>
      %swap3A_1035 = vector.shape_cast %select_n3A_1027 : vector<16xf32> to vector<1x1x16xf32>
      tpu.vector_store %arg6[%swap3A_1030, %swap3A_1031, %swap3A_1032], %swap3A_1035 {strides = array<i32>} : memref<3x2x16000xf32, #tpu.memory_space<vmem>>, vector<1x1x16xf32>,
    }
    %scan3A_367 = arith.constant 1000 : i32
    %dma_start3A_368 = arith.constant 1 : i32
    %dma_start3A_369 = arith.constant 0 : i32
    %dma_start3A_370 = arith.constant 0 : i32
    %dma_start3A_371 = tpu.memref_slice %arg6[%dma_start3A_368, %dma_start3A_369, %dma_start3A_370] : memref<3x2x16000xf32, #tpu.memory_space<vmem>> -> memref<1x2x16000xf32, #tpu.memory_space<vmem>>
    %dma_start3A_372 = tpu.memref_squeeze %dma_start3A_371 : memref<1x2x16000xf32, #tpu.memory_space<vmem>> -> memref<2x16000xf32, #tpu.memory_space<vmem>>
    %dma_start3A_373 = arith.constant 0 : i32
    %dma_start3A_374 = arith.constant 64000 : i32
    %dma_start3A_375 = tpu.memref_slice %arg4[%select_n3A, %select_n3A_30, %dma_start3A_373, %dma_start3A_374] : memref<8x4x2x160000xf32, #tpu.memory_space<hbm>> -> memref<1x1x2x16000xf32, #tpu.memory_space<hbm>>
    %dma_start3A_376 = tpu.memref_squeeze %dma_start3A_375 : memref<1x1x2x16000xf32, #tpu.memory_space<hbm>> -> memref<2x16000xf32, #tpu.memory_space<hbm>>
    %dma_start3A_377 = arith.constant 0 : i32
    %dma_start3A_378 = arith.constant 64000 : i32
    %dma_start3A_379 = tpu.memref_slice %arg4[%select_n3A, %select_n3A_30, %dma_start3A_377, %dma_start3A_378] : memref<8x4x2x160000xf32, #tpu.memory_space<hbm>> -> memref<1x1x2x16000xf32, #tpu.memory_space<hbm>>
    %dma_start3A_380 = tpu.memref_squeeze %dma_start3A_379 : memref<1x1x2x16000xf32, #tpu.memory_space<hbm>> -> memref<2x16000xf32, #tpu.memory_space<hbm>>
    %dma_start3A_381 = arith.constant 0 : i32
    %dma_start3A_382 = arith.constant 0 : i32
    %dma_start3A_383 = tpu.memref_slice %arg6[%dma_start3A_368, %dma_start3A_381, %dma_start3A_382] : memref<3x2x16000xf32, #tpu.memory_space<vmem>> -> memref<1x2x16000xf32, #tpu.memory_space<vmem>>
    %dma_start3A_384 = tpu.memref_squeeze %dma_start3A_383 : memref<1x2x16000xf32, #tpu.memory_space<vmem>> -> memref<2x16000xf32, #tpu.memory_space<vmem>>
    tpu.enqueue_dma source(%dma_start3A_384 : memref<2x16000xf32, #tpu.memory_space<vmem>>) target(%dma_start3A_380 : memref<2x16000xf32, #tpu.memory_space<hbm>>) target_semaphore(%arg11 : memref<!tpu.dma_semaphore, #tpu.memory_space<semaphore_mem>>)
    %dma_wait3A_385 = arith.constant 0 : i32
    %dma_wait3A_386 = arith.constant 0 : i32
    %dma_wait3A_387 = arith.constant 0 : i32
    %dma_wait3A_388 = tpu.memref_slice %arg6[%dma_wait3A_385, %dma_wait3A_386, %dma_wait3A_387] : memref<3x2x16000xf32, #tpu.memory_space<vmem>> -> memref<1x2x16000xf32, #tpu.memory_space<vmem>>
    %dma_wait3A_389 = tpu.memref_squeeze %dma_wait3A_388 : memref<1x2x16000xf32, #tpu.memory_space<vmem>> -> memref<2x16000xf32, #tpu.memory_space<vmem>>
    %dma_wait3A_390 = arith.constant 0 : i32
    %dma_wait3A_391 = arith.constant 48000 : i32
    %dma_wait3A_392 = tpu.memref_slice %arg4[%select_n3A, %select_n3A_30, %dma_wait3A_390, %dma_wait3A_391] : memref<8x4x2x160000xf32, #tpu.memory_space<hbm>> -> memref<1x1x2x16000xf32, #tpu.memory_space<hbm>>
    %dma_wait3A_393 = tpu.memref_squeeze %dma_wait3A_392 : memref<1x1x2x16000xf32, #tpu.memory_space<hbm>> -> memref<2x16000xf32, #tpu.memory_space<hbm>>
    %dma_wait3A_394 = arith.constant 0 : i32
    %dma_wait3A_395 = arith.constant 48000 : i32
    %dma_wait3A_396 = tpu.memref_slice %arg4[%select_n3A, %select_n3A_30, %dma_wait3A_394, %dma_wait3A_395] : memref<8x4x2x160000xf32, #tpu.memory_space<hbm>> -> memref<1x1x2x16000xf32, #tpu.memory_space<hbm>>
    %dma_wait3A_397 = tpu.memref_squeeze %dma_wait3A_396 : memref<1x1x2x16000xf32, #tpu.memory_space<hbm>> -> memref<2x16000xf32, #tpu.memory_space<hbm>>
    %dma_wait3A_398 = arith.constant 0 : i32
    %dma_wait3A_399 = arith.constant 0 : i32
    %dma_wait3A_400 = tpu.memref_slice %arg6[%dma_wait3A_385, %dma_wait3A_398, %dma_wait3A_399] : memref<3x2x16000xf32, #tpu.memory_space<vmem>> -> memref<1x2x16000xf32, #tpu.memory_space<vmem>>
    %dma_wait3A_401 = tpu.memref_squeeze %dma_wait3A_400 : memref<1x2x16000xf32, #tpu.memory_space<vmem>> -> memref<2x16000xf32, #tpu.memory_space<vmem>>
    tpu.wait_dma2 semaphore(%arg10 : memref<!tpu.dma_semaphore, #tpu.memory_space<semaphore_mem>>) src(%dma_wait3A_401 : memref<2x16000xf32, #tpu.memory_space<vmem>>) dst(%dma_wait3A_397 : memref<2x16000xf32, #tpu.memory_space<hbm>>)
    %dma_start3A_402 = arith.constant 0 : i32
    %dma_start3A_403 = arith.constant 0 : i32
    %dma_start3A_404 = arith.constant 0 : i32
    %dma_start3A_405 = tpu.memref_slice %arg6[%dma_start3A_402, %dma_start3A_403, %dma_start3A_404] : memref<3x2x16000xf32, #tpu.memory_space<vmem>> -> memref<1x2x16000xf32, #tpu.memory_space<vmem>>
    %dma_start3A_406 = tpu.memref_squeeze %dma_start3A_405 : memref<1x2x16000xf32, #tpu.memory_space<vmem>> -> memref<2x16000xf32, #tpu.memory_space<vmem>>
    %dma_start3A_407 = arith.constant 0 : i32
    %dma_start3A_408 = arith.constant 96000 : i32
    %dma_start3A_409 = tpu.memref_slice %arg2[%select_n3A, %select_n3A_30, %dma_start3A_407, %dma_start3A_408] : memref<8x4x2x160000xf32, #tpu.memory_space<hbm>> -> memref<1x1x2x16000xf32, #tpu.memory_space<hbm>>
    %dma_start3A_410 = tpu.memref_squeeze %dma_start3A_409 : memref<1x1x2x16000xf32, #tpu.memory_space<hbm>> -> memref<2x16000xf32, #tpu.memory_space<hbm>>
    %dma_start3A_411 = arith.constant 0 : i32
    %dma_start3A_412 = arith.constant 0 : i32
    %dma_start3A_413 = tpu.memref_slice %arg6[%dma_start3A_402, %dma_start3A_411, %dma_start3A_412] : memref<3x2x16000xf32, #tpu.memory_space<vmem>> -> memref<1x2x16000xf32, #tpu.memory_space<vmem>>
    %dma_start3A_414 = tpu.memref_squeeze %dma_start3A_413 : memref<1x2x16000xf32, #tpu.memory_space<vmem>> -> memref<2x16000xf32, #tpu.memory_space<vmem>>
    %dma_start3A_415 = arith.constant 0 : i32
    %dma_start3A_416 = arith.constant 96000 : i32
    %dma_start3A_417 = tpu.memref_slice %arg2[%select_n3A, %select_n3A_30, %dma_start3A_415, %dma_start3A_416] : memref<8x4x2x160000xf32, #tpu.memory_space<hbm>> -> memref<1x1x2x16000xf32, #tpu.memory_space<hbm>>
    %dma_start3A_418 = tpu.memref_squeeze %dma_start3A_417 : memref<1x1x2x16000xf32, #tpu.memory_space<hbm>> -> memref<2x16000xf32, #tpu.memory_space<hbm>>
    tpu.enqueue_dma source(%dma_start3A_418 : memref<2x16000xf32, #tpu.memory_space<hbm>>) target(%dma_start3A_414 : memref<2x16000xf32, #tpu.memory_space<vmem>>) target_semaphore(%arg7 : memref<!tpu.dma_semaphore, #tpu.memory_space<semaphore_mem>>)
    %dma_wait3A_419 = arith.constant 2 : i32
    %dma_wait3A_420 = arith.constant 0 : i32
    %dma_wait3A_421 = arith.constant 0 : i32
    %dma_wait3A_422 = tpu.memref_slice %arg6[%dma_wait3A_419, %dma_wait3A_420, %dma_wait3A_421] : memref<3x2x16000xf32, #tpu.memory_space<vmem>> -> memref<1x2x16000xf32, #tpu.memory_space<vmem>>
    %dma_wait3A_423 = tpu.memref_squeeze %dma_wait3A_422 : memref<1x2x16000xf32, #tpu.memory_space<vmem>> -> memref<2x16000xf32, #tpu.memory_space<vmem>>
    %dma_wait3A_424 = arith.constant 0 : i32
    %dma_wait3A_425 = arith.constant 80000 : i32
    %dma_wait3A_426 = tpu.memref_slice %arg2[%select_n3A, %select_n3A_30, %dma_wait3A_424, %dma_wait3A_425] : memref<8x4x2x160000xf32, #tpu.memory_space<hbm>> -> memref<1x1x2x16000xf32, #tpu.memory_space<hbm>>
    %dma_wait3A_427 = tpu.memref_squeeze %dma_wait3A_426 : memref<1x1x2x16000xf32, #tpu.memory_space<hbm>> -> memref<2x16000xf32, #tpu.memory_space<hbm>>
    %dma_wait3A_428 = arith.constant 0 : i32
    %dma_wait3A_429 = arith.constant 0 : i32
    %dma_wait3A_430 = tpu.memref_slice %arg6[%dma_wait3A_419, %dma_wait3A_428, %dma_wait3A_429] : memref<3x2x16000xf32, #tpu.memory_space<vmem>> -> memref<1x2x16000xf32, #tpu.memory_space<vmem>>
    %dma_wait3A_431 = tpu.memref_squeeze %dma_wait3A_430 : memref<1x2x16000xf32, #tpu.memory_space<vmem>> -> memref<2x16000xf32, #tpu.memory_space<vmem>>
    %dma_wait3A_432 = arith.constant 0 : i32
    %dma_wait3A_433 = arith.constant 80000 : i32
    %dma_wait3A_434 = tpu.memref_slice %arg2[%select_n3A, %select_n3A_30, %dma_wait3A_432, %dma_wait3A_433] : memref<8x4x2x160000xf32, #tpu.memory_space<hbm>> -> memref<1x1x2x16000xf32, #tpu.memory_space<hbm>>
    %dma_wait3A_435 = tpu.memref_squeeze %dma_wait3A_434 : memref<1x1x2x16000xf32, #tpu.memory_space<hbm>> -> memref<2x16000xf32, #tpu.memory_space<hbm>>
    tpu.wait_dma2 semaphore(%arg9 : memref<!tpu.dma_semaphore, #tpu.memory_space<semaphore_mem>>) src(%dma_wait3A_435 : memref<2x16000xf32, #tpu.memory_space<hbm>>) dst(%dma_wait3A_431 : memref<2x16000xf32, #tpu.memory_space<vmem>>)
    %scan3A_436 = arith.constant 0 : i32
    %scan3A_437 = arith.constant 1000 : i32
    %scan3A_438 = arith.addi %scan3A_436, %scan3A_437 : i32
    %scan3A_439 = arith.constant 8 : i32
    scf.for %scan3A_750 = %scan3A_436 to %scan3A_438 step %scan3A_439  : i32 {
      %mul3A_751 = arith.constant 16 : i32
      %mul3A_752 = arith.muli %scan3A_750, %mul3A_751 : i32
      %get3A_753 = arith.constant 2 : i32
      %get3A_754 = arith.constant 0 : i32
      %get3A_755 = arith.index_cast %get3A_753 : i32 to index
      %get3A_756 = arith.index_cast %get3A_754 : i32 to index
      %get3A_757 = arith.index_cast %mul3A_752 : i32 to index
      %get3A_758 = tpu.vector_load %arg6[%get3A_755, %get3A_756, %get3A_757] {strides = array<i32>} : memref<3x2x16000xf32, #tpu.memory_space<vmem>>, vector<1x1x16xf32>,
      %get3A_759 = vector.shape_cast %get3A_758 : vector<1x1x16xf32> to vector<16xf32>
      %get3A_760 = arith.constant 2 : i32
      %get3A_761 = arith.constant 1 : i32
      %get3A_762 = arith.index_cast %get3A_760 : i32 to index
      %get3A_763 = arith.index_cast %get3A_761 : i32 to index
      %get3A_764 = arith.index_cast %mul3A_752 : i32 to index
      %get3A_765 = tpu.vector_load %arg6[%get3A_762, %get3A_763, %get3A_764] {strides = array<i32>} : memref<3x2x16000xf32, #tpu.memory_space<vmem>>, vector<1x1x16xf32>,
      %get3A_766 = vector.shape_cast %get3A_765 : vector<1x1x16xf32> to vector<16xf32>
      %select_n3A_767 = arith.select %eq3A_72, %get3A_766, %get3A_759 : vector<16xi1>, vector<16xf32>
      %swap3A = arith.constant 2 : i32
      %swap3A_768 = arith.constant 0 : i32
      %swap3A_769 = arith.index_cast %swap3A : i32 to index
      %swap3A_770 = arith.index_cast %swap3A_768 : i32 to index
      %swap3A_771 = arith.index_cast %mul3A_752 : i32 to index
      %swap3A_772 = tpu.vector_load %arg6[%swap3A_769, %swap3A_770, %swap3A_771] {strides = array<i32>} : memref<3x2x16000xf32, #tpu.memory_space<vmem>>, vector<1x1x16xf32>,
      %swap3A_773 = vector.shape_cast %swap3A_772 : vector<1x1x16xf32> to vector<16xf32>
      %swap3A_774 = vector.shape_cast %select_n3A_767 : vector<16xf32> to vector<1x1x16xf32>
      tpu.vector_store %arg6[%swap3A_769, %swap3A_770, %swap3A_771], %swap3A_774 {strides = array<i32>} : memref<3x2x16000xf32, #tpu.memory_space<vmem>>, vector<1x1x16xf32>,
      %select_n3A_775 = arith.select %eq3A_72, %get3A_759, %get3A_766 : vector<16xi1>, vector<16xf32>
      %swap3A_776 = arith.constant 2 : i32
      %swap3A_777 = arith.constant 1 : i32
      %swap3A_778 = arith.index_cast %swap3A_776 : i32 to index
      %swap3A_779 = arith.index_cast %swap3A_777 : i32 to index
      %swap3A_780 = arith.index_cast %mul3A_752 : i32 to index
      %swap3A_781 = tpu.vector_load %arg6[%swap3A_778, %swap3A_779, %swap3A_780] {strides = array<i32>} : memref<3x2x16000xf32, #tpu.memory_space<vmem>>, vector<1x1x16xf32>,
      %swap3A_782 = vector.shape_cast %swap3A_781 : vector<1x1x16xf32> to vector<16xf32>
      %swap3A_783 = vector.shape_cast %select_n3A_775 : vector<16xf32> to vector<1x1x16xf32>
      tpu.vector_store %arg6[%swap3A_778, %swap3A_779, %swap3A_780], %swap3A_783 {strides = array<i32>} : memref<3x2x16000xf32, #tpu.memory_space<vmem>>, vector<1x1x16xf32>,
      %scan3A_784 = arith.constant 1 : i32
      %scan3A_785 = arith.addi %scan3A_750, %scan3A_784 : i32
      %mul3A_786 = arith.constant 16 : i32
      %mul3A_787 = arith.muli %scan3A_785, %mul3A_786 : i32
      %get3A_788 = arith.constant 2 : i32
      %get3A_789 = arith.constant 0 : i32
      %get3A_790 = arith.index_cast %get3A_788 : i32 to index
      %get3A_791 = arith.index_cast %get3A_789 : i32 to index
      %get3A_792 = arith.index_cast %mul3A_787 : i32 to index
      %get3A_793 = tpu.vector_load %arg6[%get3A_790, %get3A_791, %get3A_792] {strides = array<i32>} : memref<3x2x16000xf32, #tpu.memory_space<vmem>>, vector<1x1x16xf32>,
      %get3A_794 = vector.shape_cast %get3A_793 : vector<1x1x16xf32> to vector<16xf32>
      %get3A_795 = arith.constant 2 : i32
      %get3A_796 = arith.constant 1 : i32
      %get3A_797 = arith.index_cast %get3A_795 : i32 to index
      %get3A_798 = arith.index_cast %get3A_796 : i32 to index
      %get3A_799 = arith.index_cast %mul3A_787 : i32 to index
      %get3A_800 = tpu.vector_load %arg6[%get3A_797, %get3A_798, %get3A_799] {strides = array<i32>} : memref<3x2x16000xf32, #tpu.memory_space<vmem>>, vector<1x1x16xf32>,
      %get3A_801 = vector.shape_cast %get3A_800 : vector<1x1x16xf32> to vector<16xf32>
      %select_n3A_802 = arith.select %eq3A_72, %get3A_801, %get3A_794 : vector<16xi1>, vector<16xf32>
      %swap3A_803 = arith.constant 2 : i32
      %swap3A_804 = arith.constant 0 : i32
      %swap3A_805 = arith.index_cast %swap3A_803 : i32 to index
      %swap3A_806 = arith.index_cast %swap3A_804 : i32 to index
      %swap3A_807 = arith.index_cast %mul3A_787 : i32 to index
      %swap3A_808 = tpu.vector_load %arg6[%swap3A_805, %swap3A_806, %swap3A_807] {strides = array<i32>} : memref<3x2x16000xf32, #tpu.memory_space<vmem>>, vector<1x1x16xf32>,
      %swap3A_809 = vector.shape_cast %swap3A_808 : vector<1x1x16xf32> to vector<16xf32>
      %swap3A_810 = vector.shape_cast %select_n3A_802 : vector<16xf32> to vector<1x1x16xf32>
      tpu.vector_store %arg6[%swap3A_805, %swap3A_806, %swap3A_807], %swap3A_810 {strides = array<i32>} : memref<3x2x16000xf32, #tpu.memory_space<vmem>>, vector<1x1x16xf32>,
      %select_n3A_811 = arith.select %eq3A_72, %get3A_794, %get3A_801 : vector<16xi1>, vector<16xf32>
      %swap3A_812 = arith.constant 2 : i32
      %swap3A_813 = arith.constant 1 : i32
      %swap3A_814 = arith.index_cast %swap3A_812 : i32 to index
      %swap3A_815 = arith.index_cast %swap3A_813 : i32 to index
      %swap3A_816 = arith.index_cast %mul3A_787 : i32 to index
      %swap3A_817 = tpu.vector_load %arg6[%swap3A_814, %swap3A_815, %swap3A_816] {strides = array<i32>} : memref<3x2x16000xf32, #tpu.memory_space<vmem>>, vector<1x1x16xf32>,
      %swap3A_818 = vector.shape_cast %swap3A_817 : vector<1x1x16xf32> to vector<16xf32>
      %swap3A_819 = vector.shape_cast %select_n3A_811 : vector<16xf32> to vector<1x1x16xf32>
      tpu.vector_store %arg6[%swap3A_814, %swap3A_815, %swap3A_816], %swap3A_819 {strides = array<i32>} : memref<3x2x16000xf32, #tpu.memory_space<vmem>>, vector<1x1x16xf32>,
      %scan3A_820 = arith.constant 2 : i32
      %scan3A_821 = arith.addi %scan3A_750, %scan3A_820 : i32
      %mul3A_822 = arith.constant 16 : i32
      %mul3A_823 = arith.muli %scan3A_821, %mul3A_822 : i32
      %get3A_824 = arith.constant 2 : i32
      %get3A_825 = arith.constant 0 : i32
      %get3A_826 = arith.index_cast %get3A_824 : i32 to index
      %get3A_827 = arith.index_cast %get3A_825 : i32 to index
      %get3A_828 = arith.index_cast %mul3A_823 : i32 to index
      %get3A_829 = tpu.vector_load %arg6[%get3A_826, %get3A_827, %get3A_828] {strides = array<i32>} : memref<3x2x16000xf32, #tpu.memory_space<vmem>>, vector<1x1x16xf32>,
      %get3A_830 = vector.shape_cast %get3A_829 : vector<1x1x16xf32> to vector<16xf32>
      %get3A_831 = arith.constant 2 : i32
      %get3A_832 = arith.constant 1 : i32
      %get3A_833 = arith.index_cast %get3A_831 : i32 to index
      %get3A_834 = arith.index_cast %get3A_832 : i32 to index
      %get3A_835 = arith.index_cast %mul3A_823 : i32 to index
      %get3A_836 = tpu.vector_load %arg6[%get3A_833, %get3A_834, %get3A_835] {strides = array<i32>} : memref<3x2x16000xf32, #tpu.memory_space<vmem>>, vector<1x1x16xf32>,
      %get3A_837 = vector.shape_cast %get3A_836 : vector<1x1x16xf32> to vector<16xf32>
      %select_n3A_838 = arith.select %eq3A_72, %get3A_837, %get3A_830 : vector<16xi1>, vector<16xf32>
      %swap3A_839 = arith.constant 2 : i32
      %swap3A_840 = arith.constant 0 : i32
      %swap3A_841 = arith.index_cast %swap3A_839 : i32 to index
      %swap3A_842 = arith.index_cast %swap3A_840 : i32 to index
      %swap3A_843 = arith.index_cast %mul3A_823 : i32 to index
      %swap3A_844 = tpu.vector_load %arg6[%swap3A_841, %swap3A_842, %swap3A_843] {strides = array<i32>} : memref<3x2x16000xf32, #tpu.memory_space<vmem>>, vector<1x1x16xf32>,
      %swap3A_845 = vector.shape_cast %swap3A_844 : vector<1x1x16xf32> to vector<16xf32>
      %swap3A_846 = vector.shape_cast %select_n3A_838 : vector<16xf32> to vector<1x1x16xf32>
      tpu.vector_store %arg6[%swap3A_841, %swap3A_842, %swap3A_843], %swap3A_846 {strides = array<i32>} : memref<3x2x16000xf32, #tpu.memory_space<vmem>>, vector<1x1x16xf32>,
      %select_n3A_847 = arith.select %eq3A_72, %get3A_830, %get3A_837 : vector<16xi1>, vector<16xf32>
      %swap3A_848 = arith.constant 2 : i32
      %swap3A_849 = arith.constant 1 : i32
      %swap3A_850 = arith.index_cast %swap3A_848 : i32 to index
      %swap3A_851 = arith.index_cast %swap3A_849 : i32 to index
      %swap3A_852 = arith.index_cast %mul3A_823 : i32 to index
      %swap3A_853 = tpu.vector_load %arg6[%swap3A_850, %swap3A_851, %swap3A_852] {strides = array<i32>} : memref<3x2x16000xf32, #tpu.memory_space<vmem>>, vector<1x1x16xf32>,
      %swap3A_854 = vector.shape_cast %swap3A_853 : vector<1x1x16xf32> to vector<16xf32>
      %swap3A_855 = vector.shape_cast %select_n3A_847 : vector<16xf32> to vector<1x1x16xf32>
      tpu.vector_store %arg6[%swap3A_850, %swap3A_851, %swap3A_852], %swap3A_855 {strides = array<i32>} : memref<3x2x16000xf32, #tpu.memory_space<vmem>>, vector<1x1x16xf32>,
      %scan3A_856 = arith.constant 3 : i32
      %scan3A_857 = arith.addi %scan3A_750, %scan3A_856 : i32
      %mul3A_858 = arith.constant 16 : i32
      %mul3A_859 = arith.muli %scan3A_857, %mul3A_858 : i32
      %get3A_860 = arith.constant 2 : i32
      %get3A_861 = arith.constant 0 : i32
      %get3A_862 = arith.index_cast %get3A_860 : i32 to index
      %get3A_863 = arith.index_cast %get3A_861 : i32 to index
      %get3A_864 = arith.index_cast %mul3A_859 : i32 to index
      %get3A_865 = tpu.vector_load %arg6[%get3A_862, %get3A_863, %get3A_864] {strides = array<i32>} : memref<3x2x16000xf32, #tpu.memory_space<vmem>>, vector<1x1x16xf32>,
      %get3A_866 = vector.shape_cast %get3A_865 : vector<1x1x16xf32> to vector<16xf32>
      %get3A_867 = arith.constant 2 : i32
      %get3A_868 = arith.constant 1 : i32
      %get3A_869 = arith.index_cast %get3A_867 : i32 to index
      %get3A_870 = arith.index_cast %get3A_868 : i32 to index
      %get3A_871 = arith.index_cast %mul3A_859 : i32 to index
      %get3A_872 = tpu.vector_load %arg6[%get3A_869, %get3A_870, %get3A_871] {strides = array<i32>} : memref<3x2x16000xf32, #tpu.memory_space<vmem>>, vector<1x1x16xf32>,
      %get3A_873 = vector.shape_cast %get3A_872 : vector<1x1x16xf32> to vector<16xf32>
      %select_n3A_874 = arith.select %eq3A_72, %get3A_873, %get3A_866 : vector<16xi1>, vector<16xf32>
      %swap3A_875 = arith.constant 2 : i32
      %swap3A_876 = arith.constant 0 : i32
      %swap3A_877 = arith.index_cast %swap3A_875 : i32 to index
      %swap3A_878 = arith.index_cast %swap3A_876 : i32 to index
      %swap3A_879 = arith.index_cast %mul3A_859 : i32 to index
      %swap3A_880 = tpu.vector_load %arg6[%swap3A_877, %swap3A_878, %swap3A_879] {strides = array<i32>} : memref<3x2x16000xf32, #tpu.memory_space<vmem>>, vector<1x1x16xf32>,
      %swap3A_881 = vector.shape_cast %swap3A_880 : vector<1x1x16xf32> to vector<16xf32>
      %swap3A_882 = vector.shape_cast %select_n3A_874 : vector<16xf32> to vector<1x1x16xf32>
      tpu.vector_store %arg6[%swap3A_877, %swap3A_878, %swap3A_879], %swap3A_882 {strides = array<i32>} : memref<3x2x16000xf32, #tpu.memory_space<vmem>>, vector<1x1x16xf32>,
      %select_n3A_883 = arith.select %eq3A_72, %get3A_866, %get3A_873 : vector<16xi1>, vector<16xf32>
      %swap3A_884 = arith.constant 2 : i32
      %swap3A_885 = arith.constant 1 : i32
      %swap3A_886 = arith.index_cast %swap3A_884 : i32 to index
      %swap3A_887 = arith.index_cast %swap3A_885 : i32 to index
      %swap3A_888 = arith.index_cast %mul3A_859 : i32 to index
      %swap3A_889 = tpu.vector_load %arg6[%swap3A_886, %swap3A_887, %swap3A_888] {strides = array<i32>} : memref<3x2x16000xf32, #tpu.memory_space<vmem>>, vector<1x1x16xf32>,
      %swap3A_890 = vector.shape_cast %swap3A_889 : vector<1x1x16xf32> to vector<16xf32>
      %swap3A_891 = vector.shape_cast %select_n3A_883 : vector<16xf32> to vector<1x1x16xf32>
      tpu.vector_store %arg6[%swap3A_886, %swap3A_887, %swap3A_888], %swap3A_891 {strides = array<i32>} : memref<3x2x16000xf32, #tpu.memory_space<vmem>>, vector<1x1x16xf32>,
      %scan3A_892 = arith.constant 4 : i32
      %scan3A_893 = arith.addi %scan3A_750, %scan3A_892 : i32
      %mul3A_894 = arith.constant 16 : i32
      %mul3A_895 = arith.muli %scan3A_893, %mul3A_894 : i32
      %get3A_896 = arith.constant 2 : i32
      %get3A_897 = arith.constant 0 : i32
      %get3A_898 = arith.index_cast %get3A_896 : i32 to index
      %get3A_899 = arith.index_cast %get3A_897 : i32 to index
      %get3A_900 = arith.index_cast %mul3A_895 : i32 to index
      %get3A_901 = tpu.vector_load %arg6[%get3A_898, %get3A_899, %get3A_900] {strides = array<i32>} : memref<3x2x16000xf32, #tpu.memory_space<vmem>>, vector<1x1x16xf32>,
      %get3A_902 = vector.shape_cast %get3A_901 : vector<1x1x16xf32> to vector<16xf32>
      %get3A_903 = arith.constant 2 : i32
      %get3A_904 = arith.constant 1 : i32
      %get3A_905 = arith.index_cast %get3A_903 : i32 to index
      %get3A_906 = arith.index_cast %get3A_904 : i32 to index
      %get3A_907 = arith.index_cast %mul3A_895 : i32 to index
      %get3A_908 = tpu.vector_load %arg6[%get3A_905, %get3A_906, %get3A_907] {strides = array<i32>} : memref<3x2x16000xf32, #tpu.memory_space<vmem>>, vector<1x1x16xf32>,
      %get3A_909 = vector.shape_cast %get3A_908 : vector<1x1x16xf32> to vector<16xf32>
      %select_n3A_910 = arith.select %eq3A_72, %get3A_909, %get3A_902 : vector<16xi1>, vector<16xf32>
      %swap3A_911 = arith.constant 2 : i32
      %swap3A_912 = arith.constant 0 : i32
      %swap3A_913 = arith.index_cast %swap3A_911 : i32 to index
      %swap3A_914 = arith.index_cast %swap3A_912 : i32 to index
      %swap3A_915 = arith.index_cast %mul3A_895 : i32 to index
      %swap3A_916 = tpu.vector_load %arg6[%swap3A_913, %swap3A_914, %swap3A_915] {strides = array<i32>} : memref<3x2x16000xf32, #tpu.memory_space<vmem>>, vector<1x1x16xf32>,
      %swap3A_917 = vector.shape_cast %swap3A_916 : vector<1x1x16xf32> to vector<16xf32>
      %swap3A_918 = vector.shape_cast %select_n3A_910 : vector<16xf32> to vector<1x1x16xf32>
      tpu.vector_store %arg6[%swap3A_913, %swap3A_914, %swap3A_915], %swap3A_918 {strides = array<i32>} : memref<3x2x16000xf32, #tpu.memory_space<vmem>>, vector<1x1x16xf32>,
      %select_n3A_919 = arith.select %eq3A_72, %get3A_902, %get3A_909 : vector<16xi1>, vector<16xf32>
      %swap3A_920 = arith.constant 2 : i32
      %swap3A_921 = arith.constant 1 : i32
      %swap3A_922 = arith.index_cast %swap3A_920 : i32 to index
      %swap3A_923 = arith.index_cast %swap3A_921 : i32 to index
      %swap3A_924 = arith.index_cast %mul3A_895 : i32 to index
      %swap3A_925 = tpu.vector_load %arg6[%swap3A_922, %swap3A_923, %swap3A_924] {strides = array<i32>} : memref<3x2x16000xf32, #tpu.memory_space<vmem>>, vector<1x1x16xf32>,
      %swap3A_926 = vector.shape_cast %swap3A_925 : vector<1x1x16xf32> to vector<16xf32>
      %swap3A_927 = vector.shape_cast %select_n3A_919 : vector<16xf32> to vector<1x1x16xf32>
      tpu.vector_store %arg6[%swap3A_922, %swap3A_923, %swap3A_924], %swap3A_927 {strides = array<i32>} : memref<3x2x16000xf32, #tpu.memory_space<vmem>>, vector<1x1x16xf32>,
      %scan3A_928 = arith.constant 5 : i32
      %scan3A_929 = arith.addi %scan3A_750, %scan3A_928 : i32
      %mul3A_930 = arith.constant 16 : i32
      %mul3A_931 = arith.muli %scan3A_929, %mul3A_930 : i32
      %get3A_932 = arith.constant 2 : i32
      %get3A_933 = arith.constant 0 : i32
      %get3A_934 = arith.index_cast %get3A_932 : i32 to index
      %get3A_935 = arith.index_cast %get3A_933 : i32 to index
      %get3A_936 = arith.index_cast %mul3A_931 : i32 to index
      %get3A_937 = tpu.vector_load %arg6[%get3A_934, %get3A_935, %get3A_936] {strides = array<i32>} : memref<3x2x16000xf32, #tpu.memory_space<vmem>>, vector<1x1x16xf32>,
      %get3A_938 = vector.shape_cast %get3A_937 : vector<1x1x16xf32> to vector<16xf32>
      %get3A_939 = arith.constant 2 : i32
      %get3A_940 = arith.constant 1 : i32
      %get3A_941 = arith.index_cast %get3A_939 : i32 to index
      %get3A_942 = arith.index_cast %get3A_940 : i32 to index
      %get3A_943 = arith.index_cast %mul3A_931 : i32 to index
      %get3A_944 = tpu.vector_load %arg6[%get3A_941, %get3A_942, %get3A_943] {strides = array<i32>} : memref<3x2x16000xf32, #tpu.memory_space<vmem>>, vector<1x1x16xf32>,
      %get3A_945 = vector.shape_cast %get3A_944 : vector<1x1x16xf32> to vector<16xf32>
      %select_n3A_946 = arith.select %eq3A_72, %get3A_945, %get3A_938 : vector<16xi1>, vector<16xf32>
      %swap3A_947 = arith.constant 2 : i32
      %swap3A_948 = arith.constant 0 : i32
      %swap3A_949 = arith.index_cast %swap3A_947 : i32 to index
      %swap3A_950 = arith.index_cast %swap3A_948 : i32 to index
      %swap3A_951 = arith.index_cast %mul3A_931 : i32 to index
      %swap3A_952 = tpu.vector_load %arg6[%swap3A_949, %swap3A_950, %swap3A_951] {strides = array<i32>} : memref<3x2x16000xf32, #tpu.memory_space<vmem>>, vector<1x1x16xf32>,
      %swap3A_953 = vector.shape_cast %swap3A_952 : vector<1x1x16xf32> to vector<16xf32>
      %swap3A_954 = vector.shape_cast %select_n3A_946 : vector<16xf32> to vector<1x1x16xf32>
      tpu.vector_store %arg6[%swap3A_949, %swap3A_950, %swap3A_951], %swap3A_954 {strides = array<i32>} : memref<3x2x16000xf32, #tpu.memory_space<vmem>>, vector<1x1x16xf32>,
      %select_n3A_955 = arith.select %eq3A_72, %get3A_938, %get3A_945 : vector<16xi1>, vector<16xf32>
      %swap3A_956 = arith.constant 2 : i32
      %swap3A_957 = arith.constant 1 : i32
      %swap3A_958 = arith.index_cast %swap3A_956 : i32 to index
      %swap3A_959 = arith.index_cast %swap3A_957 : i32 to index
      %swap3A_960 = arith.index_cast %mul3A_931 : i32 to index
      %swap3A_961 = tpu.vector_load %arg6[%swap3A_958, %swap3A_959, %swap3A_960] {strides = array<i32>} : memref<3x2x16000xf32, #tpu.memory_space<vmem>>, vector<1x1x16xf32>,
      %swap3A_962 = vector.shape_cast %swap3A_961 : vector<1x1x16xf32> to vector<16xf32>
      %swap3A_963 = vector.shape_cast %select_n3A_955 : vector<16xf32> to vector<1x1x16xf32>
      tpu.vector_store %arg6[%swap3A_958, %swap3A_959, %swap3A_960], %swap3A_963 {strides = array<i32>} : memref<3x2x16000xf32, #tpu.memory_space<vmem>>, vector<1x1x16xf32>,
      %scan3A_964 = arith.constant 6 : i32
      %scan3A_965 = arith.addi %scan3A_750, %scan3A_964 : i32
      %mul3A_966 = arith.constant 16 : i32
      %mul3A_967 = arith.muli %scan3A_965, %mul3A_966 : i32
      %get3A_968 = arith.constant 2 : i32
      %get3A_969 = arith.constant 0 : i32
      %get3A_970 = arith.index_cast %get3A_968 : i32 to index
      %get3A_971 = arith.index_cast %get3A_969 : i32 to index
      %get3A_972 = arith.index_cast %mul3A_967 : i32 to index
      %get3A_973 = tpu.vector_load %arg6[%get3A_970, %get3A_971, %get3A_972] {strides = array<i32>} : memref<3x2x16000xf32, #tpu.memory_space<vmem>>, vector<1x1x16xf32>,
      %get3A_974 = vector.shape_cast %get3A_973 : vector<1x1x16xf32> to vector<16xf32>
      %get3A_975 = arith.constant 2 : i32
      %get3A_976 = arith.constant 1 : i32
      %get3A_977 = arith.index_cast %get3A_975 : i32 to index
      %get3A_978 = arith.index_cast %get3A_976 : i32 to index
      %get3A_979 = arith.index_cast %mul3A_967 : i32 to index
      %get3A_980 = tpu.vector_load %arg6[%get3A_977, %get3A_978, %get3A_979] {strides = array<i32>} : memref<3x2x16000xf32, #tpu.memory_space<vmem>>, vector<1x1x16xf32>,
      %get3A_981 = vector.shape_cast %get3A_980 : vector<1x1x16xf32> to vector<16xf32>
      %select_n3A_982 = arith.select %eq3A_72, %get3A_981, %get3A_974 : vector<16xi1>, vector<16xf32>
      %swap3A_983 = arith.constant 2 : i32
      %swap3A_984 = arith.constant 0 : i32
      %swap3A_985 = arith.index_cast %swap3A_983 : i32 to index
      %swap3A_986 = arith.index_cast %swap3A_984 : i32 to index
      %swap3A_987 = arith.index_cast %mul3A_967 : i32 to index
      %swap3A_988 = tpu.vector_load %arg6[%swap3A_985, %swap3A_986, %swap3A_987] {strides = array<i32>} : memref<3x2x16000xf32, #tpu.memory_space<vmem>>, vector<1x1x16xf32>,
      %swap3A_989 = vector.shape_cast %swap3A_988 : vector<1x1x16xf32> to vector<16xf32>
      %swap3A_990 = vector.shape_cast %select_n3A_982 : vector<16xf32> to vector<1x1x16xf32>
      tpu.vector_store %arg6[%swap3A_985, %swap3A_986, %swap3A_987], %swap3A_990 {strides = array<i32>} : memref<3x2x16000xf32, #tpu.memory_space<vmem>>, vector<1x1x16xf32>,
      %select_n3A_991 = arith.select %eq3A_72, %get3A_974, %get3A_981 : vector<16xi1>, vector<16xf32>
      %swap3A_992 = arith.constant 2 : i32
      %swap3A_993 = arith.constant 1 : i32
      %swap3A_994 = arith.index_cast %swap3A_992 : i32 to index
      %swap3A_995 = arith.index_cast %swap3A_993 : i32 to index
      %swap3A_996 = arith.index_cast %mul3A_967 : i32 to index
      %swap3A_997 = tpu.vector_load %arg6[%swap3A_994, %swap3A_995, %swap3A_996] {strides = array<i32>} : memref<3x2x16000xf32, #tpu.memory_space<vmem>>, vector<1x1x16xf32>,
      %swap3A_998 = vector.shape_cast %swap3A_997 : vector<1x1x16xf32> to vector<16xf32>
      %swap3A_999 = vector.shape_cast %select_n3A_991 : vector<16xf32> to vector<1x1x16xf32>
      tpu.vector_store %arg6[%swap3A_994, %swap3A_995, %swap3A_996], %swap3A_999 {strides = array<i32>} : memref<3x2x16000xf32, #tpu.memory_space<vmem>>, vector<1x1x16xf32>,
      %scan3A_1000 = arith.constant 7 : i32
      %scan3A_1001 = arith.addi %scan3A_750, %scan3A_1000 : i32
      %mul3A_1002 = arith.constant 16 : i32
      %mul3A_1003 = arith.muli %scan3A_1001, %mul3A_1002 : i32
      %get3A_1004 = arith.constant 2 : i32
      %get3A_1005 = arith.constant 0 : i32
      %get3A_1006 = arith.index_cast %get3A_1004 : i32 to index
      %get3A_1007 = arith.index_cast %get3A_1005 : i32 to index
      %get3A_1008 = arith.index_cast %mul3A_1003 : i32 to index
      %get3A_1009 = tpu.vector_load %arg6[%get3A_1006, %get3A_1007, %get3A_1008] {strides = array<i32>} : memref<3x2x16000xf32, #tpu.memory_space<vmem>>, vector<1x1x16xf32>,
      %get3A_1010 = vector.shape_cast %get3A_1009 : vector<1x1x16xf32> to vector<16xf32>
      %get3A_1011 = arith.constant 2 : i32
      %get3A_1012 = arith.constant 1 : i32
      %get3A_1013 = arith.index_cast %get3A_1011 : i32 to index
      %get3A_1014 = arith.index_cast %get3A_1012 : i32 to index
      %get3A_1015 = arith.index_cast %mul3A_1003 : i32 to index
      %get3A_1016 = tpu.vector_load %arg6[%get3A_1013, %get3A_1014, %get3A_1015] {strides = array<i32>} : memref<3x2x16000xf32, #tpu.memory_space<vmem>>, vector<1x1x16xf32>,
      %get3A_1017 = vector.shape_cast %get3A_1016 : vector<1x1x16xf32> to vector<16xf32>
      %select_n3A_1018 = arith.select %eq3A_72, %get3A_1017, %get3A_1010 : vector<16xi1>, vector<16xf32>
      %swap3A_1019 = arith.constant 2 : i32
      %swap3A_1020 = arith.constant 0 : i32
      %swap3A_1021 = arith.index_cast %swap3A_1019 : i32 to index
      %swap3A_1022 = arith.index_cast %swap3A_1020 : i32 to index
      %swap3A_1023 = arith.index_cast %mul3A_1003 : i32 to index
      %swap3A_1024 = tpu.vector_load %arg6[%swap3A_1021, %swap3A_1022, %swap3A_1023] {strides = array<i32>} : memref<3x2x16000xf32, #tpu.memory_space<vmem>>, vector<1x1x16xf32>,
      %swap3A_1025 = vector.shape_cast %swap3A_1024 : vector<1x1x16xf32> to vector<16xf32>
      %swap3A_1026 = vector.shape_cast %select_n3A_1018 : vector<16xf32> to vector<1x1x16xf32>
      tpu.vector_store %arg6[%swap3A_1021, %swap3A_1022, %swap3A_1023], %swap3A_1026 {strides = array<i32>} : memref<3x2x16000xf32, #tpu.memory_space<vmem>>, vector<1x1x16xf32>,
      %select_n3A_1027 = arith.select %eq3A_72, %get3A_1010, %get3A_1017 : vector<16xi1>, vector<16xf32>
      %swap3A_1028 = arith.constant 2 : i32
      %swap3A_1029 = arith.constant 1 : i32
      %swap3A_1030 = arith.index_cast %swap3A_1028 : i32 to index
      %swap3A_1031 = arith.index_cast %swap3A_1029 : i32 to index
      %swap3A_1032 = arith.index_cast %mul3A_1003 : i32 to index
      %swap3A_1033 = tpu.vector_load %arg6[%swap3A_1030, %swap3A_1031, %swap3A_1032] {strides = array<i32>} : memref<3x2x16000xf32, #tpu.memory_space<vmem>>, vector<1x1x16xf32>,
      %swap3A_1034 = vector.shape_cast %swap3A_1033 : vector<1x1x16xf32> to vector<16xf32>
      %swap3A_1035 = vector.shape_cast %select_n3A_1027 : vector<16xf32> to vector<1x1x16xf32>
      tpu.vector_store %arg6[%swap3A_1030, %swap3A_1031, %swap3A_1032], %swap3A_1035 {strides = array<i32>} : memref<3x2x16000xf32, #tpu.memory_space<vmem>>, vector<1x1x16xf32>,
    }
    %scan3A_440 = arith.constant 1000 : i32
    %dma_start3A_441 = arith.constant 2 : i32
    %dma_start3A_442 = arith.constant 0 : i32
    %dma_start3A_443 = arith.constant 0 : i32
    %dma_start3A_444 = tpu.memref_slice %arg6[%dma_start3A_441, %dma_start3A_442, %dma_start3A_443] : memref<3x2x16000xf32, #tpu.memory_space<vmem>> -> memref<1x2x16000xf32, #tpu.memory_space<vmem>>
    %dma_start3A_445 = tpu.memref_squeeze %dma_start3A_444 : memref<1x2x16000xf32, #tpu.memory_space<vmem>> -> memref<2x16000xf32, #tpu.memory_space<vmem>>
    %dma_start3A_446 = arith.constant 0 : i32
    %dma_start3A_447 = arith.constant 80000 : i32
    %dma_start3A_448 = tpu.memref_slice %arg4[%select_n3A, %select_n3A_30, %dma_start3A_446, %dma_start3A_447] : memref<8x4x2x160000xf32, #tpu.memory_space<hbm>> -> memref<1x1x2x16000xf32, #tpu.memory_space<hbm>>
    %dma_start3A_449 = tpu.memref_squeeze %dma_start3A_448 : memref<1x1x2x16000xf32, #tpu.memory_space<hbm>> -> memref<2x16000xf32, #tpu.memory_space<hbm>>
    %dma_start3A_450 = arith.constant 0 : i32
    %dma_start3A_451 = arith.constant 80000 : i32
    %dma_start3A_452 = tpu.memref_slice %arg4[%select_n3A, %select_n3A_30, %dma_start3A_450, %dma_start3A_451] : memref<8x4x2x160000xf32, #tpu.memory_space<hbm>> -> memref<1x1x2x16000xf32, #tpu.memory_space<hbm>>
    %dma_start3A_453 = tpu.memref_squeeze %dma_start3A_452 : memref<1x1x2x16000xf32, #tpu.memory_space<hbm>> -> memref<2x16000xf32, #tpu.memory_space<hbm>>
    %dma_start3A_454 = arith.constant 0 : i32
    %dma_start3A_455 = arith.constant 0 : i32
    %dma_start3A_456 = tpu.memref_slice %arg6[%dma_start3A_441, %dma_start3A_454, %dma_start3A_455] : memref<3x2x16000xf32, #tpu.memory_space<vmem>> -> memref<1x2x16000xf32, #tpu.memory_space<vmem>>
    %dma_start3A_457 = tpu.memref_squeeze %dma_start3A_456 : memref<1x2x16000xf32, #tpu.memory_space<vmem>> -> memref<2x16000xf32, #tpu.memory_space<vmem>>
    tpu.enqueue_dma source(%dma_start3A_457 : memref<2x16000xf32, #tpu.memory_space<vmem>>) target(%dma_start3A_453 : memref<2x16000xf32, #tpu.memory_space<hbm>>) target_semaphore(%arg12 : memref<!tpu.dma_semaphore, #tpu.memory_space<semaphore_mem>>)
    %dma_wait3A_458 = arith.constant 1 : i32
    %dma_wait3A_459 = arith.constant 0 : i32
    %dma_wait3A_460 = arith.constant 0 : i32
    %dma_wait3A_461 = tpu.memref_slice %arg6[%dma_wait3A_458, %dma_wait3A_459, %dma_wait3A_460] : memref<3x2x16000xf32, #tpu.memory_space<vmem>> -> memref<1x2x16000xf32, #tpu.memory_space<vmem>>
    %dma_wait3A_462 = tpu.memref_squeeze %dma_wait3A_461 : memref<1x2x16000xf32, #tpu.memory_space<vmem>> -> memref<2x16000xf32, #tpu.memory_space<vmem>>
    %dma_wait3A_463 = arith.constant 0 : i32
    %dma_wait3A_464 = arith.constant 64000 : i32
    %dma_wait3A_465 = tpu.memref_slice %arg4[%select_n3A, %select_n3A_30, %dma_wait3A_463, %dma_wait3A_464] : memref<8x4x2x160000xf32, #tpu.memory_space<hbm>> -> memref<1x1x2x16000xf32, #tpu.memory_space<hbm>>
    %dma_wait3A_466 = tpu.memref_squeeze %dma_wait3A_465 : memref<1x1x2x16000xf32, #tpu.memory_space<hbm>> -> memref<2x16000xf32, #tpu.memory_space<hbm>>
    %dma_wait3A_467 = arith.constant 0 : i32
    %dma_wait3A_468 = arith.constant 64000 : i32
    %dma_wait3A_469 = tpu.memref_slice %arg4[%select_n3A, %select_n3A_30, %dma_wait3A_467, %dma_wait3A_468] : memref<8x4x2x160000xf32, #tpu.memory_space<hbm>> -> memref<1x1x2x16000xf32, #tpu.memory_space<hbm>>
    %dma_wait3A_470 = tpu.memref_squeeze %dma_wait3A_469 : memref<1x1x2x16000xf32, #tpu.memory_space<hbm>> -> memref<2x16000xf32, #tpu.memory_space<hbm>>
    %dma_wait3A_471 = arith.constant 0 : i32
    %dma_wait3A_472 = arith.constant 0 : i32
    %dma_wait3A_473 = tpu.memref_slice %arg6[%dma_wait3A_458, %dma_wait3A_471, %dma_wait3A_472] : memref<3x2x16000xf32, #tpu.memory_space<vmem>> -> memref<1x2x16000xf32, #tpu.memory_space<vmem>>
    %dma_wait3A_474 = tpu.memref_squeeze %dma_wait3A_473 : memref<1x2x16000xf32, #tpu.memory_space<vmem>> -> memref<2x16000xf32, #tpu.memory_space<vmem>>
    tpu.wait_dma2 semaphore(%arg11 : memref<!tpu.dma_semaphore, #tpu.memory_space<semaphore_mem>>) src(%dma_wait3A_474 : memref<2x16000xf32, #tpu.memory_space<vmem>>) dst(%dma_wait3A_470 : memref<2x16000xf32, #tpu.memory_space<hbm>>)
    %dma_start3A_475 = arith.constant 1 : i32
    %dma_start3A_476 = arith.constant 0 : i32
    %dma_start3A_477 = arith.constant 0 : i32
    %dma_start3A_478 = tpu.memref_slice %arg6[%dma_start3A_475, %dma_start3A_476, %dma_start3A_477] : memref<3x2x16000xf32, #tpu.memory_space<vmem>> -> memref<1x2x16000xf32, #tpu.memory_space<vmem>>
    %dma_start3A_479 = tpu.memref_squeeze %dma_start3A_478 : memref<1x2x16000xf32, #tpu.memory_space<vmem>> -> memref<2x16000xf32, #tpu.memory_space<vmem>>
    %dma_start3A_480 = arith.constant 0 : i32
    %dma_start3A_481 = arith.constant 112000 : i32
    %dma_start3A_482 = tpu.memref_slice %arg2[%select_n3A, %select_n3A_30, %dma_start3A_480, %dma_start3A_481] : memref<8x4x2x160000xf32, #tpu.memory_space<hbm>> -> memref<1x1x2x16000xf32, #tpu.memory_space<hbm>>
    %dma_start3A_483 = tpu.memref_squeeze %dma_start3A_482 : memref<1x1x2x16000xf32, #tpu.memory_space<hbm>> -> memref<2x16000xf32, #tpu.memory_space<hbm>>
    %dma_start3A_484 = arith.constant 0 : i32
    %dma_start3A_485 = arith.constant 0 : i32
    %dma_start3A_486 = tpu.memref_slice %arg6[%dma_start3A_475, %dma_start3A_484, %dma_start3A_485] : memref<3x2x16000xf32, #tpu.memory_space<vmem>> -> memref<1x2x16000xf32, #tpu.memory_space<vmem>>
    %dma_start3A_487 = tpu.memref_squeeze %dma_start3A_486 : memref<1x2x16000xf32, #tpu.memory_space<vmem>> -> memref<2x16000xf32, #tpu.memory_space<vmem>>
    %dma_start3A_488 = arith.constant 0 : i32
    %dma_start3A_489 = arith.constant 112000 : i32
    %dma_start3A_490 = tpu.memref_slice %arg2[%select_n3A, %select_n3A_30, %dma_start3A_488, %dma_start3A_489] : memref<8x4x2x160000xf32, #tpu.memory_space<hbm>> -> memref<1x1x2x16000xf32, #tpu.memory_space<hbm>>
    %dma_start3A_491 = tpu.memref_squeeze %dma_start3A_490 : memref<1x1x2x16000xf32, #tpu.memory_space<hbm>> -> memref<2x16000xf32, #tpu.memory_space<hbm>>
    tpu.enqueue_dma source(%dma_start3A_491 : memref<2x16000xf32, #tpu.memory_space<hbm>>) target(%dma_start3A_487 : memref<2x16000xf32, #tpu.memory_space<vmem>>) target_semaphore(%arg8 : memref<!tpu.dma_semaphore, #tpu.memory_space<semaphore_mem>>)
    %dma_wait3A_492 = arith.constant 0 : i32
    %dma_wait3A_493 = arith.constant 0 : i32
    %dma_wait3A_494 = arith.constant 0 : i32
    %dma_wait3A_495 = tpu.memref_slice %arg6[%dma_wait3A_492, %dma_wait3A_493, %dma_wait3A_494] : memref<3x2x16000xf32, #tpu.memory_space<vmem>> -> memref<1x2x16000xf32, #tpu.memory_space<vmem>>
    %dma_wait3A_496 = tpu.memref_squeeze %dma_wait3A_495 : memref<1x2x16000xf32, #tpu.memory_space<vmem>> -> memref<2x16000xf32, #tpu.memory_space<vmem>>
    %dma_wait3A_497 = arith.constant 0 : i32
    %dma_wait3A_498 = arith.constant 96000 : i32
    %dma_wait3A_499 = tpu.memref_slice %arg2[%select_n3A, %select_n3A_30, %dma_wait3A_497, %dma_wait3A_498] : memref<8x4x2x160000xf32, #tpu.memory_space<hbm>> -> memref<1x1x2x16000xf32, #tpu.memory_space<hbm>>
    %dma_wait3A_500 = tpu.memref_squeeze %dma_wait3A_499 : memref<1x1x2x16000xf32, #tpu.memory_space<hbm>> -> memref<2x16000xf32, #tpu.memory_space<hbm>>
    %dma_wait3A_501 = arith.constant 0 : i32
    %dma_wait3A_502 = arith.constant 0 : i32
    %dma_wait3A_503 = tpu.memref_slice %arg6[%dma_wait3A_492, %dma_wait3A_501, %dma_wait3A_502] : memref<3x2x16000xf32, #tpu.memory_space<vmem>> -> memref<1x2x16000xf32, #tpu.memory_space<vmem>>
    %dma_wait3A_504 = tpu.memref_squeeze %dma_wait3A_503 : memref<1x2x16000xf32, #tpu.memory_space<vmem>> -> memref<2x16000xf32, #tpu.memory_space<vmem>>
    %dma_wait3A_505 = arith.constant 0 : i32
    %dma_wait3A_506 = arith.constant 96000 : i32
    %dma_wait3A_507 = tpu.memref_slice %arg2[%select_n3A, %select_n3A_30, %dma_wait3A_505, %dma_wait3A_506] : memref<8x4x2x160000xf32, #tpu.memory_space<hbm>> -> memref<1x1x2x16000xf32, #tpu.memory_space<hbm>>
    %dma_wait3A_508 = tpu.memref_squeeze %dma_wait3A_507 : memref<1x1x2x16000xf32, #tpu.memory_space<hbm>> -> memref<2x16000xf32, #tpu.memory_space<hbm>>
    tpu.wait_dma2 semaphore(%arg7 : memref<!tpu.dma_semaphore, #tpu.memory_space<semaphore_mem>>) src(%dma_wait3A_508 : memref<2x16000xf32, #tpu.memory_space<hbm>>) dst(%dma_wait3A_504 : memref<2x16000xf32, #tpu.memory_space<vmem>>)
    %scan3A_509 = arith.constant 0 : i32
    %scan3A_510 = arith.constant 1000 : i32
    %scan3A_511 = arith.addi %scan3A_509, %scan3A_510 : i32
    %scan3A_512 = arith.constant 8 : i32
    scf.for %scan3A_750 = %scan3A_509 to %scan3A_511 step %scan3A_512  : i32 {
      %mul3A_751 = arith.constant 16 : i32
      %mul3A_752 = arith.muli %scan3A_750, %mul3A_751 : i32
      %get3A_753 = arith.constant 0 : i32
      %get3A_754 = arith.constant 0 : i32
      %get3A_755 = arith.index_cast %get3A_753 : i32 to index
      %get3A_756 = arith.index_cast %get3A_754 : i32 to index
      %get3A_757 = arith.index_cast %mul3A_752 : i32 to index
      %get3A_758 = tpu.vector_load %arg6[%get3A_755, %get3A_756, %get3A_757] {strides = array<i32>} : memref<3x2x16000xf32, #tpu.memory_space<vmem>>, vector<1x1x16xf32>,
      %get3A_759 = vector.shape_cast %get3A_758 : vector<1x1x16xf32> to vector<16xf32>
      %get3A_760 = arith.constant 0 : i32
      %get3A_761 = arith.constant 1 : i32
      %get3A_762 = arith.index_cast %get3A_760 : i32 to index
      %get3A_763 = arith.index_cast %get3A_761 : i32 to index
      %get3A_764 = arith.index_cast %mul3A_752 : i32 to index
      %get3A_765 = tpu.vector_load %arg6[%get3A_762, %get3A_763, %get3A_764] {strides = array<i32>} : memref<3x2x16000xf32, #tpu.memory_space<vmem>>, vector<1x1x16xf32>,
      %get3A_766 = vector.shape_cast %get3A_765 : vector<1x1x16xf32> to vector<16xf32>
      %select_n3A_767 = arith.select %eq3A_72, %get3A_766, %get3A_759 : vector<16xi1>, vector<16xf32>
      %swap3A = arith.constant 0 : i32
      %swap3A_768 = arith.constant 0 : i32
      %swap3A_769 = arith.index_cast %swap3A : i32 to index
      %swap3A_770 = arith.index_cast %swap3A_768 : i32 to index
      %swap3A_771 = arith.index_cast %mul3A_752 : i32 to index
      %swap3A_772 = tpu.vector_load %arg6[%swap3A_769, %swap3A_770, %swap3A_771] {strides = array<i32>} : memref<3x2x16000xf32, #tpu.memory_space<vmem>>, vector<1x1x16xf32>,
      %swap3A_773 = vector.shape_cast %swap3A_772 : vector<1x1x16xf32> to vector<16xf32>
      %swap3A_774 = vector.shape_cast %select_n3A_767 : vector<16xf32> to vector<1x1x16xf32>
      tpu.vector_store %arg6[%swap3A_769, %swap3A_770, %swap3A_771], %swap3A_774 {strides = array<i32>} : memref<3x2x16000xf32, #tpu.memory_space<vmem>>, vector<1x1x16xf32>,
      %select_n3A_775 = arith.select %eq3A_72, %get3A_759, %get3A_766 : vector<16xi1>, vector<16xf32>
      %swap3A_776 = arith.constant 0 : i32
      %swap3A_777 = arith.constant 1 : i32
      %swap3A_778 = arith.index_cast %swap3A_776 : i32 to index
      %swap3A_779 = arith.index_cast %swap3A_777 : i32 to index
      %swap3A_780 = arith.index_cast %mul3A_752 : i32 to index
      %swap3A_781 = tpu.vector_load %arg6[%swap3A_778, %swap3A_779, %swap3A_780] {strides = array<i32>} : memref<3x2x16000xf32, #tpu.memory_space<vmem>>, vector<1x1x16xf32>,
      %swap3A_782 = vector.shape_cast %swap3A_781 : vector<1x1x16xf32> to vector<16xf32>
      %swap3A_783 = vector.shape_cast %select_n3A_775 : vector<16xf32> to vector<1x1x16xf32>
      tpu.vector_store %arg6[%swap3A_778, %swap3A_779, %swap3A_780], %swap3A_783 {strides = array<i32>} : memref<3x2x16000xf32, #tpu.memory_space<vmem>>, vector<1x1x16xf32>,
      %scan3A_784 = arith.constant 1 : i32
      %scan3A_785 = arith.addi %scan3A_750, %scan3A_784 : i32
      %mul3A_786 = arith.constant 16 : i32
      %mul3A_787 = arith.muli %scan3A_785, %mul3A_786 : i32
      %get3A_788 = arith.constant 0 : i32
      %get3A_789 = arith.constant 0 : i32
      %get3A_790 = arith.index_cast %get3A_788 : i32 to index
      %get3A_791 = arith.index_cast %get3A_789 : i32 to index
      %get3A_792 = arith.index_cast %mul3A_787 : i32 to index
      %get3A_793 = tpu.vector_load %arg6[%get3A_790, %get3A_791, %get3A_792] {strides = array<i32>} : memref<3x2x16000xf32, #tpu.memory_space<vmem>>, vector<1x1x16xf32>,
      %get3A_794 = vector.shape_cast %get3A_793 : vector<1x1x16xf32> to vector<16xf32>
      %get3A_795 = arith.constant 0 : i32
      %get3A_796 = arith.constant 1 : i32
      %get3A_797 = arith.index_cast %get3A_795 : i32 to index
      %get3A_798 = arith.index_cast %get3A_796 : i32 to index
      %get3A_799 = arith.index_cast %mul3A_787 : i32 to index
      %get3A_800 = tpu.vector_load %arg6[%get3A_797, %get3A_798, %get3A_799] {strides = array<i32>} : memref<3x2x16000xf32, #tpu.memory_space<vmem>>, vector<1x1x16xf32>,
      %get3A_801 = vector.shape_cast %get3A_800 : vector<1x1x16xf32> to vector<16xf32>
      %select_n3A_802 = arith.select %eq3A_72, %get3A_801, %get3A_794 : vector<16xi1>, vector<16xf32>
      %swap3A_803 = arith.constant 0 : i32
      %swap3A_804 = arith.constant 0 : i32
      %swap3A_805 = arith.index_cast %swap3A_803 : i32 to index
      %swap3A_806 = arith.index_cast %swap3A_804 : i32 to index
      %swap3A_807 = arith.index_cast %mul3A_787 : i32 to index
      %swap3A_808 = tpu.vector_load %arg6[%swap3A_805, %swap3A_806, %swap3A_807] {strides = array<i32>} : memref<3x2x16000xf32, #tpu.memory_space<vmem>>, vector<1x1x16xf32>,
      %swap3A_809 = vector.shape_cast %swap3A_808 : vector<1x1x16xf32> to vector<16xf32>
      %swap3A_810 = vector.shape_cast %select_n3A_802 : vector<16xf32> to vector<1x1x16xf32>
      tpu.vector_store %arg6[%swap3A_805, %swap3A_806, %swap3A_807], %swap3A_810 {strides = array<i32>} : memref<3x2x16000xf32, #tpu.memory_space<vmem>>, vector<1x1x16xf32>,
      %select_n3A_811 = arith.select %eq3A_72, %get3A_794, %get3A_801 : vector<16xi1>, vector<16xf32>
      %swap3A_812 = arith.constant 0 : i32
      %swap3A_813 = arith.constant 1 : i32
      %swap3A_814 = arith.index_cast %swap3A_812 : i32 to index
      %swap3A_815 = arith.index_cast %swap3A_813 : i32 to index
      %swap3A_816 = arith.index_cast %mul3A_787 : i32 to index
      %swap3A_817 = tpu.vector_load %arg6[%swap3A_814, %swap3A_815, %swap3A_816] {strides = array<i32>} : memref<3x2x16000xf32, #tpu.memory_space<vmem>>, vector<1x1x16xf32>,
      %swap3A_818 = vector.shape_cast %swap3A_817 : vector<1x1x16xf32> to vector<16xf32>
      %swap3A_819 = vector.shape_cast %select_n3A_811 : vector<16xf32> to vector<1x1x16xf32>
      tpu.vector_store %arg6[%swap3A_814, %swap3A_815, %swap3A_816], %swap3A_819 {strides = array<i32>} : memref<3x2x16000xf32, #tpu.memory_space<vmem>>, vector<1x1x16xf32>,
      %scan3A_820 = arith.constant 2 : i32
      %scan3A_821 = arith.addi %scan3A_750, %scan3A_820 : i32
      %mul3A_822 = arith.constant 16 : i32
      %mul3A_823 = arith.muli %scan3A_821, %mul3A_822 : i32
      %get3A_824 = arith.constant 0 : i32
      %get3A_825 = arith.constant 0 : i32
      %get3A_826 = arith.index_cast %get3A_824 : i32 to index
      %get3A_827 = arith.index_cast %get3A_825 : i32 to index
      %get3A_828 = arith.index_cast %mul3A_823 : i32 to index
      %get3A_829 = tpu.vector_load %arg6[%get3A_826, %get3A_827, %get3A_828] {strides = array<i32>} : memref<3x2x16000xf32, #tpu.memory_space<vmem>>, vector<1x1x16xf32>,
      %get3A_830 = vector.shape_cast %get3A_829 : vector<1x1x16xf32> to vector<16xf32>
      %get3A_831 = arith.constant 0 : i32
      %get3A_832 = arith.constant 1 : i32
      %get3A_833 = arith.index_cast %get3A_831 : i32 to index
      %get3A_834 = arith.index_cast %get3A_832 : i32 to index
      %get3A_835 = arith.index_cast %mul3A_823 : i32 to index
      %get3A_836 = tpu.vector_load %arg6[%get3A_833, %get3A_834, %get3A_835] {strides = array<i32>} : memref<3x2x16000xf32, #tpu.memory_space<vmem>>, vector<1x1x16xf32>,
      %get3A_837 = vector.shape_cast %get3A_836 : vector<1x1x16xf32> to vector<16xf32>
      %select_n3A_838 = arith.select %eq3A_72, %get3A_837, %get3A_830 : vector<16xi1>, vector<16xf32>
      %swap3A_839 = arith.constant 0 : i32
      %swap3A_840 = arith.constant 0 : i32
      %swap3A_841 = arith.index_cast %swap3A_839 : i32 to index
      %swap3A_842 = arith.index_cast %swap3A_840 : i32 to index
      %swap3A_843 = arith.index_cast %mul3A_823 : i32 to index
      %swap3A_844 = tpu.vector_load %arg6[%swap3A_841, %swap3A_842, %swap3A_843] {strides = array<i32>} : memref<3x2x16000xf32, #tpu.memory_space<vmem>>, vector<1x1x16xf32>,
      %swap3A_845 = vector.shape_cast %swap3A_844 : vector<1x1x16xf32> to vector<16xf32>
      %swap3A_846 = vector.shape_cast %select_n3A_838 : vector<16xf32> to vector<1x1x16xf32>
      tpu.vector_store %arg6[%swap3A_841, %swap3A_842, %swap3A_843], %swap3A_846 {strides = array<i32>} : memref<3x2x16000xf32, #tpu.memory_space<vmem>>, vector<1x1x16xf32>,
      %select_n3A_847 = arith.select %eq3A_72, %get3A_830, %get3A_837 : vector<16xi1>, vector<16xf32>
      %swap3A_848 = arith.constant 0 : i32
      %swap3A_849 = arith.constant 1 : i32
      %swap3A_850 = arith.index_cast %swap3A_848 : i32 to index
      %swap3A_851 = arith.index_cast %swap3A_849 : i32 to index
      %swap3A_852 = arith.index_cast %mul3A_823 : i32 to index
      %swap3A_853 = tpu.vector_load %arg6[%swap3A_850, %swap3A_851, %swap3A_852] {strides = array<i32>} : memref<3x2x16000xf32, #tpu.memory_space<vmem>>, vector<1x1x16xf32>,
      %swap3A_854 = vector.shape_cast %swap3A_853 : vector<1x1x16xf32> to vector<16xf32>
      %swap3A_855 = vector.shape_cast %select_n3A_847 : vector<16xf32> to vector<1x1x16xf32>
      tpu.vector_store %arg6[%swap3A_850, %swap3A_851, %swap3A_852], %swap3A_855 {strides = array<i32>} : memref<3x2x16000xf32, #tpu.memory_space<vmem>>, vector<1x1x16xf32>,
      %scan3A_856 = arith.constant 3 : i32
      %scan3A_857 = arith.addi %scan3A_750, %scan3A_856 : i32
      %mul3A_858 = arith.constant 16 : i32
      %mul3A_859 = arith.muli %scan3A_857, %mul3A_858 : i32
      %get3A_860 = arith.constant 0 : i32
      %get3A_861 = arith.constant 0 : i32
      %get3A_862 = arith.index_cast %get3A_860 : i32 to index
      %get3A_863 = arith.index_cast %get3A_861 : i32 to index
      %get3A_864 = arith.index_cast %mul3A_859 : i32 to index
      %get3A_865 = tpu.vector_load %arg6[%get3A_862, %get3A_863, %get3A_864] {strides = array<i32>} : memref<3x2x16000xf32, #tpu.memory_space<vmem>>, vector<1x1x16xf32>,
      %get3A_866 = vector.shape_cast %get3A_865 : vector<1x1x16xf32> to vector<16xf32>
      %get3A_867 = arith.constant 0 : i32
      %get3A_868 = arith.constant 1 : i32
      %get3A_869 = arith.index_cast %get3A_867 : i32 to index
      %get3A_870 = arith.index_cast %get3A_868 : i32 to index
      %get3A_871 = arith.index_cast %mul3A_859 : i32 to index
      %get3A_872 = tpu.vector_load %arg6[%get3A_869, %get3A_870, %get3A_871] {strides = array<i32>} : memref<3x2x16000xf32, #tpu.memory_space<vmem>>, vector<1x1x16xf32>,
      %get3A_873 = vector.shape_cast %get3A_872 : vector<1x1x16xf32> to vector<16xf32>
      %select_n3A_874 = arith.select %eq3A_72, %get3A_873, %get3A_866 : vector<16xi1>, vector<16xf32>
      %swap3A_875 = arith.constant 0 : i32
      %swap3A_876 = arith.constant 0 : i32
      %swap3A_877 = arith.index_cast %swap3A_875 : i32 to index
      %swap3A_878 = arith.index_cast %swap3A_876 : i32 to index
      %swap3A_879 = arith.index_cast %mul3A_859 : i32 to index
      %swap3A_880 = tpu.vector_load %arg6[%swap3A_877, %swap3A_878, %swap3A_879] {strides = array<i32>} : memref<3x2x16000xf32, #tpu.memory_space<vmem>>, vector<1x1x16xf32>,
      %swap3A_881 = vector.shape_cast %swap3A_880 : vector<1x1x16xf32> to vector<16xf32>
      %swap3A_882 = vector.shape_cast %select_n3A_874 : vector<16xf32> to vector<1x1x16xf32>
      tpu.vector_store %arg6[%swap3A_877, %swap3A_878, %swap3A_879], %swap3A_882 {strides = array<i32>} : memref<3x2x16000xf32, #tpu.memory_space<vmem>>, vector<1x1x16xf32>,
      %select_n3A_883 = arith.select %eq3A_72, %get3A_866, %get3A_873 : vector<16xi1>, vector<16xf32>
      %swap3A_884 = arith.constant 0 : i32
      %swap3A_885 = arith.constant 1 : i32
      %swap3A_886 = arith.index_cast %swap3A_884 : i32 to index
      %swap3A_887 = arith.index_cast %swap3A_885 : i32 to index
      %swap3A_888 = arith.index_cast %mul3A_859 : i32 to index
      %swap3A_889 = tpu.vector_load %arg6[%swap3A_886, %swap3A_887, %swap3A_888] {strides = array<i32>} : memref<3x2x16000xf32, #tpu.memory_space<vmem>>, vector<1x1x16xf32>,
      %swap3A_890 = vector.shape_cast %swap3A_889 : vector<1x1x16xf32> to vector<16xf32>
      %swap3A_891 = vector.shape_cast %select_n3A_883 : vector<16xf32> to vector<1x1x16xf32>
      tpu.vector_store %arg6[%swap3A_886, %swap3A_887, %swap3A_888], %swap3A_891 {strides = array<i32>} : memref<3x2x16000xf32, #tpu.memory_space<vmem>>, vector<1x1x16xf32>,
      %scan3A_892 = arith.constant 4 : i32
      %scan3A_893 = arith.addi %scan3A_750, %scan3A_892 : i32
      %mul3A_894 = arith.constant 16 : i32
      %mul3A_895 = arith.muli %scan3A_893, %mul3A_894 : i32
      %get3A_896 = arith.constant 0 : i32
      %get3A_897 = arith.constant 0 : i32
      %get3A_898 = arith.index_cast %get3A_896 : i32 to index
      %get3A_899 = arith.index_cast %get3A_897 : i32 to index
      %get3A_900 = arith.index_cast %mul3A_895 : i32 to index
      %get3A_901 = tpu.vector_load %arg6[%get3A_898, %get3A_899, %get3A_900] {strides = array<i32>} : memref<3x2x16000xf32, #tpu.memory_space<vmem>>, vector<1x1x16xf32>,
      %get3A_902 = vector.shape_cast %get3A_901 : vector<1x1x16xf32> to vector<16xf32>
      %get3A_903 = arith.constant 0 : i32
      %get3A_904 = arith.constant 1 : i32
      %get3A_905 = arith.index_cast %get3A_903 : i32 to index
      %get3A_906 = arith.index_cast %get3A_904 : i32 to index
      %get3A_907 = arith.index_cast %mul3A_895 : i32 to index
      %get3A_908 = tpu.vector_load %arg6[%get3A_905, %get3A_906, %get3A_907] {strides = array<i32>} : memref<3x2x16000xf32, #tpu.memory_space<vmem>>, vector<1x1x16xf32>,
      %get3A_909 = vector.shape_cast %get3A_908 : vector<1x1x16xf32> to vector<16xf32>
      %select_n3A_910 = arith.select %eq3A_72, %get3A_909, %get3A_902 : vector<16xi1>, vector<16xf32>
      %swap3A_911 = arith.constant 0 : i32
      %swap3A_912 = arith.constant 0 : i32
      %swap3A_913 = arith.index_cast %swap3A_911 : i32 to index
      %swap3A_914 = arith.index_cast %swap3A_912 : i32 to index
      %swap3A_915 = arith.index_cast %mul3A_895 : i32 to index
      %swap3A_916 = tpu.vector_load %arg6[%swap3A_913, %swap3A_914, %swap3A_915] {strides = array<i32>} : memref<3x2x16000xf32, #tpu.memory_space<vmem>>, vector<1x1x16xf32>,
      %swap3A_917 = vector.shape_cast %swap3A_916 : vector<1x1x16xf32> to vector<16xf32>
      %swap3A_918 = vector.shape_cast %select_n3A_910 : vector<16xf32> to vector<1x1x16xf32>
      tpu.vector_store %arg6[%swap3A_913, %swap3A_914, %swap3A_915], %swap3A_918 {strides = array<i32>} : memref<3x2x16000xf32, #tpu.memory_space<vmem>>, vector<1x1x16xf32>,
      %select_n3A_919 = arith.select %eq3A_72, %get3A_902, %get3A_909 : vector<16xi1>, vector<16xf32>
      %swap3A_920 = arith.constant 0 : i32
      %swap3A_921 = arith.constant 1 : i32
      %swap3A_922 = arith.index_cast %swap3A_920 : i32 to index
      %swap3A_923 = arith.index_cast %swap3A_921 : i32 to index
      %swap3A_924 = arith.index_cast %mul3A_895 : i32 to index
      %swap3A_925 = tpu.vector_load %arg6[%swap3A_922, %swap3A_923, %swap3A_924] {strides = array<i32>} : memref<3x2x16000xf32, #tpu.memory_space<vmem>>, vector<1x1x16xf32>,
      %swap3A_926 = vector.shape_cast %swap3A_925 : vector<1x1x16xf32> to vector<16xf32>
      %swap3A_927 = vector.shape_cast %select_n3A_919 : vector<16xf32> to vector<1x1x16xf32>
      tpu.vector_store %arg6[%swap3A_922, %swap3A_923, %swap3A_924], %swap3A_927 {strides = array<i32>} : memref<3x2x16000xf32, #tpu.memory_space<vmem>>, vector<1x1x16xf32>,
      %scan3A_928 = arith.constant 5 : i32
      %scan3A_929 = arith.addi %scan3A_750, %scan3A_928 : i32
      %mul3A_930 = arith.constant 16 : i32
      %mul3A_931 = arith.muli %scan3A_929, %mul3A_930 : i32
      %get3A_932 = arith.constant 0 : i32
      %get3A_933 = arith.constant 0 : i32
      %get3A_934 = arith.index_cast %get3A_932 : i32 to index
      %get3A_935 = arith.index_cast %get3A_933 : i32 to index
      %get3A_936 = arith.index_cast %mul3A_931 : i32 to index
      %get3A_937 = tpu.vector_load %arg6[%get3A_934, %get3A_935, %get3A_936] {strides = array<i32>} : memref<3x2x16000xf32, #tpu.memory_space<vmem>>, vector<1x1x16xf32>,
      %get3A_938 = vector.shape_cast %get3A_937 : vector<1x1x16xf32> to vector<16xf32>
      %get3A_939 = arith.constant 0 : i32
      %get3A_940 = arith.constant 1 : i32
      %get3A_941 = arith.index_cast %get3A_939 : i32 to index
      %get3A_942 = arith.index_cast %get3A_940 : i32 to index
      %get3A_943 = arith.index_cast %mul3A_931 : i32 to index
      %get3A_944 = tpu.vector_load %arg6[%get3A_941, %get3A_942, %get3A_943] {strides = array<i32>} : memref<3x2x16000xf32, #tpu.memory_space<vmem>>, vector<1x1x16xf32>,
      %get3A_945 = vector.shape_cast %get3A_944 : vector<1x1x16xf32> to vector<16xf32>
      %select_n3A_946 = arith.select %eq3A_72, %get3A_945, %get3A_938 : vector<16xi1>, vector<16xf32>
      %swap3A_947 = arith.constant 0 : i32
      %swap3A_948 = arith.constant 0 : i32
      %swap3A_949 = arith.index_cast %swap3A_947 : i32 to index
      %swap3A_950 = arith.index_cast %swap3A_948 : i32 to index
      %swap3A_951 = arith.index_cast %mul3A_931 : i32 to index
      %swap3A_952 = tpu.vector_load %arg6[%swap3A_949, %swap3A_950, %swap3A_951] {strides = array<i32>} : memref<3x2x16000xf32, #tpu.memory_space<vmem>>, vector<1x1x16xf32>,
      %swap3A_953 = vector.shape_cast %swap3A_952 : vector<1x1x16xf32> to vector<16xf32>
      %swap3A_954 = vector.shape_cast %select_n3A_946 : vector<16xf32> to vector<1x1x16xf32>
      tpu.vector_store %arg6[%swap3A_949, %swap3A_950, %swap3A_951], %swap3A_954 {strides = array<i32>} : memref<3x2x16000xf32, #tpu.memory_space<vmem>>, vector<1x1x16xf32>,
      %select_n3A_955 = arith.select %eq3A_72, %get3A_938, %get3A_945 : vector<16xi1>, vector<16xf32>
      %swap3A_956 = arith.constant 0 : i32
      %swap3A_957 = arith.constant 1 : i32
      %swap3A_958 = arith.index_cast %swap3A_956 : i32 to index
      %swap3A_959 = arith.index_cast %swap3A_957 : i32 to index
      %swap3A_960 = arith.index_cast %mul3A_931 : i32 to index
      %swap3A_961 = tpu.vector_load %arg6[%swap3A_958, %swap3A_959, %swap3A_960] {strides = array<i32>} : memref<3x2x16000xf32, #tpu.memory_space<vmem>>, vector<1x1x16xf32>,
      %swap3A_962 = vector.shape_cast %swap3A_961 : vector<1x1x16xf32> to vector<16xf32>
      %swap3A_963 = vector.shape_cast %select_n3A_955 : vector<16xf32> to vector<1x1x16xf32>
      tpu.vector_store %arg6[%swap3A_958, %swap3A_959, %swap3A_960], %swap3A_963 {strides = array<i32>} : memref<3x2x16000xf32, #tpu.memory_space<vmem>>, vector<1x1x16xf32>,
      %scan3A_964 = arith.constant 6 : i32
      %scan3A_965 = arith.addi %scan3A_750, %scan3A_964 : i32
      %mul3A_966 = arith.constant 16 : i32
      %mul3A_967 = arith.muli %scan3A_965, %mul3A_966 : i32
      %get3A_968 = arith.constant 0 : i32
      %get3A_969 = arith.constant 0 : i32
      %get3A_970 = arith.index_cast %get3A_968 : i32 to index
      %get3A_971 = arith.index_cast %get3A_969 : i32 to index
      %get3A_972 = arith.index_cast %mul3A_967 : i32 to index
      %get3A_973 = tpu.vector_load %arg6[%get3A_970, %get3A_971, %get3A_972] {strides = array<i32>} : memref<3x2x16000xf32, #tpu.memory_space<vmem>>, vector<1x1x16xf32>,
      %get3A_974 = vector.shape_cast %get3A_973 : vector<1x1x16xf32> to vector<16xf32>
      %get3A_975 = arith.constant 0 : i32
      %get3A_976 = arith.constant 1 : i32
      %get3A_977 = arith.index_cast %get3A_975 : i32 to index
      %get3A_978 = arith.index_cast %get3A_976 : i32 to index
      %get3A_979 = arith.index_cast %mul3A_967 : i32 to index
      %get3A_980 = tpu.vector_load %arg6[%get3A_977, %get3A_978, %get3A_979] {strides = array<i32>} : memref<3x2x16000xf32, #tpu.memory_space<vmem>>, vector<1x1x16xf32>,
      %get3A_981 = vector.shape_cast %get3A_980 : vector<1x1x16xf32> to vector<16xf32>
      %select_n3A_982 = arith.select %eq3A_72, %get3A_981, %get3A_974 : vector<16xi1>, vector<16xf32>
      %swap3A_983 = arith.constant 0 : i32
      %swap3A_984 = arith.constant 0 : i32
      %swap3A_985 = arith.index_cast %swap3A_983 : i32 to index
      %swap3A_986 = arith.index_cast %swap3A_984 : i32 to index
      %swap3A_987 = arith.index_cast %mul3A_967 : i32 to index
      %swap3A_988 = tpu.vector_load %arg6[%swap3A_985, %swap3A_986, %swap3A_987] {strides = array<i32>} : memref<3x2x16000xf32, #tpu.memory_space<vmem>>, vector<1x1x16xf32>,
      %swap3A_989 = vector.shape_cast %swap3A_988 : vector<1x1x16xf32> to vector<16xf32>
      %swap3A_990 = vector.shape_cast %select_n3A_982 : vector<16xf32> to vector<1x1x16xf32>
      tpu.vector_store %arg6[%swap3A_985, %swap3A_986, %swap3A_987], %swap3A_990 {strides = array<i32>} : memref<3x2x16000xf32, #tpu.memory_space<vmem>>, vector<1x1x16xf32>,
      %select_n3A_991 = arith.select %eq3A_72, %get3A_974, %get3A_981 : vector<16xi1>, vector<16xf32>
      %swap3A_992 = arith.constant 0 : i32
      %swap3A_993 = arith.constant 1 : i32
      %swap3A_994 = arith.index_cast %swap3A_992 : i32 to index
      %swap3A_995 = arith.index_cast %swap3A_993 : i32 to index
      %swap3A_996 = arith.index_cast %mul3A_967 : i32 to index
      %swap3A_997 = tpu.vector_load %arg6[%swap3A_994, %swap3A_995, %swap3A_996] {strides = array<i32>} : memref<3x2x16000xf32, #tpu.memory_space<vmem>>, vector<1x1x16xf32>,
      %swap3A_998 = vector.shape_cast %swap3A_997 : vector<1x1x16xf32> to vector<16xf32>
      %swap3A_999 = vector.shape_cast %select_n3A_991 : vector<16xf32> to vector<1x1x16xf32>
      tpu.vector_store %arg6[%swap3A_994, %swap3A_995, %swap3A_996], %swap3A_999 {strides = array<i32>} : memref<3x2x16000xf32, #tpu.memory_space<vmem>>, vector<1x1x16xf32>,
      %scan3A_1000 = arith.constant 7 : i32
      %scan3A_1001 = arith.addi %scan3A_750, %scan3A_1000 : i32
      %mul3A_1002 = arith.constant 16 : i32
      %mul3A_1003 = arith.muli %scan3A_1001, %mul3A_1002 : i32
      %get3A_1004 = arith.constant 0 : i32
      %get3A_1005 = arith.constant 0 : i32
      %get3A_1006 = arith.index_cast %get3A_1004 : i32 to index
      %get3A_1007 = arith.index_cast %get3A_1005 : i32 to index
      %get3A_1008 = arith.index_cast %mul3A_1003 : i32 to index
      %get3A_1009 = tpu.vector_load %arg6[%get3A_1006, %get3A_1007, %get3A_1008] {strides = array<i32>} : memref<3x2x16000xf32, #tpu.memory_space<vmem>>, vector<1x1x16xf32>,
      %get3A_1010 = vector.shape_cast %get3A_1009 : vector<1x1x16xf32> to vector<16xf32>
      %get3A_1011 = arith.constant 0 : i32
      %get3A_1012 = arith.constant 1 : i32
      %get3A_1013 = arith.index_cast %get3A_1011 : i32 to index
      %get3A_1014 = arith.index_cast %get3A_1012 : i32 to index
      %get3A_1015 = arith.index_cast %mul3A_1003 : i32 to index
      %get3A_1016 = tpu.vector_load %arg6[%get3A_1013, %get3A_1014, %get3A_1015] {strides = array<i32>} : memref<3x2x16000xf32, #tpu.memory_space<vmem>>, vector<1x1x16xf32>,
      %get3A_1017 = vector.shape_cast %get3A_1016 : vector<1x1x16xf32> to vector<16xf32>
      %select_n3A_1018 = arith.select %eq3A_72, %get3A_1017, %get3A_1010 : vector<16xi1>, vector<16xf32>
      %swap3A_1019 = arith.constant 0 : i32
      %swap3A_1020 = arith.constant 0 : i32
      %swap3A_1021 = arith.index_cast %swap3A_1019 : i32 to index
      %swap3A_1022 = arith.index_cast %swap3A_1020 : i32 to index
      %swap3A_1023 = arith.index_cast %mul3A_1003 : i32 to index
      %swap3A_1024 = tpu.vector_load %arg6[%swap3A_1021, %swap3A_1022, %swap3A_1023] {strides = array<i32>} : memref<3x2x16000xf32, #tpu.memory_space<vmem>>, vector<1x1x16xf32>,
      %swap3A_1025 = vector.shape_cast %swap3A_1024 : vector<1x1x16xf32> to vector<16xf32>
      %swap3A_1026 = vector.shape_cast %select_n3A_1018 : vector<16xf32> to vector<1x1x16xf32>
      tpu.vector_store %arg6[%swap3A_1021, %swap3A_1022, %swap3A_1023], %swap3A_1026 {strides = array<i32>} : memref<3x2x16000xf32, #tpu.memory_space<vmem>>, vector<1x1x16xf32>,
      %select_n3A_1027 = arith.select %eq3A_72, %get3A_1010, %get3A_1017 : vector<16xi1>, vector<16xf32>
      %swap3A_1028 = arith.constant 0 : i32
      %swap3A_1029 = arith.constant 1 : i32
      %swap3A_1030 = arith.index_cast %swap3A_1028 : i32 to index
      %swap3A_1031 = arith.index_cast %swap3A_1029 : i32 to index
      %swap3A_1032 = arith.index_cast %mul3A_1003 : i32 to index
      %swap3A_1033 = tpu.vector_load %arg6[%swap3A_1030, %swap3A_1031, %swap3A_1032] {strides = array<i32>} : memref<3x2x16000xf32, #tpu.memory_space<vmem>>, vector<1x1x16xf32>,
      %swap3A_1034 = vector.shape_cast %swap3A_1033 : vector<1x1x16xf32> to vector<16xf32>
      %swap3A_1035 = vector.shape_cast %select_n3A_1027 : vector<16xf32> to vector<1x1x16xf32>
      tpu.vector_store %arg6[%swap3A_1030, %swap3A_1031, %swap3A_1032], %swap3A_1035 {strides = array<i32>} : memref<3x2x16000xf32, #tpu.memory_space<vmem>>, vector<1x1x16xf32>,
    }
    %scan3A_513 = arith.constant 1000 : i32
    %dma_start3A_514 = arith.constant 0 : i32
    %dma_start3A_515 = arith.constant 0 : i32
    %dma_start3A_516 = arith.constant 0 : i32
    %dma_start3A_517 = tpu.memref_slice %arg6[%dma_start3A_514, %dma_start3A_515, %dma_start3A_516] : memref<3x2x16000xf32, #tpu.memory_space<vmem>> -> memref<1x2x16000xf32, #tpu.memory_space<vmem>>
    %dma_start3A_518 = tpu.memref_squeeze %dma_start3A_517 : memref<1x2x16000xf32, #tpu.memory_space<vmem>> -> memref<2x16000xf32, #tpu.memory_space<vmem>>
    %dma_start3A_519 = arith.constant 0 : i32
    %dma_start3A_520 = arith.constant 96000 : i32
    %dma_start3A_521 = tpu.memref_slice %arg4[%select_n3A, %select_n3A_30, %dma_start3A_519, %dma_start3A_520] : memref<8x4x2x160000xf32, #tpu.memory_space<hbm>> -> memref<1x1x2x16000xf32, #tpu.memory_space<hbm>>
    %dma_start3A_522 = tpu.memref_squeeze %dma_start3A_521 : memref<1x1x2x16000xf32, #tpu.memory_space<hbm>> -> memref<2x16000xf32, #tpu.memory_space<hbm>>
    %dma_start3A_523 = arith.constant 0 : i32
    %dma_start3A_524 = arith.constant 96000 : i32
    %dma_start3A_525 = tpu.memref_slice %arg4[%select_n3A, %select_n3A_30, %dma_start3A_523, %dma_start3A_524] : memref<8x4x2x160000xf32, #tpu.memory_space<hbm>> -> memref<1x1x2x16000xf32, #tpu.memory_space<hbm>>
    %dma_start3A_526 = tpu.memref_squeeze %dma_start3A_525 : memref<1x1x2x16000xf32, #tpu.memory_space<hbm>> -> memref<2x16000xf32, #tpu.memory_space<hbm>>
    %dma_start3A_527 = arith.constant 0 : i32
    %dma_start3A_528 = arith.constant 0 : i32
    %dma_start3A_529 = tpu.memref_slice %arg6[%dma_start3A_514, %dma_start3A_527, %dma_start3A_528] : memref<3x2x16000xf32, #tpu.memory_space<vmem>> -> memref<1x2x16000xf32, #tpu.memory_space<vmem>>
    %dma_start3A_530 = tpu.memref_squeeze %dma_start3A_529 : memref<1x2x16000xf32, #tpu.memory_space<vmem>> -> memref<2x16000xf32, #tpu.memory_space<vmem>>
    tpu.enqueue_dma source(%dma_start3A_530 : memref<2x16000xf32, #tpu.memory_space<vmem>>) target(%dma_start3A_526 : memref<2x16000xf32, #tpu.memory_space<hbm>>) target_semaphore(%arg10 : memref<!tpu.dma_semaphore, #tpu.memory_space<semaphore_mem>>)
    %dma_wait3A_531 = arith.constant 2 : i32
    %dma_wait3A_532 = arith.constant 0 : i32
    %dma_wait3A_533 = arith.constant 0 : i32
    %dma_wait3A_534 = tpu.memref_slice %arg6[%dma_wait3A_531, %dma_wait3A_532, %dma_wait3A_533] : memref<3x2x16000xf32, #tpu.memory_space<vmem>> -> memref<1x2x16000xf32, #tpu.memory_space<vmem>>
    %dma_wait3A_535 = tpu.memref_squeeze %dma_wait3A_534 : memref<1x2x16000xf32, #tpu.memory_space<vmem>> -> memref<2x16000xf32, #tpu.memory_space<vmem>>
    %dma_wait3A_536 = arith.constant 0 : i32
    %dma_wait3A_537 = arith.constant 80000 : i32
    %dma_wait3A_538 = tpu.memref_slice %arg4[%select_n3A, %select_n3A_30, %dma_wait3A_536, %dma_wait3A_537] : memref<8x4x2x160000xf32, #tpu.memory_space<hbm>> -> memref<1x1x2x16000xf32, #tpu.memory_space<hbm>>
    %dma_wait3A_539 = tpu.memref_squeeze %dma_wait3A_538 : memref<1x1x2x16000xf32, #tpu.memory_space<hbm>> -> memref<2x16000xf32, #tpu.memory_space<hbm>>
    %dma_wait3A_540 = arith.constant 0 : i32
    %dma_wait3A_541 = arith.constant 80000 : i32
    %dma_wait3A_542 = tpu.memref_slice %arg4[%select_n3A, %select_n3A_30, %dma_wait3A_540, %dma_wait3A_541] : memref<8x4x2x160000xf32, #tpu.memory_space<hbm>> -> memref<1x1x2x16000xf32, #tpu.memory_space<hbm>>
    %dma_wait3A_543 = tpu.memref_squeeze %dma_wait3A_542 : memref<1x1x2x16000xf32, #tpu.memory_space<hbm>> -> memref<2x16000xf32, #tpu.memory_space<hbm>>
    %dma_wait3A_544 = arith.constant 0 : i32
    %dma_wait3A_545 = arith.constant 0 : i32
    %dma_wait3A_546 = tpu.memref_slice %arg6[%dma_wait3A_531, %dma_wait3A_544, %dma_wait3A_545] : memref<3x2x16000xf32, #tpu.memory_space<vmem>> -> memref<1x2x16000xf32, #tpu.memory_space<vmem>>
    %dma_wait3A_547 = tpu.memref_squeeze %dma_wait3A_546 : memref<1x2x16000xf32, #tpu.memory_space<vmem>> -> memref<2x16000xf32, #tpu.memory_space<vmem>>
    tpu.wait_dma2 semaphore(%arg12 : memref<!tpu.dma_semaphore, #tpu.memory_space<semaphore_mem>>) src(%dma_wait3A_547 : memref<2x16000xf32, #tpu.memory_space<vmem>>) dst(%dma_wait3A_543 : memref<2x16000xf32, #tpu.memory_space<hbm>>)
    %dma_start3A_548 = arith.constant 2 : i32
    %dma_start3A_549 = arith.constant 0 : i32
    %dma_start3A_550 = arith.constant 0 : i32
    %dma_start3A_551 = tpu.memref_slice %arg6[%dma_start3A_548, %dma_start3A_549, %dma_start3A_550] : memref<3x2x16000xf32, #tpu.memory_space<vmem>> -> memref<1x2x16000xf32, #tpu.memory_space<vmem>>
    %dma_start3A_552 = tpu.memref_squeeze %dma_start3A_551 : memref<1x2x16000xf32, #tpu.memory_space<vmem>> -> memref<2x16000xf32, #tpu.memory_space<vmem>>
    %dma_start3A_553 = arith.constant 0 : i32
    %dma_start3A_554 = arith.constant 128000 : i32
    %dma_start3A_555 = tpu.memref_slice %arg2[%select_n3A, %select_n3A_30, %dma_start3A_553, %dma_start3A_554] : memref<8x4x2x160000xf32, #tpu.memory_space<hbm>> -> memref<1x1x2x16000xf32, #tpu.memory_space<hbm>>
    %dma_start3A_556 = tpu.memref_squeeze %dma_start3A_555 : memref<1x1x2x16000xf32, #tpu.memory_space<hbm>> -> memref<2x16000xf32, #tpu.memory_space<hbm>>
    %dma_start3A_557 = arith.constant 0 : i32
    %dma_start3A_558 = arith.constant 0 : i32
    %dma_start3A_559 = tpu.memref_slice %arg6[%dma_start3A_548, %dma_start3A_557, %dma_start3A_558] : memref<3x2x16000xf32, #tpu.memory_space<vmem>> -> memref<1x2x16000xf32, #tpu.memory_space<vmem>>
    %dma_start3A_560 = tpu.memref_squeeze %dma_start3A_559 : memref<1x2x16000xf32, #tpu.memory_space<vmem>> -> memref<2x16000xf32, #tpu.memory_space<vmem>>
    %dma_start3A_561 = arith.constant 0 : i32
    %dma_start3A_562 = arith.constant 128000 : i32
    %dma_start3A_563 = tpu.memref_slice %arg2[%select_n3A, %select_n3A_30, %dma_start3A_561, %dma_start3A_562] : memref<8x4x2x160000xf32, #tpu.memory_space<hbm>> -> memref<1x1x2x16000xf32, #tpu.memory_space<hbm>>
    %dma_start3A_564 = tpu.memref_squeeze %dma_start3A_563 : memref<1x1x2x16000xf32, #tpu.memory_space<hbm>> -> memref<2x16000xf32, #tpu.memory_space<hbm>>
    tpu.enqueue_dma source(%dma_start3A_564 : memref<2x16000xf32, #tpu.memory_space<hbm>>) target(%dma_start3A_560 : memref<2x16000xf32, #tpu.memory_space<vmem>>) target_semaphore(%arg9 : memref<!tpu.dma_semaphore, #tpu.memory_space<semaphore_mem>>)
    %dma_wait3A_565 = arith.constant 1 : i32
    %dma_wait3A_566 = arith.constant 0 : i32
    %dma_wait3A_567 = arith.constant 0 : i32
    %dma_wait3A_568 = tpu.memref_slice %arg6[%dma_wait3A_565, %dma_wait3A_566, %dma_wait3A_567] : memref<3x2x16000xf32, #tpu.memory_space<vmem>> -> memref<1x2x16000xf32, #tpu.memory_space<vmem>>
    %dma_wait3A_569 = tpu.memref_squeeze %dma_wait3A_568 : memref<1x2x16000xf32, #tpu.memory_space<vmem>> -> memref<2x16000xf32, #tpu.memory_space<vmem>>
    %dma_wait3A_570 = arith.constant 0 : i32
    %dma_wait3A_571 = arith.constant 112000 : i32
    %dma_wait3A_572 = tpu.memref_slice %arg2[%select_n3A, %select_n3A_30, %dma_wait3A_570, %dma_wait3A_571] : memref<8x4x2x160000xf32, #tpu.memory_space<hbm>> -> memref<1x1x2x16000xf32, #tpu.memory_space<hbm>>
    %dma_wait3A_573 = tpu.memref_squeeze %dma_wait3A_572 : memref<1x1x2x16000xf32, #tpu.memory_space<hbm>> -> memref<2x16000xf32, #tpu.memory_space<hbm>>
    %dma_wait3A_574 = arith.constant 0 : i32
    %dma_wait3A_575 = arith.constant 0 : i32
    %dma_wait3A_576 = tpu.memref_slice %arg6[%dma_wait3A_565, %dma_wait3A_574, %dma_wait3A_575] : memref<3x2x16000xf32, #tpu.memory_space<vmem>> -> memref<1x2x16000xf32, #tpu.memory_space<vmem>>
    %dma_wait3A_577 = tpu.memref_squeeze %dma_wait3A_576 : memref<1x2x16000xf32, #tpu.memory_space<vmem>> -> memref<2x16000xf32, #tpu.memory_space<vmem>>
    %dma_wait3A_578 = arith.constant 0 : i32
    %dma_wait3A_579 = arith.constant 112000 : i32
    %dma_wait3A_580 = tpu.memref_slice %arg2[%select_n3A, %select_n3A_30, %dma_wait3A_578, %dma_wait3A_579] : memref<8x4x2x160000xf32, #tpu.memory_space<hbm>> -> memref<1x1x2x16000xf32, #tpu.memory_space<hbm>>
    %dma_wait3A_581 = tpu.memref_squeeze %dma_wait3A_580 : memref<1x1x2x16000xf32, #tpu.memory_space<hbm>> -> memref<2x16000xf32, #tpu.memory_space<hbm>>
    tpu.wait_dma2 semaphore(%arg8 : memref<!tpu.dma_semaphore, #tpu.memory_space<semaphore_mem>>) src(%dma_wait3A_581 : memref<2x16000xf32, #tpu.memory_space<hbm>>) dst(%dma_wait3A_577 : memref<2x16000xf32, #tpu.memory_space<vmem>>)
    %scan3A_582 = arith.constant 0 : i32
    %scan3A_583 = arith.constant 1000 : i32
    %scan3A_584 = arith.addi %scan3A_582, %scan3A_583 : i32
    %scan3A_585 = arith.constant 8 : i32
    scf.for %scan3A_750 = %scan3A_582 to %scan3A_584 step %scan3A_585  : i32 {
      %mul3A_751 = arith.constant 16 : i32
      %mul3A_752 = arith.muli %scan3A_750, %mul3A_751 : i32
      %get3A_753 = arith.constant 1 : i32
      %get3A_754 = arith.constant 0 : i32
      %get3A_755 = arith.index_cast %get3A_753 : i32 to index
      %get3A_756 = arith.index_cast %get3A_754 : i32 to index
      %get3A_757 = arith.index_cast %mul3A_752 : i32 to index
      %get3A_758 = tpu.vector_load %arg6[%get3A_755, %get3A_756, %get3A_757] {strides = array<i32>} : memref<3x2x16000xf32, #tpu.memory_space<vmem>>, vector<1x1x16xf32>,
      %get3A_759 = vector.shape_cast %get3A_758 : vector<1x1x16xf32> to vector<16xf32>
      %get3A_760 = arith.constant 1 : i32
      %get3A_761 = arith.constant 1 : i32
      %get3A_762 = arith.index_cast %get3A_760 : i32 to index
      %get3A_763 = arith.index_cast %get3A_761 : i32 to index
      %get3A_764 = arith.index_cast %mul3A_752 : i32 to index
      %get3A_765 = tpu.vector_load %arg6[%get3A_762, %get3A_763, %get3A_764] {strides = array<i32>} : memref<3x2x16000xf32, #tpu.memory_space<vmem>>, vector<1x1x16xf32>,
      %get3A_766 = vector.shape_cast %get3A_765 : vector<1x1x16xf32> to vector<16xf32>
      %select_n3A_767 = arith.select %eq3A_72, %get3A_766, %get3A_759 : vector<16xi1>, vector<16xf32>
      %swap3A = arith.constant 1 : i32
      %swap3A_768 = arith.constant 0 : i32
      %swap3A_769 = arith.index_cast %swap3A : i32 to index
      %swap3A_770 = arith.index_cast %swap3A_768 : i32 to index
      %swap3A_771 = arith.index_cast %mul3A_752 : i32 to index
      %swap3A_772 = tpu.vector_load %arg6[%swap3A_769, %swap3A_770, %swap3A_771] {strides = array<i32>} : memref<3x2x16000xf32, #tpu.memory_space<vmem>>, vector<1x1x16xf32>,
      %swap3A_773 = vector.shape_cast %swap3A_772 : vector<1x1x16xf32> to vector<16xf32>
      %swap3A_774 = vector.shape_cast %select_n3A_767 : vector<16xf32> to vector<1x1x16xf32>
      tpu.vector_store %arg6[%swap3A_769, %swap3A_770, %swap3A_771], %swap3A_774 {strides = array<i32>} : memref<3x2x16000xf32, #tpu.memory_space<vmem>>, vector<1x1x16xf32>,
      %select_n3A_775 = arith.select %eq3A_72, %get3A_759, %get3A_766 : vector<16xi1>, vector<16xf32>
      %swap3A_776 = arith.constant 1 : i32
      %swap3A_777 = arith.constant 1 : i32
      %swap3A_778 = arith.index_cast %swap3A_776 : i32 to index
      %swap3A_779 = arith.index_cast %swap3A_777 : i32 to index
      %swap3A_780 = arith.index_cast %mul3A_752 : i32 to index
      %swap3A_781 = tpu.vector_load %arg6[%swap3A_778, %swap3A_779, %swap3A_780] {strides = array<i32>} : memref<3x2x16000xf32, #tpu.memory_space<vmem>>, vector<1x1x16xf32>,
      %swap3A_782 = vector.shape_cast %swap3A_781 : vector<1x1x16xf32> to vector<16xf32>
      %swap3A_783 = vector.shape_cast %select_n3A_775 : vector<16xf32> to vector<1x1x16xf32>
      tpu.vector_store %arg6[%swap3A_778, %swap3A_779, %swap3A_780], %swap3A_783 {strides = array<i32>} : memref<3x2x16000xf32, #tpu.memory_space<vmem>>, vector<1x1x16xf32>,
      %scan3A_784 = arith.constant 1 : i32
      %scan3A_785 = arith.addi %scan3A_750, %scan3A_784 : i32
      %mul3A_786 = arith.constant 16 : i32
      %mul3A_787 = arith.muli %scan3A_785, %mul3A_786 : i32
      %get3A_788 = arith.constant 1 : i32
      %get3A_789 = arith.constant 0 : i32
      %get3A_790 = arith.index_cast %get3A_788 : i32 to index
      %get3A_791 = arith.index_cast %get3A_789 : i32 to index
      %get3A_792 = arith.index_cast %mul3A_787 : i32 to index
      %get3A_793 = tpu.vector_load %arg6[%get3A_790, %get3A_791, %get3A_792] {strides = array<i32>} : memref<3x2x16000xf32, #tpu.memory_space<vmem>>, vector<1x1x16xf32>,
      %get3A_794 = vector.shape_cast %get3A_793 : vector<1x1x16xf32> to vector<16xf32>
      %get3A_795 = arith.constant 1 : i32
      %get3A_796 = arith.constant 1 : i32
      %get3A_797 = arith.index_cast %get3A_795 : i32 to index
      %get3A_798 = arith.index_cast %get3A_796 : i32 to index
      %get3A_799 = arith.index_cast %mul3A_787 : i32 to index
      %get3A_800 = tpu.vector_load %arg6[%get3A_797, %get3A_798, %get3A_799] {strides = array<i32>} : memref<3x2x16000xf32, #tpu.memory_space<vmem>>, vector<1x1x16xf32>,
      %get3A_801 = vector.shape_cast %get3A_800 : vector<1x1x16xf32> to vector<16xf32>
      %select_n3A_802 = arith.select %eq3A_72, %get3A_801, %get3A_794 : vector<16xi1>, vector<16xf32>
      %swap3A_803 = arith.constant 1 : i32
      %swap3A_804 = arith.constant 0 : i32
      %swap3A_805 = arith.index_cast %swap3A_803 : i32 to index
      %swap3A_806 = arith.index_cast %swap3A_804 : i32 to index
      %swap3A_807 = arith.index_cast %mul3A_787 : i32 to index
      %swap3A_808 = tpu.vector_load %arg6[%swap3A_805, %swap3A_806, %swap3A_807] {strides = array<i32>} : memref<3x2x16000xf32, #tpu.memory_space<vmem>>, vector<1x1x16xf32>,
      %swap3A_809 = vector.shape_cast %swap3A_808 : vector<1x1x16xf32> to vector<16xf32>
      %swap3A_810 = vector.shape_cast %select_n3A_802 : vector<16xf32> to vector<1x1x16xf32>
      tpu.vector_store %arg6[%swap3A_805, %swap3A_806, %swap3A_807], %swap3A_810 {strides = array<i32>} : memref<3x2x16000xf32, #tpu.memory_space<vmem>>, vector<1x1x16xf32>,
      %select_n3A_811 = arith.select %eq3A_72, %get3A_794, %get3A_801 : vector<16xi1>, vector<16xf32>
      %swap3A_812 = arith.constant 1 : i32
      %swap3A_813 = arith.constant 1 : i32
      %swap3A_814 = arith.index_cast %swap3A_812 : i32 to index
      %swap3A_815 = arith.index_cast %swap3A_813 : i32 to index
      %swap3A_816 = arith.index_cast %mul3A_787 : i32 to index
      %swap3A_817 = tpu.vector_load %arg6[%swap3A_814, %swap3A_815, %swap3A_816] {strides = array<i32>} : memref<3x2x16000xf32, #tpu.memory_space<vmem>>, vector<1x1x16xf32>,
      %swap3A_818 = vector.shape_cast %swap3A_817 : vector<1x1x16xf32> to vector<16xf32>
      %swap3A_819 = vector.shape_cast %select_n3A_811 : vector<16xf32> to vector<1x1x16xf32>
      tpu.vector_store %arg6[%swap3A_814, %swap3A_815, %swap3A_816], %swap3A_819 {strides = array<i32>} : memref<3x2x16000xf32, #tpu.memory_space<vmem>>, vector<1x1x16xf32>,
      %scan3A_820 = arith.constant 2 : i32
      %scan3A_821 = arith.addi %scan3A_750, %scan3A_820 : i32
      %mul3A_822 = arith.constant 16 : i32
      %mul3A_823 = arith.muli %scan3A_821, %mul3A_822 : i32
      %get3A_824 = arith.constant 1 : i32
      %get3A_825 = arith.constant 0 : i32
      %get3A_826 = arith.index_cast %get3A_824 : i32 to index
      %get3A_827 = arith.index_cast %get3A_825 : i32 to index
      %get3A_828 = arith.index_cast %mul3A_823 : i32 to index
      %get3A_829 = tpu.vector_load %arg6[%get3A_826, %get3A_827, %get3A_828] {strides = array<i32>} : memref<3x2x16000xf32, #tpu.memory_space<vmem>>, vector<1x1x16xf32>,
      %get3A_830 = vector.shape_cast %get3A_829 : vector<1x1x16xf32> to vector<16xf32>
      %get3A_831 = arith.constant 1 : i32
      %get3A_832 = arith.constant 1 : i32
      %get3A_833 = arith.index_cast %get3A_831 : i32 to index
      %get3A_834 = arith.index_cast %get3A_832 : i32 to index
      %get3A_835 = arith.index_cast %mul3A_823 : i32 to index
      %get3A_836 = tpu.vector_load %arg6[%get3A_833, %get3A_834, %get3A_835] {strides = array<i32>} : memref<3x2x16000xf32, #tpu.memory_space<vmem>>, vector<1x1x16xf32>,
      %get3A_837 = vector.shape_cast %get3A_836 : vector<1x1x16xf32> to vector<16xf32>
      %select_n3A_838 = arith.select %eq3A_72, %get3A_837, %get3A_830 : vector<16xi1>, vector<16xf32>
      %swap3A_839 = arith.constant 1 : i32
      %swap3A_840 = arith.constant 0 : i32
      %swap3A_841 = arith.index_cast %swap3A_839 : i32 to index
      %swap3A_842 = arith.index_cast %swap3A_840 : i32 to index
      %swap3A_843 = arith.index_cast %mul3A_823 : i32 to index
      %swap3A_844 = tpu.vector_load %arg6[%swap3A_841, %swap3A_842, %swap3A_843] {strides = array<i32>} : memref<3x2x16000xf32, #tpu.memory_space<vmem>>, vector<1x1x16xf32>,
      %swap3A_845 = vector.shape_cast %swap3A_844 : vector<1x1x16xf32> to vector<16xf32>
      %swap3A_846 = vector.shape_cast %select_n3A_838 : vector<16xf32> to vector<1x1x16xf32>
      tpu.vector_store %arg6[%swap3A_841, %swap3A_842, %swap3A_843], %swap3A_846 {strides = array<i32>} : memref<3x2x16000xf32, #tpu.memory_space<vmem>>, vector<1x1x16xf32>,
      %select_n3A_847 = arith.select %eq3A_72, %get3A_830, %get3A_837 : vector<16xi1>, vector<16xf32>
      %swap3A_848 = arith.constant 1 : i32
      %swap3A_849 = arith.constant 1 : i32
      %swap3A_850 = arith.index_cast %swap3A_848 : i32 to index
      %swap3A_851 = arith.index_cast %swap3A_849 : i32 to index
      %swap3A_852 = arith.index_cast %mul3A_823 : i32 to index
      %swap3A_853 = tpu.vector_load %arg6[%swap3A_850, %swap3A_851, %swap3A_852] {strides = array<i32>} : memref<3x2x16000xf32, #tpu.memory_space<vmem>>, vector<1x1x16xf32>,
      %swap3A_854 = vector.shape_cast %swap3A_853 : vector<1x1x16xf32> to vector<16xf32>
      %swap3A_855 = vector.shape_cast %select_n3A_847 : vector<16xf32> to vector<1x1x16xf32>
      tpu.vector_store %arg6[%swap3A_850, %swap3A_851, %swap3A_852], %swap3A_855 {strides = array<i32>} : memref<3x2x16000xf32, #tpu.memory_space<vmem>>, vector<1x1x16xf32>,
      %scan3A_856 = arith.constant 3 : i32
      %scan3A_857 = arith.addi %scan3A_750, %scan3A_856 : i32
      %mul3A_858 = arith.constant 16 : i32
      %mul3A_859 = arith.muli %scan3A_857, %mul3A_858 : i32
      %get3A_860 = arith.constant 1 : i32
      %get3A_861 = arith.constant 0 : i32
      %get3A_862 = arith.index_cast %get3A_860 : i32 to index
      %get3A_863 = arith.index_cast %get3A_861 : i32 to index
      %get3A_864 = arith.index_cast %mul3A_859 : i32 to index
      %get3A_865 = tpu.vector_load %arg6[%get3A_862, %get3A_863, %get3A_864] {strides = array<i32>} : memref<3x2x16000xf32, #tpu.memory_space<vmem>>, vector<1x1x16xf32>,
      %get3A_866 = vector.shape_cast %get3A_865 : vector<1x1x16xf32> to vector<16xf32>
      %get3A_867 = arith.constant 1 : i32
      %get3A_868 = arith.constant 1 : i32
      %get3A_869 = arith.index_cast %get3A_867 : i32 to index
      %get3A_870 = arith.index_cast %get3A_868 : i32 to index
      %get3A_871 = arith.index_cast %mul3A_859 : i32 to index
      %get3A_872 = tpu.vector_load %arg6[%get3A_869, %get3A_870, %get3A_871] {strides = array<i32>} : memref<3x2x16000xf32, #tpu.memory_space<vmem>>, vector<1x1x16xf32>,
      %get3A_873 = vector.shape_cast %get3A_872 : vector<1x1x16xf32> to vector<16xf32>
      %select_n3A_874 = arith.select %eq3A_72, %get3A_873, %get3A_866 : vector<16xi1>, vector<16xf32>
      %swap3A_875 = arith.constant 1 : i32
      %swap3A_876 = arith.constant 0 : i32
      %swap3A_877 = arith.index_cast %swap3A_875 : i32 to index
      %swap3A_878 = arith.index_cast %swap3A_876 : i32 to index
      %swap3A_879 = arith.index_cast %mul3A_859 : i32 to index
      %swap3A_880 = tpu.vector_load %arg6[%swap3A_877, %swap3A_878, %swap3A_879] {strides = array<i32>} : memref<3x2x16000xf32, #tpu.memory_space<vmem>>, vector<1x1x16xf32>,
      %swap3A_881 = vector.shape_cast %swap3A_880 : vector<1x1x16xf32> to vector<16xf32>
      %swap3A_882 = vector.shape_cast %select_n3A_874 : vector<16xf32> to vector<1x1x16xf32>
      tpu.vector_store %arg6[%swap3A_877, %swap3A_878, %swap3A_879], %swap3A_882 {strides = array<i32>} : memref<3x2x16000xf32, #tpu.memory_space<vmem>>, vector<1x1x16xf32>,
      %select_n3A_883 = arith.select %eq3A_72, %get3A_866, %get3A_873 : vector<16xi1>, vector<16xf32>
      %swap3A_884 = arith.constant 1 : i32
      %swap3A_885 = arith.constant 1 : i32
      %swap3A_886 = arith.index_cast %swap3A_884 : i32 to index
      %swap3A_887 = arith.index_cast %swap3A_885 : i32 to index
      %swap3A_888 = arith.index_cast %mul3A_859 : i32 to index
      %swap3A_889 = tpu.vector_load %arg6[%swap3A_886, %swap3A_887, %swap3A_888] {strides = array<i32>} : memref<3x2x16000xf32, #tpu.memory_space<vmem>>, vector<1x1x16xf32>,
      %swap3A_890 = vector.shape_cast %swap3A_889 : vector<1x1x16xf32> to vector<16xf32>
      %swap3A_891 = vector.shape_cast %select_n3A_883 : vector<16xf32> to vector<1x1x16xf32>
      tpu.vector_store %arg6[%swap3A_886, %swap3A_887, %swap3A_888], %swap3A_891 {strides = array<i32>} : memref<3x2x16000xf32, #tpu.memory_space<vmem>>, vector<1x1x16xf32>,
      %scan3A_892 = arith.constant 4 : i32
      %scan3A_893 = arith.addi %scan3A_750, %scan3A_892 : i32
      %mul3A_894 = arith.constant 16 : i32
      %mul3A_895 = arith.muli %scan3A_893, %mul3A_894 : i32
      %get3A_896 = arith.constant 1 : i32
      %get3A_897 = arith.constant 0 : i32
      %get3A_898 = arith.index_cast %get3A_896 : i32 to index
      %get3A_899 = arith.index_cast %get3A_897 : i32 to index
      %get3A_900 = arith.index_cast %mul3A_895 : i32 to index
      %get3A_901 = tpu.vector_load %arg6[%get3A_898, %get3A_899, %get3A_900] {strides = array<i32>} : memref<3x2x16000xf32, #tpu.memory_space<vmem>>, vector<1x1x16xf32>,
      %get3A_902 = vector.shape_cast %get3A_901 : vector<1x1x16xf32> to vector<16xf32>
      %get3A_903 = arith.constant 1 : i32
      %get3A_904 = arith.constant 1 : i32
      %get3A_905 = arith.index_cast %get3A_903 : i32 to index
      %get3A_906 = arith.index_cast %get3A_904 : i32 to index
      %get3A_907 = arith.index_cast %mul3A_895 : i32 to index
      %get3A_908 = tpu.vector_load %arg6[%get3A_905, %get3A_906, %get3A_907] {strides = array<i32>} : memref<3x2x16000xf32, #tpu.memory_space<vmem>>, vector<1x1x16xf32>,
      %get3A_909 = vector.shape_cast %get3A_908 : vector<1x1x16xf32> to vector<16xf32>
      %select_n3A_910 = arith.select %eq3A_72, %get3A_909, %get3A_902 : vector<16xi1>, vector<16xf32>
      %swap3A_911 = arith.constant 1 : i32
      %swap3A_912 = arith.constant 0 : i32
      %swap3A_913 = arith.index_cast %swap3A_911 : i32 to index
      %swap3A_914 = arith.index_cast %swap3A_912 : i32 to index
      %swap3A_915 = arith.index_cast %mul3A_895 : i32 to index
      %swap3A_916 = tpu.vector_load %arg6[%swap3A_913, %swap3A_914, %swap3A_915] {strides = array<i32>} : memref<3x2x16000xf32, #tpu.memory_space<vmem>>, vector<1x1x16xf32>,
      %swap3A_917 = vector.shape_cast %swap3A_916 : vector<1x1x16xf32> to vector<16xf32>
      %swap3A_918 = vector.shape_cast %select_n3A_910 : vector<16xf32> to vector<1x1x16xf32>
      tpu.vector_store %arg6[%swap3A_913, %swap3A_914, %swap3A_915], %swap3A_918 {strides = array<i32>} : memref<3x2x16000xf32, #tpu.memory_space<vmem>>, vector<1x1x16xf32>,
      %select_n3A_919 = arith.select %eq3A_72, %get3A_902, %get3A_909 : vector<16xi1>, vector<16xf32>
      %swap3A_920 = arith.constant 1 : i32
      %swap3A_921 = arith.constant 1 : i32
      %swap3A_922 = arith.index_cast %swap3A_920 : i32 to index
      %swap3A_923 = arith.index_cast %swap3A_921 : i32 to index
      %swap3A_924 = arith.index_cast %mul3A_895 : i32 to index
      %swap3A_925 = tpu.vector_load %arg6[%swap3A_922, %swap3A_923, %swap3A_924] {strides = array<i32>} : memref<3x2x16000xf32, #tpu.memory_space<vmem>>, vector<1x1x16xf32>,
      %swap3A_926 = vector.shape_cast %swap3A_925 : vector<1x1x16xf32> to vector<16xf32>
      %swap3A_927 = vector.shape_cast %select_n3A_919 : vector<16xf32> to vector<1x1x16xf32>
      tpu.vector_store %arg6[%swap3A_922, %swap3A_923, %swap3A_924], %swap3A_927 {strides = array<i32>} : memref<3x2x16000xf32, #tpu.memory_space<vmem>>, vector<1x1x16xf32>,
      %scan3A_928 = arith.constant 5 : i32
      %scan3A_929 = arith.addi %scan3A_750, %scan3A_928 : i32
      %mul3A_930 = arith.constant 16 : i32
      %mul3A_931 = arith.muli %scan3A_929, %mul3A_930 : i32
      %get3A_932 = arith.constant 1 : i32
      %get3A_933 = arith.constant 0 : i32
      %get3A_934 = arith.index_cast %get3A_932 : i32 to index
      %get3A_935 = arith.index_cast %get3A_933 : i32 to index
      %get3A_936 = arith.index_cast %mul3A_931 : i32 to index
      %get3A_937 = tpu.vector_load %arg6[%get3A_934, %get3A_935, %get3A_936] {strides = array<i32>} : memref<3x2x16000xf32, #tpu.memory_space<vmem>>, vector<1x1x16xf32>,
      %get3A_938 = vector.shape_cast %get3A_937 : vector<1x1x16xf32> to vector<16xf32>
      %get3A_939 = arith.constant 1 : i32
      %get3A_940 = arith.constant 1 : i32
      %get3A_941 = arith.index_cast %get3A_939 : i32 to index
      %get3A_942 = arith.index_cast %get3A_940 : i32 to index
      %get3A_943 = arith.index_cast %mul3A_931 : i32 to index
      %get3A_944 = tpu.vector_load %arg6[%get3A_941, %get3A_942, %get3A_943] {strides = array<i32>} : memref<3x2x16000xf32, #tpu.memory_space<vmem>>, vector<1x1x16xf32>,
      %get3A_945 = vector.shape_cast %get3A_944 : vector<1x1x16xf32> to vector<16xf32>
      %select_n3A_946 = arith.select %eq3A_72, %get3A_945, %get3A_938 : vector<16xi1>, vector<16xf32>
      %swap3A_947 = arith.constant 1 : i32
      %swap3A_948 = arith.constant 0 : i32
      %swap3A_949 = arith.index_cast %swap3A_947 : i32 to index
      %swap3A_950 = arith.index_cast %swap3A_948 : i32 to index
      %swap3A_951 = arith.index_cast %mul3A_931 : i32 to index
      %swap3A_952 = tpu.vector_load %arg6[%swap3A_949, %swap3A_950, %swap3A_951] {strides = array<i32>} : memref<3x2x16000xf32, #tpu.memory_space<vmem>>, vector<1x1x16xf32>,
      %swap3A_953 = vector.shape_cast %swap3A_952 : vector<1x1x16xf32> to vector<16xf32>
      %swap3A_954 = vector.shape_cast %select_n3A_946 : vector<16xf32> to vector<1x1x16xf32>
      tpu.vector_store %arg6[%swap3A_949, %swap3A_950, %swap3A_951], %swap3A_954 {strides = array<i32>} : memref<3x2x16000xf32, #tpu.memory_space<vmem>>, vector<1x1x16xf32>,
      %select_n3A_955 = arith.select %eq3A_72, %get3A_938, %get3A_945 : vector<16xi1>, vector<16xf32>
      %swap3A_956 = arith.constant 1 : i32
      %swap3A_957 = arith.constant 1 : i32
      %swap3A_958 = arith.index_cast %swap3A_956 : i32 to index
      %swap3A_959 = arith.index_cast %swap3A_957 : i32 to index
      %swap3A_960 = arith.index_cast %mul3A_931 : i32 to index
      %swap3A_961 = tpu.vector_load %arg6[%swap3A_958, %swap3A_959, %swap3A_960] {strides = array<i32>} : memref<3x2x16000xf32, #tpu.memory_space<vmem>>, vector<1x1x16xf32>,
      %swap3A_962 = vector.shape_cast %swap3A_961 : vector<1x1x16xf32> to vector<16xf32>
      %swap3A_963 = vector.shape_cast %select_n3A_955 : vector<16xf32> to vector<1x1x16xf32>
      tpu.vector_store %arg6[%swap3A_958, %swap3A_959, %swap3A_960], %swap3A_963 {strides = array<i32>} : memref<3x2x16000xf32, #tpu.memory_space<vmem>>, vector<1x1x16xf32>,
      %scan3A_964 = arith.constant 6 : i32
      %scan3A_965 = arith.addi %scan3A_750, %scan3A_964 : i32
      %mul3A_966 = arith.constant 16 : i32
      %mul3A_967 = arith.muli %scan3A_965, %mul3A_966 : i32
      %get3A_968 = arith.constant 1 : i32
      %get3A_969 = arith.constant 0 : i32
      %get3A_970 = arith.index_cast %get3A_968 : i32 to index
      %get3A_971 = arith.index_cast %get3A_969 : i32 to index
      %get3A_972 = arith.index_cast %mul3A_967 : i32 to index
      %get3A_973 = tpu.vector_load %arg6[%get3A_970, %get3A_971, %get3A_972] {strides = array<i32>} : memref<3x2x16000xf32, #tpu.memory_space<vmem>>, vector<1x1x16xf32>,
      %get3A_974 = vector.shape_cast %get3A_973 : vector<1x1x16xf32> to vector<16xf32>
      %get3A_975 = arith.constant 1 : i32
      %get3A_976 = arith.constant 1 : i32
      %get3A_977 = arith.index_cast %get3A_975 : i32 to index
      %get3A_978 = arith.index_cast %get3A_976 : i32 to index
      %get3A_979 = arith.index_cast %mul3A_967 : i32 to index
      %get3A_980 = tpu.vector_load %arg6[%get3A_977, %get3A_978, %get3A_979] {strides = array<i32>} : memref<3x2x16000xf32, #tpu.memory_space<vmem>>, vector<1x1x16xf32>,
      %get3A_981 = vector.shape_cast %get3A_980 : vector<1x1x16xf32> to vector<16xf32>
      %select_n3A_982 = arith.select %eq3A_72, %get3A_981, %get3A_974 : vector<16xi1>, vector<16xf32>
      %swap3A_983 = arith.constant 1 : i32
      %swap3A_984 = arith.constant 0 : i32
      %swap3A_985 = arith.index_cast %swap3A_983 : i32 to index
      %swap3A_986 = arith.index_cast %swap3A_984 : i32 to index
      %swap3A_987 = arith.index_cast %mul3A_967 : i32 to index
      %swap3A_988 = tpu.vector_load %arg6[%swap3A_985, %swap3A_986, %swap3A_987] {strides = array<i32>} : memref<3x2x16000xf32, #tpu.memory_space<vmem>>, vector<1x1x16xf32>,
      %swap3A_989 = vector.shape_cast %swap3A_988 : vector<1x1x16xf32> to vector<16xf32>
      %swap3A_990 = vector.shape_cast %select_n3A_982 : vector<16xf32> to vector<1x1x16xf32>
      tpu.vector_store %arg6[%swap3A_985, %swap3A_986, %swap3A_987], %swap3A_990 {strides = array<i32>} : memref<3x2x16000xf32, #tpu.memory_space<vmem>>, vector<1x1x16xf32>,
      %select_n3A_991 = arith.select %eq3A_72, %get3A_974, %get3A_981 : vector<16xi1>, vector<16xf32>
      %swap3A_992 = arith.constant 1 : i32
      %swap3A_993 = arith.constant 1 : i32
      %swap3A_994 = arith.index_cast %swap3A_992 : i32 to index
      %swap3A_995 = arith.index_cast %swap3A_993 : i32 to index
      %swap3A_996 = arith.index_cast %mul3A_967 : i32 to index
      %swap3A_997 = tpu.vector_load %arg6[%swap3A_994, %swap3A_995, %swap3A_996] {strides = array<i32>} : memref<3x2x16000xf32, #tpu.memory_space<vmem>>, vector<1x1x16xf32>,
      %swap3A_998 = vector.shape_cast %swap3A_997 : vector<1x1x16xf32> to vector<16xf32>
      %swap3A_999 = vector.shape_cast %select_n3A_991 : vector<16xf32> to vector<1x1x16xf32>
      tpu.vector_store %arg6[%swap3A_994, %swap3A_995, %swap3A_996], %swap3A_999 {strides = array<i32>} : memref<3x2x16000xf32, #tpu.memory_space<vmem>>, vector<1x1x16xf32>,
      %scan3A_1000 = arith.constant 7 : i32
      %scan3A_1001 = arith.addi %scan3A_750, %scan3A_1000 : i32
      %mul3A_1002 = arith.constant 16 : i32
      %mul3A_1003 = arith.muli %scan3A_1001, %mul3A_1002 : i32
      %get3A_1004 = arith.constant 1 : i32
      %get3A_1005 = arith.constant 0 : i32
      %get3A_1006 = arith.index_cast %get3A_1004 : i32 to index
      %get3A_1007 = arith.index_cast %get3A_1005 : i32 to index
      %get3A_1008 = arith.index_cast %mul3A_1003 : i32 to index
      %get3A_1009 = tpu.vector_load %arg6[%get3A_1006, %get3A_1007, %get3A_1008] {strides = array<i32>} : memref<3x2x16000xf32, #tpu.memory_space<vmem>>, vector<1x1x16xf32>,
      %get3A_1010 = vector.shape_cast %get3A_1009 : vector<1x1x16xf32> to vector<16xf32>
      %get3A_1011 = arith.constant 1 : i32
      %get3A_1012 = arith.constant 1 : i32
      %get3A_1013 = arith.index_cast %get3A_1011 : i32 to index
      %get3A_1014 = arith.index_cast %get3A_1012 : i32 to index
      %get3A_1015 = arith.index_cast %mul3A_1003 : i32 to index
      %get3A_1016 = tpu.vector_load %arg6[%get3A_1013, %get3A_1014, %get3A_1015] {strides = array<i32>} : memref<3x2x16000xf32, #tpu.memory_space<vmem>>, vector<1x1x16xf32>,
      %get3A_1017 = vector.shape_cast %get3A_1016 : vector<1x1x16xf32> to vector<16xf32>
      %select_n3A_1018 = arith.select %eq3A_72, %get3A_1017, %get3A_1010 : vector<16xi1>, vector<16xf32>
      %swap3A_1019 = arith.constant 1 : i32
      %swap3A_1020 = arith.constant 0 : i32
      %swap3A_1021 = arith.index_cast %swap3A_1019 : i32 to index
      %swap3A_1022 = arith.index_cast %swap3A_1020 : i32 to index
      %swap3A_1023 = arith.index_cast %mul3A_1003 : i32 to index
      %swap3A_1024 = tpu.vector_load %arg6[%swap3A_1021, %swap3A_1022, %swap3A_1023] {strides = array<i32>} : memref<3x2x16000xf32, #tpu.memory_space<vmem>>, vector<1x1x16xf32>,
      %swap3A_1025 = vector.shape_cast %swap3A_1024 : vector<1x1x16xf32> to vector<16xf32>
      %swap3A_1026 = vector.shape_cast %select_n3A_1018 : vector<16xf32> to vector<1x1x16xf32>
      tpu.vector_store %arg6[%swap3A_1021, %swap3A_1022, %swap3A_1023], %swap3A_1026 {strides = array<i32>} : memref<3x2x16000xf32, #tpu.memory_space<vmem>>, vector<1x1x16xf32>,
      %select_n3A_1027 = arith.select %eq3A_72, %get3A_1010, %get3A_1017 : vector<16xi1>, vector<16xf32>
      %swap3A_1028 = arith.constant 1 : i32
      %swap3A_1029 = arith.constant 1 : i32
      %swap3A_1030 = arith.index_cast %swap3A_1028 : i32 to index
      %swap3A_1031 = arith.index_cast %swap3A_1029 : i32 to index
      %swap3A_1032 = arith.index_cast %mul3A_1003 : i32 to index
      %swap3A_1033 = tpu.vector_load %arg6[%swap3A_1030, %swap3A_1031, %swap3A_1032] {strides = array<i32>} : memref<3x2x16000xf32, #tpu.memory_space<vmem>>, vector<1x1x16xf32>,
      %swap3A_1034 = vector.shape_cast %swap3A_1033 : vector<1x1x16xf32> to vector<16xf32>
      %swap3A_1035 = vector.shape_cast %select_n3A_1027 : vector<16xf32> to vector<1x1x16xf32>
      tpu.vector_store %arg6[%swap3A_1030, %swap3A_1031, %swap3A_1032], %swap3A_1035 {strides = array<i32>} : memref<3x2x16000xf32, #tpu.memory_space<vmem>>, vector<1x1x16xf32>,
    }
    %scan3A_586 = arith.constant 1000 : i32
    %dma_start3A_587 = arith.constant 1 : i32
    %dma_start3A_588 = arith.constant 0 : i32
    %dma_start3A_589 = arith.constant 0 : i32
    %dma_start3A_590 = tpu.memref_slice %arg6[%dma_start3A_587, %dma_start3A_588, %dma_start3A_589] : memref<3x2x16000xf32, #tpu.memory_space<vmem>> -> memref<1x2x16000xf32, #tpu.memory_space<vmem>>
    %dma_start3A_591 = tpu.memref_squeeze %dma_start3A_590 : memref<1x2x16000xf32, #tpu.memory_space<vmem>> -> memref<2x16000xf32, #tpu.memory_space<vmem>>
    %dma_start3A_592 = arith.constant 0 : i32
    %dma_start3A_593 = arith.constant 112000 : i32
    %dma_start3A_594 = tpu.memref_slice %arg4[%select_n3A, %select_n3A_30, %dma_start3A_592, %dma_start3A_593] : memref<8x4x2x160000xf32, #tpu.memory_space<hbm>> -> memref<1x1x2x16000xf32, #tpu.memory_space<hbm>>
    %dma_start3A_595 = tpu.memref_squeeze %dma_start3A_594 : memref<1x1x2x16000xf32, #tpu.memory_space<hbm>> -> memref<2x16000xf32, #tpu.memory_space<hbm>>
    %dma_start3A_596 = arith.constant 0 : i32
    %dma_start3A_597 = arith.constant 112000 : i32
    %dma_start3A_598 = tpu.memref_slice %arg4[%select_n3A, %select_n3A_30, %dma_start3A_596, %dma_start3A_597] : memref<8x4x2x160000xf32, #tpu.memory_space<hbm>> -> memref<1x1x2x16000xf32, #tpu.memory_space<hbm>>
    %dma_start3A_599 = tpu.memref_squeeze %dma_start3A_598 : memref<1x1x2x16000xf32, #tpu.memory_space<hbm>> -> memref<2x16000xf32, #tpu.memory_space<hbm>>
    %dma_start3A_600 = arith.constant 0 : i32
    %dma_start3A_601 = arith.constant 0 : i32
    %dma_start3A_602 = tpu.memref_slice %arg6[%dma_start3A_587, %dma_start3A_600, %dma_start3A_601] : memref<3x2x16000xf32, #tpu.memory_space<vmem>> -> memref<1x2x16000xf32, #tpu.memory_space<vmem>>
    %dma_start3A_603 = tpu.memref_squeeze %dma_start3A_602 : memref<1x2x16000xf32, #tpu.memory_space<vmem>> -> memref<2x16000xf32, #tpu.memory_space<vmem>>
    tpu.enqueue_dma source(%dma_start3A_603 : memref<2x16000xf32, #tpu.memory_space<vmem>>) target(%dma_start3A_599 : memref<2x16000xf32, #tpu.memory_space<hbm>>) target_semaphore(%arg11 : memref<!tpu.dma_semaphore, #tpu.memory_space<semaphore_mem>>)
    %dma_wait3A_604 = arith.constant 0 : i32
    %dma_wait3A_605 = arith.constant 0 : i32
    %dma_wait3A_606 = arith.constant 0 : i32
    %dma_wait3A_607 = tpu.memref_slice %arg6[%dma_wait3A_604, %dma_wait3A_605, %dma_wait3A_606] : memref<3x2x16000xf32, #tpu.memory_space<vmem>> -> memref<1x2x16000xf32, #tpu.memory_space<vmem>>
    %dma_wait3A_608 = tpu.memref_squeeze %dma_wait3A_607 : memref<1x2x16000xf32, #tpu.memory_space<vmem>> -> memref<2x16000xf32, #tpu.memory_space<vmem>>
    %dma_wait3A_609 = arith.constant 0 : i32
    %dma_wait3A_610 = arith.constant 96000 : i32
    %dma_wait3A_611 = tpu.memref_slice %arg4[%select_n3A, %select_n3A_30, %dma_wait3A_609, %dma_wait3A_610] : memref<8x4x2x160000xf32, #tpu.memory_space<hbm>> -> memref<1x1x2x16000xf32, #tpu.memory_space<hbm>>
    %dma_wait3A_612 = tpu.memref_squeeze %dma_wait3A_611 : memref<1x1x2x16000xf32, #tpu.memory_space<hbm>> -> memref<2x16000xf32, #tpu.memory_space<hbm>>
    %dma_wait3A_613 = arith.constant 0 : i32
    %dma_wait3A_614 = arith.constant 96000 : i32
    %dma_wait3A_615 = tpu.memref_slice %arg4[%select_n3A, %select_n3A_30, %dma_wait3A_613, %dma_wait3A_614] : memref<8x4x2x160000xf32, #tpu.memory_space<hbm>> -> memref<1x1x2x16000xf32, #tpu.memory_space<hbm>>
    %dma_wait3A_616 = tpu.memref_squeeze %dma_wait3A_615 : memref<1x1x2x16000xf32, #tpu.memory_space<hbm>> -> memref<2x16000xf32, #tpu.memory_space<hbm>>
    %dma_wait3A_617 = arith.constant 0 : i32
    %dma_wait3A_618 = arith.constant 0 : i32
    %dma_wait3A_619 = tpu.memref_slice %arg6[%dma_wait3A_604, %dma_wait3A_617, %dma_wait3A_618] : memref<3x2x16000xf32, #tpu.memory_space<vmem>> -> memref<1x2x16000xf32, #tpu.memory_space<vmem>>
    %dma_wait3A_620 = tpu.memref_squeeze %dma_wait3A_619 : memref<1x2x16000xf32, #tpu.memory_space<vmem>> -> memref<2x16000xf32, #tpu.memory_space<vmem>>
    tpu.wait_dma2 semaphore(%arg10 : memref<!tpu.dma_semaphore, #tpu.memory_space<semaphore_mem>>) src(%dma_wait3A_620 : memref<2x16000xf32, #tpu.memory_space<vmem>>) dst(%dma_wait3A_616 : memref<2x16000xf32, #tpu.memory_space<hbm>>)
    %dma_start3A_621 = arith.constant 0 : i32
    %dma_start3A_622 = arith.constant 0 : i32
    %dma_start3A_623 = arith.constant 0 : i32
    %dma_start3A_624 = tpu.memref_slice %arg6[%dma_start3A_621, %dma_start3A_622, %dma_start3A_623] : memref<3x2x16000xf32, #tpu.memory_space<vmem>> -> memref<1x2x16000xf32, #tpu.memory_space<vmem>>
    %dma_start3A_625 = tpu.memref_squeeze %dma_start3A_624 : memref<1x2x16000xf32, #tpu.memory_space<vmem>> -> memref<2x16000xf32, #tpu.memory_space<vmem>>
    %dma_start3A_626 = arith.constant 0 : i32
    %dma_start3A_627 = arith.constant 144000 : i32
    %dma_start3A_628 = tpu.memref_slice %arg2[%select_n3A, %select_n3A_30, %dma_start3A_626, %dma_start3A_627] : memref<8x4x2x160000xf32, #tpu.memory_space<hbm>> -> memref<1x1x2x16000xf32, #tpu.memory_space<hbm>>
    %dma_start3A_629 = tpu.memref_squeeze %dma_start3A_628 : memref<1x1x2x16000xf32, #tpu.memory_space<hbm>> -> memref<2x16000xf32, #tpu.memory_space<hbm>>
    %dma_start3A_630 = arith.constant 0 : i32
    %dma_start3A_631 = arith.constant 0 : i32
    %dma_start3A_632 = tpu.memref_slice %arg6[%dma_start3A_621, %dma_start3A_630, %dma_start3A_631] : memref<3x2x16000xf32, #tpu.memory_space<vmem>> -> memref<1x2x16000xf32, #tpu.memory_space<vmem>>
    %dma_start3A_633 = tpu.memref_squeeze %dma_start3A_632 : memref<1x2x16000xf32, #tpu.memory_space<vmem>> -> memref<2x16000xf32, #tpu.memory_space<vmem>>
    %dma_start3A_634 = arith.constant 0 : i32
    %dma_start3A_635 = arith.constant 144000 : i32
    %dma_start3A_636 = tpu.memref_slice %arg2[%select_n3A, %select_n3A_30, %dma_start3A_634, %dma_start3A_635] : memref<8x4x2x160000xf32, #tpu.memory_space<hbm>> -> memref<1x1x2x16000xf32, #tpu.memory_space<hbm>>
    %dma_start3A_637 = tpu.memref_squeeze %dma_start3A_636 : memref<1x1x2x16000xf32, #tpu.memory_space<hbm>> -> memref<2x16000xf32, #tpu.memory_space<hbm>>
    tpu.enqueue_dma source(%dma_start3A_637 : memref<2x16000xf32, #tpu.memory_space<hbm>>) target(%dma_start3A_633 : memref<2x16000xf32, #tpu.memory_space<vmem>>) target_semaphore(%arg7 : memref<!tpu.dma_semaphore, #tpu.memory_space<semaphore_mem>>)
    %dma_wait3A_638 = arith.constant 2 : i32
    %dma_wait3A_639 = arith.constant 0 : i32
    %dma_wait3A_640 = arith.constant 0 : i32
    %dma_wait3A_641 = tpu.memref_slice %arg6[%dma_wait3A_638, %dma_wait3A_639, %dma_wait3A_640] : memref<3x2x16000xf32, #tpu.memory_space<vmem>> -> memref<1x2x16000xf32, #tpu.memory_space<vmem>>
    %dma_wait3A_642 = tpu.memref_squeeze %dma_wait3A_641 : memref<1x2x16000xf32, #tpu.memory_space<vmem>> -> memref<2x16000xf32, #tpu.memory_space<vmem>>
    %dma_wait3A_643 = arith.constant 0 : i32
    %dma_wait3A_644 = arith.constant 128000 : i32
    %dma_wait3A_645 = tpu.memref_slice %arg2[%select_n3A, %select_n3A_30, %dma_wait3A_643, %dma_wait3A_644] : memref<8x4x2x160000xf32, #tpu.memory_space<hbm>> -> memref<1x1x2x16000xf32, #tpu.memory_space<hbm>>
    %dma_wait3A_646 = tpu.memref_squeeze %dma_wait3A_645 : memref<1x1x2x16000xf32, #tpu.memory_space<hbm>> -> memref<2x16000xf32, #tpu.memory_space<hbm>>
    %dma_wait3A_647 = arith.constant 0 : i32
    %dma_wait3A_648 = arith.constant 0 : i32
    %dma_wait3A_649 = tpu.memref_slice %arg6[%dma_wait3A_638, %dma_wait3A_647, %dma_wait3A_648] : memref<3x2x16000xf32, #tpu.memory_space<vmem>> -> memref<1x2x16000xf32, #tpu.memory_space<vmem>>
    %dma_wait3A_650 = tpu.memref_squeeze %dma_wait3A_649 : memref<1x2x16000xf32, #tpu.memory_space<vmem>> -> memref<2x16000xf32, #tpu.memory_space<vmem>>
    %dma_wait3A_651 = arith.constant 0 : i32
    %dma_wait3A_652 = arith.constant 128000 : i32
    %dma_wait3A_653 = tpu.memref_slice %arg2[%select_n3A, %select_n3A_30, %dma_wait3A_651, %dma_wait3A_652] : memref<8x4x2x160000xf32, #tpu.memory_space<hbm>> -> memref<1x1x2x16000xf32, #tpu.memory_space<hbm>>
    %dma_wait3A_654 = tpu.memref_squeeze %dma_wait3A_653 : memref<1x1x2x16000xf32, #tpu.memory_space<hbm>> -> memref<2x16000xf32, #tpu.memory_space<hbm>>
    tpu.wait_dma2 semaphore(%arg9 : memref<!tpu.dma_semaphore, #tpu.memory_space<semaphore_mem>>) src(%dma_wait3A_654 : memref<2x16000xf32, #tpu.memory_space<hbm>>) dst(%dma_wait3A_650 : memref<2x16000xf32, #tpu.memory_space<vmem>>)
    %scan3A_655 = arith.constant 0 : i32
    %scan3A_656 = arith.constant 1000 : i32
    %scan3A_657 = arith.addi %scan3A_655, %scan3A_656 : i32
    %scan3A_658 = arith.constant 8 : i32
    scf.for %scan3A_750 = %scan3A_655 to %scan3A_657 step %scan3A_658  : i32 {
      %mul3A_751 = arith.constant 16 : i32
      %mul3A_752 = arith.muli %scan3A_750, %mul3A_751 : i32
      %get3A_753 = arith.constant 2 : i32
      %get3A_754 = arith.constant 0 : i32
      %get3A_755 = arith.index_cast %get3A_753 : i32 to index
      %get3A_756 = arith.index_cast %get3A_754 : i32 to index
      %get3A_757 = arith.index_cast %mul3A_752 : i32 to index
      %get3A_758 = tpu.vector_load %arg6[%get3A_755, %get3A_756, %get3A_757] {strides = array<i32>} : memref<3x2x16000xf32, #tpu.memory_space<vmem>>, vector<1x1x16xf32>,
      %get3A_759 = vector.shape_cast %get3A_758 : vector<1x1x16xf32> to vector<16xf32>
      %get3A_760 = arith.constant 2 : i32
      %get3A_761 = arith.constant 1 : i32
      %get3A_762 = arith.index_cast %get3A_760 : i32 to index
      %get3A_763 = arith.index_cast %get3A_761 : i32 to index
      %get3A_764 = arith.index_cast %mul3A_752 : i32 to index
      %get3A_765 = tpu.vector_load %arg6[%get3A_762, %get3A_763, %get3A_764] {strides = array<i32>} : memref<3x2x16000xf32, #tpu.memory_space<vmem>>, vector<1x1x16xf32>,
      %get3A_766 = vector.shape_cast %get3A_765 : vector<1x1x16xf32> to vector<16xf32>
      %select_n3A_767 = arith.select %eq3A_72, %get3A_766, %get3A_759 : vector<16xi1>, vector<16xf32>
      %swap3A = arith.constant 2 : i32
      %swap3A_768 = arith.constant 0 : i32
      %swap3A_769 = arith.index_cast %swap3A : i32 to index
      %swap3A_770 = arith.index_cast %swap3A_768 : i32 to index
      %swap3A_771 = arith.index_cast %mul3A_752 : i32 to index
      %swap3A_772 = tpu.vector_load %arg6[%swap3A_769, %swap3A_770, %swap3A_771] {strides = array<i32>} : memref<3x2x16000xf32, #tpu.memory_space<vmem>>, vector<1x1x16xf32>,
      %swap3A_773 = vector.shape_cast %swap3A_772 : vector<1x1x16xf32> to vector<16xf32>
      %swap3A_774 = vector.shape_cast %select_n3A_767 : vector<16xf32> to vector<1x1x16xf32>
      tpu.vector_store %arg6[%swap3A_769, %swap3A_770, %swap3A_771], %swap3A_774 {strides = array<i32>} : memref<3x2x16000xf32, #tpu.memory_space<vmem>>, vector<1x1x16xf32>,
      %select_n3A_775 = arith.select %eq3A_72, %get3A_759, %get3A_766 : vector<16xi1>, vector<16xf32>
      %swap3A_776 = arith.constant 2 : i32
      %swap3A_777 = arith.constant 1 : i32
      %swap3A_778 = arith.index_cast %swap3A_776 : i32 to index
      %swap3A_779 = arith.index_cast %swap3A_777 : i32 to index
      %swap3A_780 = arith.index_cast %mul3A_752 : i32 to index
      %swap3A_781 = tpu.vector_load %arg6[%swap3A_778, %swap3A_779, %swap3A_780] {strides = array<i32>} : memref<3x2x16000xf32, #tpu.memory_space<vmem>>, vector<1x1x16xf32>,
      %swap3A_782 = vector.shape_cast %swap3A_781 : vector<1x1x16xf32> to vector<16xf32>
      %swap3A_783 = vector.shape_cast %select_n3A_775 : vector<16xf32> to vector<1x1x16xf32>
      tpu.vector_store %arg6[%swap3A_778, %swap3A_779, %swap3A_780], %swap3A_783 {strides = array<i32>} : memref<3x2x16000xf32, #tpu.memory_space<vmem>>, vector<1x1x16xf32>,
      %scan3A_784 = arith.constant 1 : i32
      %scan3A_785 = arith.addi %scan3A_750, %scan3A_784 : i32
      %mul3A_786 = arith.constant 16 : i32
      %mul3A_787 = arith.muli %scan3A_785, %mul3A_786 : i32
      %get3A_788 = arith.constant 2 : i32
      %get3A_789 = arith.constant 0 : i32
      %get3A_790 = arith.index_cast %get3A_788 : i32 to index
      %get3A_791 = arith.index_cast %get3A_789 : i32 to index
      %get3A_792 = arith.index_cast %mul3A_787 : i32 to index
      %get3A_793 = tpu.vector_load %arg6[%get3A_790, %get3A_791, %get3A_792] {strides = array<i32>} : memref<3x2x16000xf32, #tpu.memory_space<vmem>>, vector<1x1x16xf32>,
      %get3A_794 = vector.shape_cast %get3A_793 : vector<1x1x16xf32> to vector<16xf32>
      %get3A_795 = arith.constant 2 : i32
      %get3A_796 = arith.constant 1 : i32
      %get3A_797 = arith.index_cast %get3A_795 : i32 to index
      %get3A_798 = arith.index_cast %get3A_796 : i32 to index
      %get3A_799 = arith.index_cast %mul3A_787 : i32 to index
      %get3A_800 = tpu.vector_load %arg6[%get3A_797, %get3A_798, %get3A_799] {strides = array<i32>} : memref<3x2x16000xf32, #tpu.memory_space<vmem>>, vector<1x1x16xf32>,
      %get3A_801 = vector.shape_cast %get3A_800 : vector<1x1x16xf32> to vector<16xf32>
      %select_n3A_802 = arith.select %eq3A_72, %get3A_801, %get3A_794 : vector<16xi1>, vector<16xf32>
      %swap3A_803 = arith.constant 2 : i32
      %swap3A_804 = arith.constant 0 : i32
      %swap3A_805 = arith.index_cast %swap3A_803 : i32 to index
      %swap3A_806 = arith.index_cast %swap3A_804 : i32 to index
      %swap3A_807 = arith.index_cast %mul3A_787 : i32 to index
      %swap3A_808 = tpu.vector_load %arg6[%swap3A_805, %swap3A_806, %swap3A_807] {strides = array<i32>} : memref<3x2x16000xf32, #tpu.memory_space<vmem>>, vector<1x1x16xf32>,
      %swap3A_809 = vector.shape_cast %swap3A_808 : vector<1x1x16xf32> to vector<16xf32>
      %swap3A_810 = vector.shape_cast %select_n3A_802 : vector<16xf32> to vector<1x1x16xf32>
      tpu.vector_store %arg6[%swap3A_805, %swap3A_806, %swap3A_807], %swap3A_810 {strides = array<i32>} : memref<3x2x16000xf32, #tpu.memory_space<vmem>>, vector<1x1x16xf32>,
      %select_n3A_811 = arith.select %eq3A_72, %get3A_794, %get3A_801 : vector<16xi1>, vector<16xf32>
      %swap3A_812 = arith.constant 2 : i32
      %swap3A_813 = arith.constant 1 : i32
      %swap3A_814 = arith.index_cast %swap3A_812 : i32 to index
      %swap3A_815 = arith.index_cast %swap3A_813 : i32 to index
      %swap3A_816 = arith.index_cast %mul3A_787 : i32 to index
      %swap3A_817 = tpu.vector_load %arg6[%swap3A_814, %swap3A_815, %swap3A_816] {strides = array<i32>} : memref<3x2x16000xf32, #tpu.memory_space<vmem>>, vector<1x1x16xf32>,
      %swap3A_818 = vector.shape_cast %swap3A_817 : vector<1x1x16xf32> to vector<16xf32>
      %swap3A_819 = vector.shape_cast %select_n3A_811 : vector<16xf32> to vector<1x1x16xf32>
      tpu.vector_store %arg6[%swap3A_814, %swap3A_815, %swap3A_816], %swap3A_819 {strides = array<i32>} : memref<3x2x16000xf32, #tpu.memory_space<vmem>>, vector<1x1x16xf32>,
      %scan3A_820 = arith.constant 2 : i32
      %scan3A_821 = arith.addi %scan3A_750, %scan3A_820 : i32
      %mul3A_822 = arith.constant 16 : i32
      %mul3A_823 = arith.muli %scan3A_821, %mul3A_822 : i32
      %get3A_824 = arith.constant 2 : i32
      %get3A_825 = arith.constant 0 : i32
      %get3A_826 = arith.index_cast %get3A_824 : i32 to index
      %get3A_827 = arith.index_cast %get3A_825 : i32 to index
      %get3A_828 = arith.index_cast %mul3A_823 : i32 to index
      %get3A_829 = tpu.vector_load %arg6[%get3A_826, %get3A_827, %get3A_828] {strides = array<i32>} : memref<3x2x16000xf32, #tpu.memory_space<vmem>>, vector<1x1x16xf32>,
      %get3A_830 = vector.shape_cast %get3A_829 : vector<1x1x16xf32> to vector<16xf32>
      %get3A_831 = arith.constant 2 : i32
      %get3A_832 = arith.constant 1 : i32
      %get3A_833 = arith.index_cast %get3A_831 : i32 to index
      %get3A_834 = arith.index_cast %get3A_832 : i32 to index
      %get3A_835 = arith.index_cast %mul3A_823 : i32 to index
      %get3A_836 = tpu.vector_load %arg6[%get3A_833, %get3A_834, %get3A_835] {strides = array<i32>} : memref<3x2x16000xf32, #tpu.memory_space<vmem>>, vector<1x1x16xf32>,
      %get3A_837 = vector.shape_cast %get3A_836 : vector<1x1x16xf32> to vector<16xf32>
      %select_n3A_838 = arith.select %eq3A_72, %get3A_837, %get3A_830 : vector<16xi1>, vector<16xf32>
      %swap3A_839 = arith.constant 2 : i32
      %swap3A_840 = arith.constant 0 : i32
      %swap3A_841 = arith.index_cast %swap3A_839 : i32 to index
      %swap3A_842 = arith.index_cast %swap3A_840 : i32 to index
      %swap3A_843 = arith.index_cast %mul3A_823 : i32 to index
      %swap3A_844 = tpu.vector_load %arg6[%swap3A_841, %swap3A_842, %swap3A_843] {strides = array<i32>} : memref<3x2x16000xf32, #tpu.memory_space<vmem>>, vector<1x1x16xf32>,
      %swap3A_845 = vector.shape_cast %swap3A_844 : vector<1x1x16xf32> to vector<16xf32>
      %swap3A_846 = vector.shape_cast %select_n3A_838 : vector<16xf32> to vector<1x1x16xf32>
      tpu.vector_store %arg6[%swap3A_841, %swap3A_842, %swap3A_843], %swap3A_846 {strides = array<i32>} : memref<3x2x16000xf32, #tpu.memory_space<vmem>>, vector<1x1x16xf32>,
      %select_n3A_847 = arith.select %eq3A_72, %get3A_830, %get3A_837 : vector<16xi1>, vector<16xf32>
      %swap3A_848 = arith.constant 2 : i32
      %swap3A_849 = arith.constant 1 : i32
      %swap3A_850 = arith.index_cast %swap3A_848 : i32 to index
      %swap3A_851 = arith.index_cast %swap3A_849 : i32 to index
      %swap3A_852 = arith.index_cast %mul3A_823 : i32 to index
      %swap3A_853 = tpu.vector_load %arg6[%swap3A_850, %swap3A_851, %swap3A_852] {strides = array<i32>} : memref<3x2x16000xf32, #tpu.memory_space<vmem>>, vector<1x1x16xf32>,
      %swap3A_854 = vector.shape_cast %swap3A_853 : vector<1x1x16xf32> to vector<16xf32>
      %swap3A_855 = vector.shape_cast %select_n3A_847 : vector<16xf32> to vector<1x1x16xf32>
      tpu.vector_store %arg6[%swap3A_850, %swap3A_851, %swap3A_852], %swap3A_855 {strides = array<i32>} : memref<3x2x16000xf32, #tpu.memory_space<vmem>>, vector<1x1x16xf32>,
      %scan3A_856 = arith.constant 3 : i32
      %scan3A_857 = arith.addi %scan3A_750, %scan3A_856 : i32
      %mul3A_858 = arith.constant 16 : i32
      %mul3A_859 = arith.muli %scan3A_857, %mul3A_858 : i32
      %get3A_860 = arith.constant 2 : i32
      %get3A_861 = arith.constant 0 : i32
      %get3A_862 = arith.index_cast %get3A_860 : i32 to index
      %get3A_863 = arith.index_cast %get3A_861 : i32 to index
      %get3A_864 = arith.index_cast %mul3A_859 : i32 to index
      %get3A_865 = tpu.vector_load %arg6[%get3A_862, %get3A_863, %get3A_864] {strides = array<i32>} : memref<3x2x16000xf32, #tpu.memory_space<vmem>>, vector<1x1x16xf32>,
      %get3A_866 = vector.shape_cast %get3A_865 : vector<1x1x16xf32> to vector<16xf32>
      %get3A_867 = arith.constant 2 : i32
      %get3A_868 = arith.constant 1 : i32
      %get3A_869 = arith.index_cast %get3A_867 : i32 to index
      %get3A_870 = arith.index_cast %get3A_868 : i32 to index
      %get3A_871 = arith.index_cast %mul3A_859 : i32 to index
      %get3A_872 = tpu.vector_load %arg6[%get3A_869, %get3A_870, %get3A_871] {strides = array<i32>} : memref<3x2x16000xf32, #tpu.memory_space<vmem>>, vector<1x1x16xf32>,
      %get3A_873 = vector.shape_cast %get3A_872 : vector<1x1x16xf32> to vector<16xf32>
      %select_n3A_874 = arith.select %eq3A_72, %get3A_873, %get3A_866 : vector<16xi1>, vector<16xf32>
      %swap3A_875 = arith.constant 2 : i32
      %swap3A_876 = arith.constant 0 : i32
      %swap3A_877 = arith.index_cast %swap3A_875 : i32 to index
      %swap3A_878 = arith.index_cast %swap3A_876 : i32 to index
      %swap3A_879 = arith.index_cast %mul3A_859 : i32 to index
      %swap3A_880 = tpu.vector_load %arg6[%swap3A_877, %swap3A_878, %swap3A_879] {strides = array<i32>} : memref<3x2x16000xf32, #tpu.memory_space<vmem>>, vector<1x1x16xf32>,
      %swap3A_881 = vector.shape_cast %swap3A_880 : vector<1x1x16xf32> to vector<16xf32>
      %swap3A_882 = vector.shape_cast %select_n3A_874 : vector<16xf32> to vector<1x1x16xf32>
      tpu.vector_store %arg6[%swap3A_877, %swap3A_878, %swap3A_879], %swap3A_882 {strides = array<i32>} : memref<3x2x16000xf32, #tpu.memory_space<vmem>>, vector<1x1x16xf32>,
      %select_n3A_883 = arith.select %eq3A_72, %get3A_866, %get3A_873 : vector<16xi1>, vector<16xf32>
      %swap3A_884 = arith.constant 2 : i32
      %swap3A_885 = arith.constant 1 : i32
      %swap3A_886 = arith.index_cast %swap3A_884 : i32 to index
      %swap3A_887 = arith.index_cast %swap3A_885 : i32 to index
      %swap3A_888 = arith.index_cast %mul3A_859 : i32 to index
      %swap3A_889 = tpu.vector_load %arg6[%swap3A_886, %swap3A_887, %swap3A_888] {strides = array<i32>} : memref<3x2x16000xf32, #tpu.memory_space<vmem>>, vector<1x1x16xf32>,
      %swap3A_890 = vector.shape_cast %swap3A_889 : vector<1x1x16xf32> to vector<16xf32>
      %swap3A_891 = vector.shape_cast %select_n3A_883 : vector<16xf32> to vector<1x1x16xf32>
      tpu.vector_store %arg6[%swap3A_886, %swap3A_887, %swap3A_888], %swap3A_891 {strides = array<i32>} : memref<3x2x16000xf32, #tpu.memory_space<vmem>>, vector<1x1x16xf32>,
      %scan3A_892 = arith.constant 4 : i32
      %scan3A_893 = arith.addi %scan3A_750, %scan3A_892 : i32
      %mul3A_894 = arith.constant 16 : i32
      %mul3A_895 = arith.muli %scan3A_893, %mul3A_894 : i32
      %get3A_896 = arith.constant 2 : i32
      %get3A_897 = arith.constant 0 : i32
      %get3A_898 = arith.index_cast %get3A_896 : i32 to index
      %get3A_899 = arith.index_cast %get3A_897 : i32 to index
      %get3A_900 = arith.index_cast %mul3A_895 : i32 to index
      %get3A_901 = tpu.vector_load %arg6[%get3A_898, %get3A_899, %get3A_900] {strides = array<i32>} : memref<3x2x16000xf32, #tpu.memory_space<vmem>>, vector<1x1x16xf32>,
      %get3A_902 = vector.shape_cast %get3A_901 : vector<1x1x16xf32> to vector<16xf32>
      %get3A_903 = arith.constant 2 : i32
      %get3A_904 = arith.constant 1 : i32
      %get3A_905 = arith.index_cast %get3A_903 : i32 to index
      %get3A_906 = arith.index_cast %get3A_904 : i32 to index
      %get3A_907 = arith.index_cast %mul3A_895 : i32 to index
      %get3A_908 = tpu.vector_load %arg6[%get3A_905, %get3A_906, %get3A_907] {strides = array<i32>} : memref<3x2x16000xf32, #tpu.memory_space<vmem>>, vector<1x1x16xf32>,
      %get3A_909 = vector.shape_cast %get3A_908 : vector<1x1x16xf32> to vector<16xf32>
      %select_n3A_910 = arith.select %eq3A_72, %get3A_909, %get3A_902 : vector<16xi1>, vector<16xf32>
      %swap3A_911 = arith.constant 2 : i32
      %swap3A_912 = arith.constant 0 : i32
      %swap3A_913 = arith.index_cast %swap3A_911 : i32 to index
      %swap3A_914 = arith.index_cast %swap3A_912 : i32 to index
      %swap3A_915 = arith.index_cast %mul3A_895 : i32 to index
      %swap3A_916 = tpu.vector_load %arg6[%swap3A_913, %swap3A_914, %swap3A_915] {strides = array<i32>} : memref<3x2x16000xf32, #tpu.memory_space<vmem>>, vector<1x1x16xf32>,
      %swap3A_917 = vector.shape_cast %swap3A_916 : vector<1x1x16xf32> to vector<16xf32>
      %swap3A_918 = vector.shape_cast %select_n3A_910 : vector<16xf32> to vector<1x1x16xf32>
      tpu.vector_store %arg6[%swap3A_913, %swap3A_914, %swap3A_915], %swap3A_918 {strides = array<i32>} : memref<3x2x16000xf32, #tpu.memory_space<vmem>>, vector<1x1x16xf32>,
      %select_n3A_919 = arith.select %eq3A_72, %get3A_902, %get3A_909 : vector<16xi1>, vector<16xf32>
      %swap3A_920 = arith.constant 2 : i32
      %swap3A_921 = arith.constant 1 : i32
      %swap3A_922 = arith.index_cast %swap3A_920 : i32 to index
      %swap3A_923 = arith.index_cast %swap3A_921 : i32 to index
      %swap3A_924 = arith.index_cast %mul3A_895 : i32 to index
      %swap3A_925 = tpu.vector_load %arg6[%swap3A_922, %swap3A_923, %swap3A_924] {strides = array<i32>} : memref<3x2x16000xf32, #tpu.memory_space<vmem>>, vector<1x1x16xf32>,
      %swap3A_926 = vector.shape_cast %swap3A_925 : vector<1x1x16xf32> to vector<16xf32>
      %swap3A_927 = vector.shape_cast %select_n3A_919 : vector<16xf32> to vector<1x1x16xf32>
      tpu.vector_store %arg6[%swap3A_922, %swap3A_923, %swap3A_924], %swap3A_927 {strides = array<i32>} : memref<3x2x16000xf32, #tpu.memory_space<vmem>>, vector<1x1x16xf32>,
      %scan3A_928 = arith.constant 5 : i32
      %scan3A_929 = arith.addi %scan3A_750, %scan3A_928 : i32
      %mul3A_930 = arith.constant 16 : i32
      %mul3A_931 = arith.muli %scan3A_929, %mul3A_930 : i32
      %get3A_932 = arith.constant 2 : i32
      %get3A_933 = arith.constant 0 : i32
      %get3A_934 = arith.index_cast %get3A_932 : i32 to index
      %get3A_935 = arith.index_cast %get3A_933 : i32 to index
      %get3A_936 = arith.index_cast %mul3A_931 : i32 to index
      %get3A_937 = tpu.vector_load %arg6[%get3A_934, %get3A_935, %get3A_936] {strides = array<i32>} : memref<3x2x16000xf32, #tpu.memory_space<vmem>>, vector<1x1x16xf32>,
      %get3A_938 = vector.shape_cast %get3A_937 : vector<1x1x16xf32> to vector<16xf32>
      %get3A_939 = arith.constant 2 : i32
      %get3A_940 = arith.constant 1 : i32
      %get3A_941 = arith.index_cast %get3A_939 : i32 to index
      %get3A_942 = arith.index_cast %get3A_940 : i32 to index
      %get3A_943 = arith.index_cast %mul3A_931 : i32 to index
      %get3A_944 = tpu.vector_load %arg6[%get3A_941, %get3A_942, %get3A_943] {strides = array<i32>} : memref<3x2x16000xf32, #tpu.memory_space<vmem>>, vector<1x1x16xf32>,
      %get3A_945 = vector.shape_cast %get3A_944 : vector<1x1x16xf32> to vector<16xf32>
      %select_n3A_946 = arith.select %eq3A_72, %get3A_945, %get3A_938 : vector<16xi1>, vector<16xf32>
      %swap3A_947 = arith.constant 2 : i32
      %swap3A_948 = arith.constant 0 : i32
      %swap3A_949 = arith.index_cast %swap3A_947 : i32 to index
      %swap3A_950 = arith.index_cast %swap3A_948 : i32 to index
      %swap3A_951 = arith.index_cast %mul3A_931 : i32 to index
      %swap3A_952 = tpu.vector_load %arg6[%swap3A_949, %swap3A_950, %swap3A_951] {strides = array<i32>} : memref<3x2x16000xf32, #tpu.memory_space<vmem>>, vector<1x1x16xf32>,
      %swap3A_953 = vector.shape_cast %swap3A_952 : vector<1x1x16xf32> to vector<16xf32>
      %swap3A_954 = vector.shape_cast %select_n3A_946 : vector<16xf32> to vector<1x1x16xf32>
      tpu.vector_store %arg6[%swap3A_949, %swap3A_950, %swap3A_951], %swap3A_954 {strides = array<i32>} : memref<3x2x16000xf32, #tpu.memory_space<vmem>>, vector<1x1x16xf32>,
      %select_n3A_955 = arith.select %eq3A_72, %get3A_938, %get3A_945 : vector<16xi1>, vector<16xf32>
      %swap3A_956 = arith.constant 2 : i32
      %swap3A_957 = arith.constant 1 : i32
      %swap3A_958 = arith.index_cast %swap3A_956 : i32 to index
      %swap3A_959 = arith.index_cast %swap3A_957 : i32 to index
      %swap3A_960 = arith.index_cast %mul3A_931 : i32 to index
      %swap3A_961 = tpu.vector_load %arg6[%swap3A_958, %swap3A_959, %swap3A_960] {strides = array<i32>} : memref<3x2x16000xf32, #tpu.memory_space<vmem>>, vector<1x1x16xf32>,
      %swap3A_962 = vector.shape_cast %swap3A_961 : vector<1x1x16xf32> to vector<16xf32>
      %swap3A_963 = vector.shape_cast %select_n3A_955 : vector<16xf32> to vector<1x1x16xf32>
      tpu.vector_store %arg6[%swap3A_958, %swap3A_959, %swap3A_960], %swap3A_963 {strides = array<i32>} : memref<3x2x16000xf32, #tpu.memory_space<vmem>>, vector<1x1x16xf32>,
      %scan3A_964 = arith.constant 6 : i32
      %scan3A_965 = arith.addi %scan3A_750, %scan3A_964 : i32
      %mul3A_966 = arith.constant 16 : i32
      %mul3A_967 = arith.muli %scan3A_965, %mul3A_966 : i32
      %get3A_968 = arith.constant 2 : i32
      %get3A_969 = arith.constant 0 : i32
      %get3A_970 = arith.index_cast %get3A_968 : i32 to index
      %get3A_971 = arith.index_cast %get3A_969 : i32 to index
      %get3A_972 = arith.index_cast %mul3A_967 : i32 to index
      %get3A_973 = tpu.vector_load %arg6[%get3A_970, %get3A_971, %get3A_972] {strides = array<i32>} : memref<3x2x16000xf32, #tpu.memory_space<vmem>>, vector<1x1x16xf32>,
      %get3A_974 = vector.shape_cast %get3A_973 : vector<1x1x16xf32> to vector<16xf32>
      %get3A_975 = arith.constant 2 : i32
      %get3A_976 = arith.constant 1 : i32
      %get3A_977 = arith.index_cast %get3A_975 : i32 to index
      %get3A_978 = arith.index_cast %get3A_976 : i32 to index
      %get3A_979 = arith.index_cast %mul3A_967 : i32 to index
      %get3A_980 = tpu.vector_load %arg6[%get3A_977, %get3A_978, %get3A_979] {strides = array<i32>} : memref<3x2x16000xf32, #tpu.memory_space<vmem>>, vector<1x1x16xf32>,
      %get3A_981 = vector.shape_cast %get3A_980 : vector<1x1x16xf32> to vector<16xf32>
      %select_n3A_982 = arith.select %eq3A_72, %get3A_981, %get3A_974 : vector<16xi1>, vector<16xf32>
      %swap3A_983 = arith.constant 2 : i32
      %swap3A_984 = arith.constant 0 : i32
      %swap3A_985 = arith.index_cast %swap3A_983 : i32 to index
      %swap3A_986 = arith.index_cast %swap3A_984 : i32 to index
      %swap3A_987 = arith.index_cast %mul3A_967 : i32 to index
      %swap3A_988 = tpu.vector_load %arg6[%swap3A_985, %swap3A_986, %swap3A_987] {strides = array<i32>} : memref<3x2x16000xf32, #tpu.memory_space<vmem>>, vector<1x1x16xf32>,
      %swap3A_989 = vector.shape_cast %swap3A_988 : vector<1x1x16xf32> to vector<16xf32>
      %swap3A_990 = vector.shape_cast %select_n3A_982 : vector<16xf32> to vector<1x1x16xf32>
      tpu.vector_store %arg6[%swap3A_985, %swap3A_986, %swap3A_987], %swap3A_990 {strides = array<i32>} : memref<3x2x16000xf32, #tpu.memory_space<vmem>>, vector<1x1x16xf32>,
      %select_n3A_991 = arith.select %eq3A_72, %get3A_974, %get3A_981 : vector<16xi1>, vector<16xf32>
      %swap3A_992 = arith.constant 2 : i32
      %swap3A_993 = arith.constant 1 : i32
      %swap3A_994 = arith.index_cast %swap3A_992 : i32 to index
      %swap3A_995 = arith.index_cast %swap3A_993 : i32 to index
      %swap3A_996 = arith.index_cast %mul3A_967 : i32 to index
      %swap3A_997 = tpu.vector_load %arg6[%swap3A_994, %swap3A_995, %swap3A_996] {strides = array<i32>} : memref<3x2x16000xf32, #tpu.memory_space<vmem>>, vector<1x1x16xf32>,
      %swap3A_998 = vector.shape_cast %swap3A_997 : vector<1x1x16xf32> to vector<16xf32>
      %swap3A_999 = vector.shape_cast %select_n3A_991 : vector<16xf32> to vector<1x1x16xf32>
      tpu.vector_store %arg6[%swap3A_994, %swap3A_995, %swap3A_996], %swap3A_999 {strides = array<i32>} : memref<3x2x16000xf32, #tpu.memory_space<vmem>>, vector<1x1x16xf32>,
      %scan3A_1000 = arith.constant 7 : i32
      %scan3A_1001 = arith.addi %scan3A_750, %scan3A_1000 : i32
      %mul3A_1002 = arith.constant 16 : i32
      %mul3A_1003 = arith.muli %scan3A_1001, %mul3A_1002 : i32
      %get3A_1004 = arith.constant 2 : i32
      %get3A_1005 = arith.constant 0 : i32
      %get3A_1006 = arith.index_cast %get3A_1004 : i32 to index
      %get3A_1007 = arith.index_cast %get3A_1005 : i32 to index
      %get3A_1008 = arith.index_cast %mul3A_1003 : i32 to index
      %get3A_1009 = tpu.vector_load %arg6[%get3A_1006, %get3A_1007, %get3A_1008] {strides = array<i32>} : memref<3x2x16000xf32, #tpu.memory_space<vmem>>, vector<1x1x16xf32>,
      %get3A_1010 = vector.shape_cast %get3A_1009 : vector<1x1x16xf32> to vector<16xf32>
      %get3A_1011 = arith.constant 2 : i32
      %get3A_1012 = arith.constant 1 : i32
      %get3A_1013 = arith.index_cast %get3A_1011 : i32 to index
      %get3A_1014 = arith.index_cast %get3A_1012 : i32 to index
      %get3A_1015 = arith.index_cast %mul3A_1003 : i32 to index
      %get3A_1016 = tpu.vector_load %arg6[%get3A_1013, %get3A_1014, %get3A_1015] {strides = array<i32>} : memref<3x2x16000xf32, #tpu.memory_space<vmem>>, vector<1x1x16xf32>,
      %get3A_1017 = vector.shape_cast %get3A_1016 : vector<1x1x16xf32> to vector<16xf32>
      %select_n3A_1018 = arith.select %eq3A_72, %get3A_1017, %get3A_1010 : vector<16xi1>, vector<16xf32>
      %swap3A_1019 = arith.constant 2 : i32
      %swap3A_1020 = arith.constant 0 : i32
      %swap3A_1021 = arith.index_cast %swap3A_1019 : i32 to index
      %swap3A_1022 = arith.index_cast %swap3A_1020 : i32 to index
      %swap3A_1023 = arith.index_cast %mul3A_1003 : i32 to index
      %swap3A_1024 = tpu.vector_load %arg6[%swap3A_1021, %swap3A_1022, %swap3A_1023] {strides = array<i32>} : memref<3x2x16000xf32, #tpu.memory_space<vmem>>, vector<1x1x16xf32>,
      %swap3A_1025 = vector.shape_cast %swap3A_1024 : vector<1x1x16xf32> to vector<16xf32>
      %swap3A_1026 = vector.shape_cast %select_n3A_1018 : vector<16xf32> to vector<1x1x16xf32>
      tpu.vector_store %arg6[%swap3A_1021, %swap3A_1022, %swap3A_1023], %swap3A_1026 {strides = array<i32>} : memref<3x2x16000xf32, #tpu.memory_space<vmem>>, vector<1x1x16xf32>,
      %select_n3A_1027 = arith.select %eq3A_72, %get3A_1010, %get3A_1017 : vector<16xi1>, vector<16xf32>
      %swap3A_1028 = arith.constant 2 : i32
      %swap3A_1029 = arith.constant 1 : i32
      %swap3A_1030 = arith.index_cast %swap3A_1028 : i32 to index
      %swap3A_1031 = arith.index_cast %swap3A_1029 : i32 to index
      %swap3A_1032 = arith.index_cast %mul3A_1003 : i32 to index
      %swap3A_1033 = tpu.vector_load %arg6[%swap3A_1030, %swap3A_1031, %swap3A_1032] {strides = array<i32>} : memref<3x2x16000xf32, #tpu.memory_space<vmem>>, vector<1x1x16xf32>,
      %swap3A_1034 = vector.shape_cast %swap3A_1033 : vector<1x1x16xf32> to vector<16xf32>
      %swap3A_1035 = vector.shape_cast %select_n3A_1027 : vector<16xf32> to vector<1x1x16xf32>
      tpu.vector_store %arg6[%swap3A_1030, %swap3A_1031, %swap3A_1032], %swap3A_1035 {strides = array<i32>} : memref<3x2x16000xf32, #tpu.memory_space<vmem>>, vector<1x1x16xf32>,
    }
    %scan3A_659 = arith.constant 1000 : i32
    %dma_start3A_660 = arith.constant 2 : i32
    %dma_start3A_661 = arith.constant 0 : i32
    %dma_start3A_662 = arith.constant 0 : i32
    %dma_start3A_663 = tpu.memref_slice %arg6[%dma_start3A_660, %dma_start3A_661, %dma_start3A_662] : memref<3x2x16000xf32, #tpu.memory_space<vmem>> -> memref<1x2x16000xf32, #tpu.memory_space<vmem>>
    %dma_start3A_664 = tpu.memref_squeeze %dma_start3A_663 : memref<1x2x16000xf32, #tpu.memory_space<vmem>> -> memref<2x16000xf32, #tpu.memory_space<vmem>>
    %dma_start3A_665 = arith.constant 0 : i32
    %dma_start3A_666 = arith.constant 128000 : i32
    %dma_start3A_667 = tpu.memref_slice %arg4[%select_n3A, %select_n3A_30, %dma_start3A_665, %dma_start3A_666] : memref<8x4x2x160000xf32, #tpu.memory_space<hbm>> -> memref<1x1x2x16000xf32, #tpu.memory_space<hbm>>
    %dma_start3A_668 = tpu.memref_squeeze %dma_start3A_667 : memref<1x1x2x16000xf32, #tpu.memory_space<hbm>> -> memref<2x16000xf32, #tpu.memory_space<hbm>>
    %dma_start3A_669 = arith.constant 0 : i32
    %dma_start3A_670 = arith.constant 128000 : i32
    %dma_start3A_671 = tpu.memref_slice %arg4[%select_n3A, %select_n3A_30, %dma_start3A_669, %dma_start3A_670] : memref<8x4x2x160000xf32, #tpu.memory_space<hbm>> -> memref<1x1x2x16000xf32, #tpu.memory_space<hbm>>
    %dma_start3A_672 = tpu.memref_squeeze %dma_start3A_671 : memref<1x1x2x16000xf32, #tpu.memory_space<hbm>> -> memref<2x16000xf32, #tpu.memory_space<hbm>>
    %dma_start3A_673 = arith.constant 0 : i32
    %dma_start3A_674 = arith.constant 0 : i32
    %dma_start3A_675 = tpu.memref_slice %arg6[%dma_start3A_660, %dma_start3A_673, %dma_start3A_674] : memref<3x2x16000xf32, #tpu.memory_space<vmem>> -> memref<1x2x16000xf32, #tpu.memory_space<vmem>>
    %dma_start3A_676 = tpu.memref_squeeze %dma_start3A_675 : memref<1x2x16000xf32, #tpu.memory_space<vmem>> -> memref<2x16000xf32, #tpu.memory_space<vmem>>
    tpu.enqueue_dma source(%dma_start3A_676 : memref<2x16000xf32, #tpu.memory_space<vmem>>) target(%dma_start3A_672 : memref<2x16000xf32, #tpu.memory_space<hbm>>) target_semaphore(%arg12 : memref<!tpu.dma_semaphore, #tpu.memory_space<semaphore_mem>>)
    %dma_wait3A_677 = arith.constant 0 : i32
    %dma_wait3A_678 = arith.constant 0 : i32
    %dma_wait3A_679 = arith.constant 0 : i32
    %dma_wait3A_680 = tpu.memref_slice %arg6[%dma_wait3A_677, %dma_wait3A_678, %dma_wait3A_679] : memref<3x2x16000xf32, #tpu.memory_space<vmem>> -> memref<1x2x16000xf32, #tpu.memory_space<vmem>>
    %dma_wait3A_681 = tpu.memref_squeeze %dma_wait3A_680 : memref<1x2x16000xf32, #tpu.memory_space<vmem>> -> memref<2x16000xf32, #tpu.memory_space<vmem>>
    %dma_wait3A_682 = arith.constant 0 : i32
    %dma_wait3A_683 = arith.constant 144000 : i32
    %dma_wait3A_684 = tpu.memref_slice %arg2[%select_n3A, %select_n3A_30, %dma_wait3A_682, %dma_wait3A_683] : memref<8x4x2x160000xf32, #tpu.memory_space<hbm>> -> memref<1x1x2x16000xf32, #tpu.memory_space<hbm>>
    %dma_wait3A_685 = tpu.memref_squeeze %dma_wait3A_684 : memref<1x1x2x16000xf32, #tpu.memory_space<hbm>> -> memref<2x16000xf32, #tpu.memory_space<hbm>>
    %dma_wait3A_686 = arith.constant 0 : i32
    %dma_wait3A_687 = arith.constant 0 : i32
    %dma_wait3A_688 = tpu.memref_slice %arg6[%dma_wait3A_677, %dma_wait3A_686, %dma_wait3A_687] : memref<3x2x16000xf32, #tpu.memory_space<vmem>> -> memref<1x2x16000xf32, #tpu.memory_space<vmem>>
    %dma_wait3A_689 = tpu.memref_squeeze %dma_wait3A_688 : memref<1x2x16000xf32, #tpu.memory_space<vmem>> -> memref<2x16000xf32, #tpu.memory_space<vmem>>
    %dma_wait3A_690 = arith.constant 0 : i32
    %dma_wait3A_691 = arith.constant 144000 : i32
    %dma_wait3A_692 = tpu.memref_slice %arg2[%select_n3A, %select_n3A_30, %dma_wait3A_690, %dma_wait3A_691] : memref<8x4x2x160000xf32, #tpu.memory_space<hbm>> -> memref<1x1x2x16000xf32, #tpu.memory_space<hbm>>
    %dma_wait3A_693 = tpu.memref_squeeze %dma_wait3A_692 : memref<1x1x2x16000xf32, #tpu.memory_space<hbm>> -> memref<2x16000xf32, #tpu.memory_space<hbm>>
    tpu.wait_dma2 semaphore(%arg7 : memref<!tpu.dma_semaphore, #tpu.memory_space<semaphore_mem>>) src(%dma_wait3A_693 : memref<2x16000xf32, #tpu.memory_space<hbm>>) dst(%dma_wait3A_689 : memref<2x16000xf32, #tpu.memory_space<vmem>>)
    %scan3A_694 = arith.constant 0 : i32
    %scan3A_695 = arith.constant 1000 : i32
    %scan3A_696 = arith.addi %scan3A_694, %scan3A_695 : i32
    %scan3A_697 = arith.constant 8 : i32
    scf.for %scan3A_750 = %scan3A_694 to %scan3A_696 step %scan3A_697  : i32 {
      %mul3A_751 = arith.constant 16 : i32
      %mul3A_752 = arith.muli %scan3A_750, %mul3A_751 : i32
      %get3A_753 = arith.constant 0 : i32
      %get3A_754 = arith.constant 0 : i32
      %get3A_755 = arith.index_cast %get3A_753 : i32 to index
      %get3A_756 = arith.index_cast %get3A_754 : i32 to index
      %get3A_757 = arith.index_cast %mul3A_752 : i32 to index
      %get3A_758 = tpu.vector_load %arg6[%get3A_755, %get3A_756, %get3A_757] {strides = array<i32>} : memref<3x2x16000xf32, #tpu.memory_space<vmem>>, vector<1x1x16xf32>,
      %get3A_759 = vector.shape_cast %get3A_758 : vector<1x1x16xf32> to vector<16xf32>
      %get3A_760 = arith.constant 0 : i32
      %get3A_761 = arith.constant 1 : i32
      %get3A_762 = arith.index_cast %get3A_760 : i32 to index
      %get3A_763 = arith.index_cast %get3A_761 : i32 to index
      %get3A_764 = arith.index_cast %mul3A_752 : i32 to index
      %get3A_765 = tpu.vector_load %arg6[%get3A_762, %get3A_763, %get3A_764] {strides = array<i32>} : memref<3x2x16000xf32, #tpu.memory_space<vmem>>, vector<1x1x16xf32>,
      %get3A_766 = vector.shape_cast %get3A_765 : vector<1x1x16xf32> to vector<16xf32>
      %select_n3A_767 = arith.select %eq3A_72, %get3A_766, %get3A_759 : vector<16xi1>, vector<16xf32>
      %swap3A = arith.constant 0 : i32
      %swap3A_768 = arith.constant 0 : i32
      %swap3A_769 = arith.index_cast %swap3A : i32 to index
      %swap3A_770 = arith.index_cast %swap3A_768 : i32 to index
      %swap3A_771 = arith.index_cast %mul3A_752 : i32 to index
      %swap3A_772 = tpu.vector_load %arg6[%swap3A_769, %swap3A_770, %swap3A_771] {strides = array<i32>} : memref<3x2x16000xf32, #tpu.memory_space<vmem>>, vector<1x1x16xf32>,
      %swap3A_773 = vector.shape_cast %swap3A_772 : vector<1x1x16xf32> to vector<16xf32>
      %swap3A_774 = vector.shape_cast %select_n3A_767 : vector<16xf32> to vector<1x1x16xf32>
      tpu.vector_store %arg6[%swap3A_769, %swap3A_770, %swap3A_771], %swap3A_774 {strides = array<i32>} : memref<3x2x16000xf32, #tpu.memory_space<vmem>>, vector<1x1x16xf32>,
      %select_n3A_775 = arith.select %eq3A_72, %get3A_759, %get3A_766 : vector<16xi1>, vector<16xf32>
      %swap3A_776 = arith.constant 0 : i32
      %swap3A_777 = arith.constant 1 : i32
      %swap3A_778 = arith.index_cast %swap3A_776 : i32 to index
      %swap3A_779 = arith.index_cast %swap3A_777 : i32 to index
      %swap3A_780 = arith.index_cast %mul3A_752 : i32 to index
      %swap3A_781 = tpu.vector_load %arg6[%swap3A_778, %swap3A_779, %swap3A_780] {strides = array<i32>} : memref<3x2x16000xf32, #tpu.memory_space<vmem>>, vector<1x1x16xf32>,
      %swap3A_782 = vector.shape_cast %swap3A_781 : vector<1x1x16xf32> to vector<16xf32>
      %swap3A_783 = vector.shape_cast %select_n3A_775 : vector<16xf32> to vector<1x1x16xf32>
      tpu.vector_store %arg6[%swap3A_778, %swap3A_779, %swap3A_780], %swap3A_783 {strides = array<i32>} : memref<3x2x16000xf32, #tpu.memory_space<vmem>>, vector<1x1x16xf32>,
      %scan3A_784 = arith.constant 1 : i32
      %scan3A_785 = arith.addi %scan3A_750, %scan3A_784 : i32
      %mul3A_786 = arith.constant 16 : i32
      %mul3A_787 = arith.muli %scan3A_785, %mul3A_786 : i32
      %get3A_788 = arith.constant 0 : i32
      %get3A_789 = arith.constant 0 : i32
      %get3A_790 = arith.index_cast %get3A_788 : i32 to index
      %get3A_791 = arith.index_cast %get3A_789 : i32 to index
      %get3A_792 = arith.index_cast %mul3A_787 : i32 to index
      %get3A_793 = tpu.vector_load %arg6[%get3A_790, %get3A_791, %get3A_792] {strides = array<i32>} : memref<3x2x16000xf32, #tpu.memory_space<vmem>>, vector<1x1x16xf32>,
      %get3A_794 = vector.shape_cast %get3A_793 : vector<1x1x16xf32> to vector<16xf32>
      %get3A_795 = arith.constant 0 : i32
      %get3A_796 = arith.constant 1 : i32
      %get3A_797 = arith.index_cast %get3A_795 : i32 to index
      %get3A_798 = arith.index_cast %get3A_796 : i32 to index
      %get3A_799 = arith.index_cast %mul3A_787 : i32 to index
      %get3A_800 = tpu.vector_load %arg6[%get3A_797, %get3A_798, %get3A_799] {strides = array<i32>} : memref<3x2x16000xf32, #tpu.memory_space<vmem>>, vector<1x1x16xf32>,
      %get3A_801 = vector.shape_cast %get3A_800 : vector<1x1x16xf32> to vector<16xf32>
      %select_n3A_802 = arith.select %eq3A_72, %get3A_801, %get3A_794 : vector<16xi1>, vector<16xf32>
      %swap3A_803 = arith.constant 0 : i32
      %swap3A_804 = arith.constant 0 : i32
      %swap3A_805 = arith.index_cast %swap3A_803 : i32 to index
      %swap3A_806 = arith.index_cast %swap3A_804 : i32 to index
      %swap3A_807 = arith.index_cast %mul3A_787 : i32 to index
      %swap3A_808 = tpu.vector_load %arg6[%swap3A_805, %swap3A_806, %swap3A_807] {strides = array<i32>} : memref<3x2x16000xf32, #tpu.memory_space<vmem>>, vector<1x1x16xf32>,
      %swap3A_809 = vector.shape_cast %swap3A_808 : vector<1x1x16xf32> to vector<16xf32>
      %swap3A_810 = vector.shape_cast %select_n3A_802 : vector<16xf32> to vector<1x1x16xf32>
      tpu.vector_store %arg6[%swap3A_805, %swap3A_806, %swap3A_807], %swap3A_810 {strides = array<i32>} : memref<3x2x16000xf32, #tpu.memory_space<vmem>>, vector<1x1x16xf32>,
      %select_n3A_811 = arith.select %eq3A_72, %get3A_794, %get3A_801 : vector<16xi1>, vector<16xf32>
      %swap3A_812 = arith.constant 0 : i32
      %swap3A_813 = arith.constant 1 : i32
      %swap3A_814 = arith.index_cast %swap3A_812 : i32 to index
      %swap3A_815 = arith.index_cast %swap3A_813 : i32 to index
      %swap3A_816 = arith.index_cast %mul3A_787 : i32 to index
      %swap3A_817 = tpu.vector_load %arg6[%swap3A_814, %swap3A_815, %swap3A_816] {strides = array<i32>} : memref<3x2x16000xf32, #tpu.memory_space<vmem>>, vector<1x1x16xf32>,
      %swap3A_818 = vector.shape_cast %swap3A_817 : vector<1x1x16xf32> to vector<16xf32>
      %swap3A_819 = vector.shape_cast %select_n3A_811 : vector<16xf32> to vector<1x1x16xf32>
      tpu.vector_store %arg6[%swap3A_814, %swap3A_815, %swap3A_816], %swap3A_819 {strides = array<i32>} : memref<3x2x16000xf32, #tpu.memory_space<vmem>>, vector<1x1x16xf32>,
      %scan3A_820 = arith.constant 2 : i32
      %scan3A_821 = arith.addi %scan3A_750, %scan3A_820 : i32
      %mul3A_822 = arith.constant 16 : i32
      %mul3A_823 = arith.muli %scan3A_821, %mul3A_822 : i32
      %get3A_824 = arith.constant 0 : i32
      %get3A_825 = arith.constant 0 : i32
      %get3A_826 = arith.index_cast %get3A_824 : i32 to index
      %get3A_827 = arith.index_cast %get3A_825 : i32 to index
      %get3A_828 = arith.index_cast %mul3A_823 : i32 to index
      %get3A_829 = tpu.vector_load %arg6[%get3A_826, %get3A_827, %get3A_828] {strides = array<i32>} : memref<3x2x16000xf32, #tpu.memory_space<vmem>>, vector<1x1x16xf32>,
      %get3A_830 = vector.shape_cast %get3A_829 : vector<1x1x16xf32> to vector<16xf32>
      %get3A_831 = arith.constant 0 : i32
      %get3A_832 = arith.constant 1 : i32
      %get3A_833 = arith.index_cast %get3A_831 : i32 to index
      %get3A_834 = arith.index_cast %get3A_832 : i32 to index
      %get3A_835 = arith.index_cast %mul3A_823 : i32 to index
      %get3A_836 = tpu.vector_load %arg6[%get3A_833, %get3A_834, %get3A_835] {strides = array<i32>} : memref<3x2x16000xf32, #tpu.memory_space<vmem>>, vector<1x1x16xf32>,
      %get3A_837 = vector.shape_cast %get3A_836 : vector<1x1x16xf32> to vector<16xf32>
      %select_n3A_838 = arith.select %eq3A_72, %get3A_837, %get3A_830 : vector<16xi1>, vector<16xf32>
      %swap3A_839 = arith.constant 0 : i32
      %swap3A_840 = arith.constant 0 : i32
      %swap3A_841 = arith.index_cast %swap3A_839 : i32 to index
      %swap3A_842 = arith.index_cast %swap3A_840 : i32 to index
      %swap3A_843 = arith.index_cast %mul3A_823 : i32 to index
      %swap3A_844 = tpu.vector_load %arg6[%swap3A_841, %swap3A_842, %swap3A_843] {strides = array<i32>} : memref<3x2x16000xf32, #tpu.memory_space<vmem>>, vector<1x1x16xf32>,
      %swap3A_845 = vector.shape_cast %swap3A_844 : vector<1x1x16xf32> to vector<16xf32>
      %swap3A_846 = vector.shape_cast %select_n3A_838 : vector<16xf32> to vector<1x1x16xf32>
      tpu.vector_store %arg6[%swap3A_841, %swap3A_842, %swap3A_843], %swap3A_846 {strides = array<i32>} : memref<3x2x16000xf32, #tpu.memory_space<vmem>>, vector<1x1x16xf32>,
      %select_n3A_847 = arith.select %eq3A_72, %get3A_830, %get3A_837 : vector<16xi1>, vector<16xf32>
      %swap3A_848 = arith.constant 0 : i32
      %swap3A_849 = arith.constant 1 : i32
      %swap3A_850 = arith.index_cast %swap3A_848 : i32 to index
      %swap3A_851 = arith.index_cast %swap3A_849 : i32 to index
      %swap3A_852 = arith.index_cast %mul3A_823 : i32 to index
      %swap3A_853 = tpu.vector_load %arg6[%swap3A_850, %swap3A_851, %swap3A_852] {strides = array<i32>} : memref<3x2x16000xf32, #tpu.memory_space<vmem>>, vector<1x1x16xf32>,
      %swap3A_854 = vector.shape_cast %swap3A_853 : vector<1x1x16xf32> to vector<16xf32>
      %swap3A_855 = vector.shape_cast %select_n3A_847 : vector<16xf32> to vector<1x1x16xf32>
      tpu.vector_store %arg6[%swap3A_850, %swap3A_851, %swap3A_852], %swap3A_855 {strides = array<i32>} : memref<3x2x16000xf32, #tpu.memory_space<vmem>>, vector<1x1x16xf32>,
      %scan3A_856 = arith.constant 3 : i32
      %scan3A_857 = arith.addi %scan3A_750, %scan3A_856 : i32
      %mul3A_858 = arith.constant 16 : i32
      %mul3A_859 = arith.muli %scan3A_857, %mul3A_858 : i32
      %get3A_860 = arith.constant 0 : i32
      %get3A_861 = arith.constant 0 : i32
      %get3A_862 = arith.index_cast %get3A_860 : i32 to index
      %get3A_863 = arith.index_cast %get3A_861 : i32 to index
      %get3A_864 = arith.index_cast %mul3A_859 : i32 to index
      %get3A_865 = tpu.vector_load %arg6[%get3A_862, %get3A_863, %get3A_864] {strides = array<i32>} : memref<3x2x16000xf32, #tpu.memory_space<vmem>>, vector<1x1x16xf32>,
      %get3A_866 = vector.shape_cast %get3A_865 : vector<1x1x16xf32> to vector<16xf32>
      %get3A_867 = arith.constant 0 : i32
      %get3A_868 = arith.constant 1 : i32
      %get3A_869 = arith.index_cast %get3A_867 : i32 to index
      %get3A_870 = arith.index_cast %get3A_868 : i32 to index
      %get3A_871 = arith.index_cast %mul3A_859 : i32 to index
      %get3A_872 = tpu.vector_load %arg6[%get3A_869, %get3A_870, %get3A_871] {strides = array<i32>} : memref<3x2x16000xf32, #tpu.memory_space<vmem>>, vector<1x1x16xf32>,
      %get3A_873 = vector.shape_cast %get3A_872 : vector<1x1x16xf32> to vector<16xf32>
      %select_n3A_874 = arith.select %eq3A_72, %get3A_873, %get3A_866 : vector<16xi1>, vector<16xf32>
      %swap3A_875 = arith.constant 0 : i32
      %swap3A_876 = arith.constant 0 : i32
      %swap3A_877 = arith.index_cast %swap3A_875 : i32 to index
      %swap3A_878 = arith.index_cast %swap3A_876 : i32 to index
      %swap3A_879 = arith.index_cast %mul3A_859 : i32 to index
      %swap3A_880 = tpu.vector_load %arg6[%swap3A_877, %swap3A_878, %swap3A_879] {strides = array<i32>} : memref<3x2x16000xf32, #tpu.memory_space<vmem>>, vector<1x1x16xf32>,
      %swap3A_881 = vector.shape_cast %swap3A_880 : vector<1x1x16xf32> to vector<16xf32>
      %swap3A_882 = vector.shape_cast %select_n3A_874 : vector<16xf32> to vector<1x1x16xf32>
      tpu.vector_store %arg6[%swap3A_877, %swap3A_878, %swap3A_879], %swap3A_882 {strides = array<i32>} : memref<3x2x16000xf32, #tpu.memory_space<vmem>>, vector<1x1x16xf32>,
      %select_n3A_883 = arith.select %eq3A_72, %get3A_866, %get3A_873 : vector<16xi1>, vector<16xf32>
      %swap3A_884 = arith.constant 0 : i32
      %swap3A_885 = arith.constant 1 : i32
      %swap3A_886 = arith.index_cast %swap3A_884 : i32 to index
      %swap3A_887 = arith.index_cast %swap3A_885 : i32 to index
      %swap3A_888 = arith.index_cast %mul3A_859 : i32 to index
      %swap3A_889 = tpu.vector_load %arg6[%swap3A_886, %swap3A_887, %swap3A_888] {strides = array<i32>} : memref<3x2x16000xf32, #tpu.memory_space<vmem>>, vector<1x1x16xf32>,
      %swap3A_890 = vector.shape_cast %swap3A_889 : vector<1x1x16xf32> to vector<16xf32>
      %swap3A_891 = vector.shape_cast %select_n3A_883 : vector<16xf32> to vector<1x1x16xf32>
      tpu.vector_store %arg6[%swap3A_886, %swap3A_887, %swap3A_888], %swap3A_891 {strides = array<i32>} : memref<3x2x16000xf32, #tpu.memory_space<vmem>>, vector<1x1x16xf32>,
      %scan3A_892 = arith.constant 4 : i32
      %scan3A_893 = arith.addi %scan3A_750, %scan3A_892 : i32
      %mul3A_894 = arith.constant 16 : i32
      %mul3A_895 = arith.muli %scan3A_893, %mul3A_894 : i32
      %get3A_896 = arith.constant 0 : i32
      %get3A_897 = arith.constant 0 : i32
      %get3A_898 = arith.index_cast %get3A_896 : i32 to index
      %get3A_899 = arith.index_cast %get3A_897 : i32 to index
      %get3A_900 = arith.index_cast %mul3A_895 : i32 to index
      %get3A_901 = tpu.vector_load %arg6[%get3A_898, %get3A_899, %get3A_900] {strides = array<i32>} : memref<3x2x16000xf32, #tpu.memory_space<vmem>>, vector<1x1x16xf32>,
      %get3A_902 = vector.shape_cast %get3A_901 : vector<1x1x16xf32> to vector<16xf32>
      %get3A_903 = arith.constant 0 : i32
      %get3A_904 = arith.constant 1 : i32
      %get3A_905 = arith.index_cast %get3A_903 : i32 to index
      %get3A_906 = arith.index_cast %get3A_904 : i32 to index
      %get3A_907 = arith.index_cast %mul3A_895 : i32 to index
      %get3A_908 = tpu.vector_load %arg6[%get3A_905, %get3A_906, %get3A_907] {strides = array<i32>} : memref<3x2x16000xf32, #tpu.memory_space<vmem>>, vector<1x1x16xf32>,
      %get3A_909 = vector.shape_cast %get3A_908 : vector<1x1x16xf32> to vector<16xf32>
      %select_n3A_910 = arith.select %eq3A_72, %get3A_909, %get3A_902 : vector<16xi1>, vector<16xf32>
      %swap3A_911 = arith.constant 0 : i32
      %swap3A_912 = arith.constant 0 : i32
      %swap3A_913 = arith.index_cast %swap3A_911 : i32 to index
      %swap3A_914 = arith.index_cast %swap3A_912 : i32 to index
      %swap3A_915 = arith.index_cast %mul3A_895 : i32 to index
      %swap3A_916 = tpu.vector_load %arg6[%swap3A_913, %swap3A_914, %swap3A_915] {strides = array<i32>} : memref<3x2x16000xf32, #tpu.memory_space<vmem>>, vector<1x1x16xf32>,
      %swap3A_917 = vector.shape_cast %swap3A_916 : vector<1x1x16xf32> to vector<16xf32>
      %swap3A_918 = vector.shape_cast %select_n3A_910 : vector<16xf32> to vector<1x1x16xf32>
      tpu.vector_store %arg6[%swap3A_913, %swap3A_914, %swap3A_915], %swap3A_918 {strides = array<i32>} : memref<3x2x16000xf32, #tpu.memory_space<vmem>>, vector<1x1x16xf32>,
      %select_n3A_919 = arith.select %eq3A_72, %get3A_902, %get3A_909 : vector<16xi1>, vector<16xf32>
      %swap3A_920 = arith.constant 0 : i32
      %swap3A_921 = arith.constant 1 : i32
      %swap3A_922 = arith.index_cast %swap3A_920 : i32 to index
      %swap3A_923 = arith.index_cast %swap3A_921 : i32 to index
      %swap3A_924 = arith.index_cast %mul3A_895 : i32 to index
      %swap3A_925 = tpu.vector_load %arg6[%swap3A_922, %swap3A_923, %swap3A_924] {strides = array<i32>} : memref<3x2x16000xf32, #tpu.memory_space<vmem>>, vector<1x1x16xf32>,
      %swap3A_926 = vector.shape_cast %swap3A_925 : vector<1x1x16xf32> to vector<16xf32>
      %swap3A_927 = vector.shape_cast %select_n3A_919 : vector<16xf32> to vector<1x1x16xf32>
      tpu.vector_store %arg6[%swap3A_922, %swap3A_923, %swap3A_924], %swap3A_927 {strides = array<i32>} : memref<3x2x16000xf32, #tpu.memory_space<vmem>>, vector<1x1x16xf32>,
      %scan3A_928 = arith.constant 5 : i32
      %scan3A_929 = arith.addi %scan3A_750, %scan3A_928 : i32
      %mul3A_930 = arith.constant 16 : i32
      %mul3A_931 = arith.muli %scan3A_929, %mul3A_930 : i32
      %get3A_932 = arith.constant 0 : i32
      %get3A_933 = arith.constant 0 : i32
      %get3A_934 = arith.index_cast %get3A_932 : i32 to index
      %get3A_935 = arith.index_cast %get3A_933 : i32 to index
      %get3A_936 = arith.index_cast %mul3A_931 : i32 to index
      %get3A_937 = tpu.vector_load %arg6[%get3A_934, %get3A_935, %get3A_936] {strides = array<i32>} : memref<3x2x16000xf32, #tpu.memory_space<vmem>>, vector<1x1x16xf32>,
      %get3A_938 = vector.shape_cast %get3A_937 : vector<1x1x16xf32> to vector<16xf32>
      %get3A_939 = arith.constant 0 : i32
      %get3A_940 = arith.constant 1 : i32
      %get3A_941 = arith.index_cast %get3A_939 : i32 to index
      %get3A_942 = arith.index_cast %get3A_940 : i32 to index
      %get3A_943 = arith.index_cast %mul3A_931 : i32 to index
      %get3A_944 = tpu.vector_load %arg6[%get3A_941, %get3A_942, %get3A_943] {strides = array<i32>} : memref<3x2x16000xf32, #tpu.memory_space<vmem>>, vector<1x1x16xf32>,
      %get3A_945 = vector.shape_cast %get3A_944 : vector<1x1x16xf32> to vector<16xf32>
      %select_n3A_946 = arith.select %eq3A_72, %get3A_945, %get3A_938 : vector<16xi1>, vector<16xf32>
      %swap3A_947 = arith.constant 0 : i32
      %swap3A_948 = arith.constant 0 : i32
      %swap3A_949 = arith.index_cast %swap3A_947 : i32 to index
      %swap3A_950 = arith.index_cast %swap3A_948 : i32 to index
      %swap3A_951 = arith.index_cast %mul3A_931 : i32 to index
      %swap3A_952 = tpu.vector_load %arg6[%swap3A_949, %swap3A_950, %swap3A_951] {strides = array<i32>} : memref<3x2x16000xf32, #tpu.memory_space<vmem>>, vector<1x1x16xf32>,
      %swap3A_953 = vector.shape_cast %swap3A_952 : vector<1x1x16xf32> to vector<16xf32>
      %swap3A_954 = vector.shape_cast %select_n3A_946 : vector<16xf32> to vector<1x1x16xf32>
      tpu.vector_store %arg6[%swap3A_949, %swap3A_950, %swap3A_951], %swap3A_954 {strides = array<i32>} : memref<3x2x16000xf32, #tpu.memory_space<vmem>>, vector<1x1x16xf32>,
      %select_n3A_955 = arith.select %eq3A_72, %get3A_938, %get3A_945 : vector<16xi1>, vector<16xf32>
      %swap3A_956 = arith.constant 0 : i32
      %swap3A_957 = arith.constant 1 : i32
      %swap3A_958 = arith.index_cast %swap3A_956 : i32 to index
      %swap3A_959 = arith.index_cast %swap3A_957 : i32 to index
      %swap3A_960 = arith.index_cast %mul3A_931 : i32 to index
      %swap3A_961 = tpu.vector_load %arg6[%swap3A_958, %swap3A_959, %swap3A_960] {strides = array<i32>} : memref<3x2x16000xf32, #tpu.memory_space<vmem>>, vector<1x1x16xf32>,
      %swap3A_962 = vector.shape_cast %swap3A_961 : vector<1x1x16xf32> to vector<16xf32>
      %swap3A_963 = vector.shape_cast %select_n3A_955 : vector<16xf32> to vector<1x1x16xf32>
      tpu.vector_store %arg6[%swap3A_958, %swap3A_959, %swap3A_960], %swap3A_963 {strides = array<i32>} : memref<3x2x16000xf32, #tpu.memory_space<vmem>>, vector<1x1x16xf32>,
      %scan3A_964 = arith.constant 6 : i32
      %scan3A_965 = arith.addi %scan3A_750, %scan3A_964 : i32
      %mul3A_966 = arith.constant 16 : i32
      %mul3A_967 = arith.muli %scan3A_965, %mul3A_966 : i32
      %get3A_968 = arith.constant 0 : i32
      %get3A_969 = arith.constant 0 : i32
      %get3A_970 = arith.index_cast %get3A_968 : i32 to index
      %get3A_971 = arith.index_cast %get3A_969 : i32 to index
      %get3A_972 = arith.index_cast %mul3A_967 : i32 to index
      %get3A_973 = tpu.vector_load %arg6[%get3A_970, %get3A_971, %get3A_972] {strides = array<i32>} : memref<3x2x16000xf32, #tpu.memory_space<vmem>>, vector<1x1x16xf32>,
      %get3A_974 = vector.shape_cast %get3A_973 : vector<1x1x16xf32> to vector<16xf32>
      %get3A_975 = arith.constant 0 : i32
      %get3A_976 = arith.constant 1 : i32
      %get3A_977 = arith.index_cast %get3A_975 : i32 to index
      %get3A_978 = arith.index_cast %get3A_976 : i32 to index
      %get3A_979 = arith.index_cast %mul3A_967 : i32 to index
      %get3A_980 = tpu.vector_load %arg6[%get3A_977, %get3A_978, %get3A_979] {strides = array<i32>} : memref<3x2x16000xf32, #tpu.memory_space<vmem>>, vector<1x1x16xf32>,
      %get3A_981 = vector.shape_cast %get3A_980 : vector<1x1x16xf32> to vector<16xf32>
      %select_n3A_982 = arith.select %eq3A_72, %get3A_981, %get3A_974 : vector<16xi1>, vector<16xf32>
      %swap3A_983 = arith.constant 0 : i32
      %swap3A_984 = arith.constant 0 : i32
      %swap3A_985 = arith.index_cast %swap3A_983 : i32 to index
      %swap3A_986 = arith.index_cast %swap3A_984 : i32 to index
      %swap3A_987 = arith.index_cast %mul3A_967 : i32 to index
      %swap3A_988 = tpu.vector_load %arg6[%swap3A_985, %swap3A_986, %swap3A_987] {strides = array<i32>} : memref<3x2x16000xf32, #tpu.memory_space<vmem>>, vector<1x1x16xf32>,
      %swap3A_989 = vector.shape_cast %swap3A_988 : vector<1x1x16xf32> to vector<16xf32>
      %swap3A_990 = vector.shape_cast %select_n3A_982 : vector<16xf32> to vector<1x1x16xf32>
      tpu.vector_store %arg6[%swap3A_985, %swap3A_986, %swap3A_987], %swap3A_990 {strides = array<i32>} : memref<3x2x16000xf32, #tpu.memory_space<vmem>>, vector<1x1x16xf32>,
      %select_n3A_991 = arith.select %eq3A_72, %get3A_974, %get3A_981 : vector<16xi1>, vector<16xf32>
      %swap3A_992 = arith.constant 0 : i32
      %swap3A_993 = arith.constant 1 : i32
      %swap3A_994 = arith.index_cast %swap3A_992 : i32 to index
      %swap3A_995 = arith.index_cast %swap3A_993 : i32 to index
      %swap3A_996 = arith.index_cast %mul3A_967 : i32 to index
      %swap3A_997 = tpu.vector_load %arg6[%swap3A_994, %swap3A_995, %swap3A_996] {strides = array<i32>} : memref<3x2x16000xf32, #tpu.memory_space<vmem>>, vector<1x1x16xf32>,
      %swap3A_998 = vector.shape_cast %swap3A_997 : vector<1x1x16xf32> to vector<16xf32>
      %swap3A_999 = vector.shape_cast %select_n3A_991 : vector<16xf32> to vector<1x1x16xf32>
      tpu.vector_store %arg6[%swap3A_994, %swap3A_995, %swap3A_996], %swap3A_999 {strides = array<i32>} : memref<3x2x16000xf32, #tpu.memory_space<vmem>>, vector<1x1x16xf32>,
      %scan3A_1000 = arith.constant 7 : i32
      %scan3A_1001 = arith.addi %scan3A_750, %scan3A_1000 : i32
      %mul3A_1002 = arith.constant 16 : i32
      %mul3A_1003 = arith.muli %scan3A_1001, %mul3A_1002 : i32
      %get3A_1004 = arith.constant 0 : i32
      %get3A_1005 = arith.constant 0 : i32
      %get3A_1006 = arith.index_cast %get3A_1004 : i32 to index
      %get3A_1007 = arith.index_cast %get3A_1005 : i32 to index
      %get3A_1008 = arith.index_cast %mul3A_1003 : i32 to index
      %get3A_1009 = tpu.vector_load %arg6[%get3A_1006, %get3A_1007, %get3A_1008] {strides = array<i32>} : memref<3x2x16000xf32, #tpu.memory_space<vmem>>, vector<1x1x16xf32>,
      %get3A_1010 = vector.shape_cast %get3A_1009 : vector<1x1x16xf32> to vector<16xf32>
      %get3A_1011 = arith.constant 0 : i32
      %get3A_1012 = arith.constant 1 : i32
      %get3A_1013 = arith.index_cast %get3A_1011 : i32 to index
      %get3A_1014 = arith.index_cast %get3A_1012 : i32 to index
      %get3A_1015 = arith.index_cast %mul3A_1003 : i32 to index
      %get3A_1016 = tpu.vector_load %arg6[%get3A_1013, %get3A_1014, %get3A_1015] {strides = array<i32>} : memref<3x2x16000xf32, #tpu.memory_space<vmem>>, vector<1x1x16xf32>,
      %get3A_1017 = vector.shape_cast %get3A_1016 : vector<1x1x16xf32> to vector<16xf32>
      %select_n3A_1018 = arith.select %eq3A_72, %get3A_1017, %get3A_1010 : vector<16xi1>, vector<16xf32>
      %swap3A_1019 = arith.constant 0 : i32
      %swap3A_1020 = arith.constant 0 : i32
      %swap3A_1021 = arith.index_cast %swap3A_1019 : i32 to index
      %swap3A_1022 = arith.index_cast %swap3A_1020 : i32 to index
      %swap3A_1023 = arith.index_cast %mul3A_1003 : i32 to index
      %swap3A_1024 = tpu.vector_load %arg6[%swap3A_1021, %swap3A_1022, %swap3A_1023] {strides = array<i32>} : memref<3x2x16000xf32, #tpu.memory_space<vmem>>, vector<1x1x16xf32>,
      %swap3A_1025 = vector.shape_cast %swap3A_1024 : vector<1x1x16xf32> to vector<16xf32>
      %swap3A_1026 = vector.shape_cast %select_n3A_1018 : vector<16xf32> to vector<1x1x16xf32>
      tpu.vector_store %arg6[%swap3A_1021, %swap3A_1022, %swap3A_1023], %swap3A_1026 {strides = array<i32>} : memref<3x2x16000xf32, #tpu.memory_space<vmem>>, vector<1x1x16xf32>,
      %select_n3A_1027 = arith.select %eq3A_72, %get3A_1010, %get3A_1017 : vector<16xi1>, vector<16xf32>
      %swap3A_1028 = arith.constant 0 : i32
      %swap3A_1029 = arith.constant 1 : i32
      %swap3A_1030 = arith.index_cast %swap3A_1028 : i32 to index
      %swap3A_1031 = arith.index_cast %swap3A_1029 : i32 to index
      %swap3A_1032 = arith.index_cast %mul3A_1003 : i32 to index
      %swap3A_1033 = tpu.vector_load %arg6[%swap3A_1030, %swap3A_1031, %swap3A_1032] {strides = array<i32>} : memref<3x2x16000xf32, #tpu.memory_space<vmem>>, vector<1x1x16xf32>,
      %swap3A_1034 = vector.shape_cast %swap3A_1033 : vector<1x1x16xf32> to vector<16xf32>
      %swap3A_1035 = vector.shape_cast %select_n3A_1027 : vector<16xf32> to vector<1x1x16xf32>
      tpu.vector_store %arg6[%swap3A_1030, %swap3A_1031, %swap3A_1032], %swap3A_1035 {strides = array<i32>} : memref<3x2x16000xf32, #tpu.memory_space<vmem>>, vector<1x1x16xf32>,
    }
    %scan3A_698 = arith.constant 1000 : i32
    %dma_start3A_699 = arith.constant 0 : i32
    %dma_start3A_700 = arith.constant 0 : i32
    %dma_start3A_701 = arith.constant 0 : i32
    %dma_start3A_702 = tpu.memref_slice %arg6[%dma_start3A_699, %dma_start3A_700, %dma_start3A_701] : memref<3x2x16000xf32, #tpu.memory_space<vmem>> -> memref<1x2x16000xf32, #tpu.memory_space<vmem>>
    %dma_start3A_703 = tpu.memref_squeeze %dma_start3A_702 : memref<1x2x16000xf32, #tpu.memory_space<vmem>> -> memref<2x16000xf32, #tpu.memory_space<vmem>>
    %dma_start3A_704 = arith.constant 0 : i32
    %dma_start3A_705 = arith.constant 144000 : i32
    %dma_start3A_706 = tpu.memref_slice %arg4[%select_n3A, %select_n3A_30, %dma_start3A_704, %dma_start3A_705] : memref<8x4x2x160000xf32, #tpu.memory_space<hbm>> -> memref<1x1x2x16000xf32, #tpu.memory_space<hbm>>
    %dma_start3A_707 = tpu.memref_squeeze %dma_start3A_706 : memref<1x1x2x16000xf32, #tpu.memory_space<hbm>> -> memref<2x16000xf32, #tpu.memory_space<hbm>>
    %dma_start3A_708 = arith.constant 0 : i32
    %dma_start3A_709 = arith.constant 144000 : i32
    %dma_start3A_710 = tpu.memref_slice %arg4[%select_n3A, %select_n3A_30, %dma_start3A_708, %dma_start3A_709] : memref<8x4x2x160000xf32, #tpu.memory_space<hbm>> -> memref<1x1x2x16000xf32, #tpu.memory_space<hbm>>
    %dma_start3A_711 = tpu.memref_squeeze %dma_start3A_710 : memref<1x1x2x16000xf32, #tpu.memory_space<hbm>> -> memref<2x16000xf32, #tpu.memory_space<hbm>>
    %dma_start3A_712 = arith.constant 0 : i32
    %dma_start3A_713 = arith.constant 0 : i32
    %dma_start3A_714 = tpu.memref_slice %arg6[%dma_start3A_699, %dma_start3A_712, %dma_start3A_713] : memref<3x2x16000xf32, #tpu.memory_space<vmem>> -> memref<1x2x16000xf32, #tpu.memory_space<vmem>>
    %dma_start3A_715 = tpu.memref_squeeze %dma_start3A_714 : memref<1x2x16000xf32, #tpu.memory_space<vmem>> -> memref<2x16000xf32, #tpu.memory_space<vmem>>
    tpu.enqueue_dma source(%dma_start3A_715 : memref<2x16000xf32, #tpu.memory_space<vmem>>) target(%dma_start3A_711 : memref<2x16000xf32, #tpu.memory_space<hbm>>) target_semaphore(%arg10 : memref<!tpu.dma_semaphore, #tpu.memory_space<semaphore_mem>>)
    %dma_wait3A_716 = arith.constant 2 : i32
    %dma_wait3A_717 = arith.constant 0 : i32
    %dma_wait3A_718 = arith.constant 0 : i32
    %dma_wait3A_719 = tpu.memref_slice %arg6[%dma_wait3A_716, %dma_wait3A_717, %dma_wait3A_718] : memref<3x2x16000xf32, #tpu.memory_space<vmem>> -> memref<1x2x16000xf32, #tpu.memory_space<vmem>>
    %dma_wait3A_720 = tpu.memref_squeeze %dma_wait3A_719 : memref<1x2x16000xf32, #tpu.memory_space<vmem>> -> memref<2x16000xf32, #tpu.memory_space<vmem>>
    %dma_wait3A_721 = arith.constant 0 : i32
    %dma_wait3A_722 = arith.constant 128000 : i32
    %dma_wait3A_723 = tpu.memref_slice %arg4[%select_n3A, %select_n3A_30, %dma_wait3A_721, %dma_wait3A_722] : memref<8x4x2x160000xf32, #tpu.memory_space<hbm>> -> memref<1x1x2x16000xf32, #tpu.memory_space<hbm>>
    %dma_wait3A_724 = tpu.memref_squeeze %dma_wait3A_723 : memref<1x1x2x16000xf32, #tpu.memory_space<hbm>> -> memref<2x16000xf32, #tpu.memory_space<hbm>>
    %dma_wait3A_725 = arith.constant 0 : i32
    %dma_wait3A_726 = arith.constant 128000 : i32
    %dma_wait3A_727 = tpu.memref_slice %arg4[%select_n3A, %select_n3A_30, %dma_wait3A_725, %dma_wait3A_726] : memref<8x4x2x160000xf32, #tpu.memory_space<hbm>> -> memref<1x1x2x16000xf32, #tpu.memory_space<hbm>>
    %dma_wait3A_728 = tpu.memref_squeeze %dma_wait3A_727 : memref<1x1x2x16000xf32, #tpu.memory_space<hbm>> -> memref<2x16000xf32, #tpu.memory_space<hbm>>
    %dma_wait3A_729 = arith.constant 0 : i32
    %dma_wait3A_730 = arith.constant 0 : i32
    %dma_wait3A_731 = tpu.memref_slice %arg6[%dma_wait3A_716, %dma_wait3A_729, %dma_wait3A_730] : memref<3x2x16000xf32, #tpu.memory_space<vmem>> -> memref<1x2x16000xf32, #tpu.memory_space<vmem>>
    %dma_wait3A_732 = tpu.memref_squeeze %dma_wait3A_731 : memref<1x2x16000xf32, #tpu.memory_space<vmem>> -> memref<2x16000xf32, #tpu.memory_space<vmem>>
    tpu.wait_dma2 semaphore(%arg12 : memref<!tpu.dma_semaphore, #tpu.memory_space<semaphore_mem>>) src(%dma_wait3A_732 : memref<2x16000xf32, #tpu.memory_space<vmem>>) dst(%dma_wait3A_728 : memref<2x16000xf32, #tpu.memory_space<hbm>>)
    %dma_wait3A_733 = arith.constant 0 : i32
    %dma_wait3A_734 = arith.constant 0 : i32
    %dma_wait3A_735 = arith.constant 0 : i32
    %dma_wait3A_736 = tpu.memref_slice %arg6[%dma_wait3A_733, %dma_wait3A_734, %dma_wait3A_735] : memref<3x2x16000xf32, #tpu.memory_space<vmem>> -> memref<1x2x16000xf32, #tpu.memory_space<vmem>>
    %dma_wait3A_737 = tpu.memref_squeeze %dma_wait3A_736 : memref<1x2x16000xf32, #tpu.memory_space<vmem>> -> memref<2x16000xf32, #tpu.memory_space<vmem>>
    %dma_wait3A_738 = arith.constant 0 : i32
    %dma_wait3A_739 = arith.constant 144000 : i32
    %dma_wait3A_740 = tpu.memref_slice %arg4[%select_n3A, %select_n3A_30, %dma_wait3A_738, %dma_wait3A_739] : memref<8x4x2x160000xf32, #tpu.memory_space<hbm>> -> memref<1x1x2x16000xf32, #tpu.memory_space<hbm>>
    %dma_wait3A_741 = tpu.memref_squeeze %dma_wait3A_740 : memref<1x1x2x16000xf32, #tpu.memory_space<hbm>> -> memref<2x16000xf32, #tpu.memory_space<hbm>>
    %dma_wait3A_742 = arith.constant 0 : i32
    %dma_wait3A_743 = arith.constant 144000 : i32
    %dma_wait3A_744 = tpu.memref_slice %arg4[%select_n3A, %select_n3A_30, %dma_wait3A_742, %dma_wait3A_743] : memref<8x4x2x160000xf32, #tpu.memory_space<hbm>> -> memref<1x1x2x16000xf32, #tpu.memory_space<hbm>>
    %dma_wait3A_745 = tpu.memref_squeeze %dma_wait3A_744 : memref<1x1x2x16000xf32, #tpu.memory_space<hbm>> -> memref<2x16000xf32, #tpu.memory_space<hbm>>
    %dma_wait3A_746 = arith.constant 0 : i32
    %dma_wait3A_747 = arith.constant 0 : i32
    %dma_wait3A_748 = tpu.memref_slice %arg6[%dma_wait3A_733, %dma_wait3A_746, %dma_wait3A_747] : memref<3x2x16000xf32, #tpu.memory_space<vmem>> -> memref<1x2x16000xf32, #tpu.memory_space<vmem>>
    %dma_wait3A_749 = tpu.memref_squeeze %dma_wait3A_748 : memref<1x2x16000xf32, #tpu.memory_space<vmem>> -> memref<2x16000xf32, #tpu.memory_space<vmem>>
    tpu.wait_dma2 semaphore(%arg10 : memref<!tpu.dma_semaphore, #tpu.memory_space<semaphore_mem>>) src(%dma_wait3A_749 : memref<2x16000xf32, #tpu.memory_space<vmem>>) dst(%dma_wait3A_745 : memref<2x16000xf32, #tpu.memory_space<hbm>>)
    return
  }
}

</mosaic_0001>

<sc_bundles>
// kernel: kernel.3.cloned.1.call-start
scs
__scs_entry_jumppad:
0x0: {  	(pc) =	sbr.rel $0x88, $3  }
0x1: {  	(tag) =	ssettag $0x0;
	lr =	simm.s32 $0x1  }
0x2: {  	[smem:$0x3FA0] =	sst lr;
	_ =	strace $0xD0000000  }
0x3: {  	_ = 	snop  }
0x4: {  	_ = 	snop  }
0x5: {  	_ = 	snop  }
0x6: {  	_ = 	snop  }
0x7: {  	_ = 	snop  }
__scs_overlays_trampoline_lowered:
0x8: {  	[smem:$0x3FAF] =	sst s0  }
0x9: {  	[smem:$0x3FB0] =	sst s1  }
0xa: {  	[smem:$0x3FB1] =	sst s2  }
0xb: {  	[smem:$0x3FB2] =	sst s3  }
0xc: {  	[smem:$0x3FB3] =	sst s4  }
0xd: {  	[smem:$0x3FB4] =	sst s5  }
0xe: {  	[smem:$0x3FB5] =	sst s6  }
0xf: {  	[smem:$0x3FB6] =	sst s7  }
0x10: {  	[smem:$0x3FB7] =	sst s8  }
0x11: {  	[smem:$0x3FB8] =	sst s9;
	s0 =	simm.s32 @!p0 $0x0  }
0x12: {  	s1 =	sld [smem:$0x3F9E];
	s0 =	simm.s32 @p0 $0x1  }
0x13: {  	[smem:$0x3FB9] =	sst s0;
	s0 =	simm.s32 @!p1 $0x0  }
0x14: {  	s2 =	sld [smem:$0x3F9D];
	s0 =	simm.s32 @p1 $0x1  }
0x15: {  	[smem:$0x3FBA] =	sst s0;
	s0 =	simm.s32 @!p2 $0x0  }
0x16: {  	s3 =	sld [smem:$0x3FDB];
	s0 =	simm.s32 @p2 $0x1  }
0x17: {  	s4 =	simm.s32 $0x1BF5;
	[smem:$0x3FBC] =	sst s0  }
0x18: {  	s0 =	sld [smem:$0x3F9F];
	_ =	swait.ge [sflag:s4], $0x0  }
0x19: {  	s7 =	sld [smem:$0x3FA0]  }
0x1a: {  	s8 =	sadd.s32 $0xFFFFE003, lr  }
0x1b: {  	s9 =	sadd.s32 $0xFFFFFEF7, lr;
	s5 =	simm.s32 $0xFFFFFFFF;
	p2 =	slt.u32 s8, $0xFFFFF086  }
0x1c: {  	p1 =	slt.u32 s9, $0xF7A;
	s5 =	simm.s32 @!p2 $0x0  }
0x1d: {  	s5 =	simm.s32 @p1 $0x1;
	p0 =	seq.s32 s7, s2  }
0x1e: {  	s7 =	smul.u32 @!p0 $0xF7A, s2;
	p2 =	seq.s32 @!p0 s5, $0x0  }
0x1f: {  	s9 =	smul.u32 $0xF7A, s1;
	s8 =	simm.s32 @!p0 $0x1BF5;
	p2 =	por !p2, p0  }
0x20: {  	[sflag:s8] =	ssyncset.s32 @!p0 $0xFFFFF086;
	s6 =	sadd.s32 @!p0 s3, s7;
	s7 =	simm.s32 @!p0 $0x108  }
0x21: {  	s3 =	sadd.s32 s3, s9;
	s6 =	sadd.s32 @!p0 $0x88, s6;
	s7 =	simm.s32 @p2 $0x1082  }
0x22: {  	[simem:s7], [sflag:s8] =	dma.local @!p0 [hbm:s6], $0xF7A  }
0x23: {  	s9 =	sor.u32 $0xD0000000, s2;
	s6 =	simm.s32 $0x108;
	_ =	swait.ge @!p0 [sflag:s8], $0x0  }
0x24: {  	s3 =	sadd.s32 $0x88, s3;
	s6 =	simm.s32 @!p1 $0x1082;
	[sflag:s4] =	ssyncset.s32 $0xFFFFF086  }
0x25: {  	[simem:s6], [sflag:s4] =	dma.local [hbm:s3], $0xF7A  }
0x26: {  	[smem:$0x3FA0] =	sst s1;
	(tag) =	ssettag s2;
	_ =	strace s9  }
0x27: {  	s1 =	sld [smem:$0x3FB0]  }
0x28: {  	s2 =	sld [smem:$0x3FB1]  }
0x29: {  	s4 =	sld [smem:$0x3FB3]  }
0x2a: {  	p0 =	seq.s32 s5, $0x0;
	s5 =	sld [smem:$0x3FB4]  }
0x2b: {  	s6 =	sld [smem:$0x3FB5]  }
0x2c: {  	s7 =	sld [smem:$0x3FB6]  }
0x2d: {  	s3 =	simm.s32 $0x108;
	s8 =	sld [smem:$0x3FB7]  }
0x2e: {  	s3 =	simm.s32 @!p0 $0x1082;
	s9 =	sld [smem:$0x3FB8]  }
0x2f: {  	lr =	sadd.s32 s0, s3;
	s0 =	sld [smem:$0x3FAF]  }
0x30: {  	s3 =	sld [smem:$0x3FB2]  }
0x31: {  	[smem:$0x3FBB] =	sst s10  }
0x32: {  	s10 =	sld [smem:$0x3FB9];
	_ =	sdelay $0x3  }
0x33: {  	p0 =	seq.s32 s10, $0x1;
	s10 =	sld [smem:$0x3FBB];
	_ =	sdelay $0x3  }
0x34: {  	[smem:$0x3FBB] =	sst s10  }
0x35: {  	s10 =	sld [smem:$0x3FBA];
	_ =	sdelay $0x3  }
0x36: {  	p1 =	seq.s32 s10, $0x1;
	s10 =	sld [smem:$0x3FBB];
	_ =	sdelay $0x3  }
0x37: {  	[smem:$0x3FBB] =	sst s10  }
0x38: {  	s10 =	sld [smem:$0x3FBC]  }
0x39: {  	_ = 	snop;
	(pc) =	sbr.ind lr, $3  }
0x3a: {  	_ = 	snop  }
0x3b: {  	_ = 	snop  }
0x3c: {  	p2 =	seq.s32 s10, $0x1;
	s10 =	sld [smem:$0x3FBB]  }
0x3d: {  	_ =	shalt  }
0x3e: {  	_ =	shalt  }
0x3f: {  	_ =	shalt  }
0x40: {  	_ =	shalt  }
0x41: {  	_ =	shalt  }
0x42: {  	_ =	shalt  }
0x43: {  	_ =	shalt  }
0x44: {  	_ =	shalt  }
0x45: {  	_ =	shalt  }
0x46: {  	_ =	shalt  }
0x47: {  	_ =	shalt  }
0x48: {  	_ =	shalt  }
0x49: {  	_ =	shalt  }
0x4a: {  	_ =	shalt  }
0x4b: {  	_ =	shalt  }
0x4c: {  	_ =	shalt  }
0x4d: {  	_ =	shalt  }
0x4e: {  	_ =	shalt  }
0x4f: {  	_ =	shalt  }
0x50: {  	_ =	shalt  }
0x51: {  	_ =	shalt  }
0x52: {  	_ =	shalt  }
0x53: {  	_ =	shalt  }
0x54: {  	_ =	shalt  }
0x55: {  	_ =	shalt  }
0x56: {  	_ =	shalt  }
0x57: {  	_ =	shalt  }
0x58: {  	_ =	shalt  }
0x59: {  	_ =	shalt  }
0x5a: {  	_ =	shalt  }
0x5b: {  	_ =	shalt  }
0x5c: {  	_ =	shalt  }
0x5d: {  	_ =	shalt  }
0x5e: {  	_ =	shalt  }
0x5f: {  	_ =	shalt  }
0x60: {  	_ =	shalt  }
0x61: {  	_ =	shalt  }
0x62: {  	_ =	shalt  }
0x63: {  	_ =	shalt  }
0x64: {  	_ =	shalt  }
0x65: {  	_ =	shalt  }
0x66: {  	_ =	shalt  }
0x67: {  	_ =	shalt  }
0x68: {  	_ =	shalt  }
0x69: {  	_ =	shalt  }
0x6a: {  	_ =	shalt  }
0x6b: {  	_ =	shalt  }
0x6c: {  	_ =	shalt  }
0x6d: {  	_ =	shalt  }
0x6e: {  	_ =	shalt  }
0x6f: {  	_ =	shalt  }
0x70: {  	_ =	shalt  }
0x71: {  	_ =	shalt  }
0x72: {  	_ =	shalt  }
0x73: {  	_ =	shalt  }
0x74: {  	_ =	shalt  }
0x75: {  	_ =	shalt  }
0x76: {  	_ =	shalt  }
0x77: {  	_ =	shalt  }
0x78: {  	_ =	shalt  }
0x79: {  	_ =	shalt  }
0x7a: {  	_ =	shalt  }
0x7b: {  	_ =	shalt  }
0x7c: {  	_ =	shalt  }
0x7d: {  	_ =	shalt  }
0x7e: {  	_ =	shalt  }
0x7f: {  	_ =	shalt  }
0x80: {  	_ =	shalt  }
0x81: {  	_ =	shalt  }
0x82: {  	_ =	shalt  }
0x83: {  	_ =	shalt  }
0x84: {  	_ =	shalt  }
0x85: {  	_ =	shalt  }
0x86: {  	_ =	shalt  }
0x87: {  	_ =	shalt  }
.Lfunc_end0:
.L_simem_size_0:
called_computation_lowered:
.L_overlay_start_0:
0x88: {  	s2 =	sld [smem:$0x3FD9]  }
0x89: {  	s3 =	sld [smem:$0x3FFE];
	_ =	sdelay $0x1  }
0x8a: {  	s1 =	srdreg.scid  }
0x8b: {  	s0 =	sand.u32 $0x1, s1  }
0x8c: {  	s17 =	sshll.u32 s0, $0xA;
	s2 =	sadd.s32 s3, s2  }
0x8d: {  	s2 =	sadd.s32 s2, s17  }
0x8e: {  	[smem:$0x3FC7] =	sst s2  }
0x8f: {  	_ = 	snop  }
0x90: {  	s2 =	sld [smem:$0x3FC9]  }
0x91: {  	s18 =	sld [smem:$0x3FD0];
	(tm) =	ssettm $0x1  }
0x92: {  	s4 =	sld [smem:$0x3FFB];
	_ =	sdelay $0x3  }
0x93: {  	_ =	strace s4  }
0x94: {  	s4 =	sld [smem:$0x3FFC];
	_ =	sdelay $0x3  }
0x95: {  	_ =	strace s4  }
0x96: {  	s4 =	sld [smem:$0x3FFD];
	_ =	sdelay $0x3  }
0x97: {  	_ =	strace s4  }
0x98: {  	_ =	strace $0x8FFFFFFF  }
0x99: {  	s19 =	sld [smem:$0x3FDB];
	_ =	sdelay $0x1  }
0x9a: {  	s5 =	simm.s32 $_scs_section_size  }
0x9b: {  	s6 =	simm.s32 $_size__tile_overlayer_lowered;
	s7 =	simm.s32 $_tile_overlayer_lowered  }
0x9c: {  	s22 =	simm.s32 $0x1BFF;
	s21 =	sshll.u32 s7, $0x1;
	s4 =	sadd.s32 s5, s19  }
0x9d: {  	s8 =	simm.s32 $0x0;
	s20 =	sshll.u32 s6, $0x1;
	s6 =	sadd.s32 s21, s4  }
0x9e: {  	[timem:s8], [sflag:s22] =	dma.local [hbm:s6], s20  }
0x9f: {  	_ =	swait.ge [sflag:s22], s20  }
0xa0: {  	s5 =	ssub.s32 $0x0, s20;
	[sflag:s22] =	ssyncset.done $0x0  }
0xa1: {  	[sflag:s22] =	ssyncadd.s32 s5;
	_ =	sdelay $0x1  }
0xa2: {  	s23 =	simm.s32 $0x1B8B  }
0xa3: {  	_ =	swait.ge [sflag:s23], $0x1  }
0xa4: {  	[sflag:s23] =	ssyncset.done $0x0  }
0xa5: {  	s25 =	simm.s32 $0x1B8E;
	s24 =	sld [smem:$0x3FFE];
	[sflag:s23] =	ssyncadd.s32 $0xFFFFFFFF  }
0xa6: {  	s26 =	simm.s32 $execute0_lowered;
	[smem:$0x3FD2] =	sst s25  }
0xa7: {  	s6 =	sshll.u32 s26, $0x1;
	_ =	strace $0x80000046;
	[dreg:$0x1] =	wrdreg $0xFFFFFFFF  }
0xa8: {  	s28 =	simm.s32 $_size_execute0_lowered;
	s4 =	sadd.s32 s4, s6;
	[dreg:$0x0] =	wrdreg $0x0  }
0xa9: {  	s6 =	sshll.u32 s28, $0x1;
	[dreg:$0x2] =	wrdreg s4  }
0xaa: {  	[dreg:$0x3] =	wrdreg s6  }
0xab: {  	[dreg:$0x4] =	wrdreg $0xC0  }
0xac: {  	_ =	task [dreg:s8], $0x5FFFF  }
0xad: {  	[dreg:$0x1] =	wrdreg $0xFFFFFFFF  }
0xae: {  	[dreg:$0x0] =	wrdreg $0x60  }
0xaf: {  	[dreg:$0x2] =	wrdreg s2  }
0xb0: {  	[dreg:$0x3] =	wrdreg s24  }
0xb1: {  	[dreg:$0x4] =	wrdreg s18  }
0xb2: {  	[dreg:$0x5] =	wrdreg $0x9  }
0xb3: {  	_ =	task.clear_ibuf [dreg:s8], $0x6FFFF;
	_ =	strace $0x90000046  }
0xb4: {  	s29 =	simm.s32 $0x9;
	_ =	strace $0x80000048  }
0xb5: {  	_ =	swait.ge [sflag:s29], $0x1  }
0xb6: {  	[sflag:s29] =	ssyncadd.s32 $0xFFFFFFFF  }
0xb7: {  	_ =	strace $0x90000048  }
0xb8: {  	_ =	sfence  }
0xb9: {  	s30 =	sld [smem:$0x0];
	_ =	sdelay $0x2  }
0xba: {  	s31 =	sshll.u32 s1, $0xD;
	s1 =	sshrl.u32 s1, $0x2  }
0xbb: {  	s3 =	sand.u32 $0x4000, s31;
	s1 =	sadd.s32 s1, s30  }
0xbc: {  	s0 =	sor.u32 s3, s0;
	s1 =	sshll.u32 s1, $0x11  }
0xbd: {  	s0 =	sor.u32 s1, s0  }
0xbe: {  	s0 =	sadd.s32 $0x8F2B, s0  }
0xbf: {  	[sflag:s0] =	ssyncadd.remote.s32 $0x1  }
0xc0: {  	_ =	sfence.sel $0xFFFF  }
0xc1: {  	[dreg:$0x0] =	wrdreg $0xFFFFFFFF;
	(pc) =	sbr.abs _section_cstart, $3  }
0xc2: {  	[dreg:$0x1] =	wrdreg $0xFFFFFFFF  }
0xc3: {  	_ =	task.clear_ibuf [dreg:s8], $0x2FFFF;
	_ =	strace $0x9FFFFFFF  }
0xc4: {  	(tm) =	ssettm $0x7FFFFFFF  }
0xc5: {  	_ =	shalt  }
tec
execute0_lowered:
.L_overlay_start_1:
0x0: {  	(tag) =	ssettag $0x1  }
0x1: {  	s0 =	srdreg.scid;
	s3 =	stileid.u32  }
0x2: {  	s6 =	rddreg [dreg:$0x1];
	s0 =	sand.u32 $0x1, s0;
	s1 =	sshll.u32 s3, $0x1  }
0x3: {  	s7 =	rddreg [dreg:$0x2];
	s17 =	sshrl.u32 s3, $0x1;
	s2 =	sor.u32 s0, s1  }
0x4: {  	s28 =	simm.s32 $0x7;
	s5 =	smul.u32 $0x138800, s17;
	s4 =	sand.u32 $0x3, s2  }
0x5: {  	s29 =	simm.s32 $0x1;
	s30 =	simm.s32 $0xFA80;
	s4 =	smul.u32 $0x4E200, s4  }
0x6: {  	s31 =	simm.s32 $0x2;
	s3 =	rddreg [dreg:$0x0];
	s1 =	simm.s32 $0x0  }
0x7: {  	v0 =	vimm.s32 $0x1;
	s0 =	ssub.s32 $0x2, s0;
	[smem:$0x7FF] =	sst s1;
	s4 =	sadd.s32 s5, s4  }
0x8: {  	s18 =	sshrl.u32 s0, $0x1;
	v0 =	vshll.u32 v0, s2;
	s2 =	simm.s32 $0x5;
	s4 =	sshrl.u32 s4, $0x3  }
0x9: {  	s0 =	ssub.s32 s0, s18;
	s19 =	sadd.s32 s3, s4;
	s20 =	sadd.s32 $0xFA0, s4  }
0xa: {  	s21 =	sadd.s32 s7, s4;
	s22 =	sadd.s32 $0x1F40, s4;
	s23 =	sadd.s32 $0x2EE0, s4  }
0xb: {  	s12 =	sadd.s32 $0x3E80, s4;
	s25 =	sadd.s32 $0x4E20, s4;
	s16 =	sadd.s32 $0x5DC0, s4  }
0xc: {  	s26 =	sadd.s32 $0x6D60, s4;
	s17 =	sadd.s32 $0x7D00, s4;
	[dreg:$0x4] =	wrdreg s19  }
0xd: {  	s4 =	sadd.s32 $0x8CA0, s4;
	s8 =	sadd.s32 s3, s20;
	[dreg:$0x6] =	wrdreg s21  }
0xe: {  	s9 =	sadd.s32 s3, s22;
	s5 =	sadd.s32 s7, s20;
	s24 =	sadd.s32 s3, s23  }
0xf: {  	s10 =	sadd.s32 s7, s23;
	s11 =	sadd.s32 s3, s25;
	s13 =	sadd.s32 s3, s16  }
0x10: {  	s14 =	sadd.s32 s7, s25;
	s15 =	sadd.s32 s3, s26;
	s16 =	sadd.s32 s7, s16  }
0x11: {  	s18 =	sadd.s32 s3, s17;
	s19 =	sadd.s32 s7, s26;
	[dreg:$0x5] =	wrdreg s8  }
0x12: {  	s20 =	sadd.s32 s3, s4;
	s21 =	sadd.s32 s7, s17;
	[dreg:$0x7] =	wrdreg s9  }
0x13: {  	s23 =	sadd.s32 $0x200, s6;
	s25 =	simm.s32 $0x80;
	[dreg:$0x8] =	wrdreg s5  }
0x14: {  	s26 =	simm.s32 $0x7D80;
	s17 =	simm.s32 $0x4;
	[dreg:$0x9] =	wrdreg s24  }
0x15: {  	s8 =	sadd.s32 s7, s22;
	s9 =	sadd.s32 s3, s12;
	s12 =	sadd.s32 s7, s12  }
0x16: {  	s22 =	sadd.s32 s7, s4;
	s24 =	smax.u32 s0, $0x1;
	s0 =	simm.s32 $0x3  }
0x17: {  	v0 =	vbroadcast v0, $0x0;
	s3 =	simm.s32 $0x6;
	s4 =	simm.s32 $0x0;
	_ =	strace $0x80000047  }
.LBB2_1:
0x18: {  	s5 =	rddreg [dreg:$0x4]  }
0x19: {  	[tilespmem:s25], [sflag:$0x1] =	stream.linear.gather [hbm4b:s5+s1], $0x7D00, $0x38;
	[tilespmem:$0x17780] =	vst v63  }
0x1a: {  	s7 =	rddreg [dreg:$0x5]  }
0x1b: {  	[tilespmem:s26], [sflag:$0x2] =	stream.linear.gather [hbm4b:s7+s1], $0x7D00, $0x38;
	[tilespmem:$0x17780] =	vst v63  }
0x1c: {  	_ = 	snop  }
0x1d: {  	[tilespmem:s1], [sflag:$0x7] =	stream.linear.gather [hbm4b:s23+s1], $0x80, $0x38;
	[tilespmem:$0x17780] =	vst v63  }
0x1e: {  	_ =	swait.ge [sflag:s28], $0x80  }
0x1f: {  	[sflag:s28] =	ssyncset.done $0x0  }
0x20: {  	[sflag:s28] =	ssyncadd.s32 $0xFFFFFF80  }
0x21: {  	v3 =	vld [tilespmem:$0x0];
	_ =	swait.ge [sflag:s29], $0x7D00  }
0x22: {  	[sflag:s29] =	ssyncset.done $0x0  }
0x23: {  	s5 =	simm.s32 $0x100;
	[sflag:s29] =	ssyncadd.s32 $0xFFFF8300  }
0x24: {  	v7 =	vld [tilespmem:s5+$0xFFFFFFB0]  }
0x25: {  	v5 =	vld [tilespmem:s5+$0x70]  }
0x26: {  	v8 =	vld [tilespmem:s5+$0xFFFFFFF0]  }
0x27: {  	v9 =	vld [tilespmem:s5+$0x60]  }
0x28: {  	v10 =	vld [tilespmem:s5+$0xFFFFFFE0]  }
0x29: {  	v11 =	vld [tilespmem:s5+$0xFFFFFFA0]  }
0x2a: {  	v2 =	vld [tilespmem:s5+$0x50]  }
0x2b: {  	v1 =	vld [tilespmem:s5+$0x10];
	v3 =	vand.u32 v0, v3  }
0x2c: {  	v13 =	vld [tilespmem:s5+$0x30];
	vm0 =	veq.s32 v3, $0x0  }
0x2d: {  	v12 =	vld [tilespmem:s5+$0x20];
	v3 =	vsel vm0, v5, v8  }
0x2e: {  	v4 =	vld [tilespmem:s5+$0x40];
	v14 =	vsel vm0, v10, v9;
	[tilespmem:s5+$0x70] =	vst v3  }
0x2f: {  	v9 =	vsel vm0, v9, v10;
	[tilespmem:s5+$0xFFFFFFE0] =	vst v14;
	v3 =	vld [tilespmem:s5+$0xFFFFFF90]  }
0x30: {  	v6 =	vld [tilespmem:s5+$0xFFFFFFD0];
	v5 =	vsel vm0, v8, v5;
	[tilespmem:s5+$0x60] =	vst v9  }
0x31: {  	v8 =	vld [tilespmem:s5+$0xFFFFFFC0];
	v63 =	vsel vm0, v7, v13;
	[tilespmem:s5+$0xFFFFFFF0] =	vst v5  }
0x32: {  	v10 =	vsel vm0, v13, v7;
	v7 =	vld [tilespmem:s5+$0x0];
	v9 =	vsel vm0, v11, v12;
	[tilespmem:s5+$0xFFFFFFB0] =	vst v63  }
0x33: {  	s6 =	simm.s32 $0x0;
	s7 =	simm.s32 $0x200;
	v5 =	vld [tilespmem:s5+$0xFFFFFF80];
	[tilespmem:s5+$0xFFFFFFA0] =	vst v9;
	v9 =	vsel vm0, v12, v11  }
.LBB2_2:
0x34: {  	v11 =	vld [tilespmem:s7+$0xFFFFFFB0];
	s6 =	sadd.s32 $0x8, s6;
	v12 =	vsel vm0, v3, v1;
	[tilespmem:s5+$0x20] =	vst v9  }
0x35: {  	v9 =	vld [tilespmem:s7+$0x70];
	p0 =	slt.u32 s6, $0x3E0;
	[tilespmem:s5+$0x30] =	vst v10;
	v10 =	vsel vm0, v6, v2;
	v2 =	vsel vm0, v2, v6  }
0x36: {  	v6 =	vld [tilespmem:s7+$0xFFFFFFF0];
	v13 =	vsel vm0, v8, v4;
	v4 =	vsel vm0, v4, v8;
	[tilespmem:s5+$0xFFFFFFD0] =	vst v10  }
0x37: {  	v8 =	vld [tilespmem:s7+$0x60];
	[tilespmem:s5+$0xFFFFFFC0] =	vst v13  }
0x38: {  	v10 =	vld [tilespmem:s7+$0xFFFFFFE0];
	v13 =	vsel vm0, v5, v7;
	v5 =	vsel vm0, v7, v5;
	[tilespmem:s5+$0x40] =	vst v4  }
0x39: {  	v1 =	vsel vm0, v1, v3;
	v7 =	vld [tilespmem:s7+$0xFFFFFFA0];
	[tilespmem:s5+$0x50] =	vst v2  }
0x3a: {  	v2 =	vld [tilespmem:s7+$0x50];
	[tilespmem:s5+$0x10] =	vst v1  }
0x3b: {  	v1 =	vld [tilespmem:s7+$0x10];
	v14 =	vsel vm0, v6, v9;
	v3 =	vsel vm0, v9, v6;
	[tilespmem:s5+$0xFFFFFF90] =	vst v12  }
0x3c: {  	v9 =	vld [tilespmem:s7+$0x20];
	[tilespmem:s5+$0x0] =	vst v5  }
0x3d: {  	v12 =	vld [tilespmem:s7+$0x30];
	v5 =	vsel vm0, v10, v8;
	v6 =	vsel vm0, v8, v10;
	[tilespmem:s5+$0xFFFFFF80] =	vst v13;
	s5 =	smov.u32 s7  }
0x3e: {  	v4 =	vld [tilespmem:s7+$0x40];
	[tilespmem:s7+$0x70] =	vst v3  }
.Ltmp0:
0x3f: {  	v3 =	vld [tilespmem:s7+$0xFFFFFF90];
	[tilespmem:s7+$0x60] =	vst v6;
	(pc) =	sbr.rel @p0 .LBB2_2-.Ltmp0, $4  }
0x40: {  	v6 =	vld [tilespmem:s7+$0xFFFFFFD0];
	[tilespmem:s7+$0xFFFFFFE0] =	vst v5  }
0x41: {  	v10 =	vsel vm0, v7, v9;
	v9 =	vsel vm0, v9, v7;
	v8 =	vld [tilespmem:s7+$0xFFFFFFC0];
	[tilespmem:s7+$0xFFFFFFF0] =	vst v14  }
0x42: {  	v5 =	vld [tilespmem:s7+$0xFFFFFF80];
	[tilespmem:s7+$0xFFFFFFA0] =	vst v10;
	v13 =	vsel vm0, v11, v12;
	v10 =	vsel vm0, v12, v11  }
0x43: {  	s7 =	sadd.s32 $0x100, s7;
	v7 =	vld [tilespmem:s5+$0x0];
	[tilespmem:s5+$0xFFFFFFB0] =	vst v13  }
0x44: {  	[tilespmem:s5+$0x20] =	vst v9  }
0x45: {  	[tilespmem:s5+$0x30] =	vst v10;
	v9 =	vsel vm0, v6, v2  }
0x46: {  	v2 =	vsel vm0, v2, v6;
	[tilespmem:s5+$0xFFFFFFD0] =	vst v9  }
0x47: {  	v10 =	vsel vm0, v8, v4;
	[tilespmem:s5+$0x50] =	vst v2  }
0x48: {  	v4 =	vsel vm0, v4, v8;
	[tilespmem:s5+$0xFFFFFFC0] =	vst v10  }
0x49: {  	[tilespmem:s5+$0x40] =	vst v4;
	v4 =	vsel vm0, v1, v3  }
0x4a: {  	v1 =	vsel vm0, v3, v1;
	[tilespmem:s5+$0x10] =	vst v4  }
0x4b: {  	v2 =	vsel vm0, v7, v5;
	[tilespmem:s5+$0xFFFFFF90] =	vst v1  }
0x4c: {  	v1 =	vsel vm0, v5, v7;
	[tilespmem:s5+$0x0] =	vst v2  }
0x4d: {  	s6 =	rddreg [dreg:$0x6];
	[tilespmem:s5+$0xFFFFFF80] =	vst v1  }
0x4e: {  	[hbm4b:s6+s1] =	stream.linear.scatter [tilespmem:s25], [sflag:$0x4], $0x7D00, $0x38;
	[tilespmem:$0x17780] =	vst v63  }
0x4f: {  	s7 =	rddreg [dreg:$0x7]  }
0x50: {  	[tilespmem:s30], [sflag:$0x3] =	stream.linear.gather [hbm4b:s7+s1], $0x7D00, $0x38;
	[tilespmem:$0x17780] =	vst v63  }
0x51: {  	_ =	swait.ge [sflag:s31], $0x7D00  }
0x52: {  	[sflag:s31] =	ssyncset.done $0x0  }
0x53: {  	s5 =	simm.s32 $0x7D80;
	[sflag:s31] =	ssyncadd.s32 $0xFFFF8300  }
0x54: {  	v7 =	vld [tilespmem:s5+$0x30]  }
0x55: {  	v5 =	vld [tilespmem:s5+$0xF0]  }
0x56: {  	v8 =	vld [tilespmem:s5+$0x70]  }
0x57: {  	v3 =	vld [tilespmem:s5+$0xE0]  }
0x58: {  	v9 =	vld [tilespmem:s5+$0x60]  }
0x59: {  	v10 =	vld [tilespmem:s5+$0x20]  }
0x5a: {  	v2 =	vld [tilespmem:s5+$0xD0]  }
0x5b: {  	v1 =	vld [tilespmem:s5+$0x90]  }
0x5c: {  	v12 =	vld [tilespmem:s5+$0xB0]  }
0x5d: {  	v11 =	vld [tilespmem:s5+$0xA0];
	v6 =	vsel vm0, v5, v8  }
0x5e: {  	v4 =	vld [tilespmem:s5+$0xC0];
	v13 =	vsel vm0, v9, v3;
	[tilespmem:s5+$0xF0] =	vst v6  }
0x5f: {  	v9 =	vsel vm0, v3, v9;
	v3 =	vld [tilespmem:s5+$0x10];
	[tilespmem:s5+$0x60] =	vst v13  }
0x60: {  	v5 =	vsel vm0, v8, v5;
	v6 =	vld [tilespmem:s5+$0x50];
	[tilespmem:s5+$0xE0] =	vst v9  }
0x61: {  	v8 =	vld [tilespmem:s5+$0x40];
	v63 =	vsel vm0, v7, v12;
	[tilespmem:s5+$0x70] =	vst v5  }
0x62: {  	v9 =	vsel vm0, v10, v11;
	v5 =	vld [tilespmem:s5+$0x0];
	[tilespmem:s5+$0x30] =	vst v63  }
0x63: {  	s6 =	simm.s32 $0x0;
	s7 =	simm.s32 $0x7E80;
	[tilespmem:s5+$0x20] =	vst v9;
	v9 =	vsel vm0, v11, v10;
	v10 =	vsel vm0, v12, v7;
	v7 =	vld [tilespmem:s5+$0x80]  }
.LBB2_4:
0x64: {  	v11 =	vld [tilespmem:s7+$0x30];
	s6 =	sadd.s32 $0x8, s6;
	v12 =	vsel vm0, v3, v1;
	[tilespmem:s5+$0xA0] =	vst v9  }
0x65: {  	v9 =	vld [tilespmem:s7+$0xF0];
	p0 =	slt.u32 s6, $0x3E0;
	[tilespmem:s5+$0xB0] =	vst v10;
	v10 =	vsel vm0, v6, v2;
	v2 =	vsel vm0, v2, v6  }
0x66: {  	v6 =	vld [tilespmem:s7+$0x70];
	v13 =	vsel vm0, v8, v4;
	v4 =	vsel vm0, v4, v8;
	[tilespmem:s5+$0x50] =	vst v10  }
0x67: {  	v8 =	vld [tilespmem:s7+$0xE0];
	[tilespmem:s5+$0x40] =	vst v13  }
0x68: {  	v10 =	vld [tilespmem:s7+$0x60];
	v13 =	vsel vm0, v5, v7;
	v5 =	vsel vm0, v7, v5;
	[tilespmem:s5+$0xC0] =	vst v4  }
0x69: {  	v1 =	vsel vm0, v1, v3;
	v7 =	vld [tilespmem:s7+$0x20];
	[tilespmem:s5+$0xD0] =	vst v2  }
0x6a: {  	v2 =	vld [tilespmem:s7+$0xD0];
	[tilespmem:s5+$0x90] =	vst v1  }
0x6b: {  	v1 =	vld [tilespmem:s7+$0x90];
	v14 =	vsel vm0, v6, v9;
	v3 =	vsel vm0, v9, v6;
	[tilespmem:s5+$0x10] =	vst v12  }
0x6c: {  	v9 =	vld [tilespmem:s7+$0xA0];
	[tilespmem:s5+$0x80] =	vst v5  }
0x6d: {  	v12 =	vld [tilespmem:s7+$0xB0];
	v5 =	vsel vm0, v10, v8;
	v6 =	vsel vm0, v8, v10;
	[tilespmem:s5+$0x0] =	vst v13;
	s5 =	smov.u32 s7  }
0x6e: {  	v4 =	vld [tilespmem:s7+$0xC0];
	[tilespmem:s7+$0xF0] =	vst v3  }
.Ltmp1:
0x6f: {  	v3 =	vld [tilespmem:s7+$0x10];
	[tilespmem:s7+$0xE0] =	vst v6;
	(pc) =	sbr.rel @p0 .LBB2_4-.Ltmp1, $4  }
0x70: {  	v6 =	vld [tilespmem:s7+$0x50];
	[tilespmem:s7+$0x60] =	vst v5  }
0x71: {  	v10 =	vsel vm0, v7, v9;
	v9 =	vsel vm0, v9, v7;
	v8 =	vld [tilespmem:s7+$0x40];
	[tilespmem:s7+$0x70] =	vst v14  }
0x72: {  	v5 =	vld [tilespmem:s7+$0x0];
	[tilespmem:s7+$0x20] =	vst v10;
	v13 =	vsel vm0, v11, v12;
	v10 =	vsel vm0, v12, v11  }
0x73: {  	s7 =	sadd.s32 $0x100, s7;
	v7 =	vld [tilespmem:s5+$0x80];
	[tilespmem:s5+$0x30] =	vst v13  }
0x74: {  	[tilespmem:s5+$0xA0] =	vst v9  }
0x75: {  	[tilespmem:s5+$0xB0] =	vst v10;
	v9 =	vsel vm0, v6, v2  }
0x76: {  	v2 =	vsel vm0, v2, v6;
	[tilespmem:s5+$0x50] =	vst v9  }
0x77: {  	v10 =	vsel vm0, v8, v4;
	[tilespmem:s5+$0xD0] =	vst v2  }
0x78: {  	v4 =	vsel vm0, v4, v8;
	[tilespmem:s5+$0x40] =	vst v10  }
0x79: {  	[tilespmem:s5+$0xC0] =	vst v4;
	v4 =	vsel vm0, v1, v3  }
0x7a: {  	v1 =	vsel vm0, v3, v1;
	[tilespmem:s5+$0x90] =	vst v4  }
0x7b: {  	v2 =	vsel vm0, v7, v5;
	[tilespmem:s5+$0x10] =	vst v1  }
0x7c: {  	v1 =	vsel vm0, v5, v7;
	[tilespmem:s5+$0x80] =	vst v2  }
0x7d: {  	s6 =	rddreg [dreg:$0x8];
	[tilespmem:s5+$0x0] =	vst v1  }
0x7e: {  	[hbm4b:s6+s1] =	stream.linear.scatter [tilespmem:s26], [sflag:$0x5], $0x7D00, $0x38;
	[tilespmem:$0x17780] =	vst v63  }
0x7f: {  	_ =	swait.ge [sflag:s17], $0x7D00  }
0x80: {  	[sflag:s17] =	ssyncset.done $0x0  }
0x81: {  	s7 =	rddreg [dreg:$0x9];
	[sflag:s17] =	ssyncadd.s32 $0xFFFF8300  }
0x82: {  	[tilespmem:s25], [sflag:$0x1] =	stream.linear.gather [hbm4b:s7+s1], $0x7D00, $0x38;
	[tilespmem:$0x17780] =	vst v63  }
0x83: {  	_ =	swait.ge [sflag:s0], $0x7D00  }
0x84: {  	[sflag:s0] =	ssyncset.done $0x0  }
0x85: {  	s5 =	simm.s32 $0xFA80;
	[sflag:s0] =	ssyncadd.s32 $0xFFFF8300  }
0x86: {  	v7 =	vld [tilespmem:s5+$0x30]  }
0x87: {  	v5 =	vld [tilespmem:s5+$0xF0]  }
0x88: {  	v8 =	vld [tilespmem:s5+$0x70]  }
0x89: {  	v3 =	vld [tilespmem:s5+$0xE0]  }
0x8a: {  	v9 =	vld [tilespmem:s5+$0x60]  }
0x8b: {  	v10 =	vld [tilespmem:s5+$0x20]  }
0x8c: {  	v2 =	vld [tilespmem:s5+$0xD0]  }
0x8d: {  	v1 =	vld [tilespmem:s5+$0x90]  }
0x8e: {  	v12 =	vld [tilespmem:s5+$0xB0]  }
0x8f: {  	v11 =	vld [tilespmem:s5+$0xA0];
	v6 =	vsel vm0, v5, v8  }
0x90: {  	v4 =	vld [tilespmem:s5+$0xC0];
	v13 =	vsel vm0, v9, v3;
	[tilespmem:s5+$0xF0] =	vst v6  }
0x91: {  	v9 =	vsel vm0, v3, v9;
	v3 =	vld [tilespmem:s5+$0x10];
	[tilespmem:s5+$0x60] =	vst v13  }
0x92: {  	v5 =	vsel vm0, v8, v5;
	v6 =	vld [tilespmem:s5+$0x50];
	[tilespmem:s5+$0xE0] =	vst v9  }
0x93: {  	v8 =	vld [tilespmem:s5+$0x40];
	v63 =	vsel vm0, v7, v12;
	[tilespmem:s5+$0x70] =	vst v5  }
0x94: {  	v9 =	vsel vm0, v10, v11;
	v5 =	vld [tilespmem:s5+$0x0];
	[tilespmem:s5+$0x30] =	vst v63  }
0x95: {  	s6 =	simm.s32 $0x0;
	s7 =	simm.s32 $0xFB80;
	[tilespmem:s5+$0x20] =	vst v9;
	v9 =	vsel vm0, v11, v10;
	v10 =	vsel vm0, v12, v7;
	v7 =	vld [tilespmem:s5+$0x80]  }
.LBB2_6:
0x96: {  	v11 =	vld [tilespmem:s7+$0x30];
	s6 =	sadd.s32 $0x8, s6;
	v12 =	vsel vm0, v3, v1;
	[tilespmem:s5+$0xA0] =	vst v9  }
0x97: {  	v9 =	vld [tilespmem:s7+$0xF0];
	p0 =	slt.u32 s6, $0x3E0;
	[tilespmem:s5+$0xB0] =	vst v10;
	v10 =	vsel vm0, v6, v2;
	v2 =	vsel vm0, v2, v6  }
0x98: {  	v6 =	vld [tilespmem:s7+$0x70];
	v13 =	vsel vm0, v8, v4;
	v4 =	vsel vm0, v4, v8;
	[tilespmem:s5+$0x50] =	vst v10  }
0x99: {  	v8 =	vld [tilespmem:s7+$0xE0];
	[tilespmem:s5+$0x40] =	vst v13  }
0x9a: {  	v10 =	vld [tilespmem:s7+$0x60];
	v13 =	vsel vm0, v5, v7;
	v5 =	vsel vm0, v7, v5;
	[tilespmem:s5+$0xC0] =	vst v4  }
0x9b: {  	v1 =	vsel vm0, v1, v3;
	v7 =	vld [tilespmem:s7+$0x20];
	[tilespmem:s5+$0xD0] =	vst v2  }
0x9c: {  	v2 =	vld [tilespmem:s7+$0xD0];
	[tilespmem:s5+$0x90] =	vst v1  }
0x9d: {  	v1 =	vld [tilespmem:s7+$0x90];
	v14 =	vsel vm0, v6, v9;
	v3 =	vsel vm0, v9, v6;
	[tilespmem:s5+$0x10] =	vst v12  }
0x9e: {  	v9 =	vld [tilespmem:s7+$0xA0];
	[tilespmem:s5+$0x80] =	vst v5  }
0x9f: {  	v12 =	vld [tilespmem:s7+$0xB0];
	v5 =	vsel vm0, v10, v8;
	v6 =	vsel vm0, v8, v10;
	[tilespmem:s5+$0x0] =	vst v13;
	s5 =	smov.u32 s7  }
0xa0: {  	v4 =	vld [tilespmem:s7+$0xC0];
	[tilespmem:s7+$0xF0] =	vst v3  }
.Ltmp2:
0xa1: {  	v3 =	vld [tilespmem:s7+$0x10];
	[tilespmem:s7+$0xE0] =	vst v6;
	(pc) =	sbr.rel @p0 .LBB2_6-.Ltmp2, $4  }
0xa2: {  	v6 =	vld [tilespmem:s7+$0x50];
	[tilespmem:s7+$0x60] =	vst v5  }
0xa3: {  	v10 =	vsel vm0, v7, v9;
	v9 =	vsel vm0, v9, v7;
	v8 =	vld [tilespmem:s7+$0x40];
	[tilespmem:s7+$0x70] =	vst v14  }
0xa4: {  	v5 =	vld [tilespmem:s7+$0x0];
	[tilespmem:s7+$0x20] =	vst v10;
	v13 =	vsel vm0, v11, v12;
	v10 =	vsel vm0, v12, v11  }
0xa5: {  	s7 =	sadd.s32 $0x100, s7;
	v7 =	vld [tilespmem:s5+$0x80];
	[tilespmem:s5+$0x30] =	vst v13  }
0xa6: {  	[tilespmem:s5+$0xA0] =	vst v9  }
0xa7: {  	[tilespmem:s5+$0xB0] =	vst v10;
	v9 =	vsel vm0, v6, v2  }
0xa8: {  	v2 =	vsel vm0, v2, v6;
	[tilespmem:s5+$0x50] =	vst v9  }
0xa9: {  	v10 =	vsel vm0, v8, v4;
	[tilespmem:s5+$0xD0] =	vst v2  }
0xaa: {  	v4 =	vsel vm0, v4, v8;
	[tilespmem:s5+$0x40] =	vst v10  }
0xab: {  	[tilespmem:s5+$0xC0] =	vst v4;
	v4 =	vsel vm0, v1, v3  }
0xac: {  	v1 =	vsel vm0, v3, v1;
	[tilespmem:s5+$0x90] =	vst v4  }
0xad: {  	v2 =	vsel vm0, v7, v5;
	[tilespmem:s5+$0x10] =	vst v1  }
0xae: {  	v1 =	vsel vm0, v5, v7;
	[tilespmem:s5+$0x80] =	vst v2  }
0xaf: {  	[tilespmem:s5+$0x0] =	vst v1  }
0xb0: {  	[hbm4b:s8+s1] =	stream.linear.scatter [tilespmem:s30], [sflag:$0x6], $0x7D00, $0x38;
	[tilespmem:$0x17780] =	vst v63  }
0xb1: {  	_ =	swait.ge [sflag:s2], $0x7D00  }
0xb2: {  	[sflag:s2] =	ssyncset.done $0x0  }
0xb3: {  	[sflag:s2] =	ssyncadd.s32 $0xFFFF8300  }
0xb4: {  	[tilespmem:s26], [sflag:$0x2] =	stream.linear.gather [hbm4b:s9+s1], $0x7D00, $0x38;
	[tilespmem:$0x17780] =	vst v63  }
0xb5: {  	_ =	swait.ge [sflag:s29], $0x7D00  }
0xb6: {  	[sflag:s29] =	ssyncset.done $0x0  }
0xb7: {  	s5 =	simm.s32 $0x100;
	[sflag:s29] =	ssyncadd.s32 $0xFFFF8300  }
0xb8: {  	v7 =	vld [tilespmem:s5+$0xFFFFFFB0]  }
0xb9: {  	v5 =	vld [tilespmem:s5+$0x70]  }
0xba: {  	v8 =	vld [tilespmem:s5+$0xFFFFFFF0]  }
0xbb: {  	v3 =	vld [tilespmem:s5+$0x60]  }
0xbc: {  	v9 =	vld [tilespmem:s5+$0xFFFFFFE0]  }
0xbd: {  	v10 =	vld [tilespmem:s5+$0xFFFFFFA0]  }
0xbe: {  	v2 =	vld [tilespmem:s5+$0x50]  }
0xbf: {  	v1 =	vld [tilespmem:s5+$0x10]  }
0xc0: {  	v12 =	vld [tilespmem:s5+$0x30]  }
0xc1: {  	v11 =	vld [tilespmem:s5+$0x20];
	v6 =	vsel vm0, v5, v8  }
0xc2: {  	v4 =	vld [tilespmem:s5+$0x40];
	v13 =	vsel vm0, v9, v3;
	[tilespmem:s5+$0x70] =	vst v6  }
0xc3: {  	v9 =	vsel vm0, v3, v9;
	v3 =	vld [tilespmem:s5+$0xFFFFFF90];
	[tilespmem:s5+$0xFFFFFFE0] =	vst v13  }
0xc4: {  	v5 =	vsel vm0, v8, v5;
	v6 =	vld [tilespmem:s5+$0xFFFFFFD0];
	[tilespmem:s5+$0x60] =	vst v9  }
0xc5: {  	v8 =	vld [tilespmem:s5+$0xFFFFFFC0];
	v63 =	vsel vm0, v7, v12;
	[tilespmem:s5+$0xFFFFFFF0] =	vst v5  }
0xc6: {  	v9 =	vsel vm0, v10, v11;
	v5 =	vld [tilespmem:s5+$0xFFFFFF80];
	[tilespmem:s5+$0xFFFFFFB0] =	vst v63  }
0xc7: {  	s6 =	simm.s32 $0x0;
	s7 =	simm.s32 $0x200;
	[tilespmem:s5+$0xFFFFFFA0] =	vst v9;
	v9 =	vsel vm0, v11, v10;
	v10 =	vsel vm0, v12, v7;
	v7 =	vld [tilespmem:s5+$0x0]  }
.LBB2_8:
0xc8: {  	v11 =	vld [tilespmem:s7+$0xFFFFFFB0];
	s6 =	sadd.s32 $0x8, s6;
	v12 =	vsel vm0, v3, v1;
	[tilespmem:s5+$0x20] =	vst v9  }
0xc9: {  	v9 =	vld [tilespmem:s7+$0x70];
	p0 =	slt.u32 s6, $0x3E0;
	[tilespmem:s5+$0x30] =	vst v10;
	v10 =	vsel vm0, v6, v2;
	v2 =	vsel vm0, v2, v6  }
0xca: {  	v6 =	vld [tilespmem:s7+$0xFFFFFFF0];
	v13 =	vsel vm0, v8, v4;
	v4 =	vsel vm0, v4, v8;
	[tilespmem:s5+$0xFFFFFFD0] =	vst v10  }
0xcb: {  	v8 =	vld [tilespmem:s7+$0x60];
	[tilespmem:s5+$0xFFFFFFC0] =	vst v13  }
0xcc: {  	v10 =	vld [tilespmem:s7+$0xFFFFFFE0];
	v13 =	vsel vm0, v5, v7;
	v5 =	vsel vm0, v7, v5;
	[tilespmem:s5+$0x40] =	vst v4  }
0xcd: {  	v1 =	vsel vm0, v1, v3;
	v7 =	vld [tilespmem:s7+$0xFFFFFFA0];
	[tilespmem:s5+$0x50] =	vst v2  }
0xce: {  	v2 =	vld [tilespmem:s7+$0x50];
	[tilespmem:s5+$0x10] =	vst v1  }
0xcf: {  	v1 =	vld [tilespmem:s7+$0x10];
	v14 =	vsel vm0, v6, v9;
	v3 =	vsel vm0, v9, v6;
	[tilespmem:s5+$0xFFFFFF90] =	vst v12  }
0xd0: {  	v9 =	vld [tilespmem:s7+$0x20];
	[tilespmem:s5+$0x0] =	vst v5  }
0xd1: {  	v12 =	vld [tilespmem:s7+$0x30];
	v5 =	vsel vm0, v10, v8;
	v6 =	vsel vm0, v8, v10;
	[tilespmem:s5+$0xFFFFFF80] =	vst v13;
	s5 =	smov.u32 s7  }
0xd2: {  	v4 =	vld [tilespmem:s7+$0x40];
	[tilespmem:s7+$0x70] =	vst v3  }
.Ltmp3:
0xd3: {  	v3 =	vld [tilespmem:s7+$0xFFFFFF90];
	[tilespmem:s7+$0x60] =	vst v6;
	(pc) =	sbr.rel @p0 .LBB2_8-.Ltmp3, $4  }
0xd4: {  	v6 =	vld [tilespmem:s7+$0xFFFFFFD0];
	[tilespmem:s7+$0xFFFFFFE0] =	vst v5  }
0xd5: {  	v10 =	vsel vm0, v7, v9;
	v9 =	vsel vm0, v9, v7;
	v8 =	vld [tilespmem:s7+$0xFFFFFFC0];
	[tilespmem:s7+$0xFFFFFFF0] =	vst v14  }
0xd6: {  	v5 =	vld [tilespmem:s7+$0xFFFFFF80];
	[tilespmem:s7+$0xFFFFFFA0] =	vst v10;
	v13 =	vsel vm0, v11, v12;
	v10 =	vsel vm0, v12, v11  }
0xd7: {  	s7 =	sadd.s32 $0x100, s7;
	v7 =	vld [tilespmem:s5+$0x0];
	[tilespmem:s5+$0xFFFFFFB0] =	vst v13  }
0xd8: {  	[tilespmem:s5+$0x20] =	vst v9  }
0xd9: {  	[tilespmem:s5+$0x30] =	vst v10;
	v9 =	vsel vm0, v6, v2  }
0xda: {  	v2 =	vsel vm0, v2, v6;
	[tilespmem:s5+$0xFFFFFFD0] =	vst v9  }
0xdb: {  	v10 =	vsel vm0, v8, v4;
	[tilespmem:s5+$0x50] =	vst v2  }
0xdc: {  	v4 =	vsel vm0, v4, v8;
	[tilespmem:s5+$0xFFFFFFC0] =	vst v10  }
0xdd: {  	[tilespmem:s5+$0x40] =	vst v4;
	v4 =	vsel vm0, v1, v3  }
0xde: {  	v1 =	vsel vm0, v3, v1;
	[tilespmem:s5+$0x10] =	vst v4  }
0xdf: {  	v2 =	vsel vm0, v7, v5;
	[tilespmem:s5+$0xFFFFFF90] =	vst v1  }
0xe0: {  	v1 =	vsel vm0, v5, v7;
	[tilespmem:s5+$0x0] =	vst v2  }
0xe1: {  	[tilespmem:s5+$0xFFFFFF80] =	vst v1  }
0xe2: {  	[hbm4b:s10+s1] =	stream.linear.scatter [tilespmem:s25], [sflag:$0x4], $0x7D00, $0x38;
	[tilespmem:$0x17780] =	vst v63  }
0xe3: {  	_ =	swait.ge [sflag:s3], $0x7D00  }
0xe4: {  	[sflag:s3] =	ssyncset.done $0x0  }
0xe5: {  	[sflag:s3] =	ssyncadd.s32 $0xFFFF8300  }
0xe6: {  	[tilespmem:s30], [sflag:$0x3] =	stream.linear.gather [hbm4b:s11+s1], $0x7D00, $0x38;
	[tilespmem:$0x17780] =	vst v63  }
0xe7: {  	_ =	swait.ge [sflag:s31], $0x7D00  }
0xe8: {  	[sflag:s31] =	ssyncset.done $0x0  }
0xe9: {  	s5 =	simm.s32 $0x7D80;
	[sflag:s31] =	ssyncadd.s32 $0xFFFF8300  }
0xea: {  	v7 =	vld [tilespmem:s5+$0x30]  }
0xeb: {  	v5 =	vld [tilespmem:s5+$0xF0]  }
0xec: {  	v8 =	vld [tilespmem:s5+$0x70]  }
0xed: {  	v3 =	vld [tilespmem:s5+$0xE0]  }
0xee: {  	v9 =	vld [tilespmem:s5+$0x60]  }
0xef: {  	v10 =	vld [tilespmem:s5+$0x20]  }
0xf0: {  	v2 =	vld [tilespmem:s5+$0xD0]  }
0xf1: {  	v1 =	vld [tilespmem:s5+$0x90]  }
0xf2: {  	v12 =	vld [tilespmem:s5+$0xB0]  }
0xf3: {  	v11 =	vld [tilespmem:s5+$0xA0];
	v6 =	vsel vm0, v5, v8  }
0xf4: {  	v4 =	vld [tilespmem:s5+$0xC0];
	v13 =	vsel vm0, v9, v3;
	[tilespmem:s5+$0xF0] =	vst v6  }
0xf5: {  	v9 =	vsel vm0, v3, v9;
	v3 =	vld [tilespmem:s5+$0x10];
	[tilespmem:s5+$0x60] =	vst v13  }
0xf6: {  	v5 =	vsel vm0, v8, v5;
	v6 =	vld [tilespmem:s5+$0x50];
	[tilespmem:s5+$0xE0] =	vst v9  }
0xf7: {  	v8 =	vld [tilespmem:s5+$0x40];
	v63 =	vsel vm0, v7, v12;
	[tilespmem:s5+$0x70] =	vst v5  }
0xf8: {  	v9 =	vsel vm0, v10, v11;
	v5 =	vld [tilespmem:s5+$0x0];
	[tilespmem:s5+$0x30] =	vst v63  }
0xf9: {  	s6 =	simm.s32 $0x0;
	s7 =	simm.s32 $0x7E80;
	[tilespmem:s5+$0x20] =	vst v9;
	v9 =	vsel vm0, v11, v10;
	v10 =	vsel vm0, v12, v7;
	v7 =	vld [tilespmem:s5+$0x80]  }
.LBB2_10:
0xfa: {  	v11 =	vld [tilespmem:s7+$0x30];
	s6 =	sadd.s32 $0x8, s6;
	v12 =	vsel vm0, v3, v1;
	[tilespmem:s5+$0xA0] =	vst v9  }
0xfb: {  	v9 =	vld [tilespmem:s7+$0xF0];
	p0 =	slt.u32 s6, $0x3E0;
	[tilespmem:s5+$0xB0] =	vst v10;
	v10 =	vsel vm0, v6, v2;
	v2 =	vsel vm0, v2, v6  }
0xfc: {  	v6 =	vld [tilespmem:s7+$0x70];
	v13 =	vsel vm0, v8, v4;
	v4 =	vsel vm0, v4, v8;
	[tilespmem:s5+$0x50] =	vst v10  }
0xfd: {  	v8 =	vld [tilespmem:s7+$0xE0];
	[tilespmem:s5+$0x40] =	vst v13  }
0xfe: {  	v10 =	vld [tilespmem:s7+$0x60];
	v13 =	vsel vm0, v5, v7;
	v5 =	vsel vm0, v7, v5;
	[tilespmem:s5+$0xC0] =	vst v4  }
0xff: {  	v1 =	vsel vm0, v1, v3;
	v7 =	vld [tilespmem:s7+$0x20];
	[tilespmem:s5+$0xD0] =	vst v2  }
0x100: {  	v2 =	vld [tilespmem:s7+$0xD0];
	[tilespmem:s5+$0x90] =	vst v1  }
0x101: {  	v1 =	vld [tilespmem:s7+$0x90];
	v14 =	vsel vm0, v6, v9;
	v3 =	vsel vm0, v9, v6;
	[tilespmem:s5+$0x10] =	vst v12  }
0x102: {  	v9 =	vld [tilespmem:s7+$0xA0];
	[tilespmem:s5+$0x80] =	vst v5  }
0x103: {  	v12 =	vld [tilespmem:s7+$0xB0];
	v5 =	vsel vm0, v10, v8;
	v6 =	vsel vm0, v8, v10;
	[tilespmem:s5+$0x0] =	vst v13;
	s5 =	smov.u32 s7  }
0x104: {  	v4 =	vld [tilespmem:s7+$0xC0];
	[tilespmem:s7+$0xF0] =	vst v3  }
.Ltmp4:
0x105: {  	v3 =	vld [tilespmem:s7+$0x10];
	[tilespmem:s7+$0xE0] =	vst v6;
	(pc) =	sbr.rel @p0 .LBB2_10-.Ltmp4, $4  }
0x106: {  	v6 =	vld [tilespmem:s7+$0x50];
	[tilespmem:s7+$0x60] =	vst v5  }
0x107: {  	v10 =	vsel vm0, v7, v9;
	v9 =	vsel vm0, v9, v7;
	v8 =	vld [tilespmem:s7+$0x40];
	[tilespmem:s7+$0x70] =	vst v14  }
0x108: {  	v5 =	vld [tilespmem:s7+$0x0];
	[tilespmem:s7+$0x20] =	vst v10;
	v13 =	vsel vm0, v11, v12;
	v10 =	vsel vm0, v12, v11  }
0x109: {  	s7 =	sadd.s32 $0x100, s7;
	v7 =	vld [tilespmem:s5+$0x80];
	[tilespmem:s5+$0x30] =	vst v13  }
0x10a: {  	[tilespmem:s5+$0xA0] =	vst v9  }
0x10b: {  	[tilespmem:s5+$0xB0] =	vst v10;
	v9 =	vsel vm0, v6, v2  }
0x10c: {  	v2 =	vsel vm0, v2, v6;
	[tilespmem:s5+$0x50] =	vst v9  }
0x10d: {  	v10 =	vsel vm0, v8, v4;
	[tilespmem:s5+$0xD0] =	vst v2  }
0x10e: {  	v4 =	vsel vm0, v4, v8;
	[tilespmem:s5+$0x40] =	vst v10  }
0x10f: {  	[tilespmem:s5+$0xC0] =	vst v4;
	v4 =	vsel vm0, v1, v3  }
0x110: {  	v1 =	vsel vm0, v3, v1;
	[tilespmem:s5+$0x90] =	vst v4  }
0x111: {  	v2 =	vsel vm0, v7, v5;
	[tilespmem:s5+$0x10] =	vst v1  }
0x112: {  	v1 =	vsel vm0, v5, v7;
	[tilespmem:s5+$0x80] =	vst v2  }
0x113: {  	[tilespmem:s5+$0x0] =	vst v1  }
0x114: {  	[hbm4b:s12+s1] =	stream.linear.scatter [tilespmem:s26], [sflag:$0x5], $0x7D00, $0x38;
	[tilespmem:$0x17780] =	vst v63  }
0x115: {  	_ =	swait.ge [sflag:s17], $0x7D00  }
0x116: {  	[sflag:s17] =	ssyncset.done $0x0  }
0x117: {  	[sflag:s17] =	ssyncadd.s32 $0xFFFF8300  }
0x118: {  	[tilespmem:s25], [sflag:$0x1] =	stream.linear.gather [hbm4b:s13+s1], $0x7D00, $0x38;
	[tilespmem:$0x17780] =	vst v63  }
0x119: {  	_ =	swait.ge [sflag:s0], $0x7D00  }
0x11a: {  	[sflag:s0] =	ssyncset.done $0x0  }
0x11b: {  	s5 =	simm.s32 $0xFA80;
	[sflag:s0] =	ssyncadd.s32 $0xFFFF8300  }
0x11c: {  	v7 =	vld [tilespmem:s5+$0x30]  }
0x11d: {  	v5 =	vld [tilespmem:s5+$0xF0]  }
0x11e: {  	v8 =	vld [tilespmem:s5+$0x70]  }
0x11f: {  	v3 =	vld [tilespmem:s5+$0xE0]  }
0x120: {  	v9 =	vld [tilespmem:s5+$0x60]  }
0x121: {  	v10 =	vld [tilespmem:s5+$0x20]  }
0x122: {  	v2 =	vld [tilespmem:s5+$0xD0]  }
0x123: {  	v1 =	vld [tilespmem:s5+$0x90]  }
0x124: {  	v12 =	vld [tilespmem:s5+$0xB0]  }
0x125: {  	v11 =	vld [tilespmem:s5+$0xA0];
	v6 =	vsel vm0, v5, v8  }
0x126: {  	v4 =	vld [tilespmem:s5+$0xC0];
	v13 =	vsel vm0, v9, v3;
	[tilespmem:s5+$0xF0] =	vst v6  }
0x127: {  	v9 =	vsel vm0, v3, v9;
	v3 =	vld [tilespmem:s5+$0x10];
	[tilespmem:s5+$0x60] =	vst v13  }
0x128: {  	v5 =	vsel vm0, v8, v5;
	v6 =	vld [tilespmem:s5+$0x50];
	[tilespmem:s5+$0xE0] =	vst v9  }
0x129: {  	v8 =	vld [tilespmem:s5+$0x40];
	v63 =	vsel vm0, v7, v12;
	[tilespmem:s5+$0x70] =	vst v5  }
0x12a: {  	v9 =	vsel vm0, v10, v11;
	v5 =	vld [tilespmem:s5+$0x0];
	[tilespmem:s5+$0x30] =	vst v63  }
0x12b: {  	s6 =	simm.s32 $0x0;
	s7 =	simm.s32 $0xFB80;
	[tilespmem:s5+$0x20] =	vst v9;
	v9 =	vsel vm0, v11, v10;
	v10 =	vsel vm0, v12, v7;
	v7 =	vld [tilespmem:s5+$0x80]  }
.LBB2_12:
0x12c: {  	v11 =	vld [tilespmem:s7+$0x30];
	s6 =	sadd.s32 $0x8, s6;
	v12 =	vsel vm0, v3, v1;
	[tilespmem:s5+$0xA0] =	vst v9  }
0x12d: {  	v9 =	vld [tilespmem:s7+$0xF0];
	p0 =	slt.u32 s6, $0x3E0;
	[tilespmem:s5+$0xB0] =	vst v10;
	v10 =	vsel vm0, v6, v2;
	v2 =	vsel vm0, v2, v6  }
0x12e: {  	v6 =	vld [tilespmem:s7+$0x70];
	v13 =	vsel vm0, v8, v4;
	v4 =	vsel vm0, v4, v8;
	[tilespmem:s5+$0x50] =	vst v10  }
0x12f: {  	v8 =	vld [tilespmem:s7+$0xE0];
	[tilespmem:s5+$0x40] =	vst v13  }
0x130: {  	v10 =	vld [tilespmem:s7+$0x60];
	v13 =	vsel vm0, v5, v7;
	v5 =	vsel vm0, v7, v5;
	[tilespmem:s5+$0xC0] =	vst v4  }
0x131: {  	v1 =	vsel vm0, v1, v3;
	v7 =	vld [tilespmem:s7+$0x20];
	[tilespmem:s5+$0xD0] =	vst v2  }
0x132: {  	v2 =	vld [tilespmem:s7+$0xD0];
	[tilespmem:s5+$0x90] =	vst v1  }
0x133: {  	v1 =	vld [tilespmem:s7+$0x90];
	v14 =	vsel vm0, v6, v9;
	v3 =	vsel vm0, v9, v6;
	[tilespmem:s5+$0x10] =	vst v12  }
0x134: {  	v9 =	vld [tilespmem:s7+$0xA0];
	[tilespmem:s5+$0x80] =	vst v5  }
0x135: {  	v12 =	vld [tilespmem:s7+$0xB0];
	v5 =	vsel vm0, v10, v8;
	v6 =	vsel vm0, v8, v10;
	[tilespmem:s5+$0x0] =	vst v13;
	s5 =	smov.u32 s7  }
0x136: {  	v4 =	vld [tilespmem:s7+$0xC0];
	[tilespmem:s7+$0xF0] =	vst v3  }
.Ltmp5:
0x137: {  	v3 =	vld [tilespmem:s7+$0x10];
	[tilespmem:s7+$0xE0] =	vst v6;
	(pc) =	sbr.rel @p0 .LBB2_12-.Ltmp5, $4  }
0x138: {  	v6 =	vld [tilespmem:s7+$0x50];
	[tilespmem:s7+$0x60] =	vst v5  }
0x139: {  	v10 =	vsel vm0, v7, v9;
	v9 =	vsel vm0, v9, v7;
	v8 =	vld [tilespmem:s7+$0x40];
	[tilespmem:s7+$0x70] =	vst v14  }
0x13a: {  	v5 =	vld [tilespmem:s7+$0x0];
	[tilespmem:s7+$0x20] =	vst v10;
	v13 =	vsel vm0, v11, v12;
	v10 =	vsel vm0, v12, v11  }
0x13b: {  	s7 =	sadd.s32 $0x100, s7;
	v7 =	vld [tilespmem:s5+$0x80];
	[tilespmem:s5+$0x30] =	vst v13  }
0x13c: {  	[tilespmem:s5+$0xA0] =	vst v9  }
0x13d: {  	[tilespmem:s5+$0xB0] =	vst v10;
	v9 =	vsel vm0, v6, v2  }
0x13e: {  	v2 =	vsel vm0, v2, v6;
	[tilespmem:s5+$0x50] =	vst v9  }
0x13f: {  	v10 =	vsel vm0, v8, v4;
	[tilespmem:s5+$0xD0] =	vst v2  }
0x140: {  	v4 =	vsel vm0, v4, v8;
	[tilespmem:s5+$0x40] =	vst v10  }
0x141: {  	[tilespmem:s5+$0xC0] =	vst v4;
	v4 =	vsel vm0, v1, v3  }
0x142: {  	v1 =	vsel vm0, v3, v1;
	[tilespmem:s5+$0x90] =	vst v4  }
0x143: {  	v2 =	vsel vm0, v7, v5;
	[tilespmem:s5+$0x10] =	vst v1  }
0x144: {  	v1 =	vsel vm0, v5, v7;
	[tilespmem:s5+$0x80] =	vst v2  }
0x145: {  	[tilespmem:s5+$0x0] =	vst v1  }
0x146: {  	[hbm4b:s14+s1] =	stream.linear.scatter [tilespmem:s30], [sflag:$0x6], $0x7D00, $0x38;
	[tilespmem:$0x17780] =	vst v63  }
0x147: {  	_ =	swait.ge [sflag:s2], $0x7D00  }
0x148: {  	[sflag:s2] =	ssyncset.done $0x0  }
0x149: {  	[sflag:s2] =	ssyncadd.s32 $0xFFFF8300  }
0x14a: {  	[tilespmem:s26], [sflag:$0x2] =	stream.linear.gather [hbm4b:s15+s1], $0x7D00, $0x38;
	[tilespmem:$0x17780] =	vst v63  }
0x14b: {  	_ =	swait.ge [sflag:s29], $0x7D00  }
0x14c: {  	[sflag:s29] =	ssyncset.done $0x0  }
0x14d: {  	s5 =	simm.s32 $0x100;
	[sflag:s29] =	ssyncadd.s32 $0xFFFF8300  }
0x14e: {  	v7 =	vld [tilespmem:s5+$0xFFFFFFB0]  }
0x14f: {  	v5 =	vld [tilespmem:s5+$0x70]  }
0x150: {  	v8 =	vld [tilespmem:s5+$0xFFFFFFF0]  }
0x151: {  	v3 =	vld [tilespmem:s5+$0x60]  }
0x152: {  	v9 =	vld [tilespmem:s5+$0xFFFFFFE0]  }
0x153: {  	v10 =	vld [tilespmem:s5+$0xFFFFFFA0]  }
0x154: {  	v2 =	vld [tilespmem:s5+$0x50]  }
0x155: {  	v1 =	vld [tilespmem:s5+$0x10]  }
0x156: {  	v12 =	vld [tilespmem:s5+$0x30]  }
0x157: {  	v11 =	vld [tilespmem:s5+$0x20];
	v6 =	vsel vm0, v5, v8  }
0x158: {  	v4 =	vld [tilespmem:s5+$0x40];
	v13 =	vsel vm0, v9, v3;
	[tilespmem:s5+$0x70] =	vst v6  }
0x159: {  	v9 =	vsel vm0, v3, v9;
	v3 =	vld [tilespmem:s5+$0xFFFFFF90];
	[tilespmem:s5+$0xFFFFFFE0] =	vst v13  }
0x15a: {  	v5 =	vsel vm0, v8, v5;
	v6 =	vld [tilespmem:s5+$0xFFFFFFD0];
	[tilespmem:s5+$0x60] =	vst v9  }
0x15b: {  	v8 =	vld [tilespmem:s5+$0xFFFFFFC0];
	v63 =	vsel vm0, v7, v12;
	[tilespmem:s5+$0xFFFFFFF0] =	vst v5  }
0x15c: {  	v9 =	vsel vm0, v10, v11;
	v5 =	vld [tilespmem:s5+$0xFFFFFF80];
	[tilespmem:s5+$0xFFFFFFB0] =	vst v63  }
0x15d: {  	s6 =	simm.s32 $0x0;
	s7 =	simm.s32 $0x200;
	[tilespmem:s5+$0xFFFFFFA0] =	vst v9;
	v9 =	vsel vm0, v11, v10;
	v10 =	vsel vm0, v12, v7;
	v7 =	vld [tilespmem:s5+$0x0]  }
.LBB2_14:
0x15e: {  	v11 =	vld [tilespmem:s7+$0xFFFFFFB0];
	s6 =	sadd.s32 $0x8, s6;
	v12 =	vsel vm0, v3, v1;
	[tilespmem:s5+$0x20] =	vst v9  }
0x15f: {  	v9 =	vld [tilespmem:s7+$0x70];
	p0 =	slt.u32 s6, $0x3E0;
	[tilespmem:s5+$0x30] =	vst v10;
	v10 =	vsel vm0, v6, v2;
	v2 =	vsel vm0, v2, v6  }
0x160: {  	v6 =	vld [tilespmem:s7+$0xFFFFFFF0];
	v13 =	vsel vm0, v8, v4;
	v4 =	vsel vm0, v4, v8;
	[tilespmem:s5+$0xFFFFFFD0] =	vst v10  }
0x161: {  	v8 =	vld [tilespmem:s7+$0x60];
	[tilespmem:s5+$0xFFFFFFC0] =	vst v13  }
0x162: {  	v10 =	vld [tilespmem:s7+$0xFFFFFFE0];
	v13 =	vsel vm0, v5, v7;
	v5 =	vsel vm0, v7, v5;
	[tilespmem:s5+$0x40] =	vst v4  }
0x163: {  	v1 =	vsel vm0, v1, v3;
	v7 =	vld [tilespmem:s7+$0xFFFFFFA0];
	[tilespmem:s5+$0x50] =	vst v2  }
0x164: {  	v2 =	vld [tilespmem:s7+$0x50];
	[tilespmem:s5+$0x10] =	vst v1  }
0x165: {  	v1 =	vld [tilespmem:s7+$0x10];
	v14 =	vsel vm0, v6, v9;
	v3 =	vsel vm0, v9, v6;
	[tilespmem:s5+$0xFFFFFF90] =	vst v12  }
0x166: {  	v9 =	vld [tilespmem:s7+$0x20];
	[tilespmem:s5+$0x0] =	vst v5  }
0x167: {  	v12 =	vld [tilespmem:s7+$0x30];
	v5 =	vsel vm0, v10, v8;
	v6 =	vsel vm0, v8, v10;
	[tilespmem:s5+$0xFFFFFF80] =	vst v13;
	s5 =	smov.u32 s7  }
0x168: {  	v4 =	vld [tilespmem:s7+$0x40];
	[tilespmem:s7+$0x70] =	vst v3  }
.Ltmp6:
0x169: {  	v3 =	vld [tilespmem:s7+$0xFFFFFF90];
	[tilespmem:s7+$0x60] =	vst v6;
	(pc) =	sbr.rel @p0 .LBB2_14-.Ltmp6, $4  }
0x16a: {  	v6 =	vld [tilespmem:s7+$0xFFFFFFD0];
	[tilespmem:s7+$0xFFFFFFE0] =	vst v5  }
0x16b: {  	v10 =	vsel vm0, v7, v9;
	v9 =	vsel vm0, v9, v7;
	v8 =	vld [tilespmem:s7+$0xFFFFFFC0];
	[tilespmem:s7+$0xFFFFFFF0] =	vst v14  }
0x16c: {  	v5 =	vld [tilespmem:s7+$0xFFFFFF80];
	[tilespmem:s7+$0xFFFFFFA0] =	vst v10;
	v13 =	vsel vm0, v11, v12;
	v10 =	vsel vm0, v12, v11  }
0x16d: {  	s7 =	sadd.s32 $0x100, s7;
	v7 =	vld [tilespmem:s5+$0x0];
	[tilespmem:s5+$0xFFFFFFB0] =	vst v13  }
0x16e: {  	[tilespmem:s5+$0x20] =	vst v9  }
0x16f: {  	[tilespmem:s5+$0x30] =	vst v10;
	v9 =	vsel vm0, v6, v2  }
0x170: {  	v2 =	vsel vm0, v2, v6;
	[tilespmem:s5+$0xFFFFFFD0] =	vst v9  }
0x171: {  	v10 =	vsel vm0, v8, v4;
	[tilespmem:s5+$0x50] =	vst v2  }
0x172: {  	v4 =	vsel vm0, v4, v8;
	[tilespmem:s5+$0xFFFFFFC0] =	vst v10  }
0x173: {  	[tilespmem:s5+$0x40] =	vst v4;
	v4 =	vsel vm0, v1, v3  }
0x174: {  	v1 =	vsel vm0, v3, v1;
	[tilespmem:s5+$0x10] =	vst v4  }
0x175: {  	v2 =	vsel vm0, v7, v5;
	[tilespmem:s5+$0xFFFFFF90] =	vst v1  }
0x176: {  	v1 =	vsel vm0, v5, v7;
	[tilespmem:s5+$0x0] =	vst v2  }
0x177: {  	[tilespmem:s5+$0xFFFFFF80] =	vst v1  }
0x178: {  	[hbm4b:s16+s1] =	stream.linear.scatter [tilespmem:s25], [sflag:$0x4], $0x7D00, $0x38;
	[tilespmem:$0x17780] =	vst v63  }
0x179: {  	_ =	swait.ge [sflag:s3], $0x7D00  }
0x17a: {  	[sflag:s3] =	ssyncset.done $0x0  }
0x17b: {  	[sflag:s3] =	ssyncadd.s32 $0xFFFF8300  }
0x17c: {  	[tilespmem:s30], [sflag:$0x3] =	stream.linear.gather [hbm4b:s18+s1], $0x7D00, $0x38;
	[tilespmem:$0x17780] =	vst v63  }
0x17d: {  	_ =	swait.ge [sflag:s31], $0x7D00  }
0x17e: {  	[sflag:s31] =	ssyncset.done $0x0  }
0x17f: {  	s5 =	simm.s32 $0x7D80;
	[sflag:s31] =	ssyncadd.s32 $0xFFFF8300  }
0x180: {  	v7 =	vld [tilespmem:s5+$0x30]  }
0x181: {  	v5 =	vld [tilespmem:s5+$0xF0]  }
0x182: {  	v8 =	vld [tilespmem:s5+$0x70]  }
0x183: {  	v3 =	vld [tilespmem:s5+$0xE0]  }
0x184: {  	v9 =	vld [tilespmem:s5+$0x60]  }
0x185: {  	v10 =	vld [tilespmem:s5+$0x20]  }
0x186: {  	v2 =	vld [tilespmem:s5+$0xD0]  }
0x187: {  	v1 =	vld [tilespmem:s5+$0x90]  }
0x188: {  	v12 =	vld [tilespmem:s5+$0xB0]  }
0x189: {  	v11 =	vld [tilespmem:s5+$0xA0];
	v6 =	vsel vm0, v5, v8  }
0x18a: {  	v4 =	vld [tilespmem:s5+$0xC0];
	v13 =	vsel vm0, v9, v3;
	[tilespmem:s5+$0xF0] =	vst v6  }
0x18b: {  	v9 =	vsel vm0, v3, v9;
	v3 =	vld [tilespmem:s5+$0x10];
	[tilespmem:s5+$0x60] =	vst v13  }
0x18c: {  	v5 =	vsel vm0, v8, v5;
	v6 =	vld [tilespmem:s5+$0x50];
	[tilespmem:s5+$0xE0] =	vst v9  }
0x18d: {  	v8 =	vld [tilespmem:s5+$0x40];
	v63 =	vsel vm0, v7, v12;
	[tilespmem:s5+$0x70] =	vst v5  }
0x18e: {  	v9 =	vsel vm0, v10, v11;
	v5 =	vld [tilespmem:s5+$0x0];
	[tilespmem:s5+$0x30] =	vst v63  }
0x18f: {  	s6 =	simm.s32 $0x0;
	s7 =	simm.s32 $0x7E80;
	[tilespmem:s5+$0x20] =	vst v9;
	v9 =	vsel vm0, v11, v10;
	v10 =	vsel vm0, v12, v7;
	v7 =	vld [tilespmem:s5+$0x80]  }
.LBB2_16:
0x190: {  	v11 =	vld [tilespmem:s7+$0x30];
	s6 =	sadd.s32 $0x8, s6;
	v12 =	vsel vm0, v3, v1;
	[tilespmem:s5+$0xA0] =	vst v9  }
0x191: {  	v9 =	vld [tilespmem:s7+$0xF0];
	p0 =	slt.u32 s6, $0x3E0;
	[tilespmem:s5+$0xB0] =	vst v10;
	v10 =	vsel vm0, v6, v2;
	v2 =	vsel vm0, v2, v6  }
0x192: {  	v6 =	vld [tilespmem:s7+$0x70];
	v13 =	vsel vm0, v8, v4;
	v4 =	vsel vm0, v4, v8;
	[tilespmem:s5+$0x50] =	vst v10  }
0x193: {  	v8 =	vld [tilespmem:s7+$0xE0];
	[tilespmem:s5+$0x40] =	vst v13  }
0x194: {  	v10 =	vld [tilespmem:s7+$0x60];
	v13 =	vsel vm0, v5, v7;
	v5 =	vsel vm0, v7, v5;
	[tilespmem:s5+$0xC0] =	vst v4  }
0x195: {  	v1 =	vsel vm0, v1, v3;
	v7 =	vld [tilespmem:s7+$0x20];
	[tilespmem:s5+$0xD0] =	vst v2  }
0x196: {  	v2 =	vld [tilespmem:s7+$0xD0];
	[tilespmem:s5+$0x90] =	vst v1  }
0x197: {  	v1 =	vld [tilespmem:s7+$0x90];
	v14 =	vsel vm0, v6, v9;
	v3 =	vsel vm0, v9, v6;
	[tilespmem:s5+$0x10] =	vst v12  }
0x198: {  	v9 =	vld [tilespmem:s7+$0xA0];
	[tilespmem:s5+$0x80] =	vst v5  }
0x199: {  	v12 =	vld [tilespmem:s7+$0xB0];
	v5 =	vsel vm0, v10, v8;
	v6 =	vsel vm0, v8, v10;
	[tilespmem:s5+$0x0] =	vst v13;
	s5 =	smov.u32 s7  }
0x19a: {  	v4 =	vld [tilespmem:s7+$0xC0];
	[tilespmem:s7+$0xF0] =	vst v3  }
.Ltmp7:
0x19b: {  	v3 =	vld [tilespmem:s7+$0x10];
	[tilespmem:s7+$0xE0] =	vst v6;
	(pc) =	sbr.rel @p0 .LBB2_16-.Ltmp7, $4  }
0x19c: {  	v6 =	vld [tilespmem:s7+$0x50];
	[tilespmem:s7+$0x60] =	vst v5  }
0x19d: {  	v10 =	vsel vm0, v7, v9;
	v9 =	vsel vm0, v9, v7;
	v8 =	vld [tilespmem:s7+$0x40];
	[tilespmem:s7+$0x70] =	vst v14  }
0x19e: {  	v5 =	vld [tilespmem:s7+$0x0];
	[tilespmem:s7+$0x20] =	vst v10;
	v13 =	vsel vm0, v11, v12;
	v10 =	vsel vm0, v12, v11  }
0x19f: {  	s7 =	sadd.s32 $0x100, s7;
	v7 =	vld [tilespmem:s5+$0x80];
	[tilespmem:s5+$0x30] =	vst v13  }
0x1a0: {  	[tilespmem:s5+$0xA0] =	vst v9  }
0x1a1: {  	[tilespmem:s5+$0xB0] =	vst v10;
	v9 =	vsel vm0, v6, v2  }
0x1a2: {  	v2 =	vsel vm0, v2, v6;
	[tilespmem:s5+$0x50] =	vst v9  }
0x1a3: {  	v10 =	vsel vm0, v8, v4;
	[tilespmem:s5+$0xD0] =	vst v2  }
0x1a4: {  	v4 =	vsel vm0, v4, v8;
	[tilespmem:s5+$0x40] =	vst v10  }
0x1a5: {  	[tilespmem:s5+$0xC0] =	vst v4;
	v4 =	vsel vm0, v1, v3  }
0x1a6: {  	v1 =	vsel vm0, v3, v1;
	[tilespmem:s5+$0x90] =	vst v4  }
0x1a7: {  	v2 =	vsel vm0, v7, v5;
	[tilespmem:s5+$0x10] =	vst v1  }
0x1a8: {  	v1 =	vsel vm0, v5, v7;
	[tilespmem:s5+$0x80] =	vst v2  }
0x1a9: {  	[tilespmem:s5+$0x0] =	vst v1  }
0x1aa: {  	[hbm4b:s19+s1] =	stream.linear.scatter [tilespmem:s26], [sflag:$0x5], $0x7D00, $0x38;
	[tilespmem:$0x17780] =	vst v63  }
0x1ab: {  	_ =	swait.ge [sflag:s17], $0x7D00  }
0x1ac: {  	[sflag:s17] =	ssyncset.done $0x0  }
0x1ad: {  	[sflag:s17] =	ssyncadd.s32 $0xFFFF8300  }
0x1ae: {  	[tilespmem:s25], [sflag:$0x1] =	stream.linear.gather [hbm4b:s20+s1], $0x7D00, $0x38;
	[tilespmem:$0x17780] =	vst v63  }
0x1af: {  	_ =	swait.ge [sflag:s0], $0x7D00  }
0x1b0: {  	[sflag:s0] =	ssyncset.done $0x0  }
0x1b1: {  	s5 =	simm.s32 $0xFA80;
	[sflag:s0] =	ssyncadd.s32 $0xFFFF8300  }
0x1b2: {  	v7 =	vld [tilespmem:s5+$0x30]  }
0x1b3: {  	v5 =	vld [tilespmem:s5+$0xF0]  }
0x1b4: {  	v8 =	vld [tilespmem:s5+$0x70]  }
0x1b5: {  	v3 =	vld [tilespmem:s5+$0xE0]  }
0x1b6: {  	v9 =	vld [tilespmem:s5+$0x60]  }
0x1b7: {  	v10 =	vld [tilespmem:s5+$0x20]  }
0x1b8: {  	v2 =	vld [tilespmem:s5+$0xD0]  }
0x1b9: {  	v1 =	vld [tilespmem:s5+$0x90]  }
0x1ba: {  	v12 =	vld [tilespmem:s5+$0xB0]  }
0x1bb: {  	v11 =	vld [tilespmem:s5+$0xA0];
	v6 =	vsel vm0, v5, v8  }
0x1bc: {  	v4 =	vld [tilespmem:s5+$0xC0];
	v13 =	vsel vm0, v9, v3;
	[tilespmem:s5+$0xF0] =	vst v6  }
0x1bd: {  	v9 =	vsel vm0, v3, v9;
	v3 =	vld [tilespmem:s5+$0x10];
	[tilespmem:s5+$0x60] =	vst v13  }
0x1be: {  	v5 =	vsel vm0, v8, v5;
	v6 =	vld [tilespmem:s5+$0x50];
	[tilespmem:s5+$0xE0] =	vst v9  }
0x1bf: {  	v8 =	vld [tilespmem:s5+$0x40];
	v63 =	vsel vm0, v7, v12;
	[tilespmem:s5+$0x70] =	vst v5  }
0x1c0: {  	v9 =	vsel vm0, v10, v11;
	v5 =	vld [tilespmem:s5+$0x0];
	[tilespmem:s5+$0x30] =	vst v63  }
0x1c1: {  	s6 =	simm.s32 $0x0;
	s7 =	simm.s32 $0xFB80;
	[tilespmem:s5+$0x20] =	vst v9;
	v9 =	vsel vm0, v11, v10;
	v10 =	vsel vm0, v12, v7;
	v7 =	vld [tilespmem:s5+$0x80]  }
.LBB2_18:
0x1c2: {  	v11 =	vld [tilespmem:s7+$0x30];
	s6 =	sadd.s32 $0x8, s6;
	v12 =	vsel vm0, v3, v1;
	[tilespmem:s5+$0xA0] =	vst v9  }
0x1c3: {  	v9 =	vld [tilespmem:s7+$0xF0];
	p0 =	slt.u32 s6, $0x3E0;
	[tilespmem:s5+$0xB0] =	vst v10;
	v10 =	vsel vm0, v6, v2;
	v2 =	vsel vm0, v2, v6  }
0x1c4: {  	v6 =	vld [tilespmem:s7+$0x70];
	v13 =	vsel vm0, v8, v4;
	v4 =	vsel vm0, v4, v8;
	[tilespmem:s5+$0x50] =	vst v10  }
0x1c5: {  	v8 =	vld [tilespmem:s7+$0xE0];
	[tilespmem:s5+$0x40] =	vst v13  }
0x1c6: {  	v10 =	vld [tilespmem:s7+$0x60];
	v13 =	vsel vm0, v5, v7;
	v5 =	vsel vm0, v7, v5;
	[tilespmem:s5+$0xC0] =	vst v4  }
0x1c7: {  	v1 =	vsel vm0, v1, v3;
	v7 =	vld [tilespmem:s7+$0x20];
	[tilespmem:s5+$0xD0] =	vst v2  }
0x1c8: {  	v2 =	vld [tilespmem:s7+$0xD0];
	[tilespmem:s5+$0x90] =	vst v1  }
0x1c9: {  	v1 =	vld [tilespmem:s7+$0x90];
	v14 =	vsel vm0, v6, v9;
	v3 =	vsel vm0, v9, v6;
	[tilespmem:s5+$0x10] =	vst v12  }
0x1ca: {  	v9 =	vld [tilespmem:s7+$0xA0];
	[tilespmem:s5+$0x80] =	vst v5  }
0x1cb: {  	v12 =	vld [tilespmem:s7+$0xB0];
	v5 =	vsel vm0, v10, v8;
	v6 =	vsel vm0, v8, v10;
	[tilespmem:s5+$0x0] =	vst v13;
	s5 =	smov.u32 s7  }
0x1cc: {  	v4 =	vld [tilespmem:s7+$0xC0];
	[tilespmem:s7+$0xF0] =	vst v3  }
.Ltmp8:
0x1cd: {  	v3 =	vld [tilespmem:s7+$0x10];
	[tilespmem:s7+$0xE0] =	vst v6;
	(pc) =	sbr.rel @p0 .LBB2_18-.Ltmp8, $4  }
0x1ce: {  	v6 =	vld [tilespmem:s7+$0x50];
	[tilespmem:s7+$0x60] =	vst v5  }
0x1cf: {  	v10 =	vsel vm0, v7, v9;
	v9 =	vsel vm0, v9, v7;
	v8 =	vld [tilespmem:s7+$0x40];
	[tilespmem:s7+$0x70] =	vst v14  }
0x1d0: {  	v5 =	vld [tilespmem:s7+$0x0];
	[tilespmem:s7+$0x20] =	vst v10;
	v13 =	vsel vm0, v11, v12;
	v10 =	vsel vm0, v12, v11  }
0x1d1: {  	s7 =	sadd.s32 $0x100, s7;
	v7 =	vld [tilespmem:s5+$0x80];
	[tilespmem:s5+$0x30] =	vst v13  }
0x1d2: {  	[tilespmem:s5+$0xA0] =	vst v9  }
0x1d3: {  	[tilespmem:s5+$0xB0] =	vst v10;
	v9 =	vsel vm0, v6, v2  }
0x1d4: {  	v2 =	vsel vm0, v2, v6;
	[tilespmem:s5+$0x50] =	vst v9  }
0x1d5: {  	v10 =	vsel vm0, v8, v4;
	[tilespmem:s5+$0xD0] =	vst v2  }
0x1d6: {  	v4 =	vsel vm0, v4, v8;
	[tilespmem:s5+$0x40] =	vst v10  }
0x1d7: {  	[tilespmem:s5+$0xC0] =	vst v4;
	v4 =	vsel vm0, v1, v3  }
0x1d8: {  	v1 =	vsel vm0, v3, v1;
	[tilespmem:s5+$0x90] =	vst v4  }
0x1d9: {  	v2 =	vsel vm0, v7, v5;
	[tilespmem:s5+$0x10] =	vst v1  }
0x1da: {  	v1 =	vsel vm0, v5, v7;
	[tilespmem:s5+$0x80] =	vst v2  }
0x1db: {  	[tilespmem:s5+$0x0] =	vst v1  }
0x1dc: {  	[hbm4b:s21+s1] =	stream.linear.scatter [tilespmem:s30], [sflag:$0x6], $0x7D00, $0x38;
	[tilespmem:$0x17780] =	vst v63  }
0x1dd: {  	_ =	swait.ge [sflag:s29], $0x7D00  }
0x1de: {  	[sflag:s29] =	ssyncset.done $0x0  }
0x1df: {  	s5 =	simm.s32 $0x100;
	[sflag:s29] =	ssyncadd.s32 $0xFFFF8300  }
0x1e0: {  	v7 =	vld [tilespmem:s5+$0xFFFFFFB0]  }
0x1e1: {  	v5 =	vld [tilespmem:s5+$0x70]  }
0x1e2: {  	v8 =	vld [tilespmem:s5+$0xFFFFFFF0]  }
0x1e3: {  	v3 =	vld [tilespmem:s5+$0x60]  }
0x1e4: {  	v9 =	vld [tilespmem:s5+$0xFFFFFFE0]  }
0x1e5: {  	v10 =	vld [tilespmem:s5+$0xFFFFFFA0]  }
0x1e6: {  	v2 =	vld [tilespmem:s5+$0x50]  }
0x1e7: {  	v1 =	vld [tilespmem:s5+$0x10]  }
0x1e8: {  	v12 =	vld [tilespmem:s5+$0x30]  }
0x1e9: {  	v11 =	vld [tilespmem:s5+$0x20];
	v6 =	vsel vm0, v5, v8  }
0x1ea: {  	v4 =	vld [tilespmem:s5+$0x40];
	v13 =	vsel vm0, v9, v3;
	[tilespmem:s5+$0x70] =	vst v6  }
0x1eb: {  	v9 =	vsel vm0, v3, v9;
	v3 =	vld [tilespmem:s5+$0xFFFFFF90];
	[tilespmem:s5+$0xFFFFFFE0] =	vst v13  }
0x1ec: {  	v5 =	vsel vm0, v8, v5;
	v6 =	vld [tilespmem:s5+$0xFFFFFFD0];
	[tilespmem:s5+$0x60] =	vst v9  }
0x1ed: {  	v8 =	vld [tilespmem:s5+$0xFFFFFFC0];
	v63 =	vsel vm0, v7, v12;
	[tilespmem:s5+$0xFFFFFFF0] =	vst v5  }
0x1ee: {  	v9 =	vsel vm0, v10, v11;
	v5 =	vld [tilespmem:s5+$0xFFFFFF80];
	[tilespmem:s5+$0xFFFFFFB0] =	vst v63  }
0x1ef: {  	s6 =	simm.s32 $0x0;
	s7 =	simm.s32 $0x200;
	[tilespmem:s5+$0xFFFFFFA0] =	vst v9;
	v9 =	vsel vm0, v11, v10;
	v10 =	vsel vm0, v12, v7;
	v7 =	vld [tilespmem:s5+$0x0]  }
.LBB2_20:
0x1f0: {  	v11 =	vld [tilespmem:s7+$0xFFFFFFB0];
	s6 =	sadd.s32 $0x8, s6;
	v12 =	vsel vm0, v3, v1;
	[tilespmem:s5+$0x20] =	vst v9  }
0x1f1: {  	v9 =	vld [tilespmem:s7+$0x70];
	p0 =	slt.u32 s6, $0x3E0;
	[tilespmem:s5+$0x30] =	vst v10;
	v10 =	vsel vm0, v6, v2;
	v2 =	vsel vm0, v2, v6  }
0x1f2: {  	v6 =	vld [tilespmem:s7+$0xFFFFFFF0];
	v13 =	vsel vm0, v8, v4;
	v4 =	vsel vm0, v4, v8;
	[tilespmem:s5+$0xFFFFFFD0] =	vst v10  }
0x1f3: {  	v8 =	vld [tilespmem:s7+$0x60];
	[tilespmem:s5+$0xFFFFFFC0] =	vst v13  }
0x1f4: {  	v10 =	vld [tilespmem:s7+$0xFFFFFFE0];
	v13 =	vsel vm0, v5, v7;
	v5 =	vsel vm0, v7, v5;
	[tilespmem:s5+$0x40] =	vst v4  }
0x1f5: {  	v1 =	vsel vm0, v1, v3;
	v7 =	vld [tilespmem:s7+$0xFFFFFFA0];
	[tilespmem:s5+$0x50] =	vst v2  }
0x1f6: {  	v2 =	vld [tilespmem:s7+$0x50];
	[tilespmem:s5+$0x10] =	vst v1  }
0x1f7: {  	v1 =	vld [tilespmem:s7+$0x10];
	v14 =	vsel vm0, v6, v9;
	v3 =	vsel vm0, v9, v6;
	[tilespmem:s5+$0xFFFFFF90] =	vst v12  }
0x1f8: {  	v9 =	vld [tilespmem:s7+$0x20];
	[tilespmem:s5+$0x0] =	vst v5  }
0x1f9: {  	v12 =	vld [tilespmem:s7+$0x30];
	v5 =	vsel vm0, v10, v8;
	v6 =	vsel vm0, v8, v10;
	[tilespmem:s5+$0xFFFFFF80] =	vst v13;
	s5 =	smov.u32 s7  }
0x1fa: {  	v4 =	vld [tilespmem:s7+$0x40];
	[tilespmem:s7+$0x70] =	vst v3  }
.Ltmp9:
0x1fb: {  	v3 =	vld [tilespmem:s7+$0xFFFFFF90];
	[tilespmem:s7+$0x60] =	vst v6;
	(pc) =	sbr.rel @p0 .LBB2_20-.Ltmp9, $4  }
0x1fc: {  	v6 =	vld [tilespmem:s7+$0xFFFFFFD0];
	[tilespmem:s7+$0xFFFFFFE0] =	vst v5  }
0x1fd: {  	v10 =	vsel vm0, v7, v9;
	v9 =	vsel vm0, v9, v7;
	v8 =	vld [tilespmem:s7+$0xFFFFFFC0];
	[tilespmem:s7+$0xFFFFFFF0] =	vst v14  }
0x1fe: {  	v5 =	vld [tilespmem:s7+$0xFFFFFF80];
	[tilespmem:s7+$0xFFFFFFA0] =	vst v10;
	v13 =	vsel vm0, v11, v12;
	v10 =	vsel vm0, v12, v11  }
0x1ff: {  	s7 =	sadd.s32 $0x100, s7;
	v7 =	vld [tilespmem:s5+$0x0];
	[tilespmem:s5+$0xFFFFFFB0] =	vst v13  }
0x200: {  	[tilespmem:s5+$0x20] =	vst v9  }
0x201: {  	[tilespmem:s5+$0x30] =	vst v10;
	v63 =	vsel vm0, v1, v3  }
0x202: {  	v1 =	vsel vm0, v3, v1;
	[tilespmem:s5+$0x10] =	vst v63  }
0x203: {  	v60 =	vsel vm0, v6, v2;
	[tilespmem:s5+$0xFFFFFF90] =	vst v1  }
0x204: {  	v2 =	vsel vm0, v2, v6;
	[tilespmem:s5+$0xFFFFFFD0] =	vst v60  }
0x205: {  	v61 =	vsel vm0, v8, v4;
	[tilespmem:s5+$0x50] =	vst v2  }
0x206: {  	v62 =	vsel vm0, v4, v8;
	[tilespmem:s5+$0xFFFFFFC0] =	vst v61  }
0x207: {  	[tilespmem:s5+$0x40] =	vst v62;
	v2 =	vsel vm0, v7, v5  }
0x208: {  	v1 =	vsel vm0, v5, v7;
	[tilespmem:s5+$0x0] =	vst v2  }
0x209: {  	s4 =	sadd.s32 $0x1, s4;
	[tilespmem:s5+$0xFFFFFF80] =	vst v1  }
0x20a: {  	[hbm4b:s22+s1] =	stream.linear.scatter [tilespmem:s25], [sflag:$0x4], $0x7D00, $0x38;
	[tilespmem:$0x17780] =	vst v63  }
0x20b: {  	p0 =	sne.s32 s4, s24;
	_ =	swait.ge [sflag:s3], $0x7D00  }
.Ltmp10:
0x20c: {  	[sflag:s3] =	ssyncset.done $0x0;
	(pc) =	sbr.rel @p0 .LBB2_1-.Ltmp10, $4  }
0x20d: {  	[sflag:s3] =	ssyncadd.s32 $0xFFFF8300  }
0x20e: {  	_ =	swait.ge [sflag:s17], $0x7D00  }
0x20f: {  	[sflag:s17] =	ssyncset.done $0x0  }
0x210: {  	[sflag:s17] =	ssyncadd.s32 $0xFFFF8300  }
0x211: {  	_ =	sfence.sel $0x180000  }
0x212: {  	[bflag:$0x0] =	sbarrier.arrive $0xFFFF  }
0x213: {  	_ =	strace $0x90000047  }
0x214: {  	s0 =	stileid.u32;
	[bflag:$0x2] =	sbarrier.arrive $0xFFFF  }
0x215: {  	p0 =	sne.s32 s0, $0x0;
	s0 =	rddreg [dreg:$0x3]  }
0x216: {  	s0 =	sadd.s32 @!p0 $0x100000, s0  }
0x217: {  	[sflag:s0] =	ssyncadd.tile.s32 @!p0 $0x1;
	_ =	shalt  }
.Lfunc_end2:
_tile_overlayer_lowered:
.L_overlay_start_2:
0x218: {  	(tag) =	ssettag $0x2  }
0x219: {  	s0 =	rddreg [dreg:$0x0];
	s2 =	stileid.u32  }
0x21a: {  	s1 =	rddreg [dreg:$0x1];
	p0 =	sne.s32 s2, $0x0  }
0x21b: {  	s3 =	rddreg [dreg:$0x2];
	[bflag:$0x3] =	sbarrier.arrive $0xFFFF;
	s2 =	simm.s32 @!p0 $0x1C07  }
0x21c: {  	[timem:s3], [sflag:s2] =	dma.local @!p0 [hbm:s0], s1  }
0x21d: {  	s0 =	simm.s32 @!p0 $0x7  }
0x21e: {  	_ =	swait.ge @!p0 [sflag:s0], s1  }
0x21f: {  	s1 =	ssub.s32 @!p0 $0x0, s1;
	[sflag:s0] =	ssyncset.done @!p0 $0x0  }
0x220: {  	[sflag:s0] =	ssyncadd.s32 @!p0 s1  }
0x221: {  	[bflag:$0x3] =	sbarrier.arrive $0xFFFF  }
0x222: {  	_ =	shalt  }

</sc_bundles>
